<compile_context>
chip_gen: v7x
topology: tpu7x:2x2x1
jax: 0.10.2.dev20260603
libtpu: 0.0.44.dev20260713+nightly
codegen_flags: <defaults>
</compile_context>

<pallas_src>
import jax
import jax.numpy as jnp
from jax import lax
from jax.experimental import pallas as pl
from jax.experimental.pallas import tpu as pltpu
from jax.experimental.pallas import tpu_sc as plsc

_T = 16384
_E = 64
_K = 8
_NC = 2
_NS = 16
_NW = _NC * _NS

_TPW = _T // _NW


def _lane_take(v, idx):
  return lax.gather(
      v, idx[:, None],
      lax.GatherDimensionNumbers(
          offset_dims=(), collapsed_slice_dims=(0,), start_index_map=(0,)),
      (1,),
      mode=lax.GatherScatterMode.PROMISE_IN_BOUNDS)


def _sc_body(logits_hbm, out_w_hbm, out_i_hbm, vals_v, w_v, i_v, dsem):
  wid = lax.axis_index("s") * _NC + lax.axis_index("c")
  base = wid * _TPW

  lanes = lax.iota(jnp.int32, 16)
  m8 = lanes < _K
  p_a = lanes ^ 1
  p_b = jnp.clip(((lanes - 1) ^ 1) + 1, 0, 15)
  nchunk = 4
  cs = _TPW // nchunk

  def comb(ak, av, bk, bv):
    rbk = lax.rev(bk, (0,))
    rbv = lax.rev(bv, (0,))
    take_a = ak >= rbk
    return jnp.maximum(ak, rbk), jnp.where(take_a, av, rbv)

  cp0 = pltpu.make_async_copy(
      logits_hbm.at[pl.ds(base, cs)], vals_v.at[pl.ds(0, cs)], dsem)
  cp0.start()
  for c in range(nchunk):
    pltpu.make_async_copy(
        logits_hbm.at[pl.ds(base + c * cs, cs)],
        vals_v.at[pl.ds(c * cs, cs)], dsem).wait()
    if c + 1 < nchunk:
      pltpu.make_async_copy(
          logits_hbm.at[pl.ds(base + (c + 1) * cs, cs)],
          vals_v.at[pl.ds((c + 1) * cs, cs)], dsem).start()

    @plsc.parallel_loop(c * cs, (c + 1) * cs, unroll=4)
    def tok(t):
      ks = []
      vs = []
      for j in range(4):
        kj = vals_v[t, pl.ds(j * 16, 16)]
        sk, sv = plsc.sort_key_val(kj, lanes + j * 16, descending=True)
        ks.append(sk)
        vs.append(sv)
      m01k, m01v = comb(ks[0], vs[0], ks[1], vs[1])
      m23k, m23v = comb(ks[2], vs[2], ks[3], vs[3])
      t01k, t01v = plsc.sort_key_val(m01k, m01v, descending=True)
      t23k, t23v = plsc.sort_key_val(m23k, m23v, descending=True)
      fk0, fv0 = comb(t01k, t01v, t23k, t23v)
      fk, fv = plsc.sort_key_val(fk0, fv0, descending=True)
      for p in (p_a, p_b):
        vp = _lane_take(fk, p)
        ip = _lane_take(fv, p)
        tie = fk == vp
        pick_lo = lanes < p
        fv = jnp.where(tie, jnp.where(pick_lo, jnp.minimum(fv, ip),
                                      jnp.maximum(fv, ip)), fv)
      ssum = jnp.sum(jnp.where(m8, fk, 0.0))
      w = fk / ssum
      tv = jnp.full((16,), 0, jnp.int32) + t
      plsc.store_scatter(w_v, [lanes, tv], w, mask=m8)
      plsc.store_scatter(i_v, [lanes, tv], fv, mask=m8)

  for k in range(_K):
    pltpu.sync_copy(w_v.at[k], out_w_hbm.at[k, pl.ds(base, _TPW)])
    pltpu.sync_copy(i_v.at[k], out_i_hbm.at[k, pl.ds(base, _TPW)])


_sc_call = pl.kernel(
    _sc_body,
    out_type=(
        jax.ShapeDtypeStruct((_K, _T), jnp.float32),
        jax.ShapeDtypeStruct((_K, _T), jnp.int32),
    ),
    mesh=plsc.VectorSubcoreMesh(
        core_axis_name="c", subcore_axis_name="s",
        num_cores=_NC, num_subcores=_NS),
    scratch_types=[
        pltpu.VMEM((_TPW, _E), jnp.float32),
        pltpu.VMEM((_K, _TPW), jnp.float32),
        pltpu.VMEM((_K, _TPW), jnp.int32),
        pltpu.SemaphoreType.DMA,
    ],
    compiler_params=pltpu.CompilerParams(needs_layout_passes=False, use_tc_tiling_on_sc=True),
)


@jax.jit
def kernel(router_logits):
  x = router_logits.astype(jnp.float32)
  w_sc, i_sc = _sc_call(x)
  return w_sc.T, i_sc.T

# --- scband reference (transcript-rebuilt; emitter-appended) ---
"""Pipeline reference for scband-top-k-33638183862748 (READ-ONLY COPY).

The authoritative reference and input builder live on the scoring server;
editing this copy changes nothing except your own understanding.
"""

import jax, jax.numpy as jnp
import numpy as np

TOPK = 8
RENORMALIZE = True
NUM_TOKENS = 16384
NUM_EXPERTS = 64


def setup_inputs(seed: int = 0) -> dict:
    key = jax.random.key(seed)
    router_logits = jax.random.normal(key, (NUM_TOKENS, NUM_EXPERTS), dtype=jnp.float32)
    return {"router_logits": router_logits}


def reference(router_logits):
    # TopK.__call__ with correction_bias=None, dispatch_info=None,
    # num_expert_group=0, topk_group=0 -> plain _topk path
    router_logits = router_logits.astype(jnp.float32)
    topk_weights, topk_ids = jax.lax.top_k(router_logits, TOPK)
    if RENORMALIZE:
        topk_weights = topk_weights / jnp.sum(topk_weights, axis=-1, keepdims=True)
        # routed_scaling_factor is None -> no scaling
    topk_weights = topk_weights.astype(jnp.float32)
    return (topk_weights, topk_ids)

if __name__ == "__main__":
    import jax
    _d = setup_inputs()
    print(jax.jit(kernel)(*tuple(_d.values())))

</pallas_src>

<mosaic_0001>
#map = affine_map<(d0, d1) -> (0, 0)>
module attributes {stable_mosaic.version = 14 : i64} {
  func.func @_sc_body(%arg0: i32, %arg1: i32, %arg2: memref<16384x64xf32, #tpu.memory_space<hbm>>, %arg3: memref<8x16384xf32, #tpu.memory_space<hbm>>, %arg4: memref<8x16384xi32, #tpu.memory_space<hbm>>, %arg5: memref<512x64xf32, #tpu.memory_space<vmem>>, %arg6: memref<8x512xf32, #tpu.memory_space<vmem>>, %arg7: memref<8x512xi32, #tpu.memory_space<vmem>>, %arg8: memref<!tpu.dma_semaphore, #tpu.memory_space<semaphore_mem>>) attributes {dimension_semantics = [#tpu.dimension_semantics<core_parallel>, #tpu.dimension_semantics<subcore_parallel>], iteration_bounds = array<i64: 2, 16>, scalar_prefetch = 0 : i64, scratch_operands = 4 : i64, tpu.core_type = #tpu.core_type<sc_vector_subcore>, window_params = [{transform_indices = #map}, {transform_indices = #map}, {transform_indices = #map}]} {
    %mul3A = arith.constant 2 : i32
    %mul3A_0 = arith.muli %arg1, %mul3A : i32
    %add3A = arith.addi %mul3A_0, %arg0 : i32
    %mul3A_1 = arith.constant 512 : i32
    %mul3A_2 = arith.muli %add3A, %mul3A_1 : i32
    %iota3A = tpu.iota {dimensions = array<i32: 0>} : vector<16xi32>
    %lt3A = arith.constant 8 : i32
    %lt3A_3 = vector.broadcast %lt3A : i32 to vector<16xi32>
    %lt3A_4 = arith.cmpi slt, %iota3A, %lt3A_3 : vector<16xi32>
    %xor3A = arith.constant 1 : i32
    %xor3A_5 = vector.broadcast %xor3A : i32 to vector<16xi32>
    %xor3A_6 = arith.xori %iota3A, %xor3A_5 : vector<16xi32>
    %sub3A = arith.constant 1 : i32
    %sub3A_7 = vector.broadcast %sub3A : i32 to vector<16xi32>
    %sub3A_8 = arith.subi %iota3A, %sub3A_7 : vector<16xi32>
    %xor3A_9 = arith.constant 1 : i32
    %xor3A_10 = vector.broadcast %xor3A_9 : i32 to vector<16xi32>
    %xor3A_11 = arith.xori %sub3A_8, %xor3A_10 : vector<16xi32>
    %add3A_12 = arith.constant 1 : i32
    %add3A_13 = vector.broadcast %add3A_12 : i32 to vector<16xi32>
    %add3A_14 = arith.addi %xor3A_11, %add3A_13 : vector<16xi32>
    %jit3A = arith.constant 0 : i32
    %jit3A_15 = arith.constant 15 : i32
    %max3A = vector.broadcast %jit3A : i32 to vector<16xi32>
    %max3A_16 = arith.maxsi %max3A, %add3A_14 : vector<16xi32>
    %min3A = vector.broadcast %jit3A_15 : i32 to vector<16xi32>
    %min3A_17 = arith.minsi %min3A, %max3A_16 : vector<16xi32>
    %dma_start3A = arith.constant 0 : i32
    %dma_start3A_18 = arith.constant 0 : i32
    %dma_start3A_19 = tpu.memref_slice %arg5[%dma_start3A, %dma_start3A_18] : memref<512x64xf32, #tpu.memory_space<vmem>> -> memref<128x64xf32, #tpu.memory_space<vmem>>
    %dma_start3A_20 = arith.constant 0 : i32
    %dma_start3A_21 = tpu.memref_slice %arg2[%mul3A_2, %dma_start3A_20] : memref<16384x64xf32, #tpu.memory_space<hbm>> -> memref<128x64xf32, #tpu.memory_space<hbm>>
    %dma_start3A_22 = arith.constant 0 : i32
    %dma_start3A_23 = arith.constant 0 : i32
    %dma_start3A_24 = tpu.memref_slice %arg5[%dma_start3A_22, %dma_start3A_23] : memref<512x64xf32, #tpu.memory_space<vmem>> -> memref<128x64xf32, #tpu.memory_space<vmem>>
    %dma_start3A_25 = arith.constant 0 : i32
    %dma_start3A_26 = tpu.memref_slice %arg2[%mul3A_2, %dma_start3A_25] : memref<16384x64xf32, #tpu.memory_space<hbm>> -> memref<128x64xf32, #tpu.memory_space<hbm>>
    tpu.enqueue_dma source(%dma_start3A_26 : memref<128x64xf32, #tpu.memory_space<hbm>>) target(%dma_start3A_24 : memref<128x64xf32, #tpu.memory_space<vmem>>) target_semaphore(%arg8 : memref<!tpu.dma_semaphore, #tpu.memory_space<semaphore_mem>>)
    %add3A_27 = arith.constant 0 : i32
    %add3A_28 = arith.addi %mul3A_2, %add3A_27 : i32
    %dma_wait3A = arith.constant 0 : i32
    %dma_wait3A_29 = arith.constant 0 : i32
    %dma_wait3A_30 = tpu.memref_slice %arg5[%dma_wait3A, %dma_wait3A_29] : memref<512x64xf32, #tpu.memory_space<vmem>> -> memref<128x64xf32, #tpu.memory_space<vmem>>
    %dma_wait3A_31 = arith.constant 0 : i32
    %dma_wait3A_32 = tpu.memref_slice %arg2[%add3A_28, %dma_wait3A_31] : memref<16384x64xf32, #tpu.memory_space<hbm>> -> memref<128x64xf32, #tpu.memory_space<hbm>>
    %dma_wait3A_33 = arith.constant 0 : i32
    %dma_wait3A_34 = arith.constant 0 : i32
    %dma_wait3A_35 = tpu.memref_slice %arg5[%dma_wait3A_33, %dma_wait3A_34] : memref<512x64xf32, #tpu.memory_space<vmem>> -> memref<128x64xf32, #tpu.memory_space<vmem>>
    %dma_wait3A_36 = arith.constant 0 : i32
    %dma_wait3A_37 = tpu.memref_slice %arg2[%add3A_28, %dma_wait3A_36] : memref<16384x64xf32, #tpu.memory_space<hbm>> -> memref<128x64xf32, #tpu.memory_space<hbm>>
    tpu.wait_dma2 semaphore(%arg8 : memref<!tpu.dma_semaphore, #tpu.memory_space<semaphore_mem>>) src(%dma_wait3A_37 : memref<128x64xf32, #tpu.memory_space<hbm>>) dst(%dma_wait3A_35 : memref<128x64xf32, #tpu.memory_space<vmem>>)
    %add3A_38 = arith.constant 128 : i32
    %add3A_39 = arith.addi %mul3A_2, %add3A_38 : i32
    %dma_start3A_40 = arith.constant 128 : i32
    %dma_start3A_41 = arith.constant 0 : i32
    %dma_start3A_42 = tpu.memref_slice %arg5[%dma_start3A_40, %dma_start3A_41] : memref<512x64xf32, #tpu.memory_space<vmem>> -> memref<128x64xf32, #tpu.memory_space<vmem>>
    %dma_start3A_43 = arith.constant 0 : i32
    %dma_start3A_44 = tpu.memref_slice %arg2[%add3A_39, %dma_start3A_43] : memref<16384x64xf32, #tpu.memory_space<hbm>> -> memref<128x64xf32, #tpu.memory_space<hbm>>
    %dma_start3A_45 = arith.constant 128 : i32
    %dma_start3A_46 = arith.constant 0 : i32
    %dma_start3A_47 = tpu.memref_slice %arg5[%dma_start3A_45, %dma_start3A_46] : memref<512x64xf32, #tpu.memory_space<vmem>> -> memref<128x64xf32, #tpu.memory_space<vmem>>
    %dma_start3A_48 = arith.constant 0 : i32
    %dma_start3A_49 = tpu.memref_slice %arg2[%add3A_39, %dma_start3A_48] : memref<16384x64xf32, #tpu.memory_space<hbm>> -> memref<128x64xf32, #tpu.memory_space<hbm>>
    tpu.enqueue_dma source(%dma_start3A_49 : memref<128x64xf32, #tpu.memory_space<hbm>>) target(%dma_start3A_47 : memref<128x64xf32, #tpu.memory_space<vmem>>) target_semaphore(%arg8 : memref<!tpu.dma_semaphore, #tpu.memory_space<semaphore_mem>>)
    %parallel_loop3A = arith.constant 0 : i32
    %parallel_loop3A_50 = arith.constant 128 : i32
    %parallel_loop3A_51 = arith.constant 1 : i32
    scf.for %parallel_loop3A_152 = %parallel_loop3A to %parallel_loop3A_50 step %parallel_loop3A_51  : i32 {
      %parallel_loop3A_153 = arith.index_cast %parallel_loop3A_152 : i32 to index
      %parallel_loop3A_154 = arith.constant 0 : index
      %parallel_loop3A_155 = tpu.vector_load %arg5[%parallel_loop3A_153, %parallel_loop3A_154] {strides = array<i32>} : memref<512x64xf32, #tpu.memory_space<vmem>>, vector<16xf32>,
      %parallel_loop3A_156 = arith.constant 0 : i32
      %parallel_loop3A_157 = vector.broadcast %parallel_loop3A_156 : i32 to vector<16xi32>
      %parallel_loop3A_158 = arith.addi %iota3A, %parallel_loop3A_157 : vector<16xi32>
      %parallel_loop3A_159 = arith.constant dense<true> : vector<16xi1>
      %parallel_loop3A_160, %parallel_loop3A_161, %parallel_loop3A_162 = tpu.sort %parallel_loop3A_155, %parallel_loop3A_158 masked %parallel_loop3A_159 {descending = true} : (vector<16xf32>, vector<16xi32>, vector<16xi1>) -> (vector<16xi1>, vector<16xf32>, vector<16xi32>)
      %parallel_loop3A_163 = arith.index_cast %parallel_loop3A_152 : i32 to index
      %parallel_loop3A_164 = arith.constant 16 : index
      %parallel_loop3A_165 = tpu.vector_load %arg5[%parallel_loop3A_163, %parallel_loop3A_164] {strides = array<i32>} : memref<512x64xf32, #tpu.memory_space<vmem>>, vector<16xf32>,
      %parallel_loop3A_166 = arith.constant 16 : i32
      %parallel_loop3A_167 = vector.broadcast %parallel_loop3A_166 : i32 to vector<16xi32>
      %parallel_loop3A_168 = arith.addi %iota3A, %parallel_loop3A_167 : vector<16xi32>
      %parallel_loop3A_169 = arith.constant dense<true> : vector<16xi1>
      %parallel_loop3A_170, %parallel_loop3A_171, %parallel_loop3A_172 = tpu.sort %parallel_loop3A_165, %parallel_loop3A_168 masked %parallel_loop3A_169 {descending = true} : (vector<16xf32>, vector<16xi32>, vector<16xi1>) -> (vector<16xi1>, vector<16xf32>, vector<16xi32>)
      %parallel_loop3A_173 = arith.index_cast %parallel_loop3A_152 : i32 to index
      %parallel_loop3A_174 = arith.constant 32 : index
      %parallel_loop3A_175 = tpu.vector_load %arg5[%parallel_loop3A_173, %parallel_loop3A_174] {strides = array<i32>} : memref<512x64xf32, #tpu.memory_space<vmem>>, vector<16xf32>,
      %parallel_loop3A_176 = arith.constant 32 : i32
      %parallel_loop3A_177 = vector.broadcast %parallel_loop3A_176 : i32 to vector<16xi32>
      %parallel_loop3A_178 = arith.addi %iota3A, %parallel_loop3A_177 : vector<16xi32>
      %parallel_loop3A_179 = arith.constant dense<true> : vector<16xi1>
      %parallel_loop3A_180, %parallel_loop3A_181, %parallel_loop3A_182 = tpu.sort %parallel_loop3A_175, %parallel_loop3A_178 masked %parallel_loop3A_179 {descending = true} : (vector<16xf32>, vector<16xi32>, vector<16xi1>) -> (vector<16xi1>, vector<16xf32>, vector<16xi32>)
      %parallel_loop3A_183 = arith.index_cast %parallel_loop3A_152 : i32 to index
      %parallel_loop3A_184 = arith.constant 48 : index
      %parallel_loop3A_185 = tpu.vector_load %arg5[%parallel_loop3A_183, %parallel_loop3A_184] {strides = array<i32>} : memref<512x64xf32, #tpu.memory_space<vmem>>, vector<16xf32>,
      %parallel_loop3A_186 = arith.constant 48 : i32
      %parallel_loop3A_187 = vector.broadcast %parallel_loop3A_186 : i32 to vector<16xi32>
      %parallel_loop3A_188 = arith.addi %iota3A, %parallel_loop3A_187 : vector<16xi32>
      %parallel_loop3A_189 = arith.constant dense<true> : vector<16xi1>
      %parallel_loop3A_190, %parallel_loop3A_191, %parallel_loop3A_192 = tpu.sort %parallel_loop3A_185, %parallel_loop3A_188 masked %parallel_loop3A_189 {descending = true} : (vector<16xf32>, vector<16xi32>, vector<16xi1>) -> (vector<16xi1>, vector<16xf32>, vector<16xi32>)
      %parallel_loop3A_193 = arith.constant 15 : i32
      %parallel_loop3A_194 = vector.broadcast %parallel_loop3A_193 : i32 to vector<16xi32>
      %parallel_loop3A_195 = tpu.iota {dimensions = array<i32: 0>} : vector<16xi32>
      %parallel_loop3A_196 = arith.subi %parallel_loop3A_194, %parallel_loop3A_195 : vector<16xi32>
      %parallel_loop3A_197 = tpu.dynamic_gather %parallel_loop3A_171[%parallel_loop3A_196] in [0] : vector<16xf32>, vector<16xi32> -> vector<16xf32>
      %parallel_loop3A_198 = arith.constant 15 : i32
      %parallel_loop3A_199 = vector.broadcast %parallel_loop3A_198 : i32 to vector<16xi32>
      %parallel_loop3A_200 = tpu.iota {dimensions = array<i32: 0>} : vector<16xi32>
      %parallel_loop3A_201 = arith.subi %parallel_loop3A_199, %parallel_loop3A_200 : vector<16xi32>
      %parallel_loop3A_202 = tpu.dynamic_gather %parallel_loop3A_172[%parallel_loop3A_201] in [0] : vector<16xi32>, vector<16xi32> -> vector<16xi32>
      %parallel_loop3A_203 = arith.cmpf oge, %parallel_loop3A_161, %parallel_loop3A_197 : vector<16xf32>
      %parallel_loop3A_204 = arith.maximumf %parallel_loop3A_161, %parallel_loop3A_197 : vector<16xf32>
      %parallel_loop3A_205 = arith.select %parallel_loop3A_203, %parallel_loop3A_162, %parallel_loop3A_202 : vector<16xi1>, vector<16xi32>
      %parallel_loop3A_206 = arith.constant 15 : i32
      %parallel_loop3A_207 = vector.broadcast %parallel_loop3A_206 : i32 to vector<16xi32>
      %parallel_loop3A_208 = tpu.iota {dimensions = array<i32: 0>} : vector<16xi32>
      %parallel_loop3A_209 = arith.subi %parallel_loop3A_207, %parallel_loop3A_208 : vector<16xi32>
      %parallel_loop3A_210 = tpu.dynamic_gather %parallel_loop3A_191[%parallel_loop3A_209] in [0] : vector<16xf32>, vector<16xi32> -> vector<16xf32>
      %parallel_loop3A_211 = arith.constant 15 : i32
      %parallel_loop3A_212 = vector.broadcast %parallel_loop3A_211 : i32 to vector<16xi32>
      %parallel_loop3A_213 = tpu.iota {dimensions = array<i32: 0>} : vector<16xi32>
      %parallel_loop3A_214 = arith.subi %parallel_loop3A_212, %parallel_loop3A_213 : vector<16xi32>
      %parallel_loop3A_215 = tpu.dynamic_gather %parallel_loop3A_192[%parallel_loop3A_214] in [0] : vector<16xi32>, vector<16xi32> -> vector<16xi32>
      %parallel_loop3A_216 = arith.cmpf oge, %parallel_loop3A_181, %parallel_loop3A_210 : vector<16xf32>
      %parallel_loop3A_217 = arith.maximumf %parallel_loop3A_181, %parallel_loop3A_210 : vector<16xf32>
      %parallel_loop3A_218 = arith.select %parallel_loop3A_216, %parallel_loop3A_182, %parallel_loop3A_215 : vector<16xi1>, vector<16xi32>
      %parallel_loop3A_219 = arith.constant dense<true> : vector<16xi1>
      %parallel_loop3A_220, %parallel_loop3A_221, %parallel_loop3A_222 = tpu.sort %parallel_loop3A_204, %parallel_loop3A_205 masked %parallel_loop3A_219 {descending = true} : (vector<16xf32>, vector<16xi32>, vector<16xi1>) -> (vector<16xi1>, vector<16xf32>, vector<16xi32>)
      %parallel_loop3A_223 = arith.constant dense<true> : vector<16xi1>
      %parallel_loop3A_224, %parallel_loop3A_225, %parallel_loop3A_226 = tpu.sort %parallel_loop3A_217, %parallel_loop3A_218 masked %parallel_loop3A_223 {descending = true} : (vector<16xf32>, vector<16xi32>, vector<16xi1>) -> (vector<16xi1>, vector<16xf32>, vector<16xi32>)
      %parallel_loop3A_227 = arith.constant 15 : i32
      %parallel_loop3A_228 = vector.broadcast %parallel_loop3A_227 : i32 to vector<16xi32>
      %parallel_loop3A_229 = tpu.iota {dimensions = array<i32: 0>} : vector<16xi32>
      %parallel_loop3A_230 = arith.subi %parallel_loop3A_228, %parallel_loop3A_229 : vector<16xi32>
      %parallel_loop3A_231 = tpu.dynamic_gather %parallel_loop3A_225[%parallel_loop3A_230] in [0] : vector<16xf32>, vector<16xi32> -> vector<16xf32>
      %parallel_loop3A_232 = arith.constant 15 : i32
      %parallel_loop3A_233 = vector.broadcast %parallel_loop3A_232 : i32 to vector<16xi32>
      %parallel_loop3A_234 = tpu.iota {dimensions = array<i32: 0>} : vector<16xi32>
      %parallel_loop3A_235 = arith.subi %parallel_loop3A_233, %parallel_loop3A_234 : vector<16xi32>
      %parallel_loop3A_236 = tpu.dynamic_gather %parallel_loop3A_226[%parallel_loop3A_235] in [0] : vector<16xi32>, vector<16xi32> -> vector<16xi32>
      %parallel_loop3A_237 = arith.cmpf oge, %parallel_loop3A_221, %parallel_loop3A_231 : vector<16xf32>
      %parallel_loop3A_238 = arith.maximumf %parallel_loop3A_221, %parallel_loop3A_231 : vector<16xf32>
      %parallel_loop3A_239 = arith.select %parallel_loop3A_237, %parallel_loop3A_222, %parallel_loop3A_236 : vector<16xi1>, vector<16xi32>
      %parallel_loop3A_240 = arith.constant dense<true> : vector<16xi1>
      %parallel_loop3A_241, %parallel_loop3A_242, %parallel_loop3A_243 = tpu.sort %parallel_loop3A_238, %parallel_loop3A_239 masked %parallel_loop3A_240 {descending = true} : (vector<16xf32>, vector<16xi32>, vector<16xi1>) -> (vector<16xi1>, vector<16xf32>, vector<16xi32>)
      %parallel_loop3A_244 = vector.shape_cast %xor3A_6 : vector<16xi32> to vector<16x1xi32>
      %parallel_loop3A_245 = vector.shape_cast %parallel_loop3A_244 : vector<16x1xi32> to vector<16xi32>
      %parallel_loop3A_246 = tpu.dynamic_gather %parallel_loop3A_242[%parallel_loop3A_245] in [0] : vector<16xf32>, vector<16xi32> -> vector<16xf32>
      %parallel_loop3A_247 = vector.shape_cast %xor3A_6 : vector<16xi32> to vector<16x1xi32>
      %parallel_loop3A_248 = vector.shape_cast %parallel_loop3A_247 : vector<16x1xi32> to vector<16xi32>
      %parallel_loop3A_249 = tpu.dynamic_gather %parallel_loop3A_243[%parallel_loop3A_248] in [0] : vector<16xi32>, vector<16xi32> -> vector<16xi32>
      %parallel_loop3A_250 = arith.cmpf oeq, %parallel_loop3A_242, %parallel_loop3A_246 : vector<16xf32>
      %parallel_loop3A_251 = arith.cmpi slt, %iota3A, %xor3A_6 : vector<16xi32>
      %parallel_loop3A_252 = arith.minsi %parallel_loop3A_243, %parallel_loop3A_249 : vector<16xi32>
      %parallel_loop3A_253 = arith.maxsi %parallel_loop3A_243, %parallel_loop3A_249 : vector<16xi32>
      %parallel_loop3A_254 = arith.select %parallel_loop3A_251, %parallel_loop3A_252, %parallel_loop3A_253 : vector<16xi1>, vector<16xi32>
      %parallel_loop3A_255 = arith.select %parallel_loop3A_250, %parallel_loop3A_254, %parallel_loop3A_243 : vector<16xi1>, vector<16xi32>
      %parallel_loop3A_256 = vector.shape_cast %min3A_17 : vector<16xi32> to vector<16x1xi32>
      %parallel_loop3A_257 = vector.shape_cast %parallel_loop3A_256 : vector<16x1xi32> to vector<16xi32>
      %parallel_loop3A_258 = tpu.dynamic_gather %parallel_loop3A_242[%parallel_loop3A_257] in [0] : vector<16xf32>, vector<16xi32> -> vector<16xf32>
      %parallel_loop3A_259 = vector.shape_cast %min3A_17 : vector<16xi32> to vector<16x1xi32>
      %parallel_loop3A_260 = vector.shape_cast %parallel_loop3A_259 : vector<16x1xi32> to vector<16xi32>
      %parallel_loop3A_261 = tpu.dynamic_gather %parallel_loop3A_255[%parallel_loop3A_260] in [0] : vector<16xi32>, vector<16xi32> -> vector<16xi32>
      %parallel_loop3A_262 = arith.cmpf oeq, %parallel_loop3A_242, %parallel_loop3A_258 : vector<16xf32>
      %parallel_loop3A_263 = arith.cmpi slt, %iota3A, %min3A_17 : vector<16xi32>
      %parallel_loop3A_264 = arith.minsi %parallel_loop3A_255, %parallel_loop3A_261 : vector<16xi32>
      %parallel_loop3A_265 = arith.maxsi %parallel_loop3A_255, %parallel_loop3A_261 : vector<16xi32>
      %parallel_loop3A_266 = arith.select %parallel_loop3A_263, %parallel_loop3A_264, %parallel_loop3A_265 : vector<16xi1>, vector<16xi32>
      %parallel_loop3A_267 = arith.select %parallel_loop3A_262, %parallel_loop3A_266, %parallel_loop3A_255 : vector<16xi1>, vector<16xi32>
      %parallel_loop3A_268 = arith.constant 0.000000e+00 : f32
      %parallel_loop3A_269 = vector.broadcast %parallel_loop3A_268 : f32 to vector<16xf32>
      %parallel_loop3A_270 = arith.select %lt3A_4, %parallel_loop3A_242, %parallel_loop3A_269 : vector<16xi1>, vector<16xf32>
      %parallel_loop3A_271 = arith.constant true
      %parallel_loop3A_272 = vector.broadcast %parallel_loop3A_271 : i1 to vector<16xi1>
      %parallel_loop3A_273 = tpu.scan <sum>, %parallel_loop3A_270 masked %parallel_loop3A_272 : vector<16xf32>, vector<16xi1> -> vector<16xf32>
      %parallel_loop3A_274 = vector.extract %parallel_loop3A_273[15] : f32 from vector<16xf32>
      %parallel_loop3A_275 = vector.broadcast %parallel_loop3A_274 : f32 to vector<16xf32>
      %parallel_loop3A_276 = arith.divf %parallel_loop3A_242, %parallel_loop3A_275 : vector<16xf32>
      %parallel_loop3A_277 = arith.constant 0 : i32
      %parallel_loop3A_278 = vector.broadcast %parallel_loop3A_277 : i32 to vector<16xi32>
      %parallel_loop3A_279 = vector.broadcast %parallel_loop3A_152 : i32 to vector<16xi32>
      %parallel_loop3A_280 = arith.addi %parallel_loop3A_278, %parallel_loop3A_279 : vector<16xi32>
      tpu.vector_store_idx %arg6[%iota3A, %parallel_loop3A_280], %parallel_loop3A_276 masked %lt3A_4 : memref<8x512xf32, #tpu.memory_space<vmem>>[vector<16xi32>, vector<16xi32>], vector<16xf32>, vector<16xi1>
      tpu.vector_store_idx %arg7[%iota3A, %parallel_loop3A_280], %parallel_loop3A_267 masked %lt3A_4 : memref<8x512xi32, #tpu.memory_space<vmem>>[vector<16xi32>, vector<16xi32>], vector<16xi32>, vector<16xi1>
    } {sc.loop_unroll_factor = 4 : i64, sc.parallel_access}
    %add3A_52 = arith.constant 128 : i32
    %add3A_53 = arith.addi %mul3A_2, %add3A_52 : i32
    %dma_wait3A_54 = arith.constant 128 : i32
    %dma_wait3A_55 = arith.constant 0 : i32
    %dma_wait3A_56 = tpu.memref_slice %arg5[%dma_wait3A_54, %dma_wait3A_55] : memref<512x64xf32, #tpu.memory_space<vmem>> -> memref<128x64xf32, #tpu.memory_space<vmem>>
    %dma_wait3A_57 = arith.constant 0 : i32
    %dma_wait3A_58 = tpu.memref_slice %arg2[%add3A_53, %dma_wait3A_57] : memref<16384x64xf32, #tpu.memory_space<hbm>> -> memref<128x64xf32, #tpu.memory_space<hbm>>
    %dma_wait3A_59 = arith.constant 128 : i32
    %dma_wait3A_60 = arith.constant 0 : i32
    %dma_wait3A_61 = tpu.memref_slice %arg5[%dma_wait3A_59, %dma_wait3A_60] : memref<512x64xf32, #tpu.memory_space<vmem>> -> memref<128x64xf32, #tpu.memory_space<vmem>>
    %dma_wait3A_62 = arith.constant 0 : i32
    %dma_wait3A_63 = tpu.memref_slice %arg2[%add3A_53, %dma_wait3A_62] : memref<16384x64xf32, #tpu.memory_space<hbm>> -> memref<128x64xf32, #tpu.memory_space<hbm>>
    tpu.wait_dma2 semaphore(%arg8 : memref<!tpu.dma_semaphore, #tpu.memory_space<semaphore_mem>>) src(%dma_wait3A_63 : memref<128x64xf32, #tpu.memory_space<hbm>>) dst(%dma_wait3A_61 : memref<128x64xf32, #tpu.memory_space<vmem>>)
    %add3A_64 = arith.constant 256 : i32
    %add3A_65 = arith.addi %mul3A_2, %add3A_64 : i32
    %dma_start3A_66 = arith.constant 256 : i32
    %dma_start3A_67 = arith.constant 0 : i32
    %dma_start3A_68 = tpu.memref_slice %arg5[%dma_start3A_66, %dma_start3A_67] : memref<512x64xf32, #tpu.memory_space<vmem>> -> memref<128x64xf32, #tpu.memory_space<vmem>>
    %dma_start3A_69 = arith.constant 0 : i32
    %dma_start3A_70 = tpu.memref_slice %arg2[%add3A_65, %dma_start3A_69] : memref<16384x64xf32, #tpu.memory_space<hbm>> -> memref<128x64xf32, #tpu.memory_space<hbm>>
    %dma_start3A_71 = arith.constant 256 : i32
    %dma_start3A_72 = arith.constant 0 : i32
    %dma_start3A_73 = tpu.memref_slice %arg5[%dma_start3A_71, %dma_start3A_72] : memref<512x64xf32, #tpu.memory_space<vmem>> -> memref<128x64xf32, #tpu.memory_space<vmem>>
    %dma_start3A_74 = arith.constant 0 : i32
    %dma_start3A_75 = tpu.memref_slice %arg2[%add3A_65, %dma_start3A_74] : memref<16384x64xf32, #tpu.memory_space<hbm>> -> memref<128x64xf32, #tpu.memory_space<hbm>>
    tpu.enqueue_dma source(%dma_start3A_75 : memref<128x64xf32, #tpu.memory_space<hbm>>) target(%dma_start3A_73 : memref<128x64xf32, #tpu.memory_space<vmem>>) target_semaphore(%arg8 : memref<!tpu.dma_semaphore, #tpu.memory_space<semaphore_mem>>)
    %parallel_loop3A_76 = arith.constant 128 : i32
    %parallel_loop3A_77 = arith.constant 256 : i32
    %parallel_loop3A_78 = arith.constant 1 : i32
    scf.for %parallel_loop3A_152 = %parallel_loop3A_76 to %parallel_loop3A_77 step %parallel_loop3A_78  : i32 {
      %parallel_loop3A_153 = arith.index_cast %parallel_loop3A_152 : i32 to index
      %parallel_loop3A_154 = arith.constant 0 : index
      %parallel_loop3A_155 = tpu.vector_load %arg5[%parallel_loop3A_153, %parallel_loop3A_154] {strides = array<i32>} : memref<512x64xf32, #tpu.memory_space<vmem>>, vector<16xf32>,
      %parallel_loop3A_156 = arith.constant 0 : i32
      %parallel_loop3A_157 = vector.broadcast %parallel_loop3A_156 : i32 to vector<16xi32>
      %parallel_loop3A_158 = arith.addi %iota3A, %parallel_loop3A_157 : vector<16xi32>
      %parallel_loop3A_159 = arith.constant dense<true> : vector<16xi1>
      %parallel_loop3A_160, %parallel_loop3A_161, %parallel_loop3A_162 = tpu.sort %parallel_loop3A_155, %parallel_loop3A_158 masked %parallel_loop3A_159 {descending = true} : (vector<16xf32>, vector<16xi32>, vector<16xi1>) -> (vector<16xi1>, vector<16xf32>, vector<16xi32>)
      %parallel_loop3A_163 = arith.index_cast %parallel_loop3A_152 : i32 to index
      %parallel_loop3A_164 = arith.constant 16 : index
      %parallel_loop3A_165 = tpu.vector_load %arg5[%parallel_loop3A_163, %parallel_loop3A_164] {strides = array<i32>} : memref<512x64xf32, #tpu.memory_space<vmem>>, vector<16xf32>,
      %parallel_loop3A_166 = arith.constant 16 : i32
      %parallel_loop3A_167 = vector.broadcast %parallel_loop3A_166 : i32 to vector<16xi32>
      %parallel_loop3A_168 = arith.addi %iota3A, %parallel_loop3A_167 : vector<16xi32>
      %parallel_loop3A_169 = arith.constant dense<true> : vector<16xi1>
      %parallel_loop3A_170, %parallel_loop3A_171, %parallel_loop3A_172 = tpu.sort %parallel_loop3A_165, %parallel_loop3A_168 masked %parallel_loop3A_169 {descending = true} : (vector<16xf32>, vector<16xi32>, vector<16xi1>) -> (vector<16xi1>, vector<16xf32>, vector<16xi32>)
      %parallel_loop3A_173 = arith.index_cast %parallel_loop3A_152 : i32 to index
      %parallel_loop3A_174 = arith.constant 32 : index
      %parallel_loop3A_175 = tpu.vector_load %arg5[%parallel_loop3A_173, %parallel_loop3A_174] {strides = array<i32>} : memref<512x64xf32, #tpu.memory_space<vmem>>, vector<16xf32>,
      %parallel_loop3A_176 = arith.constant 32 : i32
      %parallel_loop3A_177 = vector.broadcast %parallel_loop3A_176 : i32 to vector<16xi32>
      %parallel_loop3A_178 = arith.addi %iota3A, %parallel_loop3A_177 : vector<16xi32>
      %parallel_loop3A_179 = arith.constant dense<true> : vector<16xi1>
      %parallel_loop3A_180, %parallel_loop3A_181, %parallel_loop3A_182 = tpu.sort %parallel_loop3A_175, %parallel_loop3A_178 masked %parallel_loop3A_179 {descending = true} : (vector<16xf32>, vector<16xi32>, vector<16xi1>) -> (vector<16xi1>, vector<16xf32>, vector<16xi32>)
      %parallel_loop3A_183 = arith.index_cast %parallel_loop3A_152 : i32 to index
      %parallel_loop3A_184 = arith.constant 48 : index
      %parallel_loop3A_185 = tpu.vector_load %arg5[%parallel_loop3A_183, %parallel_loop3A_184] {strides = array<i32>} : memref<512x64xf32, #tpu.memory_space<vmem>>, vector<16xf32>,
      %parallel_loop3A_186 = arith.constant 48 : i32
      %parallel_loop3A_187 = vector.broadcast %parallel_loop3A_186 : i32 to vector<16xi32>
      %parallel_loop3A_188 = arith.addi %iota3A, %parallel_loop3A_187 : vector<16xi32>
      %parallel_loop3A_189 = arith.constant dense<true> : vector<16xi1>
      %parallel_loop3A_190, %parallel_loop3A_191, %parallel_loop3A_192 = tpu.sort %parallel_loop3A_185, %parallel_loop3A_188 masked %parallel_loop3A_189 {descending = true} : (vector<16xf32>, vector<16xi32>, vector<16xi1>) -> (vector<16xi1>, vector<16xf32>, vector<16xi32>)
      %parallel_loop3A_193 = arith.constant 15 : i32
      %parallel_loop3A_194 = vector.broadcast %parallel_loop3A_193 : i32 to vector<16xi32>
      %parallel_loop3A_195 = tpu.iota {dimensions = array<i32: 0>} : vector<16xi32>
      %parallel_loop3A_196 = arith.subi %parallel_loop3A_194, %parallel_loop3A_195 : vector<16xi32>
      %parallel_loop3A_197 = tpu.dynamic_gather %parallel_loop3A_171[%parallel_loop3A_196] in [0] : vector<16xf32>, vector<16xi32> -> vector<16xf32>
      %parallel_loop3A_198 = arith.constant 15 : i32
      %parallel_loop3A_199 = vector.broadcast %parallel_loop3A_198 : i32 to vector<16xi32>
      %parallel_loop3A_200 = tpu.iota {dimensions = array<i32: 0>} : vector<16xi32>
      %parallel_loop3A_201 = arith.subi %parallel_loop3A_199, %parallel_loop3A_200 : vector<16xi32>
      %parallel_loop3A_202 = tpu.dynamic_gather %parallel_loop3A_172[%parallel_loop3A_201] in [0] : vector<16xi32>, vector<16xi32> -> vector<16xi32>
      %parallel_loop3A_203 = arith.cmpf oge, %parallel_loop3A_161, %parallel_loop3A_197 : vector<16xf32>
      %parallel_loop3A_204 = arith.maximumf %parallel_loop3A_161, %parallel_loop3A_197 : vector<16xf32>
      %parallel_loop3A_205 = arith.select %parallel_loop3A_203, %parallel_loop3A_162, %parallel_loop3A_202 : vector<16xi1>, vector<16xi32>
      %parallel_loop3A_206 = arith.constant 15 : i32
      %parallel_loop3A_207 = vector.broadcast %parallel_loop3A_206 : i32 to vector<16xi32>
      %parallel_loop3A_208 = tpu.iota {dimensions = array<i32: 0>} : vector<16xi32>
      %parallel_loop3A_209 = arith.subi %parallel_loop3A_207, %parallel_loop3A_208 : vector<16xi32>
      %parallel_loop3A_210 = tpu.dynamic_gather %parallel_loop3A_191[%parallel_loop3A_209] in [0] : vector<16xf32>, vector<16xi32> -> vector<16xf32>
      %parallel_loop3A_211 = arith.constant 15 : i32
      %parallel_loop3A_212 = vector.broadcast %parallel_loop3A_211 : i32 to vector<16xi32>
      %parallel_loop3A_213 = tpu.iota {dimensions = array<i32: 0>} : vector<16xi32>
      %parallel_loop3A_214 = arith.subi %parallel_loop3A_212, %parallel_loop3A_213 : vector<16xi32>
      %parallel_loop3A_215 = tpu.dynamic_gather %parallel_loop3A_192[%parallel_loop3A_214] in [0] : vector<16xi32>, vector<16xi32> -> vector<16xi32>
      %parallel_loop3A_216 = arith.cmpf oge, %parallel_loop3A_181, %parallel_loop3A_210 : vector<16xf32>
      %parallel_loop3A_217 = arith.maximumf %parallel_loop3A_181, %parallel_loop3A_210 : vector<16xf32>
      %parallel_loop3A_218 = arith.select %parallel_loop3A_216, %parallel_loop3A_182, %parallel_loop3A_215 : vector<16xi1>, vector<16xi32>
      %parallel_loop3A_219 = arith.constant dense<true> : vector<16xi1>
      %parallel_loop3A_220, %parallel_loop3A_221, %parallel_loop3A_222 = tpu.sort %parallel_loop3A_204, %parallel_loop3A_205 masked %parallel_loop3A_219 {descending = true} : (vector<16xf32>, vector<16xi32>, vector<16xi1>) -> (vector<16xi1>, vector<16xf32>, vector<16xi32>)
      %parallel_loop3A_223 = arith.constant dense<true> : vector<16xi1>
      %parallel_loop3A_224, %parallel_loop3A_225, %parallel_loop3A_226 = tpu.sort %parallel_loop3A_217, %parallel_loop3A_218 masked %parallel_loop3A_223 {descending = true} : (vector<16xf32>, vector<16xi32>, vector<16xi1>) -> (vector<16xi1>, vector<16xf32>, vector<16xi32>)
      %parallel_loop3A_227 = arith.constant 15 : i32
      %parallel_loop3A_228 = vector.broadcast %parallel_loop3A_227 : i32 to vector<16xi32>
      %parallel_loop3A_229 = tpu.iota {dimensions = array<i32: 0>} : vector<16xi32>
      %parallel_loop3A_230 = arith.subi %parallel_loop3A_228, %parallel_loop3A_229 : vector<16xi32>
      %parallel_loop3A_231 = tpu.dynamic_gather %parallel_loop3A_225[%parallel_loop3A_230] in [0] : vector<16xf32>, vector<16xi32> -> vector<16xf32>
      %parallel_loop3A_232 = arith.constant 15 : i32
      %parallel_loop3A_233 = vector.broadcast %parallel_loop3A_232 : i32 to vector<16xi32>
      %parallel_loop3A_234 = tpu.iota {dimensions = array<i32: 0>} : vector<16xi32>
      %parallel_loop3A_235 = arith.subi %parallel_loop3A_233, %parallel_loop3A_234 : vector<16xi32>
      %parallel_loop3A_236 = tpu.dynamic_gather %parallel_loop3A_226[%parallel_loop3A_235] in [0] : vector<16xi32>, vector<16xi32> -> vector<16xi32>
      %parallel_loop3A_237 = arith.cmpf oge, %parallel_loop3A_221, %parallel_loop3A_231 : vector<16xf32>
      %parallel_loop3A_238 = arith.maximumf %parallel_loop3A_221, %parallel_loop3A_231 : vector<16xf32>
      %parallel_loop3A_239 = arith.select %parallel_loop3A_237, %parallel_loop3A_222, %parallel_loop3A_236 : vector<16xi1>, vector<16xi32>
      %parallel_loop3A_240 = arith.constant dense<true> : vector<16xi1>
      %parallel_loop3A_241, %parallel_loop3A_242, %parallel_loop3A_243 = tpu.sort %parallel_loop3A_238, %parallel_loop3A_239 masked %parallel_loop3A_240 {descending = true} : (vector<16xf32>, vector<16xi32>, vector<16xi1>) -> (vector<16xi1>, vector<16xf32>, vector<16xi32>)
      %parallel_loop3A_244 = vector.shape_cast %xor3A_6 : vector<16xi32> to vector<16x1xi32>
      %parallel_loop3A_245 = vector.shape_cast %parallel_loop3A_244 : vector<16x1xi32> to vector<16xi32>
      %parallel_loop3A_246 = tpu.dynamic_gather %parallel_loop3A_242[%parallel_loop3A_245] in [0] : vector<16xf32>, vector<16xi32> -> vector<16xf32>
      %parallel_loop3A_247 = vector.shape_cast %xor3A_6 : vector<16xi32> to vector<16x1xi32>
      %parallel_loop3A_248 = vector.shape_cast %parallel_loop3A_247 : vector<16x1xi32> to vector<16xi32>
      %parallel_loop3A_249 = tpu.dynamic_gather %parallel_loop3A_243[%parallel_loop3A_248] in [0] : vector<16xi32>, vector<16xi32> -> vector<16xi32>
      %parallel_loop3A_250 = arith.cmpf oeq, %parallel_loop3A_242, %parallel_loop3A_246 : vector<16xf32>
      %parallel_loop3A_251 = arith.cmpi slt, %iota3A, %xor3A_6 : vector<16xi32>
      %parallel_loop3A_252 = arith.minsi %parallel_loop3A_243, %parallel_loop3A_249 : vector<16xi32>
      %parallel_loop3A_253 = arith.maxsi %parallel_loop3A_243, %parallel_loop3A_249 : vector<16xi32>
      %parallel_loop3A_254 = arith.select %parallel_loop3A_251, %parallel_loop3A_252, %parallel_loop3A_253 : vector<16xi1>, vector<16xi32>
      %parallel_loop3A_255 = arith.select %parallel_loop3A_250, %parallel_loop3A_254, %parallel_loop3A_243 : vector<16xi1>, vector<16xi32>
      %parallel_loop3A_256 = vector.shape_cast %min3A_17 : vector<16xi32> to vector<16x1xi32>
      %parallel_loop3A_257 = vector.shape_cast %parallel_loop3A_256 : vector<16x1xi32> to vector<16xi32>
      %parallel_loop3A_258 = tpu.dynamic_gather %parallel_loop3A_242[%parallel_loop3A_257] in [0] : vector<16xf32>, vector<16xi32> -> vector<16xf32>
      %parallel_loop3A_259 = vector.shape_cast %min3A_17 : vector<16xi32> to vector<16x1xi32>
      %parallel_loop3A_260 = vector.shape_cast %parallel_loop3A_259 : vector<16x1xi32> to vector<16xi32>
      %parallel_loop3A_261 = tpu.dynamic_gather %parallel_loop3A_255[%parallel_loop3A_260] in [0] : vector<16xi32>, vector<16xi32> -> vector<16xi32>
      %parallel_loop3A_262 = arith.cmpf oeq, %parallel_loop3A_242, %parallel_loop3A_258 : vector<16xf32>
      %parallel_loop3A_263 = arith.cmpi slt, %iota3A, %min3A_17 : vector<16xi32>
      %parallel_loop3A_264 = arith.minsi %parallel_loop3A_255, %parallel_loop3A_261 : vector<16xi32>
      %parallel_loop3A_265 = arith.maxsi %parallel_loop3A_255, %parallel_loop3A_261 : vector<16xi32>
      %parallel_loop3A_266 = arith.select %parallel_loop3A_263, %parallel_loop3A_264, %parallel_loop3A_265 : vector<16xi1>, vector<16xi32>
      %parallel_loop3A_267 = arith.select %parallel_loop3A_262, %parallel_loop3A_266, %parallel_loop3A_255 : vector<16xi1>, vector<16xi32>
      %parallel_loop3A_268 = arith.constant 0.000000e+00 : f32
      %parallel_loop3A_269 = vector.broadcast %parallel_loop3A_268 : f32 to vector<16xf32>
      %parallel_loop3A_270 = arith.select %lt3A_4, %parallel_loop3A_242, %parallel_loop3A_269 : vector<16xi1>, vector<16xf32>
      %parallel_loop3A_271 = arith.constant true
      %parallel_loop3A_272 = vector.broadcast %parallel_loop3A_271 : i1 to vector<16xi1>
      %parallel_loop3A_273 = tpu.scan <sum>, %parallel_loop3A_270 masked %parallel_loop3A_272 : vector<16xf32>, vector<16xi1> -> vector<16xf32>
      %parallel_loop3A_274 = vector.extract %parallel_loop3A_273[15] : f32 from vector<16xf32>
      %parallel_loop3A_275 = vector.broadcast %parallel_loop3A_274 : f32 to vector<16xf32>
      %parallel_loop3A_276 = arith.divf %parallel_loop3A_242, %parallel_loop3A_275 : vector<16xf32>
      %parallel_loop3A_277 = arith.constant 0 : i32
      %parallel_loop3A_278 = vector.broadcast %parallel_loop3A_277 : i32 to vector<16xi32>
      %parallel_loop3A_279 = vector.broadcast %parallel_loop3A_152 : i32 to vector<16xi32>
      %parallel_loop3A_280 = arith.addi %parallel_loop3A_278, %parallel_loop3A_279 : vector<16xi32>
      tpu.vector_store_idx %arg6[%iota3A, %parallel_loop3A_280], %parallel_loop3A_276 masked %lt3A_4 : memref<8x512xf32, #tpu.memory_space<vmem>>[vector<16xi32>, vector<16xi32>], vector<16xf32>, vector<16xi1>
      tpu.vector_store_idx %arg7[%iota3A, %parallel_loop3A_280], %parallel_loop3A_267 masked %lt3A_4 : memref<8x512xi32, #tpu.memory_space<vmem>>[vector<16xi32>, vector<16xi32>], vector<16xi32>, vector<16xi1>
    } {sc.loop_unroll_factor = 4 : i64, sc.parallel_access}
    %add3A_79 = arith.constant 256 : i32
    %add3A_80 = arith.addi %mul3A_2, %add3A_79 : i32
    %dma_wait3A_81 = arith.constant 256 : i32
    %dma_wait3A_82 = arith.constant 0 : i32
    %dma_wait3A_83 = tpu.memref_slice %arg5[%dma_wait3A_81, %dma_wait3A_82] : memref<512x64xf32, #tpu.memory_space<vmem>> -> memref<128x64xf32, #tpu.memory_space<vmem>>
    %dma_wait3A_84 = arith.constant 0 : i32
    %dma_wait3A_85 = tpu.memref_slice %arg2[%add3A_80, %dma_wait3A_84] : memref<16384x64xf32, #tpu.memory_space<hbm>> -> memref<128x64xf32, #tpu.memory_space<hbm>>
    %dma_wait3A_86 = arith.constant 256 : i32
    %dma_wait3A_87 = arith.constant 0 : i32
    %dma_wait3A_88 = tpu.memref_slice %arg5[%dma_wait3A_86, %dma_wait3A_87] : memref<512x64xf32, #tpu.memory_space<vmem>> -> memref<128x64xf32, #tpu.memory_space<vmem>>
    %dma_wait3A_89 = arith.constant 0 : i32
    %dma_wait3A_90 = tpu.memref_slice %arg2[%add3A_80, %dma_wait3A_89] : memref<16384x64xf32, #tpu.memory_space<hbm>> -> memref<128x64xf32, #tpu.memory_space<hbm>>
    tpu.wait_dma2 semaphore(%arg8 : memref<!tpu.dma_semaphore, #tpu.memory_space<semaphore_mem>>) src(%dma_wait3A_90 : memref<128x64xf32, #tpu.memory_space<hbm>>) dst(%dma_wait3A_88 : memref<128x64xf32, #tpu.memory_space<vmem>>)
    %add3A_91 = arith.constant 384 : i32
    %add3A_92 = arith.addi %mul3A_2, %add3A_91 : i32
    %dma_start3A_93 = arith.constant 384 : i32
    %dma_start3A_94 = arith.constant 0 : i32
    %dma_start3A_95 = tpu.memref_slice %arg5[%dma_start3A_93, %dma_start3A_94] : memref<512x64xf32, #tpu.memory_space<vmem>> -> memref<128x64xf32, #tpu.memory_space<vmem>>
    %dma_start3A_96 = arith.constant 0 : i32
    %dma_start3A_97 = tpu.memref_slice %arg2[%add3A_92, %dma_start3A_96] : memref<16384x64xf32, #tpu.memory_space<hbm>> -> memref<128x64xf32, #tpu.memory_space<hbm>>
    %dma_start3A_98 = arith.constant 384 : i32
    %dma_start3A_99 = arith.constant 0 : i32
    %dma_start3A_100 = tpu.memref_slice %arg5[%dma_start3A_98, %dma_start3A_99] : memref<512x64xf32, #tpu.memory_space<vmem>> -> memref<128x64xf32, #tpu.memory_space<vmem>>
    %dma_start3A_101 = arith.constant 0 : i32
    %dma_start3A_102 = tpu.memref_slice %arg2[%add3A_92, %dma_start3A_101] : memref<16384x64xf32, #tpu.memory_space<hbm>> -> memref<128x64xf32, #tpu.memory_space<hbm>>
    tpu.enqueue_dma source(%dma_start3A_102 : memref<128x64xf32, #tpu.memory_space<hbm>>) target(%dma_start3A_100 : memref<128x64xf32, #tpu.memory_space<vmem>>) target_semaphore(%arg8 : memref<!tpu.dma_semaphore, #tpu.memory_space<semaphore_mem>>)
    %parallel_loop3A_103 = arith.constant 256 : i32
    %parallel_loop3A_104 = arith.constant 384 : i32
    %parallel_loop3A_105 = arith.constant 1 : i32
    scf.for %parallel_loop3A_152 = %parallel_loop3A_103 to %parallel_loop3A_104 step %parallel_loop3A_105  : i32 {
      %parallel_loop3A_153 = arith.index_cast %parallel_loop3A_152 : i32 to index
      %parallel_loop3A_154 = arith.constant 0 : index
      %parallel_loop3A_155 = tpu.vector_load %arg5[%parallel_loop3A_153, %parallel_loop3A_154] {strides = array<i32>} : memref<512x64xf32, #tpu.memory_space<vmem>>, vector<16xf32>,
      %parallel_loop3A_156 = arith.constant 0 : i32
      %parallel_loop3A_157 = vector.broadcast %parallel_loop3A_156 : i32 to vector<16xi32>
      %parallel_loop3A_158 = arith.addi %iota3A, %parallel_loop3A_157 : vector<16xi32>
      %parallel_loop3A_159 = arith.constant dense<true> : vector<16xi1>
      %parallel_loop3A_160, %parallel_loop3A_161, %parallel_loop3A_162 = tpu.sort %parallel_loop3A_155, %parallel_loop3A_158 masked %parallel_loop3A_159 {descending = true} : (vector<16xf32>, vector<16xi32>, vector<16xi1>) -> (vector<16xi1>, vector<16xf32>, vector<16xi32>)
      %parallel_loop3A_163 = arith.index_cast %parallel_loop3A_152 : i32 to index
      %parallel_loop3A_164 = arith.constant 16 : index
      %parallel_loop3A_165 = tpu.vector_load %arg5[%parallel_loop3A_163, %parallel_loop3A_164] {strides = array<i32>} : memref<512x64xf32, #tpu.memory_space<vmem>>, vector<16xf32>,
      %parallel_loop3A_166 = arith.constant 16 : i32
      %parallel_loop3A_167 = vector.broadcast %parallel_loop3A_166 : i32 to vector<16xi32>
      %parallel_loop3A_168 = arith.addi %iota3A, %parallel_loop3A_167 : vector<16xi32>
      %parallel_loop3A_169 = arith.constant dense<true> : vector<16xi1>
      %parallel_loop3A_170, %parallel_loop3A_171, %parallel_loop3A_172 = tpu.sort %parallel_loop3A_165, %parallel_loop3A_168 masked %parallel_loop3A_169 {descending = true} : (vector<16xf32>, vector<16xi32>, vector<16xi1>) -> (vector<16xi1>, vector<16xf32>, vector<16xi32>)
      %parallel_loop3A_173 = arith.index_cast %parallel_loop3A_152 : i32 to index
      %parallel_loop3A_174 = arith.constant 32 : index
      %parallel_loop3A_175 = tpu.vector_load %arg5[%parallel_loop3A_173, %parallel_loop3A_174] {strides = array<i32>} : memref<512x64xf32, #tpu.memory_space<vmem>>, vector<16xf32>,
      %parallel_loop3A_176 = arith.constant 32 : i32
      %parallel_loop3A_177 = vector.broadcast %parallel_loop3A_176 : i32 to vector<16xi32>
      %parallel_loop3A_178 = arith.addi %iota3A, %parallel_loop3A_177 : vector<16xi32>
      %parallel_loop3A_179 = arith.constant dense<true> : vector<16xi1>
      %parallel_loop3A_180, %parallel_loop3A_181, %parallel_loop3A_182 = tpu.sort %parallel_loop3A_175, %parallel_loop3A_178 masked %parallel_loop3A_179 {descending = true} : (vector<16xf32>, vector<16xi32>, vector<16xi1>) -> (vector<16xi1>, vector<16xf32>, vector<16xi32>)
      %parallel_loop3A_183 = arith.index_cast %parallel_loop3A_152 : i32 to index
      %parallel_loop3A_184 = arith.constant 48 : index
      %parallel_loop3A_185 = tpu.vector_load %arg5[%parallel_loop3A_183, %parallel_loop3A_184] {strides = array<i32>} : memref<512x64xf32, #tpu.memory_space<vmem>>, vector<16xf32>,
      %parallel_loop3A_186 = arith.constant 48 : i32
      %parallel_loop3A_187 = vector.broadcast %parallel_loop3A_186 : i32 to vector<16xi32>
      %parallel_loop3A_188 = arith.addi %iota3A, %parallel_loop3A_187 : vector<16xi32>
      %parallel_loop3A_189 = arith.constant dense<true> : vector<16xi1>
      %parallel_loop3A_190, %parallel_loop3A_191, %parallel_loop3A_192 = tpu.sort %parallel_loop3A_185, %parallel_loop3A_188 masked %parallel_loop3A_189 {descending = true} : (vector<16xf32>, vector<16xi32>, vector<16xi1>) -> (vector<16xi1>, vector<16xf32>, vector<16xi32>)
      %parallel_loop3A_193 = arith.constant 15 : i32
      %parallel_loop3A_194 = vector.broadcast %parallel_loop3A_193 : i32 to vector<16xi32>
      %parallel_loop3A_195 = tpu.iota {dimensions = array<i32: 0>} : vector<16xi32>
      %parallel_loop3A_196 = arith.subi %parallel_loop3A_194, %parallel_loop3A_195 : vector<16xi32>
      %parallel_loop3A_197 = tpu.dynamic_gather %parallel_loop3A_171[%parallel_loop3A_196] in [0] : vector<16xf32>, vector<16xi32> -> vector<16xf32>
      %parallel_loop3A_198 = arith.constant 15 : i32
      %parallel_loop3A_199 = vector.broadcast %parallel_loop3A_198 : i32 to vector<16xi32>
      %parallel_loop3A_200 = tpu.iota {dimensions = array<i32: 0>} : vector<16xi32>
      %parallel_loop3A_201 = arith.subi %parallel_loop3A_199, %parallel_loop3A_200 : vector<16xi32>
      %parallel_loop3A_202 = tpu.dynamic_gather %parallel_loop3A_172[%parallel_loop3A_201] in [0] : vector<16xi32>, vector<16xi32> -> vector<16xi32>
      %parallel_loop3A_203 = arith.cmpf oge, %parallel_loop3A_161, %parallel_loop3A_197 : vector<16xf32>
      %parallel_loop3A_204 = arith.maximumf %parallel_loop3A_161, %parallel_loop3A_197 : vector<16xf32>
      %parallel_loop3A_205 = arith.select %parallel_loop3A_203, %parallel_loop3A_162, %parallel_loop3A_202 : vector<16xi1>, vector<16xi32>
      %parallel_loop3A_206 = arith.constant 15 : i32
      %parallel_loop3A_207 = vector.broadcast %parallel_loop3A_206 : i32 to vector<16xi32>
      %parallel_loop3A_208 = tpu.iota {dimensions = array<i32: 0>} : vector<16xi32>
      %parallel_loop3A_209 = arith.subi %parallel_loop3A_207, %parallel_loop3A_208 : vector<16xi32>
      %parallel_loop3A_210 = tpu.dynamic_gather %parallel_loop3A_191[%parallel_loop3A_209] in [0] : vector<16xf32>, vector<16xi32> -> vector<16xf32>
      %parallel_loop3A_211 = arith.constant 15 : i32
      %parallel_loop3A_212 = vector.broadcast %parallel_loop3A_211 : i32 to vector<16xi32>
      %parallel_loop3A_213 = tpu.iota {dimensions = array<i32: 0>} : vector<16xi32>
      %parallel_loop3A_214 = arith.subi %parallel_loop3A_212, %parallel_loop3A_213 : vector<16xi32>
      %parallel_loop3A_215 = tpu.dynamic_gather %parallel_loop3A_192[%parallel_loop3A_214] in [0] : vector<16xi32>, vector<16xi32> -> vector<16xi32>
      %parallel_loop3A_216 = arith.cmpf oge, %parallel_loop3A_181, %parallel_loop3A_210 : vector<16xf32>
      %parallel_loop3A_217 = arith.maximumf %parallel_loop3A_181, %parallel_loop3A_210 : vector<16xf32>
      %parallel_loop3A_218 = arith.select %parallel_loop3A_216, %parallel_loop3A_182, %parallel_loop3A_215 : vector<16xi1>, vector<16xi32>
      %parallel_loop3A_219 = arith.constant dense<true> : vector<16xi1>
      %parallel_loop3A_220, %parallel_loop3A_221, %parallel_loop3A_222 = tpu.sort %parallel_loop3A_204, %parallel_loop3A_205 masked %parallel_loop3A_219 {descending = true} : (vector<16xf32>, vector<16xi32>, vector<16xi1>) -> (vector<16xi1>, vector<16xf32>, vector<16xi32>)
      %parallel_loop3A_223 = arith.constant dense<true> : vector<16xi1>
      %parallel_loop3A_224, %parallel_loop3A_225, %parallel_loop3A_226 = tpu.sort %parallel_loop3A_217, %parallel_loop3A_218 masked %parallel_loop3A_223 {descending = true} : (vector<16xf32>, vector<16xi32>, vector<16xi1>) -> (vector<16xi1>, vector<16xf32>, vector<16xi32>)
      %parallel_loop3A_227 = arith.constant 15 : i32
      %parallel_loop3A_228 = vector.broadcast %parallel_loop3A_227 : i32 to vector<16xi32>
      %parallel_loop3A_229 = tpu.iota {dimensions = array<i32: 0>} : vector<16xi32>
      %parallel_loop3A_230 = arith.subi %parallel_loop3A_228, %parallel_loop3A_229 : vector<16xi32>
      %parallel_loop3A_231 = tpu.dynamic_gather %parallel_loop3A_225[%parallel_loop3A_230] in [0] : vector<16xf32>, vector<16xi32> -> vector<16xf32>
      %parallel_loop3A_232 = arith.constant 15 : i32
      %parallel_loop3A_233 = vector.broadcast %parallel_loop3A_232 : i32 to vector<16xi32>
      %parallel_loop3A_234 = tpu.iota {dimensions = array<i32: 0>} : vector<16xi32>
      %parallel_loop3A_235 = arith.subi %parallel_loop3A_233, %parallel_loop3A_234 : vector<16xi32>
      %parallel_loop3A_236 = tpu.dynamic_gather %parallel_loop3A_226[%parallel_loop3A_235] in [0] : vector<16xi32>, vector<16xi32> -> vector<16xi32>
      %parallel_loop3A_237 = arith.cmpf oge, %parallel_loop3A_221, %parallel_loop3A_231 : vector<16xf32>
      %parallel_loop3A_238 = arith.maximumf %parallel_loop3A_221, %parallel_loop3A_231 : vector<16xf32>
      %parallel_loop3A_239 = arith.select %parallel_loop3A_237, %parallel_loop3A_222, %parallel_loop3A_236 : vector<16xi1>, vector<16xi32>
      %parallel_loop3A_240 = arith.constant dense<true> : vector<16xi1>
      %parallel_loop3A_241, %parallel_loop3A_242, %parallel_loop3A_243 = tpu.sort %parallel_loop3A_238, %parallel_loop3A_239 masked %parallel_loop3A_240 {descending = true} : (vector<16xf32>, vector<16xi32>, vector<16xi1>) -> (vector<16xi1>, vector<16xf32>, vector<16xi32>)
      %parallel_loop3A_244 = vector.shape_cast %xor3A_6 : vector<16xi32> to vector<16x1xi32>
      %parallel_loop3A_245 = vector.shape_cast %parallel_loop3A_244 : vector<16x1xi32> to vector<16xi32>
      %parallel_loop3A_246 = tpu.dynamic_gather %parallel_loop3A_242[%parallel_loop3A_245] in [0] : vector<16xf32>, vector<16xi32> -> vector<16xf32>
      %parallel_loop3A_247 = vector.shape_cast %xor3A_6 : vector<16xi32> to vector<16x1xi32>
      %parallel_loop3A_248 = vector.shape_cast %parallel_loop3A_247 : vector<16x1xi32> to vector<16xi32>
      %parallel_loop3A_249 = tpu.dynamic_gather %parallel_loop3A_243[%parallel_loop3A_248] in [0] : vector<16xi32>, vector<16xi32> -> vector<16xi32>
      %parallel_loop3A_250 = arith.cmpf oeq, %parallel_loop3A_242, %parallel_loop3A_246 : vector<16xf32>
      %parallel_loop3A_251 = arith.cmpi slt, %iota3A, %xor3A_6 : vector<16xi32>
      %parallel_loop3A_252 = arith.minsi %parallel_loop3A_243, %parallel_loop3A_249 : vector<16xi32>
      %parallel_loop3A_253 = arith.maxsi %parallel_loop3A_243, %parallel_loop3A_249 : vector<16xi32>
      %parallel_loop3A_254 = arith.select %parallel_loop3A_251, %parallel_loop3A_252, %parallel_loop3A_253 : vector<16xi1>, vector<16xi32>
      %parallel_loop3A_255 = arith.select %parallel_loop3A_250, %parallel_loop3A_254, %parallel_loop3A_243 : vector<16xi1>, vector<16xi32>
      %parallel_loop3A_256 = vector.shape_cast %min3A_17 : vector<16xi32> to vector<16x1xi32>
      %parallel_loop3A_257 = vector.shape_cast %parallel_loop3A_256 : vector<16x1xi32> to vector<16xi32>
      %parallel_loop3A_258 = tpu.dynamic_gather %parallel_loop3A_242[%parallel_loop3A_257] in [0] : vector<16xf32>, vector<16xi32> -> vector<16xf32>
      %parallel_loop3A_259 = vector.shape_cast %min3A_17 : vector<16xi32> to vector<16x1xi32>
      %parallel_loop3A_260 = vector.shape_cast %parallel_loop3A_259 : vector<16x1xi32> to vector<16xi32>
      %parallel_loop3A_261 = tpu.dynamic_gather %parallel_loop3A_255[%parallel_loop3A_260] in [0] : vector<16xi32>, vector<16xi32> -> vector<16xi32>
      %parallel_loop3A_262 = arith.cmpf oeq, %parallel_loop3A_242, %parallel_loop3A_258 : vector<16xf32>
      %parallel_loop3A_263 = arith.cmpi slt, %iota3A, %min3A_17 : vector<16xi32>
      %parallel_loop3A_264 = arith.minsi %parallel_loop3A_255, %parallel_loop3A_261 : vector<16xi32>
      %parallel_loop3A_265 = arith.maxsi %parallel_loop3A_255, %parallel_loop3A_261 : vector<16xi32>
      %parallel_loop3A_266 = arith.select %parallel_loop3A_263, %parallel_loop3A_264, %parallel_loop3A_265 : vector<16xi1>, vector<16xi32>
      %parallel_loop3A_267 = arith.select %parallel_loop3A_262, %parallel_loop3A_266, %parallel_loop3A_255 : vector<16xi1>, vector<16xi32>
      %parallel_loop3A_268 = arith.constant 0.000000e+00 : f32
      %parallel_loop3A_269 = vector.broadcast %parallel_loop3A_268 : f32 to vector<16xf32>
      %parallel_loop3A_270 = arith.select %lt3A_4, %parallel_loop3A_242, %parallel_loop3A_269 : vector<16xi1>, vector<16xf32>
      %parallel_loop3A_271 = arith.constant true
      %parallel_loop3A_272 = vector.broadcast %parallel_loop3A_271 : i1 to vector<16xi1>
      %parallel_loop3A_273 = tpu.scan <sum>, %parallel_loop3A_270 masked %parallel_loop3A_272 : vector<16xf32>, vector<16xi1> -> vector<16xf32>
      %parallel_loop3A_274 = vector.extract %parallel_loop3A_273[15] : f32 from vector<16xf32>
      %parallel_loop3A_275 = vector.broadcast %parallel_loop3A_274 : f32 to vector<16xf32>
      %parallel_loop3A_276 = arith.divf %parallel_loop3A_242, %parallel_loop3A_275 : vector<16xf32>
      %parallel_loop3A_277 = arith.constant 0 : i32
      %parallel_loop3A_278 = vector.broadcast %parallel_loop3A_277 : i32 to vector<16xi32>
      %parallel_loop3A_279 = vector.broadcast %parallel_loop3A_152 : i32 to vector<16xi32>
      %parallel_loop3A_280 = arith.addi %parallel_loop3A_278, %parallel_loop3A_279 : vector<16xi32>
      tpu.vector_store_idx %arg6[%iota3A, %parallel_loop3A_280], %parallel_loop3A_276 masked %lt3A_4 : memref<8x512xf32, #tpu.memory_space<vmem>>[vector<16xi32>, vector<16xi32>], vector<16xf32>, vector<16xi1>
      tpu.vector_store_idx %arg7[%iota3A, %parallel_loop3A_280], %parallel_loop3A_267 masked %lt3A_4 : memref<8x512xi32, #tpu.memory_space<vmem>>[vector<16xi32>, vector<16xi32>], vector<16xi32>, vector<16xi1>
    } {sc.loop_unroll_factor = 4 : i64, sc.parallel_access}
    %add3A_106 = arith.constant 384 : i32
    %add3A_107 = arith.addi %mul3A_2, %add3A_106 : i32
    %dma_wait3A_108 = arith.constant 384 : i32
    %dma_wait3A_109 = arith.constant 0 : i32
    %dma_wait3A_110 = tpu.memref_slice %arg5[%dma_wait3A_108, %dma_wait3A_109] : memref<512x64xf32, #tpu.memory_space<vmem>> -> memref<128x64xf32, #tpu.memory_space<vmem>>
    %dma_wait3A_111 = arith.constant 0 : i32
    %dma_wait3A_112 = tpu.memref_slice %arg2[%add3A_107, %dma_wait3A_111] : memref<16384x64xf32, #tpu.memory_space<hbm>> -> memref<128x64xf32, #tpu.memory_space<hbm>>
    %dma_wait3A_113 = arith.constant 384 : i32
    %dma_wait3A_114 = arith.constant 0 : i32
    %dma_wait3A_115 = tpu.memref_slice %arg5[%dma_wait3A_113, %dma_wait3A_114] : memref<512x64xf32, #tpu.memory_space<vmem>> -> memref<128x64xf32, #tpu.memory_space<vmem>>
    %dma_wait3A_116 = arith.constant 0 : i32
    %dma_wait3A_117 = tpu.memref_slice %arg2[%add3A_107, %dma_wait3A_116] : memref<16384x64xf32, #tpu.memory_space<hbm>> -> memref<128x64xf32, #tpu.memory_space<hbm>>
    tpu.wait_dma2 semaphore(%arg8 : memref<!tpu.dma_semaphore, #tpu.memory_space<semaphore_mem>>) src(%dma_wait3A_117 : memref<128x64xf32, #tpu.memory_space<hbm>>) dst(%dma_wait3A_115 : memref<128x64xf32, #tpu.memory_space<vmem>>)
    %parallel_loop3A_118 = arith.constant 384 : i32
    %parallel_loop3A_119 = arith.constant 512 : i32
    %parallel_loop3A_120 = arith.constant 1 : i32
    scf.for %parallel_loop3A_152 = %parallel_loop3A_118 to %parallel_loop3A_119 step %parallel_loop3A_120  : i32 {
      %parallel_loop3A_153 = arith.index_cast %parallel_loop3A_152 : i32 to index
      %parallel_loop3A_154 = arith.constant 0 : index
      %parallel_loop3A_155 = tpu.vector_load %arg5[%parallel_loop3A_153, %parallel_loop3A_154] {strides = array<i32>} : memref<512x64xf32, #tpu.memory_space<vmem>>, vector<16xf32>,
      %parallel_loop3A_156 = arith.constant 0 : i32
      %parallel_loop3A_157 = vector.broadcast %parallel_loop3A_156 : i32 to vector<16xi32>
      %parallel_loop3A_158 = arith.addi %iota3A, %parallel_loop3A_157 : vector<16xi32>
      %parallel_loop3A_159 = arith.constant dense<true> : vector<16xi1>
      %parallel_loop3A_160, %parallel_loop3A_161, %parallel_loop3A_162 = tpu.sort %parallel_loop3A_155, %parallel_loop3A_158 masked %parallel_loop3A_159 {descending = true} : (vector<16xf32>, vector<16xi32>, vector<16xi1>) -> (vector<16xi1>, vector<16xf32>, vector<16xi32>)
      %parallel_loop3A_163 = arith.index_cast %parallel_loop3A_152 : i32 to index
      %parallel_loop3A_164 = arith.constant 16 : index
      %parallel_loop3A_165 = tpu.vector_load %arg5[%parallel_loop3A_163, %parallel_loop3A_164] {strides = array<i32>} : memref<512x64xf32, #tpu.memory_space<vmem>>, vector<16xf32>,
      %parallel_loop3A_166 = arith.constant 16 : i32
      %parallel_loop3A_167 = vector.broadcast %parallel_loop3A_166 : i32 to vector<16xi32>
      %parallel_loop3A_168 = arith.addi %iota3A, %parallel_loop3A_167 : vector<16xi32>
      %parallel_loop3A_169 = arith.constant dense<true> : vector<16xi1>
      %parallel_loop3A_170, %parallel_loop3A_171, %parallel_loop3A_172 = tpu.sort %parallel_loop3A_165, %parallel_loop3A_168 masked %parallel_loop3A_169 {descending = true} : (vector<16xf32>, vector<16xi32>, vector<16xi1>) -> (vector<16xi1>, vector<16xf32>, vector<16xi32>)
      %parallel_loop3A_173 = arith.index_cast %parallel_loop3A_152 : i32 to index
      %parallel_loop3A_174 = arith.constant 32 : index
      %parallel_loop3A_175 = tpu.vector_load %arg5[%parallel_loop3A_173, %parallel_loop3A_174] {strides = array<i32>} : memref<512x64xf32, #tpu.memory_space<vmem>>, vector<16xf32>,
      %parallel_loop3A_176 = arith.constant 32 : i32
      %parallel_loop3A_177 = vector.broadcast %parallel_loop3A_176 : i32 to vector<16xi32>
      %parallel_loop3A_178 = arith.addi %iota3A, %parallel_loop3A_177 : vector<16xi32>
      %parallel_loop3A_179 = arith.constant dense<true> : vector<16xi1>
      %parallel_loop3A_180, %parallel_loop3A_181, %parallel_loop3A_182 = tpu.sort %parallel_loop3A_175, %parallel_loop3A_178 masked %parallel_loop3A_179 {descending = true} : (vector<16xf32>, vector<16xi32>, vector<16xi1>) -> (vector<16xi1>, vector<16xf32>, vector<16xi32>)
      %parallel_loop3A_183 = arith.index_cast %parallel_loop3A_152 : i32 to index
      %parallel_loop3A_184 = arith.constant 48 : index
      %parallel_loop3A_185 = tpu.vector_load %arg5[%parallel_loop3A_183, %parallel_loop3A_184] {strides = array<i32>} : memref<512x64xf32, #tpu.memory_space<vmem>>, vector<16xf32>,
      %parallel_loop3A_186 = arith.constant 48 : i32
      %parallel_loop3A_187 = vector.broadcast %parallel_loop3A_186 : i32 to vector<16xi32>
      %parallel_loop3A_188 = arith.addi %iota3A, %parallel_loop3A_187 : vector<16xi32>
      %parallel_loop3A_189 = arith.constant dense<true> : vector<16xi1>
      %parallel_loop3A_190, %parallel_loop3A_191, %parallel_loop3A_192 = tpu.sort %parallel_loop3A_185, %parallel_loop3A_188 masked %parallel_loop3A_189 {descending = true} : (vector<16xf32>, vector<16xi32>, vector<16xi1>) -> (vector<16xi1>, vector<16xf32>, vector<16xi32>)
      %parallel_loop3A_193 = arith.constant 15 : i32
      %parallel_loop3A_194 = vector.broadcast %parallel_loop3A_193 : i32 to vector<16xi32>
      %parallel_loop3A_195 = tpu.iota {dimensions = array<i32: 0>} : vector<16xi32>
      %parallel_loop3A_196 = arith.subi %parallel_loop3A_194, %parallel_loop3A_195 : vector<16xi32>
      %parallel_loop3A_197 = tpu.dynamic_gather %parallel_loop3A_171[%parallel_loop3A_196] in [0] : vector<16xf32>, vector<16xi32> -> vector<16xf32>
      %parallel_loop3A_198 = arith.constant 15 : i32
      %parallel_loop3A_199 = vector.broadcast %parallel_loop3A_198 : i32 to vector<16xi32>
      %parallel_loop3A_200 = tpu.iota {dimensions = array<i32: 0>} : vector<16xi32>
      %parallel_loop3A_201 = arith.subi %parallel_loop3A_199, %parallel_loop3A_200 : vector<16xi32>
      %parallel_loop3A_202 = tpu.dynamic_gather %parallel_loop3A_172[%parallel_loop3A_201] in [0] : vector<16xi32>, vector<16xi32> -> vector<16xi32>
      %parallel_loop3A_203 = arith.cmpf oge, %parallel_loop3A_161, %parallel_loop3A_197 : vector<16xf32>
      %parallel_loop3A_204 = arith.maximumf %parallel_loop3A_161, %parallel_loop3A_197 : vector<16xf32>
      %parallel_loop3A_205 = arith.select %parallel_loop3A_203, %parallel_loop3A_162, %parallel_loop3A_202 : vector<16xi1>, vector<16xi32>
      %parallel_loop3A_206 = arith.constant 15 : i32
      %parallel_loop3A_207 = vector.broadcast %parallel_loop3A_206 : i32 to vector<16xi32>
      %parallel_loop3A_208 = tpu.iota {dimensions = array<i32: 0>} : vector<16xi32>
      %parallel_loop3A_209 = arith.subi %parallel_loop3A_207, %parallel_loop3A_208 : vector<16xi32>
      %parallel_loop3A_210 = tpu.dynamic_gather %parallel_loop3A_191[%parallel_loop3A_209] in [0] : vector<16xf32>, vector<16xi32> -> vector<16xf32>
      %parallel_loop3A_211 = arith.constant 15 : i32
      %parallel_loop3A_212 = vector.broadcast %parallel_loop3A_211 : i32 to vector<16xi32>
      %parallel_loop3A_213 = tpu.iota {dimensions = array<i32: 0>} : vector<16xi32>
      %parallel_loop3A_214 = arith.subi %parallel_loop3A_212, %parallel_loop3A_213 : vector<16xi32>
      %parallel_loop3A_215 = tpu.dynamic_gather %parallel_loop3A_192[%parallel_loop3A_214] in [0] : vector<16xi32>, vector<16xi32> -> vector<16xi32>
      %parallel_loop3A_216 = arith.cmpf oge, %parallel_loop3A_181, %parallel_loop3A_210 : vector<16xf32>
      %parallel_loop3A_217 = arith.maximumf %parallel_loop3A_181, %parallel_loop3A_210 : vector<16xf32>
      %parallel_loop3A_218 = arith.select %parallel_loop3A_216, %parallel_loop3A_182, %parallel_loop3A_215 : vector<16xi1>, vector<16xi32>
      %parallel_loop3A_219 = arith.constant dense<true> : vector<16xi1>
      %parallel_loop3A_220, %parallel_loop3A_221, %parallel_loop3A_222 = tpu.sort %parallel_loop3A_204, %parallel_loop3A_205 masked %parallel_loop3A_219 {descending = true} : (vector<16xf32>, vector<16xi32>, vector<16xi1>) -> (vector<16xi1>, vector<16xf32>, vector<16xi32>)
      %parallel_loop3A_223 = arith.constant dense<true> : vector<16xi1>
      %parallel_loop3A_224, %parallel_loop3A_225, %parallel_loop3A_226 = tpu.sort %parallel_loop3A_217, %parallel_loop3A_218 masked %parallel_loop3A_223 {descending = true} : (vector<16xf32>, vector<16xi32>, vector<16xi1>) -> (vector<16xi1>, vector<16xf32>, vector<16xi32>)
      %parallel_loop3A_227 = arith.constant 15 : i32
      %parallel_loop3A_228 = vector.broadcast %parallel_loop3A_227 : i32 to vector<16xi32>
      %parallel_loop3A_229 = tpu.iota {dimensions = array<i32: 0>} : vector<16xi32>
      %parallel_loop3A_230 = arith.subi %parallel_loop3A_228, %parallel_loop3A_229 : vector<16xi32>
      %parallel_loop3A_231 = tpu.dynamic_gather %parallel_loop3A_225[%parallel_loop3A_230] in [0] : vector<16xf32>, vector<16xi32> -> vector<16xf32>
      %parallel_loop3A_232 = arith.constant 15 : i32
      %parallel_loop3A_233 = vector.broadcast %parallel_loop3A_232 : i32 to vector<16xi32>
      %parallel_loop3A_234 = tpu.iota {dimensions = array<i32: 0>} : vector<16xi32>
      %parallel_loop3A_235 = arith.subi %parallel_loop3A_233, %parallel_loop3A_234 : vector<16xi32>
      %parallel_loop3A_236 = tpu.dynamic_gather %parallel_loop3A_226[%parallel_loop3A_235] in [0] : vector<16xi32>, vector<16xi32> -> vector<16xi32>
      %parallel_loop3A_237 = arith.cmpf oge, %parallel_loop3A_221, %parallel_loop3A_231 : vector<16xf32>
      %parallel_loop3A_238 = arith.maximumf %parallel_loop3A_221, %parallel_loop3A_231 : vector<16xf32>
      %parallel_loop3A_239 = arith.select %parallel_loop3A_237, %parallel_loop3A_222, %parallel_loop3A_236 : vector<16xi1>, vector<16xi32>
      %parallel_loop3A_240 = arith.constant dense<true> : vector<16xi1>
      %parallel_loop3A_241, %parallel_loop3A_242, %parallel_loop3A_243 = tpu.sort %parallel_loop3A_238, %parallel_loop3A_239 masked %parallel_loop3A_240 {descending = true} : (vector<16xf32>, vector<16xi32>, vector<16xi1>) -> (vector<16xi1>, vector<16xf32>, vector<16xi32>)
      %parallel_loop3A_244 = vector.shape_cast %xor3A_6 : vector<16xi32> to vector<16x1xi32>
      %parallel_loop3A_245 = vector.shape_cast %parallel_loop3A_244 : vector<16x1xi32> to vector<16xi32>
      %parallel_loop3A_246 = tpu.dynamic_gather %parallel_loop3A_242[%parallel_loop3A_245] in [0] : vector<16xf32>, vector<16xi32> -> vector<16xf32>
      %parallel_loop3A_247 = vector.shape_cast %xor3A_6 : vector<16xi32> to vector<16x1xi32>
      %parallel_loop3A_248 = vector.shape_cast %parallel_loop3A_247 : vector<16x1xi32> to vector<16xi32>
      %parallel_loop3A_249 = tpu.dynamic_gather %parallel_loop3A_243[%parallel_loop3A_248] in [0] : vector<16xi32>, vector<16xi32> -> vector<16xi32>
      %parallel_loop3A_250 = arith.cmpf oeq, %parallel_loop3A_242, %parallel_loop3A_246 : vector<16xf32>
      %parallel_loop3A_251 = arith.cmpi slt, %iota3A, %xor3A_6 : vector<16xi32>
      %parallel_loop3A_252 = arith.minsi %parallel_loop3A_243, %parallel_loop3A_249 : vector<16xi32>
      %parallel_loop3A_253 = arith.maxsi %parallel_loop3A_243, %parallel_loop3A_249 : vector<16xi32>
      %parallel_loop3A_254 = arith.select %parallel_loop3A_251, %parallel_loop3A_252, %parallel_loop3A_253 : vector<16xi1>, vector<16xi32>
      %parallel_loop3A_255 = arith.select %parallel_loop3A_250, %parallel_loop3A_254, %parallel_loop3A_243 : vector<16xi1>, vector<16xi32>
      %parallel_loop3A_256 = vector.shape_cast %min3A_17 : vector<16xi32> to vector<16x1xi32>
      %parallel_loop3A_257 = vector.shape_cast %parallel_loop3A_256 : vector<16x1xi32> to vector<16xi32>
      %parallel_loop3A_258 = tpu.dynamic_gather %parallel_loop3A_242[%parallel_loop3A_257] in [0] : vector<16xf32>, vector<16xi32> -> vector<16xf32>
      %parallel_loop3A_259 = vector.shape_cast %min3A_17 : vector<16xi32> to vector<16x1xi32>
      %parallel_loop3A_260 = vector.shape_cast %parallel_loop3A_259 : vector<16x1xi32> to vector<16xi32>
      %parallel_loop3A_261 = tpu.dynamic_gather %parallel_loop3A_255[%parallel_loop3A_260] in [0] : vector<16xi32>, vector<16xi32> -> vector<16xi32>
      %parallel_loop3A_262 = arith.cmpf oeq, %parallel_loop3A_242, %parallel_loop3A_258 : vector<16xf32>
      %parallel_loop3A_263 = arith.cmpi slt, %iota3A, %min3A_17 : vector<16xi32>
      %parallel_loop3A_264 = arith.minsi %parallel_loop3A_255, %parallel_loop3A_261 : vector<16xi32>
      %parallel_loop3A_265 = arith.maxsi %parallel_loop3A_255, %parallel_loop3A_261 : vector<16xi32>
      %parallel_loop3A_266 = arith.select %parallel_loop3A_263, %parallel_loop3A_264, %parallel_loop3A_265 : vector<16xi1>, vector<16xi32>
      %parallel_loop3A_267 = arith.select %parallel_loop3A_262, %parallel_loop3A_266, %parallel_loop3A_255 : vector<16xi1>, vector<16xi32>
      %parallel_loop3A_268 = arith.constant 0.000000e+00 : f32
      %parallel_loop3A_269 = vector.broadcast %parallel_loop3A_268 : f32 to vector<16xf32>
      %parallel_loop3A_270 = arith.select %lt3A_4, %parallel_loop3A_242, %parallel_loop3A_269 : vector<16xi1>, vector<16xf32>
      %parallel_loop3A_271 = arith.constant true
      %parallel_loop3A_272 = vector.broadcast %parallel_loop3A_271 : i1 to vector<16xi1>
      %parallel_loop3A_273 = tpu.scan <sum>, %parallel_loop3A_270 masked %parallel_loop3A_272 : vector<16xf32>, vector<16xi1> -> vector<16xf32>
      %parallel_loop3A_274 = vector.extract %parallel_loop3A_273[15] : f32 from vector<16xf32>
      %parallel_loop3A_275 = vector.broadcast %parallel_loop3A_274 : f32 to vector<16xf32>
      %parallel_loop3A_276 = arith.divf %parallel_loop3A_242, %parallel_loop3A_275 : vector<16xf32>
      %parallel_loop3A_277 = arith.constant 0 : i32
      %parallel_loop3A_278 = vector.broadcast %parallel_loop3A_277 : i32 to vector<16xi32>
      %parallel_loop3A_279 = vector.broadcast %parallel_loop3A_152 : i32 to vector<16xi32>
      %parallel_loop3A_280 = arith.addi %parallel_loop3A_278, %parallel_loop3A_279 : vector<16xi32>
      tpu.vector_store_idx %arg6[%iota3A, %parallel_loop3A_280], %parallel_loop3A_276 masked %lt3A_4 : memref<8x512xf32, #tpu.memory_space<vmem>>[vector<16xi32>, vector<16xi32>], vector<16xf32>, vector<16xi1>
      tpu.vector_store_idx %arg7[%iota3A, %parallel_loop3A_280], %parallel_loop3A_267 masked %lt3A_4 : memref<8x512xi32, #tpu.memory_space<vmem>>[vector<16xi32>, vector<16xi32>], vector<16xi32>, vector<16xi1>
    } {sc.loop_unroll_factor = 4 : i64, sc.parallel_access}
    %run_scoped3A = arith.constant 0 : i32
    %run_scoped3A_121 = arith.constant 0 : i32
    "tpu.region"() ({
      %run_scoped3A_152 = tpu.sem_alloc : memref<!tpu.dma_semaphore, #tpu.memory_space<semaphore_mem>>
      %dma_start3A_153 = arith.constant 0 : i32
      %dma_start3A_154 = tpu.memref_slice %arg6[%run_scoped3A, %dma_start3A_153] : memref<8x512xf32, #tpu.memory_space<vmem>> -> memref<1x512xf32, #tpu.memory_space<vmem>>
      %dma_start3A_155 = tpu.memref_squeeze %dma_start3A_154 : memref<1x512xf32, #tpu.memory_space<vmem>> -> memref<512xf32, #tpu.memory_space<vmem>>
      %dma_start3A_156 = tpu.memref_slice %arg3[%run_scoped3A_121, %mul3A_2] : memref<8x16384xf32, #tpu.memory_space<hbm>> -> memref<1x512xf32, #tpu.memory_space<hbm>>
      %dma_start3A_157 = tpu.memref_squeeze %dma_start3A_156 : memref<1x512xf32, #tpu.memory_space<hbm>> -> memref<512xf32, #tpu.memory_space<hbm>>
      %dma_start3A_158 = tpu.memref_slice %arg3[%run_scoped3A_121, %mul3A_2] : memref<8x16384xf32, #tpu.memory_space<hbm>> -> memref<1x512xf32, #tpu.memory_space<hbm>>
      %dma_start3A_159 = tpu.memref_squeeze %dma_start3A_158 : memref<1x512xf32, #tpu.memory_space<hbm>> -> memref<512xf32, #tpu.memory_space<hbm>>
      %dma_start3A_160 = arith.constant 0 : i32
      %dma_start3A_161 = tpu.memref_slice %arg6[%run_scoped3A, %dma_start3A_160] : memref<8x512xf32, #tpu.memory_space<vmem>> -> memref<1x512xf32, #tpu.memory_space<vmem>>
      %dma_start3A_162 = tpu.memref_squeeze %dma_start3A_161 : memref<1x512xf32, #tpu.memory_space<vmem>> -> memref<512xf32, #tpu.memory_space<vmem>>
      tpu.enqueue_dma source(%dma_start3A_162 : memref<512xf32, #tpu.memory_space<vmem>>) target(%dma_start3A_159 : memref<512xf32, #tpu.memory_space<hbm>>) target_semaphore(%run_scoped3A_152 : memref<!tpu.dma_semaphore, #tpu.memory_space<semaphore_mem>>)
      %dma_wait3A_163 = arith.constant 0 : i32
      %dma_wait3A_164 = tpu.memref_slice %arg6[%run_scoped3A, %dma_wait3A_163] : memref<8x512xf32, #tpu.memory_space<vmem>> -> memref<1x512xf32, #tpu.memory_space<vmem>>
      %dma_wait3A_165 = tpu.memref_squeeze %dma_wait3A_164 : memref<1x512xf32, #tpu.memory_space<vmem>> -> memref<512xf32, #tpu.memory_space<vmem>>
      %dma_wait3A_166 = tpu.memref_slice %arg3[%run_scoped3A_121, %mul3A_2] : memref<8x16384xf32, #tpu.memory_space<hbm>> -> memref<1x512xf32, #tpu.memory_space<hbm>>
      %dma_wait3A_167 = tpu.memref_squeeze %dma_wait3A_166 : memref<1x512xf32, #tpu.memory_space<hbm>> -> memref<512xf32, #tpu.memory_space<hbm>>
      %dma_wait3A_168 = tpu.memref_slice %arg3[%run_scoped3A_121, %mul3A_2] : memref<8x16384xf32, #tpu.memory_space<hbm>> -> memref<1x512xf32, #tpu.memory_space<hbm>>
      %dma_wait3A_169 = tpu.memref_squeeze %dma_wait3A_168 : memref<1x512xf32, #tpu.memory_space<hbm>> -> memref<512xf32, #tpu.memory_space<hbm>>
      %dma_wait3A_170 = arith.constant 0 : i32
      %dma_wait3A_171 = tpu.memref_slice %arg6[%run_scoped3A, %dma_wait3A_170] : memref<8x512xf32, #tpu.memory_space<vmem>> -> memref<1x512xf32, #tpu.memory_space<vmem>>
      %dma_wait3A_172 = tpu.memref_squeeze %dma_wait3A_171 : memref<1x512xf32, #tpu.memory_space<vmem>> -> memref<512xf32, #tpu.memory_space<vmem>>
      tpu.wait_dma2 semaphore(%run_scoped3A_152 : memref<!tpu.dma_semaphore, #tpu.memory_space<semaphore_mem>>) src(%dma_wait3A_172 : memref<512xf32, #tpu.memory_space<vmem>>) dst(%dma_wait3A_169 : memref<512xf32, #tpu.memory_space<hbm>>)
      tpu.yield
    }) : () -> ()
    %run_scoped3A_122 = arith.constant 0 : i32
    %run_scoped3A_123 = arith.constant 0 : i32
    "tpu.region"() ({
      %run_scoped3A_152 = tpu.sem_alloc : memref<!tpu.dma_semaphore, #tpu.memory_space<semaphore_mem>>
      %dma_start3A_153 = arith.constant 0 : i32
      %dma_start3A_154 = tpu.memref_slice %arg7[%run_scoped3A_122, %dma_start3A_153] : memref<8x512xi32, #tpu.memory_space<vmem>> -> memref<1x512xi32, #tpu.memory_space<vmem>>
      %dma_start3A_155 = tpu.memref_squeeze %dma_start3A_154 : memref<1x512xi32, #tpu.memory_space<vmem>> -> memref<512xi32, #tpu.memory_space<vmem>>
      %dma_start3A_156 = tpu.memref_slice %arg4[%run_scoped3A_123, %mul3A_2] : memref<8x16384xi32, #tpu.memory_space<hbm>> -> memref<1x512xi32, #tpu.memory_space<hbm>>
      %dma_start3A_157 = tpu.memref_squeeze %dma_start3A_156 : memref<1x512xi32, #tpu.memory_space<hbm>> -> memref<512xi32, #tpu.memory_space<hbm>>
      %dma_start3A_158 = tpu.memref_slice %arg4[%run_scoped3A_123, %mul3A_2] : memref<8x16384xi32, #tpu.memory_space<hbm>> -> memref<1x512xi32, #tpu.memory_space<hbm>>
      %dma_start3A_159 = tpu.memref_squeeze %dma_start3A_158 : memref<1x512xi32, #tpu.memory_space<hbm>> -> memref<512xi32, #tpu.memory_space<hbm>>
      %dma_start3A_160 = arith.constant 0 : i32
      %dma_start3A_161 = tpu.memref_slice %arg7[%run_scoped3A_122, %dma_start3A_160] : memref<8x512xi32, #tpu.memory_space<vmem>> -> memref<1x512xi32, #tpu.memory_space<vmem>>
      %dma_start3A_162 = tpu.memref_squeeze %dma_start3A_161 : memref<1x512xi32, #tpu.memory_space<vmem>> -> memref<512xi32, #tpu.memory_space<vmem>>
      tpu.enqueue_dma source(%dma_start3A_162 : memref<512xi32, #tpu.memory_space<vmem>>) target(%dma_start3A_159 : memref<512xi32, #tpu.memory_space<hbm>>) target_semaphore(%run_scoped3A_152 : memref<!tpu.dma_semaphore, #tpu.memory_space<semaphore_mem>>)
      %dma_wait3A_163 = arith.constant 0 : i32
      %dma_wait3A_164 = tpu.memref_slice %arg7[%run_scoped3A_122, %dma_wait3A_163] : memref<8x512xi32, #tpu.memory_space<vmem>> -> memref<1x512xi32, #tpu.memory_space<vmem>>
      %dma_wait3A_165 = tpu.memref_squeeze %dma_wait3A_164 : memref<1x512xi32, #tpu.memory_space<vmem>> -> memref<512xi32, #tpu.memory_space<vmem>>
      %dma_wait3A_166 = tpu.memref_slice %arg4[%run_scoped3A_123, %mul3A_2] : memref<8x16384xi32, #tpu.memory_space<hbm>> -> memref<1x512xi32, #tpu.memory_space<hbm>>
      %dma_wait3A_167 = tpu.memref_squeeze %dma_wait3A_166 : memref<1x512xi32, #tpu.memory_space<hbm>> -> memref<512xi32, #tpu.memory_space<hbm>>
      %dma_wait3A_168 = tpu.memref_slice %arg4[%run_scoped3A_123, %mul3A_2] : memref<8x16384xi32, #tpu.memory_space<hbm>> -> memref<1x512xi32, #tpu.memory_space<hbm>>
      %dma_wait3A_169 = tpu.memref_squeeze %dma_wait3A_168 : memref<1x512xi32, #tpu.memory_space<hbm>> -> memref<512xi32, #tpu.memory_space<hbm>>
      %dma_wait3A_170 = arith.constant 0 : i32
      %dma_wait3A_171 = tpu.memref_slice %arg7[%run_scoped3A_122, %dma_wait3A_170] : memref<8x512xi32, #tpu.memory_space<vmem>> -> memref<1x512xi32, #tpu.memory_space<vmem>>
      %dma_wait3A_172 = tpu.memref_squeeze %dma_wait3A_171 : memref<1x512xi32, #tpu.memory_space<vmem>> -> memref<512xi32, #tpu.memory_space<vmem>>
      tpu.wait_dma2 semaphore(%run_scoped3A_152 : memref<!tpu.dma_semaphore, #tpu.memory_space<semaphore_mem>>) src(%dma_wait3A_172 : memref<512xi32, #tpu.memory_space<vmem>>) dst(%dma_wait3A_169 : memref<512xi32, #tpu.memory_space<hbm>>)
      tpu.yield
    }) : () -> ()
    %run_scoped3A_124 = arith.constant 1 : i32
    %run_scoped3A_125 = arith.constant 1 : i32
    "tpu.region"() ({
      %run_scoped3A_152 = tpu.sem_alloc : memref<!tpu.dma_semaphore, #tpu.memory_space<semaphore_mem>>
      %dma_start3A_153 = arith.constant 0 : i32
      %dma_start3A_154 = tpu.memref_slice %arg6[%run_scoped3A_124, %dma_start3A_153] : memref<8x512xf32, #tpu.memory_space<vmem>> -> memref<1x512xf32, #tpu.memory_space<vmem>>
      %dma_start3A_155 = tpu.memref_squeeze %dma_start3A_154 : memref<1x512xf32, #tpu.memory_space<vmem>> -> memref<512xf32, #tpu.memory_space<vmem>>
      %dma_start3A_156 = tpu.memref_slice %arg3[%run_scoped3A_125, %mul3A_2] : memref<8x16384xf32, #tpu.memory_space<hbm>> -> memref<1x512xf32, #tpu.memory_space<hbm>>
      %dma_start3A_157 = tpu.memref_squeeze %dma_start3A_156 : memref<1x512xf32, #tpu.memory_space<hbm>> -> memref<512xf32, #tpu.memory_space<hbm>>
      %dma_start3A_158 = tpu.memref_slice %arg3[%run_scoped3A_125, %mul3A_2] : memref<8x16384xf32, #tpu.memory_space<hbm>> -> memref<1x512xf32, #tpu.memory_space<hbm>>
      %dma_start3A_159 = tpu.memref_squeeze %dma_start3A_158 : memref<1x512xf32, #tpu.memory_space<hbm>> -> memref<512xf32, #tpu.memory_space<hbm>>
      %dma_start3A_160 = arith.constant 0 : i32
      %dma_start3A_161 = tpu.memref_slice %arg6[%run_scoped3A_124, %dma_start3A_160] : memref<8x512xf32, #tpu.memory_space<vmem>> -> memref<1x512xf32, #tpu.memory_space<vmem>>
      %dma_start3A_162 = tpu.memref_squeeze %dma_start3A_161 : memref<1x512xf32, #tpu.memory_space<vmem>> -> memref<512xf32, #tpu.memory_space<vmem>>
      tpu.enqueue_dma source(%dma_start3A_162 : memref<512xf32, #tpu.memory_space<vmem>>) target(%dma_start3A_159 : memref<512xf32, #tpu.memory_space<hbm>>) target_semaphore(%run_scoped3A_152 : memref<!tpu.dma_semaphore, #tpu.memory_space<semaphore_mem>>)
      %dma_wait3A_163 = arith.constant 0 : i32
      %dma_wait3A_164 = tpu.memref_slice %arg6[%run_scoped3A_124, %dma_wait3A_163] : memref<8x512xf32, #tpu.memory_space<vmem>> -> memref<1x512xf32, #tpu.memory_space<vmem>>
      %dma_wait3A_165 = tpu.memref_squeeze %dma_wait3A_164 : memref<1x512xf32, #tpu.memory_space<vmem>> -> memref<512xf32, #tpu.memory_space<vmem>>
      %dma_wait3A_166 = tpu.memref_slice %arg3[%run_scoped3A_125, %mul3A_2] : memref<8x16384xf32, #tpu.memory_space<hbm>> -> memref<1x512xf32, #tpu.memory_space<hbm>>
      %dma_wait3A_167 = tpu.memref_squeeze %dma_wait3A_166 : memref<1x512xf32, #tpu.memory_space<hbm>> -> memref<512xf32, #tpu.memory_space<hbm>>
      %dma_wait3A_168 = tpu.memref_slice %arg3[%run_scoped3A_125, %mul3A_2] : memref<8x16384xf32, #tpu.memory_space<hbm>> -> memref<1x512xf32, #tpu.memory_space<hbm>>
      %dma_wait3A_169 = tpu.memref_squeeze %dma_wait3A_168 : memref<1x512xf32, #tpu.memory_space<hbm>> -> memref<512xf32, #tpu.memory_space<hbm>>
      %dma_wait3A_170 = arith.constant 0 : i32
      %dma_wait3A_171 = tpu.memref_slice %arg6[%run_scoped3A_124, %dma_wait3A_170] : memref<8x512xf32, #tpu.memory_space<vmem>> -> memref<1x512xf32, #tpu.memory_space<vmem>>
      %dma_wait3A_172 = tpu.memref_squeeze %dma_wait3A_171 : memref<1x512xf32, #tpu.memory_space<vmem>> -> memref<512xf32, #tpu.memory_space<vmem>>
      tpu.wait_dma2 semaphore(%run_scoped3A_152 : memref<!tpu.dma_semaphore, #tpu.memory_space<semaphore_mem>>) src(%dma_wait3A_172 : memref<512xf32, #tpu.memory_space<vmem>>) dst(%dma_wait3A_169 : memref<512xf32, #tpu.memory_space<hbm>>)
      tpu.yield
    }) : () -> ()
    %run_scoped3A_126 = arith.constant 1 : i32
    %run_scoped3A_127 = arith.constant 1 : i32
    "tpu.region"() ({
      %run_scoped3A_152 = tpu.sem_alloc : memref<!tpu.dma_semaphore, #tpu.memory_space<semaphore_mem>>
      %dma_start3A_153 = arith.constant 0 : i32
      %dma_start3A_154 = tpu.memref_slice %arg7[%run_scoped3A_126, %dma_start3A_153] : memref<8x512xi32, #tpu.memory_space<vmem>> -> memref<1x512xi32, #tpu.memory_space<vmem>>
      %dma_start3A_155 = tpu.memref_squeeze %dma_start3A_154 : memref<1x512xi32, #tpu.memory_space<vmem>> -> memref<512xi32, #tpu.memory_space<vmem>>
      %dma_start3A_156 = tpu.memref_slice %arg4[%run_scoped3A_127, %mul3A_2] : memref<8x16384xi32, #tpu.memory_space<hbm>> -> memref<1x512xi32, #tpu.memory_space<hbm>>
      %dma_start3A_157 = tpu.memref_squeeze %dma_start3A_156 : memref<1x512xi32, #tpu.memory_space<hbm>> -> memref<512xi32, #tpu.memory_space<hbm>>
      %dma_start3A_158 = tpu.memref_slice %arg4[%run_scoped3A_127, %mul3A_2] : memref<8x16384xi32, #tpu.memory_space<hbm>> -> memref<1x512xi32, #tpu.memory_space<hbm>>
      %dma_start3A_159 = tpu.memref_squeeze %dma_start3A_158 : memref<1x512xi32, #tpu.memory_space<hbm>> -> memref<512xi32, #tpu.memory_space<hbm>>
      %dma_start3A_160 = arith.constant 0 : i32
      %dma_start3A_161 = tpu.memref_slice %arg7[%run_scoped3A_126, %dma_start3A_160] : memref<8x512xi32, #tpu.memory_space<vmem>> -> memref<1x512xi32, #tpu.memory_space<vmem>>
      %dma_start3A_162 = tpu.memref_squeeze %dma_start3A_161 : memref<1x512xi32, #tpu.memory_space<vmem>> -> memref<512xi32, #tpu.memory_space<vmem>>
      tpu.enqueue_dma source(%dma_start3A_162 : memref<512xi32, #tpu.memory_space<vmem>>) target(%dma_start3A_159 : memref<512xi32, #tpu.memory_space<hbm>>) target_semaphore(%run_scoped3A_152 : memref<!tpu.dma_semaphore, #tpu.memory_space<semaphore_mem>>)
      %dma_wait3A_163 = arith.constant 0 : i32
      %dma_wait3A_164 = tpu.memref_slice %arg7[%run_scoped3A_126, %dma_wait3A_163] : memref<8x512xi32, #tpu.memory_space<vmem>> -> memref<1x512xi32, #tpu.memory_space<vmem>>
      %dma_wait3A_165 = tpu.memref_squeeze %dma_wait3A_164 : memref<1x512xi32, #tpu.memory_space<vmem>> -> memref<512xi32, #tpu.memory_space<vmem>>
      %dma_wait3A_166 = tpu.memref_slice %arg4[%run_scoped3A_127, %mul3A_2] : memref<8x16384xi32, #tpu.memory_space<hbm>> -> memref<1x512xi32, #tpu.memory_space<hbm>>
      %dma_wait3A_167 = tpu.memref_squeeze %dma_wait3A_166 : memref<1x512xi32, #tpu.memory_space<hbm>> -> memref<512xi32, #tpu.memory_space<hbm>>
      %dma_wait3A_168 = tpu.memref_slice %arg4[%run_scoped3A_127, %mul3A_2] : memref<8x16384xi32, #tpu.memory_space<hbm>> -> memref<1x512xi32, #tpu.memory_space<hbm>>
      %dma_wait3A_169 = tpu.memref_squeeze %dma_wait3A_168 : memref<1x512xi32, #tpu.memory_space<hbm>> -> memref<512xi32, #tpu.memory_space<hbm>>
      %dma_wait3A_170 = arith.constant 0 : i32
      %dma_wait3A_171 = tpu.memref_slice %arg7[%run_scoped3A_126, %dma_wait3A_170] : memref<8x512xi32, #tpu.memory_space<vmem>> -> memref<1x512xi32, #tpu.memory_space<vmem>>
      %dma_wait3A_172 = tpu.memref_squeeze %dma_wait3A_171 : memref<1x512xi32, #tpu.memory_space<vmem>> -> memref<512xi32, #tpu.memory_space<vmem>>
      tpu.wait_dma2 semaphore(%run_scoped3A_152 : memref<!tpu.dma_semaphore, #tpu.memory_space<semaphore_mem>>) src(%dma_wait3A_172 : memref<512xi32, #tpu.memory_space<vmem>>) dst(%dma_wait3A_169 : memref<512xi32, #tpu.memory_space<hbm>>)
      tpu.yield
    }) : () -> ()
    %run_scoped3A_128 = arith.constant 2 : i32
    %run_scoped3A_129 = arith.constant 2 : i32
    "tpu.region"() ({
      %run_scoped3A_152 = tpu.sem_alloc : memref<!tpu.dma_semaphore, #tpu.memory_space<semaphore_mem>>
      %dma_start3A_153 = arith.constant 0 : i32
      %dma_start3A_154 = tpu.memref_slice %arg6[%run_scoped3A_128, %dma_start3A_153] : memref<8x512xf32, #tpu.memory_space<vmem>> -> memref<1x512xf32, #tpu.memory_space<vmem>>
      %dma_start3A_155 = tpu.memref_squeeze %dma_start3A_154 : memref<1x512xf32, #tpu.memory_space<vmem>> -> memref<512xf32, #tpu.memory_space<vmem>>
      %dma_start3A_156 = tpu.memref_slice %arg3[%run_scoped3A_129, %mul3A_2] : memref<8x16384xf32, #tpu.memory_space<hbm>> -> memref<1x512xf32, #tpu.memory_space<hbm>>
      %dma_start3A_157 = tpu.memref_squeeze %dma_start3A_156 : memref<1x512xf32, #tpu.memory_space<hbm>> -> memref<512xf32, #tpu.memory_space<hbm>>
      %dma_start3A_158 = tpu.memref_slice %arg3[%run_scoped3A_129, %mul3A_2] : memref<8x16384xf32, #tpu.memory_space<hbm>> -> memref<1x512xf32, #tpu.memory_space<hbm>>
      %dma_start3A_159 = tpu.memref_squeeze %dma_start3A_158 : memref<1x512xf32, #tpu.memory_space<hbm>> -> memref<512xf32, #tpu.memory_space<hbm>>
      %dma_start3A_160 = arith.constant 0 : i32
      %dma_start3A_161 = tpu.memref_slice %arg6[%run_scoped3A_128, %dma_start3A_160] : memref<8x512xf32, #tpu.memory_space<vmem>> -> memref<1x512xf32, #tpu.memory_space<vmem>>
      %dma_start3A_162 = tpu.memref_squeeze %dma_start3A_161 : memref<1x512xf32, #tpu.memory_space<vmem>> -> memref<512xf32, #tpu.memory_space<vmem>>
      tpu.enqueue_dma source(%dma_start3A_162 : memref<512xf32, #tpu.memory_space<vmem>>) target(%dma_start3A_159 : memref<512xf32, #tpu.memory_space<hbm>>) target_semaphore(%run_scoped3A_152 : memref<!tpu.dma_semaphore, #tpu.memory_space<semaphore_mem>>)
      %dma_wait3A_163 = arith.constant 0 : i32
      %dma_wait3A_164 = tpu.memref_slice %arg6[%run_scoped3A_128, %dma_wait3A_163] : memref<8x512xf32, #tpu.memory_space<vmem>> -> memref<1x512xf32, #tpu.memory_space<vmem>>
      %dma_wait3A_165 = tpu.memref_squeeze %dma_wait3A_164 : memref<1x512xf32, #tpu.memory_space<vmem>> -> memref<512xf32, #tpu.memory_space<vmem>>
      %dma_wait3A_166 = tpu.memref_slice %arg3[%run_scoped3A_129, %mul3A_2] : memref<8x16384xf32, #tpu.memory_space<hbm>> -> memref<1x512xf32, #tpu.memory_space<hbm>>
      %dma_wait3A_167 = tpu.memref_squeeze %dma_wait3A_166 : memref<1x512xf32, #tpu.memory_space<hbm>> -> memref<512xf32, #tpu.memory_space<hbm>>
      %dma_wait3A_168 = tpu.memref_slice %arg3[%run_scoped3A_129, %mul3A_2] : memref<8x16384xf32, #tpu.memory_space<hbm>> -> memref<1x512xf32, #tpu.memory_space<hbm>>
      %dma_wait3A_169 = tpu.memref_squeeze %dma_wait3A_168 : memref<1x512xf32, #tpu.memory_space<hbm>> -> memref<512xf32, #tpu.memory_space<hbm>>
      %dma_wait3A_170 = arith.constant 0 : i32
      %dma_wait3A_171 = tpu.memref_slice %arg6[%run_scoped3A_128, %dma_wait3A_170] : memref<8x512xf32, #tpu.memory_space<vmem>> -> memref<1x512xf32, #tpu.memory_space<vmem>>
      %dma_wait3A_172 = tpu.memref_squeeze %dma_wait3A_171 : memref<1x512xf32, #tpu.memory_space<vmem>> -> memref<512xf32, #tpu.memory_space<vmem>>
      tpu.wait_dma2 semaphore(%run_scoped3A_152 : memref<!tpu.dma_semaphore, #tpu.memory_space<semaphore_mem>>) src(%dma_wait3A_172 : memref<512xf32, #tpu.memory_space<vmem>>) dst(%dma_wait3A_169 : memref<512xf32, #tpu.memory_space<hbm>>)
      tpu.yield
    }) : () -> ()
    %run_scoped3A_130 = arith.constant 2 : i32
    %run_scoped3A_131 = arith.constant 2 : i32
    "tpu.region"() ({
      %run_scoped3A_152 = tpu.sem_alloc : memref<!tpu.dma_semaphore, #tpu.memory_space<semaphore_mem>>
      %dma_start3A_153 = arith.constant 0 : i32
      %dma_start3A_154 = tpu.memref_slice %arg7[%run_scoped3A_130, %dma_start3A_153] : memref<8x512xi32, #tpu.memory_space<vmem>> -> memref<1x512xi32, #tpu.memory_space<vmem>>
      %dma_start3A_155 = tpu.memref_squeeze %dma_start3A_154 : memref<1x512xi32, #tpu.memory_space<vmem>> -> memref<512xi32, #tpu.memory_space<vmem>>
      %dma_start3A_156 = tpu.memref_slice %arg4[%run_scoped3A_131, %mul3A_2] : memref<8x16384xi32, #tpu.memory_space<hbm>> -> memref<1x512xi32, #tpu.memory_space<hbm>>
      %dma_start3A_157 = tpu.memref_squeeze %dma_start3A_156 : memref<1x512xi32, #tpu.memory_space<hbm>> -> memref<512xi32, #tpu.memory_space<hbm>>
      %dma_start3A_158 = tpu.memref_slice %arg4[%run_scoped3A_131, %mul3A_2] : memref<8x16384xi32, #tpu.memory_space<hbm>> -> memref<1x512xi32, #tpu.memory_space<hbm>>
      %dma_start3A_159 = tpu.memref_squeeze %dma_start3A_158 : memref<1x512xi32, #tpu.memory_space<hbm>> -> memref<512xi32, #tpu.memory_space<hbm>>
      %dma_start3A_160 = arith.constant 0 : i32
      %dma_start3A_161 = tpu.memref_slice %arg7[%run_scoped3A_130, %dma_start3A_160] : memref<8x512xi32, #tpu.memory_space<vmem>> -> memref<1x512xi32, #tpu.memory_space<vmem>>
      %dma_start3A_162 = tpu.memref_squeeze %dma_start3A_161 : memref<1x512xi32, #tpu.memory_space<vmem>> -> memref<512xi32, #tpu.memory_space<vmem>>
      tpu.enqueue_dma source(%dma_start3A_162 : memref<512xi32, #tpu.memory_space<vmem>>) target(%dma_start3A_159 : memref<512xi32, #tpu.memory_space<hbm>>) target_semaphore(%run_scoped3A_152 : memref<!tpu.dma_semaphore, #tpu.memory_space<semaphore_mem>>)
      %dma_wait3A_163 = arith.constant 0 : i32
      %dma_wait3A_164 = tpu.memref_slice %arg7[%run_scoped3A_130, %dma_wait3A_163] : memref<8x512xi32, #tpu.memory_space<vmem>> -> memref<1x512xi32, #tpu.memory_space<vmem>>
      %dma_wait3A_165 = tpu.memref_squeeze %dma_wait3A_164 : memref<1x512xi32, #tpu.memory_space<vmem>> -> memref<512xi32, #tpu.memory_space<vmem>>
      %dma_wait3A_166 = tpu.memref_slice %arg4[%run_scoped3A_131, %mul3A_2] : memref<8x16384xi32, #tpu.memory_space<hbm>> -> memref<1x512xi32, #tpu.memory_space<hbm>>
      %dma_wait3A_167 = tpu.memref_squeeze %dma_wait3A_166 : memref<1x512xi32, #tpu.memory_space<hbm>> -> memref<512xi32, #tpu.memory_space<hbm>>
      %dma_wait3A_168 = tpu.memref_slice %arg4[%run_scoped3A_131, %mul3A_2] : memref<8x16384xi32, #tpu.memory_space<hbm>> -> memref<1x512xi32, #tpu.memory_space<hbm>>
      %dma_wait3A_169 = tpu.memref_squeeze %dma_wait3A_168 : memref<1x512xi32, #tpu.memory_space<hbm>> -> memref<512xi32, #tpu.memory_space<hbm>>
      %dma_wait3A_170 = arith.constant 0 : i32
      %dma_wait3A_171 = tpu.memref_slice %arg7[%run_scoped3A_130, %dma_wait3A_170] : memref<8x512xi32, #tpu.memory_space<vmem>> -> memref<1x512xi32, #tpu.memory_space<vmem>>
      %dma_wait3A_172 = tpu.memref_squeeze %dma_wait3A_171 : memref<1x512xi32, #tpu.memory_space<vmem>> -> memref<512xi32, #tpu.memory_space<vmem>>
      tpu.wait_dma2 semaphore(%run_scoped3A_152 : memref<!tpu.dma_semaphore, #tpu.memory_space<semaphore_mem>>) src(%dma_wait3A_172 : memref<512xi32, #tpu.memory_space<vmem>>) dst(%dma_wait3A_169 : memref<512xi32, #tpu.memory_space<hbm>>)
      tpu.yield
    }) : () -> ()
    %run_scoped3A_132 = arith.constant 3 : i32
    %run_scoped3A_133 = arith.constant 3 : i32
    "tpu.region"() ({
      %run_scoped3A_152 = tpu.sem_alloc : memref<!tpu.dma_semaphore, #tpu.memory_space<semaphore_mem>>
      %dma_start3A_153 = arith.constant 0 : i32
      %dma_start3A_154 = tpu.memref_slice %arg6[%run_scoped3A_132, %dma_start3A_153] : memref<8x512xf32, #tpu.memory_space<vmem>> -> memref<1x512xf32, #tpu.memory_space<vmem>>
      %dma_start3A_155 = tpu.memref_squeeze %dma_start3A_154 : memref<1x512xf32, #tpu.memory_space<vmem>> -> memref<512xf32, #tpu.memory_space<vmem>>
      %dma_start3A_156 = tpu.memref_slice %arg3[%run_scoped3A_133, %mul3A_2] : memref<8x16384xf32, #tpu.memory_space<hbm>> -> memref<1x512xf32, #tpu.memory_space<hbm>>
      %dma_start3A_157 = tpu.memref_squeeze %dma_start3A_156 : memref<1x512xf32, #tpu.memory_space<hbm>> -> memref<512xf32, #tpu.memory_space<hbm>>
      %dma_start3A_158 = tpu.memref_slice %arg3[%run_scoped3A_133, %mul3A_2] : memref<8x16384xf32, #tpu.memory_space<hbm>> -> memref<1x512xf32, #tpu.memory_space<hbm>>
      %dma_start3A_159 = tpu.memref_squeeze %dma_start3A_158 : memref<1x512xf32, #tpu.memory_space<hbm>> -> memref<512xf32, #tpu.memory_space<hbm>>
      %dma_start3A_160 = arith.constant 0 : i32
      %dma_start3A_161 = tpu.memref_slice %arg6[%run_scoped3A_132, %dma_start3A_160] : memref<8x512xf32, #tpu.memory_space<vmem>> -> memref<1x512xf32, #tpu.memory_space<vmem>>
      %dma_start3A_162 = tpu.memref_squeeze %dma_start3A_161 : memref<1x512xf32, #tpu.memory_space<vmem>> -> memref<512xf32, #tpu.memory_space<vmem>>
      tpu.enqueue_dma source(%dma_start3A_162 : memref<512xf32, #tpu.memory_space<vmem>>) target(%dma_start3A_159 : memref<512xf32, #tpu.memory_space<hbm>>) target_semaphore(%run_scoped3A_152 : memref<!tpu.dma_semaphore, #tpu.memory_space<semaphore_mem>>)
      %dma_wait3A_163 = arith.constant 0 : i32
      %dma_wait3A_164 = tpu.memref_slice %arg6[%run_scoped3A_132, %dma_wait3A_163] : memref<8x512xf32, #tpu.memory_space<vmem>> -> memref<1x512xf32, #tpu.memory_space<vmem>>
      %dma_wait3A_165 = tpu.memref_squeeze %dma_wait3A_164 : memref<1x512xf32, #tpu.memory_space<vmem>> -> memref<512xf32, #tpu.memory_space<vmem>>
      %dma_wait3A_166 = tpu.memref_slice %arg3[%run_scoped3A_133, %mul3A_2] : memref<8x16384xf32, #tpu.memory_space<hbm>> -> memref<1x512xf32, #tpu.memory_space<hbm>>
      %dma_wait3A_167 = tpu.memref_squeeze %dma_wait3A_166 : memref<1x512xf32, #tpu.memory_space<hbm>> -> memref<512xf32, #tpu.memory_space<hbm>>
      %dma_wait3A_168 = tpu.memref_slice %arg3[%run_scoped3A_133, %mul3A_2] : memref<8x16384xf32, #tpu.memory_space<hbm>> -> memref<1x512xf32, #tpu.memory_space<hbm>>
      %dma_wait3A_169 = tpu.memref_squeeze %dma_wait3A_168 : memref<1x512xf32, #tpu.memory_space<hbm>> -> memref<512xf32, #tpu.memory_space<hbm>>
      %dma_wait3A_170 = arith.constant 0 : i32
      %dma_wait3A_171 = tpu.memref_slice %arg6[%run_scoped3A_132, %dma_wait3A_170] : memref<8x512xf32, #tpu.memory_space<vmem>> -> memref<1x512xf32, #tpu.memory_space<vmem>>
      %dma_wait3A_172 = tpu.memref_squeeze %dma_wait3A_171 : memref<1x512xf32, #tpu.memory_space<vmem>> -> memref<512xf32, #tpu.memory_space<vmem>>
      tpu.wait_dma2 semaphore(%run_scoped3A_152 : memref<!tpu.dma_semaphore, #tpu.memory_space<semaphore_mem>>) src(%dma_wait3A_172 : memref<512xf32, #tpu.memory_space<vmem>>) dst(%dma_wait3A_169 : memref<512xf32, #tpu.memory_space<hbm>>)
      tpu.yield
    }) : () -> ()
    %run_scoped3A_134 = arith.constant 3 : i32
    %run_scoped3A_135 = arith.constant 3 : i32
    "tpu.region"() ({
      %run_scoped3A_152 = tpu.sem_alloc : memref<!tpu.dma_semaphore, #tpu.memory_space<semaphore_mem>>
      %dma_start3A_153 = arith.constant 0 : i32
      %dma_start3A_154 = tpu.memref_slice %arg7[%run_scoped3A_134, %dma_start3A_153] : memref<8x512xi32, #tpu.memory_space<vmem>> -> memref<1x512xi32, #tpu.memory_space<vmem>>
      %dma_start3A_155 = tpu.memref_squeeze %dma_start3A_154 : memref<1x512xi32, #tpu.memory_space<vmem>> -> memref<512xi32, #tpu.memory_space<vmem>>
      %dma_start3A_156 = tpu.memref_slice %arg4[%run_scoped3A_135, %mul3A_2] : memref<8x16384xi32, #tpu.memory_space<hbm>> -> memref<1x512xi32, #tpu.memory_space<hbm>>
      %dma_start3A_157 = tpu.memref_squeeze %dma_start3A_156 : memref<1x512xi32, #tpu.memory_space<hbm>> -> memref<512xi32, #tpu.memory_space<hbm>>
      %dma_start3A_158 = tpu.memref_slice %arg4[%run_scoped3A_135, %mul3A_2] : memref<8x16384xi32, #tpu.memory_space<hbm>> -> memref<1x512xi32, #tpu.memory_space<hbm>>
      %dma_start3A_159 = tpu.memref_squeeze %dma_start3A_158 : memref<1x512xi32, #tpu.memory_space<hbm>> -> memref<512xi32, #tpu.memory_space<hbm>>
      %dma_start3A_160 = arith.constant 0 : i32
      %dma_start3A_161 = tpu.memref_slice %arg7[%run_scoped3A_134, %dma_start3A_160] : memref<8x512xi32, #tpu.memory_space<vmem>> -> memref<1x512xi32, #tpu.memory_space<vmem>>
      %dma_start3A_162 = tpu.memref_squeeze %dma_start3A_161 : memref<1x512xi32, #tpu.memory_space<vmem>> -> memref<512xi32, #tpu.memory_space<vmem>>
      tpu.enqueue_dma source(%dma_start3A_162 : memref<512xi32, #tpu.memory_space<vmem>>) target(%dma_start3A_159 : memref<512xi32, #tpu.memory_space<hbm>>) target_semaphore(%run_scoped3A_152 : memref<!tpu.dma_semaphore, #tpu.memory_space<semaphore_mem>>)
      %dma_wait3A_163 = arith.constant 0 : i32
      %dma_wait3A_164 = tpu.memref_slice %arg7[%run_scoped3A_134, %dma_wait3A_163] : memref<8x512xi32, #tpu.memory_space<vmem>> -> memref<1x512xi32, #tpu.memory_space<vmem>>
      %dma_wait3A_165 = tpu.memref_squeeze %dma_wait3A_164 : memref<1x512xi32, #tpu.memory_space<vmem>> -> memref<512xi32, #tpu.memory_space<vmem>>
      %dma_wait3A_166 = tpu.memref_slice %arg4[%run_scoped3A_135, %mul3A_2] : memref<8x16384xi32, #tpu.memory_space<hbm>> -> memref<1x512xi32, #tpu.memory_space<hbm>>
      %dma_wait3A_167 = tpu.memref_squeeze %dma_wait3A_166 : memref<1x512xi32, #tpu.memory_space<hbm>> -> memref<512xi32, #tpu.memory_space<hbm>>
      %dma_wait3A_168 = tpu.memref_slice %arg4[%run_scoped3A_135, %mul3A_2] : memref<8x16384xi32, #tpu.memory_space<hbm>> -> memref<1x512xi32, #tpu.memory_space<hbm>>
      %dma_wait3A_169 = tpu.memref_squeeze %dma_wait3A_168 : memref<1x512xi32, #tpu.memory_space<hbm>> -> memref<512xi32, #tpu.memory_space<hbm>>
      %dma_wait3A_170 = arith.constant 0 : i32
      %dma_wait3A_171 = tpu.memref_slice %arg7[%run_scoped3A_134, %dma_wait3A_170] : memref<8x512xi32, #tpu.memory_space<vmem>> -> memref<1x512xi32, #tpu.memory_space<vmem>>
      %dma_wait3A_172 = tpu.memref_squeeze %dma_wait3A_171 : memref<1x512xi32, #tpu.memory_space<vmem>> -> memref<512xi32, #tpu.memory_space<vmem>>
      tpu.wait_dma2 semaphore(%run_scoped3A_152 : memref<!tpu.dma_semaphore, #tpu.memory_space<semaphore_mem>>) src(%dma_wait3A_172 : memref<512xi32, #tpu.memory_space<vmem>>) dst(%dma_wait3A_169 : memref<512xi32, #tpu.memory_space<hbm>>)
      tpu.yield
    }) : () -> ()
    %run_scoped3A_136 = arith.constant 4 : i32
    %run_scoped3A_137 = arith.constant 4 : i32
    "tpu.region"() ({
      %run_scoped3A_152 = tpu.sem_alloc : memref<!tpu.dma_semaphore, #tpu.memory_space<semaphore_mem>>
      %dma_start3A_153 = arith.constant 0 : i32
      %dma_start3A_154 = tpu.memref_slice %arg6[%run_scoped3A_136, %dma_start3A_153] : memref<8x512xf32, #tpu.memory_space<vmem>> -> memref<1x512xf32, #tpu.memory_space<vmem>>
      %dma_start3A_155 = tpu.memref_squeeze %dma_start3A_154 : memref<1x512xf32, #tpu.memory_space<vmem>> -> memref<512xf32, #tpu.memory_space<vmem>>
      %dma_start3A_156 = tpu.memref_slice %arg3[%run_scoped3A_137, %mul3A_2] : memref<8x16384xf32, #tpu.memory_space<hbm>> -> memref<1x512xf32, #tpu.memory_space<hbm>>
      %dma_start3A_157 = tpu.memref_squeeze %dma_start3A_156 : memref<1x512xf32, #tpu.memory_space<hbm>> -> memref<512xf32, #tpu.memory_space<hbm>>
      %dma_start3A_158 = tpu.memref_slice %arg3[%run_scoped3A_137, %mul3A_2] : memref<8x16384xf32, #tpu.memory_space<hbm>> -> memref<1x512xf32, #tpu.memory_space<hbm>>
      %dma_start3A_159 = tpu.memref_squeeze %dma_start3A_158 : memref<1x512xf32, #tpu.memory_space<hbm>> -> memref<512xf32, #tpu.memory_space<hbm>>
      %dma_start3A_160 = arith.constant 0 : i32
      %dma_start3A_161 = tpu.memref_slice %arg6[%run_scoped3A_136, %dma_start3A_160] : memref<8x512xf32, #tpu.memory_space<vmem>> -> memref<1x512xf32, #tpu.memory_space<vmem>>
      %dma_start3A_162 = tpu.memref_squeeze %dma_start3A_161 : memref<1x512xf32, #tpu.memory_space<vmem>> -> memref<512xf32, #tpu.memory_space<vmem>>
      tpu.enqueue_dma source(%dma_start3A_162 : memref<512xf32, #tpu.memory_space<vmem>>) target(%dma_start3A_159 : memref<512xf32, #tpu.memory_space<hbm>>) target_semaphore(%run_scoped3A_152 : memref<!tpu.dma_semaphore, #tpu.memory_space<semaphore_mem>>)
      %dma_wait3A_163 = arith.constant 0 : i32
      %dma_wait3A_164 = tpu.memref_slice %arg6[%run_scoped3A_136, %dma_wait3A_163] : memref<8x512xf32, #tpu.memory_space<vmem>> -> memref<1x512xf32, #tpu.memory_space<vmem>>
      %dma_wait3A_165 = tpu.memref_squeeze %dma_wait3A_164 : memref<1x512xf32, #tpu.memory_space<vmem>> -> memref<512xf32, #tpu.memory_space<vmem>>
      %dma_wait3A_166 = tpu.memref_slice %arg3[%run_scoped3A_137, %mul3A_2] : memref<8x16384xf32, #tpu.memory_space<hbm>> -> memref<1x512xf32, #tpu.memory_space<hbm>>
      %dma_wait3A_167 = tpu.memref_squeeze %dma_wait3A_166 : memref<1x512xf32, #tpu.memory_space<hbm>> -> memref<512xf32, #tpu.memory_space<hbm>>
      %dma_wait3A_168 = tpu.memref_slice %arg3[%run_scoped3A_137, %mul3A_2] : memref<8x16384xf32, #tpu.memory_space<hbm>> -> memref<1x512xf32, #tpu.memory_space<hbm>>
      %dma_wait3A_169 = tpu.memref_squeeze %dma_wait3A_168 : memref<1x512xf32, #tpu.memory_space<hbm>> -> memref<512xf32, #tpu.memory_space<hbm>>
      %dma_wait3A_170 = arith.constant 0 : i32
      %dma_wait3A_171 = tpu.memref_slice %arg6[%run_scoped3A_136, %dma_wait3A_170] : memref<8x512xf32, #tpu.memory_space<vmem>> -> memref<1x512xf32, #tpu.memory_space<vmem>>
      %dma_wait3A_172 = tpu.memref_squeeze %dma_wait3A_171 : memref<1x512xf32, #tpu.memory_space<vmem>> -> memref<512xf32, #tpu.memory_space<vmem>>
      tpu.wait_dma2 semaphore(%run_scoped3A_152 : memref<!tpu.dma_semaphore, #tpu.memory_space<semaphore_mem>>) src(%dma_wait3A_172 : memref<512xf32, #tpu.memory_space<vmem>>) dst(%dma_wait3A_169 : memref<512xf32, #tpu.memory_space<hbm>>)
      tpu.yield
    }) : () -> ()
    %run_scoped3A_138 = arith.constant 4 : i32
    %run_scoped3A_139 = arith.constant 4 : i32
    "tpu.region"() ({
      %run_scoped3A_152 = tpu.sem_alloc : memref<!tpu.dma_semaphore, #tpu.memory_space<semaphore_mem>>
      %dma_start3A_153 = arith.constant 0 : i32
      %dma_start3A_154 = tpu.memref_slice %arg7[%run_scoped3A_138, %dma_start3A_153] : memref<8x512xi32, #tpu.memory_space<vmem>> -> memref<1x512xi32, #tpu.memory_space<vmem>>
      %dma_start3A_155 = tpu.memref_squeeze %dma_start3A_154 : memref<1x512xi32, #tpu.memory_space<vmem>> -> memref<512xi32, #tpu.memory_space<vmem>>
      %dma_start3A_156 = tpu.memref_slice %arg4[%run_scoped3A_139, %mul3A_2] : memref<8x16384xi32, #tpu.memory_space<hbm>> -> memref<1x512xi32, #tpu.memory_space<hbm>>
      %dma_start3A_157 = tpu.memref_squeeze %dma_start3A_156 : memref<1x512xi32, #tpu.memory_space<hbm>> -> memref<512xi32, #tpu.memory_space<hbm>>
      %dma_start3A_158 = tpu.memref_slice %arg4[%run_scoped3A_139, %mul3A_2] : memref<8x16384xi32, #tpu.memory_space<hbm>> -> memref<1x512xi32, #tpu.memory_space<hbm>>
      %dma_start3A_159 = tpu.memref_squeeze %dma_start3A_158 : memref<1x512xi32, #tpu.memory_space<hbm>> -> memref<512xi32, #tpu.memory_space<hbm>>
      %dma_start3A_160 = arith.constant 0 : i32
      %dma_start3A_161 = tpu.memref_slice %arg7[%run_scoped3A_138, %dma_start3A_160] : memref<8x512xi32, #tpu.memory_space<vmem>> -> memref<1x512xi32, #tpu.memory_space<vmem>>
      %dma_start3A_162 = tpu.memref_squeeze %dma_start3A_161 : memref<1x512xi32, #tpu.memory_space<vmem>> -> memref<512xi32, #tpu.memory_space<vmem>>
      tpu.enqueue_dma source(%dma_start3A_162 : memref<512xi32, #tpu.memory_space<vmem>>) target(%dma_start3A_159 : memref<512xi32, #tpu.memory_space<hbm>>) target_semaphore(%run_scoped3A_152 : memref<!tpu.dma_semaphore, #tpu.memory_space<semaphore_mem>>)
      %dma_wait3A_163 = arith.constant 0 : i32
      %dma_wait3A_164 = tpu.memref_slice %arg7[%run_scoped3A_138, %dma_wait3A_163] : memref<8x512xi32, #tpu.memory_space<vmem>> -> memref<1x512xi32, #tpu.memory_space<vmem>>
      %dma_wait3A_165 = tpu.memref_squeeze %dma_wait3A_164 : memref<1x512xi32, #tpu.memory_space<vmem>> -> memref<512xi32, #tpu.memory_space<vmem>>
      %dma_wait3A_166 = tpu.memref_slice %arg4[%run_scoped3A_139, %mul3A_2] : memref<8x16384xi32, #tpu.memory_space<hbm>> -> memref<1x512xi32, #tpu.memory_space<hbm>>
      %dma_wait3A_167 = tpu.memref_squeeze %dma_wait3A_166 : memref<1x512xi32, #tpu.memory_space<hbm>> -> memref<512xi32, #tpu.memory_space<hbm>>
      %dma_wait3A_168 = tpu.memref_slice %arg4[%run_scoped3A_139, %mul3A_2] : memref<8x16384xi32, #tpu.memory_space<hbm>> -> memref<1x512xi32, #tpu.memory_space<hbm>>
      %dma_wait3A_169 = tpu.memref_squeeze %dma_wait3A_168 : memref<1x512xi32, #tpu.memory_space<hbm>> -> memref<512xi32, #tpu.memory_space<hbm>>
      %dma_wait3A_170 = arith.constant 0 : i32
      %dma_wait3A_171 = tpu.memref_slice %arg7[%run_scoped3A_138, %dma_wait3A_170] : memref<8x512xi32, #tpu.memory_space<vmem>> -> memref<1x512xi32, #tpu.memory_space<vmem>>
      %dma_wait3A_172 = tpu.memref_squeeze %dma_wait3A_171 : memref<1x512xi32, #tpu.memory_space<vmem>> -> memref<512xi32, #tpu.memory_space<vmem>>
      tpu.wait_dma2 semaphore(%run_scoped3A_152 : memref<!tpu.dma_semaphore, #tpu.memory_space<semaphore_mem>>) src(%dma_wait3A_172 : memref<512xi32, #tpu.memory_space<vmem>>) dst(%dma_wait3A_169 : memref<512xi32, #tpu.memory_space<hbm>>)
      tpu.yield
    }) : () -> ()
    %run_scoped3A_140 = arith.constant 5 : i32
    %run_scoped3A_141 = arith.constant 5 : i32
    "tpu.region"() ({
      %run_scoped3A_152 = tpu.sem_alloc : memref<!tpu.dma_semaphore, #tpu.memory_space<semaphore_mem>>
      %dma_start3A_153 = arith.constant 0 : i32
      %dma_start3A_154 = tpu.memref_slice %arg6[%run_scoped3A_140, %dma_start3A_153] : memref<8x512xf32, #tpu.memory_space<vmem>> -> memref<1x512xf32, #tpu.memory_space<vmem>>
      %dma_start3A_155 = tpu.memref_squeeze %dma_start3A_154 : memref<1x512xf32, #tpu.memory_space<vmem>> -> memref<512xf32, #tpu.memory_space<vmem>>
      %dma_start3A_156 = tpu.memref_slice %arg3[%run_scoped3A_141, %mul3A_2] : memref<8x16384xf32, #tpu.memory_space<hbm>> -> memref<1x512xf32, #tpu.memory_space<hbm>>
      %dma_start3A_157 = tpu.memref_squeeze %dma_start3A_156 : memref<1x512xf32, #tpu.memory_space<hbm>> -> memref<512xf32, #tpu.memory_space<hbm>>
      %dma_start3A_158 = tpu.memref_slice %arg3[%run_scoped3A_141, %mul3A_2] : memref<8x16384xf32, #tpu.memory_space<hbm>> -> memref<1x512xf32, #tpu.memory_space<hbm>>
      %dma_start3A_159 = tpu.memref_squeeze %dma_start3A_158 : memref<1x512xf32, #tpu.memory_space<hbm>> -> memref<512xf32, #tpu.memory_space<hbm>>
      %dma_start3A_160 = arith.constant 0 : i32
      %dma_start3A_161 = tpu.memref_slice %arg6[%run_scoped3A_140, %dma_start3A_160] : memref<8x512xf32, #tpu.memory_space<vmem>> -> memref<1x512xf32, #tpu.memory_space<vmem>>
      %dma_start3A_162 = tpu.memref_squeeze %dma_start3A_161 : memref<1x512xf32, #tpu.memory_space<vmem>> -> memref<512xf32, #tpu.memory_space<vmem>>
      tpu.enqueue_dma source(%dma_start3A_162 : memref<512xf32, #tpu.memory_space<vmem>>) target(%dma_start3A_159 : memref<512xf32, #tpu.memory_space<hbm>>) target_semaphore(%run_scoped3A_152 : memref<!tpu.dma_semaphore, #tpu.memory_space<semaphore_mem>>)
      %dma_wait3A_163 = arith.constant 0 : i32
      %dma_wait3A_164 = tpu.memref_slice %arg6[%run_scoped3A_140, %dma_wait3A_163] : memref<8x512xf32, #tpu.memory_space<vmem>> -> memref<1x512xf32, #tpu.memory_space<vmem>>
      %dma_wait3A_165 = tpu.memref_squeeze %dma_wait3A_164 : memref<1x512xf32, #tpu.memory_space<vmem>> -> memref<512xf32, #tpu.memory_space<vmem>>
      %dma_wait3A_166 = tpu.memref_slice %arg3[%run_scoped3A_141, %mul3A_2] : memref<8x16384xf32, #tpu.memory_space<hbm>> -> memref<1x512xf32, #tpu.memory_space<hbm>>
      %dma_wait3A_167 = tpu.memref_squeeze %dma_wait3A_166 : memref<1x512xf32, #tpu.memory_space<hbm>> -> memref<512xf32, #tpu.memory_space<hbm>>
      %dma_wait3A_168 = tpu.memref_slice %arg3[%run_scoped3A_141, %mul3A_2] : memref<8x16384xf32, #tpu.memory_space<hbm>> -> memref<1x512xf32, #tpu.memory_space<hbm>>
      %dma_wait3A_169 = tpu.memref_squeeze %dma_wait3A_168 : memref<1x512xf32, #tpu.memory_space<hbm>> -> memref<512xf32, #tpu.memory_space<hbm>>
      %dma_wait3A_170 = arith.constant 0 : i32
      %dma_wait3A_171 = tpu.memref_slice %arg6[%run_scoped3A_140, %dma_wait3A_170] : memref<8x512xf32, #tpu.memory_space<vmem>> -> memref<1x512xf32, #tpu.memory_space<vmem>>
      %dma_wait3A_172 = tpu.memref_squeeze %dma_wait3A_171 : memref<1x512xf32, #tpu.memory_space<vmem>> -> memref<512xf32, #tpu.memory_space<vmem>>
      tpu.wait_dma2 semaphore(%run_scoped3A_152 : memref<!tpu.dma_semaphore, #tpu.memory_space<semaphore_mem>>) src(%dma_wait3A_172 : memref<512xf32, #tpu.memory_space<vmem>>) dst(%dma_wait3A_169 : memref<512xf32, #tpu.memory_space<hbm>>)
      tpu.yield
    }) : () -> ()
    %run_scoped3A_142 = arith.constant 5 : i32
    %run_scoped3A_143 = arith.constant 5 : i32
    "tpu.region"() ({
      %run_scoped3A_152 = tpu.sem_alloc : memref<!tpu.dma_semaphore, #tpu.memory_space<semaphore_mem>>
      %dma_start3A_153 = arith.constant 0 : i32
      %dma_start3A_154 = tpu.memref_slice %arg7[%run_scoped3A_142, %dma_start3A_153] : memref<8x512xi32, #tpu.memory_space<vmem>> -> memref<1x512xi32, #tpu.memory_space<vmem>>
      %dma_start3A_155 = tpu.memref_squeeze %dma_start3A_154 : memref<1x512xi32, #tpu.memory_space<vmem>> -> memref<512xi32, #tpu.memory_space<vmem>>
      %dma_start3A_156 = tpu.memref_slice %arg4[%run_scoped3A_143, %mul3A_2] : memref<8x16384xi32, #tpu.memory_space<hbm>> -> memref<1x512xi32, #tpu.memory_space<hbm>>
      %dma_start3A_157 = tpu.memref_squeeze %dma_start3A_156 : memref<1x512xi32, #tpu.memory_space<hbm>> -> memref<512xi32, #tpu.memory_space<hbm>>
      %dma_start3A_158 = tpu.memref_slice %arg4[%run_scoped3A_143, %mul3A_2] : memref<8x16384xi32, #tpu.memory_space<hbm>> -> memref<1x512xi32, #tpu.memory_space<hbm>>
      %dma_start3A_159 = tpu.memref_squeeze %dma_start3A_158 : memref<1x512xi32, #tpu.memory_space<hbm>> -> memref<512xi32, #tpu.memory_space<hbm>>
      %dma_start3A_160 = arith.constant 0 : i32
      %dma_start3A_161 = tpu.memref_slice %arg7[%run_scoped3A_142, %dma_start3A_160] : memref<8x512xi32, #tpu.memory_space<vmem>> -> memref<1x512xi32, #tpu.memory_space<vmem>>
      %dma_start3A_162 = tpu.memref_squeeze %dma_start3A_161 : memref<1x512xi32, #tpu.memory_space<vmem>> -> memref<512xi32, #tpu.memory_space<vmem>>
      tpu.enqueue_dma source(%dma_start3A_162 : memref<512xi32, #tpu.memory_space<vmem>>) target(%dma_start3A_159 : memref<512xi32, #tpu.memory_space<hbm>>) target_semaphore(%run_scoped3A_152 : memref<!tpu.dma_semaphore, #tpu.memory_space<semaphore_mem>>)
      %dma_wait3A_163 = arith.constant 0 : i32
      %dma_wait3A_164 = tpu.memref_slice %arg7[%run_scoped3A_142, %dma_wait3A_163] : memref<8x512xi32, #tpu.memory_space<vmem>> -> memref<1x512xi32, #tpu.memory_space<vmem>>
      %dma_wait3A_165 = tpu.memref_squeeze %dma_wait3A_164 : memref<1x512xi32, #tpu.memory_space<vmem>> -> memref<512xi32, #tpu.memory_space<vmem>>
      %dma_wait3A_166 = tpu.memref_slice %arg4[%run_scoped3A_143, %mul3A_2] : memref<8x16384xi32, #tpu.memory_space<hbm>> -> memref<1x512xi32, #tpu.memory_space<hbm>>
      %dma_wait3A_167 = tpu.memref_squeeze %dma_wait3A_166 : memref<1x512xi32, #tpu.memory_space<hbm>> -> memref<512xi32, #tpu.memory_space<hbm>>
      %dma_wait3A_168 = tpu.memref_slice %arg4[%run_scoped3A_143, %mul3A_2] : memref<8x16384xi32, #tpu.memory_space<hbm>> -> memref<1x512xi32, #tpu.memory_space<hbm>>
      %dma_wait3A_169 = tpu.memref_squeeze %dma_wait3A_168 : memref<1x512xi32, #tpu.memory_space<hbm>> -> memref<512xi32, #tpu.memory_space<hbm>>
      %dma_wait3A_170 = arith.constant 0 : i32
      %dma_wait3A_171 = tpu.memref_slice %arg7[%run_scoped3A_142, %dma_wait3A_170] : memref<8x512xi32, #tpu.memory_space<vmem>> -> memref<1x512xi32, #tpu.memory_space<vmem>>
      %dma_wait3A_172 = tpu.memref_squeeze %dma_wait3A_171 : memref<1x512xi32, #tpu.memory_space<vmem>> -> memref<512xi32, #tpu.memory_space<vmem>>
      tpu.wait_dma2 semaphore(%run_scoped3A_152 : memref<!tpu.dma_semaphore, #tpu.memory_space<semaphore_mem>>) src(%dma_wait3A_172 : memref<512xi32, #tpu.memory_space<vmem>>) dst(%dma_wait3A_169 : memref<512xi32, #tpu.memory_space<hbm>>)
      tpu.yield
    }) : () -> ()
    %run_scoped3A_144 = arith.constant 6 : i32
    %run_scoped3A_145 = arith.constant 6 : i32
    "tpu.region"() ({
      %run_scoped3A_152 = tpu.sem_alloc : memref<!tpu.dma_semaphore, #tpu.memory_space<semaphore_mem>>
      %dma_start3A_153 = arith.constant 0 : i32
      %dma_start3A_154 = tpu.memref_slice %arg6[%run_scoped3A_144, %dma_start3A_153] : memref<8x512xf32, #tpu.memory_space<vmem>> -> memref<1x512xf32, #tpu.memory_space<vmem>>
      %dma_start3A_155 = tpu.memref_squeeze %dma_start3A_154 : memref<1x512xf32, #tpu.memory_space<vmem>> -> memref<512xf32, #tpu.memory_space<vmem>>
      %dma_start3A_156 = tpu.memref_slice %arg3[%run_scoped3A_145, %mul3A_2] : memref<8x16384xf32, #tpu.memory_space<hbm>> -> memref<1x512xf32, #tpu.memory_space<hbm>>
      %dma_start3A_157 = tpu.memref_squeeze %dma_start3A_156 : memref<1x512xf32, #tpu.memory_space<hbm>> -> memref<512xf32, #tpu.memory_space<hbm>>
      %dma_start3A_158 = tpu.memref_slice %arg3[%run_scoped3A_145, %mul3A_2] : memref<8x16384xf32, #tpu.memory_space<hbm>> -> memref<1x512xf32, #tpu.memory_space<hbm>>
      %dma_start3A_159 = tpu.memref_squeeze %dma_start3A_158 : memref<1x512xf32, #tpu.memory_space<hbm>> -> memref<512xf32, #tpu.memory_space<hbm>>
      %dma_start3A_160 = arith.constant 0 : i32
      %dma_start3A_161 = tpu.memref_slice %arg6[%run_scoped3A_144, %dma_start3A_160] : memref<8x512xf32, #tpu.memory_space<vmem>> -> memref<1x512xf32, #tpu.memory_space<vmem>>
      %dma_start3A_162 = tpu.memref_squeeze %dma_start3A_161 : memref<1x512xf32, #tpu.memory_space<vmem>> -> memref<512xf32, #tpu.memory_space<vmem>>
      tpu.enqueue_dma source(%dma_start3A_162 : memref<512xf32, #tpu.memory_space<vmem>>) target(%dma_start3A_159 : memref<512xf32, #tpu.memory_space<hbm>>) target_semaphore(%run_scoped3A_152 : memref<!tpu.dma_semaphore, #tpu.memory_space<semaphore_mem>>)
      %dma_wait3A_163 = arith.constant 0 : i32
      %dma_wait3A_164 = tpu.memref_slice %arg6[%run_scoped3A_144, %dma_wait3A_163] : memref<8x512xf32, #tpu.memory_space<vmem>> -> memref<1x512xf32, #tpu.memory_space<vmem>>
      %dma_wait3A_165 = tpu.memref_squeeze %dma_wait3A_164 : memref<1x512xf32, #tpu.memory_space<vmem>> -> memref<512xf32, #tpu.memory_space<vmem>>
      %dma_wait3A_166 = tpu.memref_slice %arg3[%run_scoped3A_145, %mul3A_2] : memref<8x16384xf32, #tpu.memory_space<hbm>> -> memref<1x512xf32, #tpu.memory_space<hbm>>
      %dma_wait3A_167 = tpu.memref_squeeze %dma_wait3A_166 : memref<1x512xf32, #tpu.memory_space<hbm>> -> memref<512xf32, #tpu.memory_space<hbm>>
      %dma_wait3A_168 = tpu.memref_slice %arg3[%run_scoped3A_145, %mul3A_2] : memref<8x16384xf32, #tpu.memory_space<hbm>> -> memref<1x512xf32, #tpu.memory_space<hbm>>
      %dma_wait3A_169 = tpu.memref_squeeze %dma_wait3A_168 : memref<1x512xf32, #tpu.memory_space<hbm>> -> memref<512xf32, #tpu.memory_space<hbm>>
      %dma_wait3A_170 = arith.constant 0 : i32
      %dma_wait3A_171 = tpu.memref_slice %arg6[%run_scoped3A_144, %dma_wait3A_170] : memref<8x512xf32, #tpu.memory_space<vmem>> -> memref<1x512xf32, #tpu.memory_space<vmem>>
      %dma_wait3A_172 = tpu.memref_squeeze %dma_wait3A_171 : memref<1x512xf32, #tpu.memory_space<vmem>> -> memref<512xf32, #tpu.memory_space<vmem>>
      tpu.wait_dma2 semaphore(%run_scoped3A_152 : memref<!tpu.dma_semaphore, #tpu.memory_space<semaphore_mem>>) src(%dma_wait3A_172 : memref<512xf32, #tpu.memory_space<vmem>>) dst(%dma_wait3A_169 : memref<512xf32, #tpu.memory_space<hbm>>)
      tpu.yield
    }) : () -> ()
    %run_scoped3A_146 = arith.constant 6 : i32
    %run_scoped3A_147 = arith.constant 6 : i32
    "tpu.region"() ({
      %run_scoped3A_152 = tpu.sem_alloc : memref<!tpu.dma_semaphore, #tpu.memory_space<semaphore_mem>>
      %dma_start3A_153 = arith.constant 0 : i32
      %dma_start3A_154 = tpu.memref_slice %arg7[%run_scoped3A_146, %dma_start3A_153] : memref<8x512xi32, #tpu.memory_space<vmem>> -> memref<1x512xi32, #tpu.memory_space<vmem>>
      %dma_start3A_155 = tpu.memref_squeeze %dma_start3A_154 : memref<1x512xi32, #tpu.memory_space<vmem>> -> memref<512xi32, #tpu.memory_space<vmem>>
      %dma_start3A_156 = tpu.memref_slice %arg4[%run_scoped3A_147, %mul3A_2] : memref<8x16384xi32, #tpu.memory_space<hbm>> -> memref<1x512xi32, #tpu.memory_space<hbm>>
      %dma_start3A_157 = tpu.memref_squeeze %dma_start3A_156 : memref<1x512xi32, #tpu.memory_space<hbm>> -> memref<512xi32, #tpu.memory_space<hbm>>
      %dma_start3A_158 = tpu.memref_slice %arg4[%run_scoped3A_147, %mul3A_2] : memref<8x16384xi32, #tpu.memory_space<hbm>> -> memref<1x512xi32, #tpu.memory_space<hbm>>
      %dma_start3A_159 = tpu.memref_squeeze %dma_start3A_158 : memref<1x512xi32, #tpu.memory_space<hbm>> -> memref<512xi32, #tpu.memory_space<hbm>>
      %dma_start3A_160 = arith.constant 0 : i32
      %dma_start3A_161 = tpu.memref_slice %arg7[%run_scoped3A_146, %dma_start3A_160] : memref<8x512xi32, #tpu.memory_space<vmem>> -> memref<1x512xi32, #tpu.memory_space<vmem>>
      %dma_start3A_162 = tpu.memref_squeeze %dma_start3A_161 : memref<1x512xi32, #tpu.memory_space<vmem>> -> memref<512xi32, #tpu.memory_space<vmem>>
      tpu.enqueue_dma source(%dma_start3A_162 : memref<512xi32, #tpu.memory_space<vmem>>) target(%dma_start3A_159 : memref<512xi32, #tpu.memory_space<hbm>>) target_semaphore(%run_scoped3A_152 : memref<!tpu.dma_semaphore, #tpu.memory_space<semaphore_mem>>)
      %dma_wait3A_163 = arith.constant 0 : i32
      %dma_wait3A_164 = tpu.memref_slice %arg7[%run_scoped3A_146, %dma_wait3A_163] : memref<8x512xi32, #tpu.memory_space<vmem>> -> memref<1x512xi32, #tpu.memory_space<vmem>>
      %dma_wait3A_165 = tpu.memref_squeeze %dma_wait3A_164 : memref<1x512xi32, #tpu.memory_space<vmem>> -> memref<512xi32, #tpu.memory_space<vmem>>
      %dma_wait3A_166 = tpu.memref_slice %arg4[%run_scoped3A_147, %mul3A_2] : memref<8x16384xi32, #tpu.memory_space<hbm>> -> memref<1x512xi32, #tpu.memory_space<hbm>>
      %dma_wait3A_167 = tpu.memref_squeeze %dma_wait3A_166 : memref<1x512xi32, #tpu.memory_space<hbm>> -> memref<512xi32, #tpu.memory_space<hbm>>
      %dma_wait3A_168 = tpu.memref_slice %arg4[%run_scoped3A_147, %mul3A_2] : memref<8x16384xi32, #tpu.memory_space<hbm>> -> memref<1x512xi32, #tpu.memory_space<hbm>>
      %dma_wait3A_169 = tpu.memref_squeeze %dma_wait3A_168 : memref<1x512xi32, #tpu.memory_space<hbm>> -> memref<512xi32, #tpu.memory_space<hbm>>
      %dma_wait3A_170 = arith.constant 0 : i32
      %dma_wait3A_171 = tpu.memref_slice %arg7[%run_scoped3A_146, %dma_wait3A_170] : memref<8x512xi32, #tpu.memory_space<vmem>> -> memref<1x512xi32, #tpu.memory_space<vmem>>
      %dma_wait3A_172 = tpu.memref_squeeze %dma_wait3A_171 : memref<1x512xi32, #tpu.memory_space<vmem>> -> memref<512xi32, #tpu.memory_space<vmem>>
      tpu.wait_dma2 semaphore(%run_scoped3A_152 : memref<!tpu.dma_semaphore, #tpu.memory_space<semaphore_mem>>) src(%dma_wait3A_172 : memref<512xi32, #tpu.memory_space<vmem>>) dst(%dma_wait3A_169 : memref<512xi32, #tpu.memory_space<hbm>>)
      tpu.yield
    }) : () -> ()
    %run_scoped3A_148 = arith.constant 7 : i32
    %run_scoped3A_149 = arith.constant 7 : i32
    "tpu.region"() ({
      %run_scoped3A_152 = tpu.sem_alloc : memref<!tpu.dma_semaphore, #tpu.memory_space<semaphore_mem>>
      %dma_start3A_153 = arith.constant 0 : i32
      %dma_start3A_154 = tpu.memref_slice %arg6[%run_scoped3A_148, %dma_start3A_153] : memref<8x512xf32, #tpu.memory_space<vmem>> -> memref<1x512xf32, #tpu.memory_space<vmem>>
      %dma_start3A_155 = tpu.memref_squeeze %dma_start3A_154 : memref<1x512xf32, #tpu.memory_space<vmem>> -> memref<512xf32, #tpu.memory_space<vmem>>
      %dma_start3A_156 = tpu.memref_slice %arg3[%run_scoped3A_149, %mul3A_2] : memref<8x16384xf32, #tpu.memory_space<hbm>> -> memref<1x512xf32, #tpu.memory_space<hbm>>
      %dma_start3A_157 = tpu.memref_squeeze %dma_start3A_156 : memref<1x512xf32, #tpu.memory_space<hbm>> -> memref<512xf32, #tpu.memory_space<hbm>>
      %dma_start3A_158 = tpu.memref_slice %arg3[%run_scoped3A_149, %mul3A_2] : memref<8x16384xf32, #tpu.memory_space<hbm>> -> memref<1x512xf32, #tpu.memory_space<hbm>>
      %dma_start3A_159 = tpu.memref_squeeze %dma_start3A_158 : memref<1x512xf32, #tpu.memory_space<hbm>> -> memref<512xf32, #tpu.memory_space<hbm>>
      %dma_start3A_160 = arith.constant 0 : i32
      %dma_start3A_161 = tpu.memref_slice %arg6[%run_scoped3A_148, %dma_start3A_160] : memref<8x512xf32, #tpu.memory_space<vmem>> -> memref<1x512xf32, #tpu.memory_space<vmem>>
      %dma_start3A_162 = tpu.memref_squeeze %dma_start3A_161 : memref<1x512xf32, #tpu.memory_space<vmem>> -> memref<512xf32, #tpu.memory_space<vmem>>
      tpu.enqueue_dma source(%dma_start3A_162 : memref<512xf32, #tpu.memory_space<vmem>>) target(%dma_start3A_159 : memref<512xf32, #tpu.memory_space<hbm>>) target_semaphore(%run_scoped3A_152 : memref<!tpu.dma_semaphore, #tpu.memory_space<semaphore_mem>>)
      %dma_wait3A_163 = arith.constant 0 : i32
      %dma_wait3A_164 = tpu.memref_slice %arg6[%run_scoped3A_148, %dma_wait3A_163] : memref<8x512xf32, #tpu.memory_space<vmem>> -> memref<1x512xf32, #tpu.memory_space<vmem>>
      %dma_wait3A_165 = tpu.memref_squeeze %dma_wait3A_164 : memref<1x512xf32, #tpu.memory_space<vmem>> -> memref<512xf32, #tpu.memory_space<vmem>>
      %dma_wait3A_166 = tpu.memref_slice %arg3[%run_scoped3A_149, %mul3A_2] : memref<8x16384xf32, #tpu.memory_space<hbm>> -> memref<1x512xf32, #tpu.memory_space<hbm>>
      %dma_wait3A_167 = tpu.memref_squeeze %dma_wait3A_166 : memref<1x512xf32, #tpu.memory_space<hbm>> -> memref<512xf32, #tpu.memory_space<hbm>>
      %dma_wait3A_168 = tpu.memref_slice %arg3[%run_scoped3A_149, %mul3A_2] : memref<8x16384xf32, #tpu.memory_space<hbm>> -> memref<1x512xf32, #tpu.memory_space<hbm>>
      %dma_wait3A_169 = tpu.memref_squeeze %dma_wait3A_168 : memref<1x512xf32, #tpu.memory_space<hbm>> -> memref<512xf32, #tpu.memory_space<hbm>>
      %dma_wait3A_170 = arith.constant 0 : i32
      %dma_wait3A_171 = tpu.memref_slice %arg6[%run_scoped3A_148, %dma_wait3A_170] : memref<8x512xf32, #tpu.memory_space<vmem>> -> memref<1x512xf32, #tpu.memory_space<vmem>>
      %dma_wait3A_172 = tpu.memref_squeeze %dma_wait3A_171 : memref<1x512xf32, #tpu.memory_space<vmem>> -> memref<512xf32, #tpu.memory_space<vmem>>
      tpu.wait_dma2 semaphore(%run_scoped3A_152 : memref<!tpu.dma_semaphore, #tpu.memory_space<semaphore_mem>>) src(%dma_wait3A_172 : memref<512xf32, #tpu.memory_space<vmem>>) dst(%dma_wait3A_169 : memref<512xf32, #tpu.memory_space<hbm>>)
      tpu.yield
    }) : () -> ()
    %run_scoped3A_150 = arith.constant 7 : i32
    %run_scoped3A_151 = arith.constant 7 : i32
    "tpu.region"() ({
      %run_scoped3A_152 = tpu.sem_alloc : memref<!tpu.dma_semaphore, #tpu.memory_space<semaphore_mem>>
      %dma_start3A_153 = arith.constant 0 : i32
      %dma_start3A_154 = tpu.memref_slice %arg7[%run_scoped3A_150, %dma_start3A_153] : memref<8x512xi32, #tpu.memory_space<vmem>> -> memref<1x512xi32, #tpu.memory_space<vmem>>
      %dma_start3A_155 = tpu.memref_squeeze %dma_start3A_154 : memref<1x512xi32, #tpu.memory_space<vmem>> -> memref<512xi32, #tpu.memory_space<vmem>>
      %dma_start3A_156 = tpu.memref_slice %arg4[%run_scoped3A_151, %mul3A_2] : memref<8x16384xi32, #tpu.memory_space<hbm>> -> memref<1x512xi32, #tpu.memory_space<hbm>>
      %dma_start3A_157 = tpu.memref_squeeze %dma_start3A_156 : memref<1x512xi32, #tpu.memory_space<hbm>> -> memref<512xi32, #tpu.memory_space<hbm>>
      %dma_start3A_158 = tpu.memref_slice %arg4[%run_scoped3A_151, %mul3A_2] : memref<8x16384xi32, #tpu.memory_space<hbm>> -> memref<1x512xi32, #tpu.memory_space<hbm>>
      %dma_start3A_159 = tpu.memref_squeeze %dma_start3A_158 : memref<1x512xi32, #tpu.memory_space<hbm>> -> memref<512xi32, #tpu.memory_space<hbm>>
      %dma_start3A_160 = arith.constant 0 : i32
      %dma_start3A_161 = tpu.memref_slice %arg7[%run_scoped3A_150, %dma_start3A_160] : memref<8x512xi32, #tpu.memory_space<vmem>> -> memref<1x512xi32, #tpu.memory_space<vmem>>
      %dma_start3A_162 = tpu.memref_squeeze %dma_start3A_161 : memref<1x512xi32, #tpu.memory_space<vmem>> -> memref<512xi32, #tpu.memory_space<vmem>>
      tpu.enqueue_dma source(%dma_start3A_162 : memref<512xi32, #tpu.memory_space<vmem>>) target(%dma_start3A_159 : memref<512xi32, #tpu.memory_space<hbm>>) target_semaphore(%run_scoped3A_152 : memref<!tpu.dma_semaphore, #tpu.memory_space<semaphore_mem>>)
      %dma_wait3A_163 = arith.constant 0 : i32
      %dma_wait3A_164 = tpu.memref_slice %arg7[%run_scoped3A_150, %dma_wait3A_163] : memref<8x512xi32, #tpu.memory_space<vmem>> -> memref<1x512xi32, #tpu.memory_space<vmem>>
      %dma_wait3A_165 = tpu.memref_squeeze %dma_wait3A_164 : memref<1x512xi32, #tpu.memory_space<vmem>> -> memref<512xi32, #tpu.memory_space<vmem>>
      %dma_wait3A_166 = tpu.memref_slice %arg4[%run_scoped3A_151, %mul3A_2] : memref<8x16384xi32, #tpu.memory_space<hbm>> -> memref<1x512xi32, #tpu.memory_space<hbm>>
      %dma_wait3A_167 = tpu.memref_squeeze %dma_wait3A_166 : memref<1x512xi32, #tpu.memory_space<hbm>> -> memref<512xi32, #tpu.memory_space<hbm>>
      %dma_wait3A_168 = tpu.memref_slice %arg4[%run_scoped3A_151, %mul3A_2] : memref<8x16384xi32, #tpu.memory_space<hbm>> -> memref<1x512xi32, #tpu.memory_space<hbm>>
      %dma_wait3A_169 = tpu.memref_squeeze %dma_wait3A_168 : memref<1x512xi32, #tpu.memory_space<hbm>> -> memref<512xi32, #tpu.memory_space<hbm>>
      %dma_wait3A_170 = arith.constant 0 : i32
      %dma_wait3A_171 = tpu.memref_slice %arg7[%run_scoped3A_150, %dma_wait3A_170] : memref<8x512xi32, #tpu.memory_space<vmem>> -> memref<1x512xi32, #tpu.memory_space<vmem>>
      %dma_wait3A_172 = tpu.memref_squeeze %dma_wait3A_171 : memref<1x512xi32, #tpu.memory_space<vmem>> -> memref<512xi32, #tpu.memory_space<vmem>>
      tpu.wait_dma2 semaphore(%run_scoped3A_152 : memref<!tpu.dma_semaphore, #tpu.memory_space<semaphore_mem>>) src(%dma_wait3A_172 : memref<512xi32, #tpu.memory_space<vmem>>) dst(%dma_wait3A_169 : memref<512xi32, #tpu.memory_space<hbm>>)
      tpu.yield
    }) : () -> ()
    return
  }
}

</mosaic_0001>

<sc_bundles>
// kernel: kernel.3.cloned.1.call-start
scs
__scs_entry_jumppad:
0x0: {  	(pc) =	sbr.rel $0x88, $3  }
0x1: {  	(tag) =	ssettag $0x0;
	lr =	simm.s32 $0x1  }
0x2: {  	[smem:$0x3FA0] =	sst lr;
	_ =	strace $0xD0000000  }
0x3: {  	_ = 	snop  }
0x4: {  	_ = 	snop  }
0x5: {  	_ = 	snop  }
0x6: {  	_ = 	snop  }
0x7: {  	_ = 	snop  }
__scs_overlays_trampoline_lowered:
0x8: {  	[smem:$0x3FAF] =	sst s0  }
0x9: {  	[smem:$0x3FB0] =	sst s1  }
0xa: {  	[smem:$0x3FB1] =	sst s2  }
0xb: {  	[smem:$0x3FB2] =	sst s3  }
0xc: {  	[smem:$0x3FB3] =	sst s4  }
0xd: {  	[smem:$0x3FB4] =	sst s5  }
0xe: {  	[smem:$0x3FB5] =	sst s6  }
0xf: {  	[smem:$0x3FB6] =	sst s7  }
0x10: {  	[smem:$0x3FB7] =	sst s8  }
0x11: {  	[smem:$0x3FB8] =	sst s9;
	s0 =	simm.s32 @!p0 $0x0  }
0x12: {  	s1 =	sld [smem:$0x3F9E];
	s0 =	simm.s32 @p0 $0x1  }
0x13: {  	[smem:$0x3FB9] =	sst s0;
	s0 =	simm.s32 @!p1 $0x0  }
0x14: {  	s2 =	sld [smem:$0x3F9D];
	s0 =	simm.s32 @p1 $0x1  }
0x15: {  	[smem:$0x3FBA] =	sst s0;
	s0 =	simm.s32 @!p2 $0x0  }
0x16: {  	s3 =	sld [smem:$0x3FDB];
	s0 =	simm.s32 @p2 $0x1  }
0x17: {  	s4 =	simm.s32 $0x1BF5;
	[smem:$0x3FBC] =	sst s0  }
0x18: {  	s0 =	sld [smem:$0x3F9F];
	_ =	swait.ge [sflag:s4], $0x0  }
0x19: {  	s7 =	sld [smem:$0x3FA0]  }
0x1a: {  	s8 =	sadd.s32 $0xFFFFE003, lr  }
0x1b: {  	s9 =	sadd.s32 $0xFFFFFEF7, lr;
	s5 =	simm.s32 $0xFFFFFFFF;
	p2 =	slt.u32 s8, $0xFFFFF086  }
0x1c: {  	p1 =	slt.u32 s9, $0xF7A;
	s5 =	simm.s32 @!p2 $0x0  }
0x1d: {  	s5 =	simm.s32 @p1 $0x1;
	p0 =	seq.s32 s7, s2  }
0x1e: {  	s7 =	smul.u32 @!p0 $0xF7A, s2;
	p2 =	seq.s32 @!p0 s5, $0x0  }
0x1f: {  	s9 =	smul.u32 $0xF7A, s1;
	s8 =	simm.s32 @!p0 $0x1BF5;
	p2 =	por !p2, p0  }
0x20: {  	[sflag:s8] =	ssyncset.s32 @!p0 $0xFFFFF086;
	s6 =	sadd.s32 @!p0 s3, s7;
	s7 =	simm.s32 @!p0 $0x108  }
0x21: {  	s3 =	sadd.s32 s3, s9;
	s6 =	sadd.s32 @!p0 $0x88, s6;
	s7 =	simm.s32 @p2 $0x1082  }
0x22: {  	[simem:s7], [sflag:s8] =	dma.local @!p0 [hbm:s6], $0xF7A  }
0x23: {  	s9 =	sor.u32 $0xD0000000, s2;
	s6 =	simm.s32 $0x108;
	_ =	swait.ge @!p0 [sflag:s8], $0x0  }
0x24: {  	s3 =	sadd.s32 $0x88, s3;
	s6 =	simm.s32 @!p1 $0x1082;
	[sflag:s4] =	ssyncset.s32 $0xFFFFF086  }
0x25: {  	[simem:s6], [sflag:s4] =	dma.local [hbm:s3], $0xF7A  }
0x26: {  	[smem:$0x3FA0] =	sst s1;
	(tag) =	ssettag s2;
	_ =	strace s9  }
0x27: {  	s1 =	sld [smem:$0x3FB0]  }
0x28: {  	s2 =	sld [smem:$0x3FB1]  }
0x29: {  	s4 =	sld [smem:$0x3FB3]  }
0x2a: {  	p0 =	seq.s32 s5, $0x0;
	s5 =	sld [smem:$0x3FB4]  }
0x2b: {  	s6 =	sld [smem:$0x3FB5]  }
0x2c: {  	s7 =	sld [smem:$0x3FB6]  }
0x2d: {  	s3 =	simm.s32 $0x108;
	s8 =	sld [smem:$0x3FB7]  }
0x2e: {  	s3 =	simm.s32 @!p0 $0x1082;
	s9 =	sld [smem:$0x3FB8]  }
0x2f: {  	lr =	sadd.s32 s0, s3;
	s0 =	sld [smem:$0x3FAF]  }
0x30: {  	s3 =	sld [smem:$0x3FB2]  }
0x31: {  	[smem:$0x3FBB] =	sst s10  }
0x32: {  	s10 =	sld [smem:$0x3FB9];
	_ =	sdelay $0x3  }
0x33: {  	p0 =	seq.s32 s10, $0x1;
	s10 =	sld [smem:$0x3FBB];
	_ =	sdelay $0x3  }
0x34: {  	[smem:$0x3FBB] =	sst s10  }
0x35: {  	s10 =	sld [smem:$0x3FBA];
	_ =	sdelay $0x3  }
0x36: {  	p1 =	seq.s32 s10, $0x1;
	s10 =	sld [smem:$0x3FBB];
	_ =	sdelay $0x3  }
0x37: {  	[smem:$0x3FBB] =	sst s10  }
0x38: {  	s10 =	sld [smem:$0x3FBC]  }
0x39: {  	_ = 	snop;
	(pc) =	sbr.ind lr, $3  }
0x3a: {  	_ = 	snop  }
0x3b: {  	_ = 	snop  }
0x3c: {  	p2 =	seq.s32 s10, $0x1;
	s10 =	sld [smem:$0x3FBB]  }
0x3d: {  	_ =	shalt  }
0x3e: {  	_ =	shalt  }
0x3f: {  	_ =	shalt  }
0x40: {  	_ =	shalt  }
0x41: {  	_ =	shalt  }
0x42: {  	_ =	shalt  }
0x43: {  	_ =	shalt  }
0x44: {  	_ =	shalt  }
0x45: {  	_ =	shalt  }
0x46: {  	_ =	shalt  }
0x47: {  	_ =	shalt  }
0x48: {  	_ =	shalt  }
0x49: {  	_ =	shalt  }
0x4a: {  	_ =	shalt  }
0x4b: {  	_ =	shalt  }
0x4c: {  	_ =	shalt  }
0x4d: {  	_ =	shalt  }
0x4e: {  	_ =	shalt  }
0x4f: {  	_ =	shalt  }
0x50: {  	_ =	shalt  }
0x51: {  	_ =	shalt  }
0x52: {  	_ =	shalt  }
0x53: {  	_ =	shalt  }
0x54: {  	_ =	shalt  }
0x55: {  	_ =	shalt  }
0x56: {  	_ =	shalt  }
0x57: {  	_ =	shalt  }
0x58: {  	_ =	shalt  }
0x59: {  	_ =	shalt  }
0x5a: {  	_ =	shalt  }
0x5b: {  	_ =	shalt  }
0x5c: {  	_ =	shalt  }
0x5d: {  	_ =	shalt  }
0x5e: {  	_ =	shalt  }
0x5f: {  	_ =	shalt  }
0x60: {  	_ =	shalt  }
0x61: {  	_ =	shalt  }
0x62: {  	_ =	shalt  }
0x63: {  	_ =	shalt  }
0x64: {  	_ =	shalt  }
0x65: {  	_ =	shalt  }
0x66: {  	_ =	shalt  }
0x67: {  	_ =	shalt  }
0x68: {  	_ =	shalt  }
0x69: {  	_ =	shalt  }
0x6a: {  	_ =	shalt  }
0x6b: {  	_ =	shalt  }
0x6c: {  	_ =	shalt  }
0x6d: {  	_ =	shalt  }
0x6e: {  	_ =	shalt  }
0x6f: {  	_ =	shalt  }
0x70: {  	_ =	shalt  }
0x71: {  	_ =	shalt  }
0x72: {  	_ =	shalt  }
0x73: {  	_ =	shalt  }
0x74: {  	_ =	shalt  }
0x75: {  	_ =	shalt  }
0x76: {  	_ =	shalt  }
0x77: {  	_ =	shalt  }
0x78: {  	_ =	shalt  }
0x79: {  	_ =	shalt  }
0x7a: {  	_ =	shalt  }
0x7b: {  	_ =	shalt  }
0x7c: {  	_ =	shalt  }
0x7d: {  	_ =	shalt  }
0x7e: {  	_ =	shalt  }
0x7f: {  	_ =	shalt  }
0x80: {  	_ =	shalt  }
0x81: {  	_ =	shalt  }
0x82: {  	_ =	shalt  }
0x83: {  	_ =	shalt  }
0x84: {  	_ =	shalt  }
0x85: {  	_ =	shalt  }
0x86: {  	_ =	shalt  }
0x87: {  	_ =	shalt  }
.Lfunc_end0:
.L_simem_size_0:
called_computation_lowered:
.L_overlay_start_0:
0x88: {  	s2 =	sld [smem:$0x3FD9]  }
0x89: {  	s3 =	sld [smem:$0x3FFE];
	_ =	sdelay $0x1  }
0x8a: {  	s1 =	srdreg.scid  }
0x8b: {  	s0 =	sand.u32 $0x1, s1  }
0x8c: {  	s14 =	sshll.u32 s0, $0xA;
	s2 =	sadd.s32 s3, s2  }
0x8d: {  	s2 =	sadd.s32 s2, s14  }
0x8e: {  	[smem:$0x3FC7] =	sst s2  }
0x8f: {  	_ = 	snop  }
0x90: {  	s2 =	sld [smem:$0x3FD0];
	_ =	sdelay $0x2  }
0x91: {  	s15 =	simm.s32 $0xA;
	s4 =	simm.s32 $0x10  }
0x92: {  	[smem:s4], [sflag:s15] =	dma.local [hbm:s2], $0x1  }
0x93: {  	_ =	swait.eq [sflag:s15], $0x1  }
0x94: {  	[sflag:s15] =	ssyncset.done $0x0  }
0x95: {  	s16 =	sld [smem:$0x10];
	[sflag:s15] =	ssyncadd.s32 $0xFFFFFFFF  }
0x96: {  	s17 =	sld [smem:$0x11];
	(tm) =	ssettm $0x1  }
0x97: {  	s18 =	sld [smem:$0x3FFB];
	_ =	sdelay $0x3  }
0x98: {  	_ =	strace s18  }
0x99: {  	s4 =	sld [smem:$0x3FFC];
	_ =	sdelay $0x3  }
0x9a: {  	_ =	strace s4  }
0x9b: {  	s4 =	sld [smem:$0x3FFD];
	_ =	sdelay $0x3  }
0x9c: {  	_ =	strace s4  }
0x9d: {  	_ =	strace $0x8FFFFFFF  }
0x9e: {  	s19 =	sld [smem:$0x3FDB];
	_ =	sdelay $0x1  }
0x9f: {  	s5 =	simm.s32 $_scs_section_size  }
0xa0: {  	s6 =	simm.s32 $_size__tile_overlayer_lowered;
	s7 =	simm.s32 $_tile_overlayer_lowered  }
0xa1: {  	s22 =	simm.s32 $0x1BFF;
	s21 =	sshll.u32 s7, $0x1;
	s4 =	sadd.s32 s5, s19  }
0xa2: {  	s8 =	simm.s32 $0x0;
	s20 =	sshll.u32 s6, $0x1;
	s6 =	sadd.s32 s21, s4  }
0xa3: {  	[timem:s8], [sflag:s22] =	dma.local [hbm:s6], s20  }
0xa4: {  	_ =	swait.ge [sflag:s22], s20  }
0xa5: {  	s5 =	ssub.s32 $0x0, s20;
	[sflag:s22] =	ssyncset.done $0x0  }
0xa6: {  	[sflag:s22] =	ssyncadd.s32 s5;
	_ =	sdelay $0x1  }
0xa7: {  	s23 =	simm.s32 $0x1B8B  }
0xa8: {  	_ =	swait.ge [sflag:s23], $0x1  }
0xa9: {  	[sflag:s23] =	ssyncset.done $0x0  }
0xaa: {  	s25 =	simm.s32 $0x1B8E;
	s24 =	sld [smem:$0x3FFE];
	[sflag:s23] =	ssyncadd.s32 $0xFFFFFFFF  }
0xab: {  	s26 =	simm.s32 $execute0_lowered;
	[smem:$0x3FD2] =	sst s25  }
0xac: {  	s6 =	sshll.u32 s26, $0x1;
	_ =	strace $0x80000046;
	[dreg:$0x1] =	wrdreg $0xFFFFFFFF  }
0xad: {  	s28 =	simm.s32 $_size_execute0_lowered;
	s4 =	sadd.s32 s4, s6;
	[dreg:$0x0] =	wrdreg $0x0  }
0xae: {  	s6 =	sshll.u32 s28, $0x1;
	[dreg:$0x2] =	wrdreg s4  }
0xaf: {  	[dreg:$0x3] =	wrdreg s6  }
0xb0: {  	[dreg:$0x4] =	wrdreg $0xC0  }
0xb1: {  	_ =	task [dreg:s8], $0x5FFFF  }
0xb2: {  	[dreg:$0x1] =	wrdreg $0xFFFFFFFF  }
0xb3: {  	[dreg:$0x0] =	wrdreg $0x60  }
0xb4: {  	[dreg:$0x2] =	wrdreg s24  }
0xb5: {  	[dreg:$0x3] =	wrdreg s16  }
0xb6: {  	[dreg:$0x4] =	wrdreg s17  }
0xb7: {  	[dreg:$0x5] =	wrdreg $0x9  }
0xb8: {  	_ =	task.clear_ibuf [dreg:s8], $0x6FFFF;
	_ =	strace $0x90000046  }
0xb9: {  	s29 =	simm.s32 $0x9;
	_ =	strace $0x80000048  }
0xba: {  	_ =	swait.ge [sflag:s29], $0x1  }
0xbb: {  	[sflag:s29] =	ssyncadd.s32 $0xFFFFFFFF  }
0xbc: {  	_ =	strace $0x90000048  }
0xbd: {  	_ =	sfence  }
0xbe: {  	s30 =	sld [smem:$0x0];
	_ =	sdelay $0x2  }
0xbf: {  	s31 =	sshll.u32 s1, $0xD;
	s1 =	sshrl.u32 s1, $0x2  }
0xc0: {  	s3 =	sand.u32 $0x4000, s31;
	s1 =	sadd.s32 s1, s30  }
0xc1: {  	s0 =	sor.u32 s3, s0;
	s1 =	sshll.u32 s1, $0x11  }
0xc2: {  	s0 =	sor.u32 s1, s0  }
0xc3: {  	s0 =	sadd.s32 $0x8F2B, s0  }
0xc4: {  	[sflag:s0] =	ssyncadd.remote.s32 $0x1  }
0xc5: {  	_ =	sfence.sel $0xFFFF  }
0xc6: {  	[dreg:$0x0] =	wrdreg $0xFFFFFFFF;
	(pc) =	sbr.abs _section_cstart, $3  }
0xc7: {  	[dreg:$0x1] =	wrdreg $0xFFFFFFFF  }
0xc8: {  	_ =	task.clear_ibuf [dreg:s8], $0x2FFFF;
	_ =	strace $0x9FFFFFFF  }
0xc9: {  	(tm) =	ssettm $0x7FFFFFFF  }
tec
execute0_lowered:
.L_overlay_start_1:
0x0: {  	(tag) =	ssettag $0x1  }
0x1: {  	v0 =	vlaneseq.u32;
	v2 =	vimm.s32 $0xEFCDAB89  }
0x2: {  	v5 =	vimm.s32 $0x67452301;
	vm0 =	vcmask $0xB08;
	vm3 =	vcmask $0x300  }
0x3: {  	v6 =	vimm.s32 $0xFDEBC9A7;
	v4 =	vunpack.c.l.s4.s8 v2;
	v5 =	vunpack.c.l.s4.s8 v5  }
0x4: {  	vm1 =	vcmask $0x1310;
	v7 =	vimm.s32 $0x85634120;
	vm5 =	vcmask $0x704  }
0x5: {  	s0 =	rddreg [dreg:$0x0];
	vm11 =	vcmask $0xF0C;
	v4 =	vunpack.c.0.s8.s32 v4;
	v5 =	vunpack.c.0.s8.s32 v5  }
0x6: {  	s1 =	srdreg.scid;
	s3 =	rddreg [dreg:$0x1];
	vm12 =	vcmask $0x1714;
	vm13 =	vcmask $0x3330;
	vm7 =	vcmask $0x1F1C  }
0x7: {  	s2 =	stileid.u32;
	s4 =	rddreg [dreg:$0x2];
	v6 =	vunpack.c.l.s4.s8 v6;
	v5 =	vcombine.low v5, v4;
	v4 =	vunpack.c.l.s4.s8 v7  }
0x8: {  	s28 =	simm.s32 $0x11000;
	vm14 =	vcmask $0x338;
	vm8 =	vcmask $0x2724;
	s1 =	sand.u32 $0x1, s1;
	s5 =	sshll.u32 s2, $0xA;
	v7 =	vimm.s32 $0x1380  }
0x9: {  	s2 =	simm.s32 $0x0;
	s6 =	sshll.u32 s1, $0x9;
	s1 =	ssub.s32 $0x2, s1;
	v6 =	vunpack.c.0.s8.s32 v6;
	v7 =	vsel vm3, $0x0, v7;
	v4 =	vunpack.c.0.s8.s32 v4  }
0xa: {  	vm9 =	vcmask $0x3B38;
	vm15 =	vcmask $0x2F2C;
	[smem:$0x7FF] =	sst s2;
	s19 =	sor.u32 s6, s5;
	s22 =	sshrl.u32 s1, $0x1;
	v7 =	vsel vm5, $0x80, v7  }
0xb: {  	v1 =	vor.u32 $0x10, v0;
	_ =	strace $0x80000047;
	s5 =	sshll.u32 s19, $0x4;
	s1 =	ssub.s32 s1, s22;
	v6 =	vcombine.low v4, v6;
	v4 =	vsel vm0, $0x100, v7  }
0xc: {  	vm2 =	vmor vm3, vm0;
	s26 =	sor.u32 $0x10, s19;
	s7 =	sadd.s32 s3, s19;
	s8 =	sadd.s32 s4, s19;
	v7 =	vmul.u32 $0xFFFFFFFF, v0;
	v4 =	vsel vm11, $0x180, v4  }
0xd: {  	v2 =	vor.u32 $0x20, v0;
	vm4 =	vmor vm2, vm1;
	s29 =	sor.u32 $0x20, s19;
	s14 =	sor.u32 $0x30, s19;
	s30 =	sor.u32 $0x40, s19;
	v8 =	vsel vm1, $0x200, v4  }
0xe: {  	vm2 =	vcmask $0x1B18;
	s18 =	sor.u32 $0x50, s19;
	s31 =	sor.u32 $0x60, s19;
	s22 =	sor.u32 $0x70, s19;
	v4 =	vadd.s32 $0xF, v7;
	v7 =	vsel vm12, $0x280, v8  }
0xf: {  	vm4 =	vmor vm4, vm2;
	s0 =	sadd.s32 s5, s0;
	s9 =	sadd.s32 s3, s26;
	s10 =	sadd.s32 s4, s26;
	vm3 =	vcmask $0x2320;
	v7 =	vsel vm2, $0x300, v7  }
0x10: {  	v3 =	vor.u32 $0x30, v0;
	s11 =	sadd.s32 s3, s29;
	s12 =	sadd.s32 s4, s29;
	s13 =	sadd.s32 s3, s14;
	vm6 =	vmor vm4, vm3;
	v7 =	vsel vm7, $0x380, v7  }
0x11: {  	s14 =	sadd.s32 s4, s14;
	s15 =	sadd.s32 s3, s30;
	s16 =	sadd.s32 s4, s30;
	vm4 =	vcmask $0x2B28;
	v5 =	vand.u32 $0xF, v5;
	v7 =	vsel vm3, $0x1000, v7  }
0x12: {  	s17 =	sadd.s32 s3, s18;
	s18 =	sadd.s32 s4, s18;
	s19 =	sadd.s32 s3, s31;
	vm6 =	vmor vm6, vm4;
	vm0 =	vmor vm14, vm0;
	v7 =	vsel vm8, $0x1080, v7  }
0x13: {  	s20 =	sadd.s32 s4, s31;
	s21 =	sadd.s32 s3, s22;
	s23 =	sadd.s32 $0x800, s0;
	vm6 =	vmor vm6, vm13;
	vm1 =	vmor vm0, vm1;
	v7 =	vsel vm4, $0x1100, v7  }
0x14: {  	s22 =	sadd.s32 s4, s22;
	s24 =	sadd.s32 $0x1000, s0;
	[dreg:$0x4] =	wrdreg s23;
	vm0 =	vmor vm6, vm9;
	vm1 =	vmor vm1, vm2;
	v7 =	vsel vm15, $0x1180, v7  }
0x15: {  	s26 =	simm.s32 $0x10000;
	s25 =	sadd.s32 $0x1800, s0;
	[dreg:$0x5] =	wrdreg s24;
	vm1 =	vmor vm1, vm3;
	vm2 =	vcmask $0x3734;
	v7 =	vsel vm13, $0x1200, v7  }
0x16: {  	s6 =	sadd.s32 $0x2000, s0;
	s0 =	simm.s32 $0x0;
	[dreg:$0x6] =	wrdreg s25;
	v6 =	vand.u32 $0xF, v6;
	vm1 =	vmor vm1, vm4;
	v7 =	vsel vm2, $0x1280, v7  }
0x17: {  	s23 =	smax.u32 s1, $0x1;
	s24 =	simm.s32 $0x1;
	s25 =	simm.s32 $0x2;
	vm1 =	vmor vm1, vm13;
	vm2 =	vmmov $0xff;
	v7 =	vsel vm9, $0x1300, v7  }
.LBB2_1:
0x18: {  	s1 =	rddreg [dreg:$0x4]  }
0x19: {  	[tilespmem:s2], [sflag:$0x1] =	stream.linear.gather [hbm4b:s1+s2], $0x4000, $0x38;
	[tilespmem:$0x12000] =	vst v63  }
0x1a: {  	_ =	swait.ge [sflag:s24], $0x4000  }
0x1b: {  	[sflag:s24] =	ssyncset.done $0x0  }
0x1c: {  	s3 =	simm.s32 $0x4000;
	s5 =	rddreg [dreg:$0x5];
	[sflag:s24] =	ssyncadd.s32 $0xFFFFC000  }
0x1d: {  	[tilespmem:s3], [sflag:$0x1] =	stream.linear.gather [hbm4b:s5+s2], $0x4000, $0x38;
	[tilespmem:$0x12000] =	vst v63  }
0x1e: {  	s3 =	simm.s32 $0x100  }
0x1f: {  	v8 =	vld [tilespmem:s3+$0x90]  }
0x20: {  	v9 =	vld [tilespmem:s3+$0xB0]  }
0x21: {  	v10 =	vld [tilespmem:s3+$0xFFFFFF30]  }
0x22: {  	v11 =	vld [tilespmem:s3+$0xA0];
	_ =	sdelay $0x1  }
0x23: {  	v12 =	vld [tilespmem:s3+$0xFFFFFFB0];
	(xrf1) =	vsort.dscd.msk.f32 $0xffff, v8, v1  }
0x24: {  	v8 =	vld [tilespmem:s3+$0x80];
	(xrf1) =	vsort.dscd.msk.f32 $0xffff, v9, v3  }
0x25: {  	(xrf1) =	vsort.dscd.msk.f32 $0xffff, v10, v3  }
0x26: {  	v9 =	vld [tilespmem:s3+$0x30];
	(xrf1) =	vsort.dscd.msk.f32 $0xffff, v11, v2  }
0x27: {  	v10 =	vld [tilespmem:s3+$0xFFFFFF10]  }
0x28: {  	v11 =	vld [tilespmem:s3+$0xFFFFFF20];
	(xrf1) =	vsort.dscd.msk.f32 $0xffff, v12, v3  }
0x29: {  	(xrf1) =	vsort.dscd.msk.f32 $0xffff, v8, v0;
	v8 =	vld [tilespmem:s3+$0xFFFFFF90]  }
0x2a: {  	v12 =	vld [tilespmem:s3+$0xFFFFFFA0]  }
0x2b: {  	v13 =	vld [tilespmem:s3+$0x10];
	(xrf1) =	vsort.dscd.msk.f32 $0xffff, v9, v3  }
0x2c: {  	v9 =	vld [tilespmem:s3+$0x20];
	(xrf1) =	vsort.dscd.msk.f32 $0xffff, v10, v1  }
0x2d: {  	(xrf1) =	vsort.dscd.msk.f32 $0xffff, v11, v2  }
0x2e: {  	(xrf1) =	vsort.dscd.msk.f32 $0xffff, v8, v1  }
0x2f: {  	v8 =	vld [tilespmem:s3+$0xFFFFFF00];
	(xrf1) =	vsort.dscd.msk.f32 $0xffff, v12, v2  }
0x30: {  	(xrf1) =	vsort.dscd.msk.f32 $0xffff, v13, v1  }
0x31: {  	v10 =	vld [tilespmem:s3+$0xFFFFFF80];
	(xrf1) =	vsort.dscd.msk.f32 $0xffff, v9, v2;
	v9, v11, _ =	vpop (xrf1)  }
0x32: {  	v12, v13, _ =	vpop (xrf1)  }
0x33: {  	v12 =	vperm.xlane v12, v4;
	v15, v16, _ =	vpop (xrf1)  }
0x34: {  	v14 =	vld [tilespmem:s3+$0x0];
	(xrf1) =	vsort.dscd.msk.f32 $0xffff, v8, v0;
	v8 =	vperm.xlane v13, v4;
	v13, v17, _ =	vpop (xrf1)  }
0x35: {  	v9 =	vperm.xlane v9, v4;
	vm3 =	vge.f32 v13, v12  }
0x36: {  	(xrf1) =	vsort.dscd.msk.f32 $0xffff, v10, v0;
	v18, v19, _ =	vpop (xrf1);
	v10 =	vmax.f32 v13, v12;
	v8 =	vsel vm3, v17, v8  }
0x37: {  	v11 =	vperm.xlane v11, v4;
	v12, v13, _ =	vpop (xrf1);
	(xrf1) =	vsort.dscd.msk.f32 $0xffff, v10, v8  }
0x38: {  	vm3 =	vge.f32 v12, v9  }
0x39: {  	v8 =	vmax.f32 v12, v9;
	(xrf1) =	vsort.dscd.msk.f32 $0xffff, v14, v0;
	v9 =	vsel vm3, v13, v11  }
0x3a: {  	(xrf1) =	vsort.dscd.msk.f32 $0xffff, v8, v9;
	_ =	sdelay $0x1  }
0x3b: {  	v10, v11, _ =	vpop (xrf1)  }
0x3c: {  	v16 =	vperm.xlane v16, v4;
	v8, v9, _ =	vpop (xrf1)  }
0x3d: {  	v18 =	vperm.xlane v18, v4;
	v14 =	vperm.xlane v15, v4;
	v12, v13, _ =	vpop (xrf1)  }
0x3e: {  	v19 =	vperm.xlane v19, v4;
	v10 =	vperm.xlane v10, v4;
	v15, v17, _ =	vpop (xrf1)  }
0x3f: {  	v11 =	vperm.xlane v11, v4;
	v8 =	vperm.xlane v8, v4;
	vm3 =	vge.f32 v12, v14;
	v20, v21, _ =	vpop (xrf1)  }
0x40: {  	v9 =	vperm.xlane v9, v4;
	v12 =	vmax.f32 v12, v14;
	v13 =	vsel vm3, v13, v16;
	v22, v23, _ =	vpop (xrf1)  }
0x41: {  	v15 =	vperm.xlane v15, v4;
	v17 =	vperm.xlane v17, v4;
	vm4 =	vge.f32 v20, v18;
	v24, v25, _ =	vpop (xrf1)  }
0x42: {  	v18 =	vmax.f32 v20, v18;
	v14 =	vsel vm4, v21, v19;
	vm5 =	vge.f32 v24, v10;
	v19, v21, _ =	vpop (xrf1)  }
0x43: {  	(xrf1) =	vsort.dscd.msk.f32 $0xffff, v12, v13;
	v16 =	vperm.xlane v22, v4;
	v11 =	vsel vm5, v25, v11;
	v20, v22, _ =	vpop (xrf1)  }
0x44: {  	v10 =	vmax.f32 v24, v10;
	(xrf1) =	vsort.dscd.msk.f32 $0xffff, v18, v14;
	vm3 =	vge.f32 v19, v8;
	v12, v13, _ =	vpop (xrf1)  }
0x45: {  	v8 =	vmax.f32 v19, v8;
	vm4 =	vge.f32 v20, v15;
	v9 =	vsel vm3, v21, v9  }
0x46: {  	s4 =	simm.s32 $0x300;
	(xrf1) =	vsort.dscd.msk.f32 $0xffff, v10, v11;
	v15 =	vmax.f32 v20, v15;
	v10 =	vperm.xlane v12, v4;
	v11, v12, _ =	vpop (xrf1)  }
0x47: {  	v19 =	vld [tilespmem:s4+$0x90];
	v14 =	vsel vm4, v22, v17;
	v13 =	vperm.xlane v13, v4;
	(xrf1) =	vsort.dscd.msk.f32 $0xffff, v8, v9;
	v17, v18, _ =	vpop (xrf1)  }
0x48: {  	v23 =	vperm.xlane v23, v4;
	v8 =	vld [tilespmem:s4+$0xB0];
	(xrf1) =	vsort.dscd.msk.f32 $0xffff, v15, v14;
	vm4 =	vge.f32 v17, v10  }
0x49: {  	vm3 =	vge.f32 v11, v16;
	v9 =	vmax.f32 v17, v10;
	v10 =	vsel vm4, v18, v13  }
0x4a: {  	v11 =	vmax.f32 v11, v16;
	v12 =	vsel vm3, v12, v23;
	v13 =	vld [tilespmem:s4+$0xFFFFFF30];
	(xrf1) =	vsort.dscd.msk.f32 $0xffff, v9, v10  }
0x4b: {  	v9 =	vld [tilespmem:s4+$0xA0];
	(xrf1) =	vsort.dscd.msk.f32 $0xffff, v11, v12  }
0x4c: {  	v10 =	vld [tilespmem:s4+$0xFFFFFFB0];
	(xrf1) =	vsort.dscd.msk.f32 $0xffff, v19, v1  }
0x4d: {  	v11 =	vld [tilespmem:s4+$0x80];
	(xrf1) =	vsort.dscd.msk.f32 $0xffff, v8, v3;
	_ =	sdelay $0x1  }
0x4e: {  	(xrf1) =	vsort.dscd.msk.f32 $0xffff, v13, v3  }
0x4f: {  	v8 =	vld [tilespmem:s4+$0x30];
	(xrf1) =	vsort.dscd.msk.f32 $0xffff, v9, v2  }
0x50: {  	v9 =	vld [tilespmem:s4+$0xFFFFFF10];
	(xrf1) =	vsort.dscd.msk.f32 $0xffff, v10, v3  }
0x51: {  	v10 =	vld [tilespmem:s4+$0xFFFFFF20];
	(xrf1) =	vsort.dscd.msk.f32 $0xffff, v11, v0  }
0x52: {  	v13 =	vld [tilespmem:s4+$0xFFFFFF90];
	v11, v12, _ =	vpop (xrf1)  }
0x53: {  	v16 =	vld [tilespmem:s4+$0xFFFFFFA0];
	v14, v15, _ =	vpop (xrf1)  }
0x54: {  	v19 =	vld [tilespmem:s4+$0x10];
	(xrf1) =	vsort.dscd.msk.f32 $0xffff, v8, v3;
	v17, v18, _ =	vpop (xrf1)  }
0x55: {  	v21 =	vld [tilespmem:s4+$0x20];
	v8, v20, _ =	vpop (xrf1);
	(xrf1) =	vsort.dscd.msk.f32 $0xffff, v9, v1  }
0x56: {  	v24 =	vld [tilespmem:s4+$0xFFFFFF00];
	v9, v22, _ =	vpop (xrf1);
	(xrf1) =	vsort.dscd.msk.f32 $0xffff, v10, v2  }
0x57: {  	(xrf1) =	vsort.dscd.msk.f32 $0xffff, v13, v1;
	v10, v23, _ =	vpop (xrf1)  }
0x58: {  	(xrf1) =	vsort.dscd.msk.f32 $0xffff, v16, v2;
	v13, v25, _ =	vpop (xrf1)  }
0x59: {  	(xrf1) =	vsort.dscd.msk.f32 $0xffff, v19, v1;
	v19, v26, _ =	vpop (xrf1)  }
0x5a: {  	v16 =	vld [tilespmem:s4+$0xFFFFFF80];
	(xrf1) =	vsort.dscd.msk.f32 $0xffff, v21, v2;
	v21, v27, _ =	vpop (xrf1)  }
0x5b: {  	v31 =	vnsel vm2, $0x0, v10;
	(xrf1) =	vsort.dscd.msk.f32 $0xffff, v24, v0;
	v24 =	vperm.xlane v27, v4  }
0x5c: {  	v21 =	vperm.xlane v21, v4;
	v29, v30, _ =	vpop (xrf1)  }
0x5d: {  	v28 =	vld [tilespmem:s4+$0x0];
	v27, v32, _ =	vpop (xrf1)  }
0x5e: {  	(xrf2) =	vadd.scan.msk.f32 $0xffff, v31;
	v19 =	vperm.xlane v19, v4;
	v26 =	vperm.xlane v26, v4;
	vm3 =	vge.f32 v27, v21;
	v31, v33, _ =	vpop (xrf1)  }
0x5f: {  	(xrf1) =	vsort.dscd.msk.f32 $0xffff, v16, v0;
	v16 =	vmax.f32 v27, v21;
	v21 =	vsel vm3, v32, v24;
	v24, v27, _ =	vpop (xrf1)  }
0x60: {  	v11 =	vperm.xlane v11, v4;
	v14 =	vperm.xlane v14, v4;
	vm3 =	vge.f32 v24, v19  }
0x61: {  	(xrf1) =	vsort.dscd.msk.f32 $0xffff, v16, v21;
	v16 =	vmax.f32 v24, v19;
	v19 =	vsel vm3, v27, v26  }
0x62: {  	v12 =	vperm.xlane v12, v4;
	v15 =	vperm.xlane v15, v4;
	(xrf1) =	vsort.dscd.msk.f32 $0xffff, v28, v0  }
0x63: {  	vm4 =	vge.f32 v9, v14;
	v9 =	vmax.f32 v9, v14;
	(xrf1) =	vsort.dscd.msk.f32 $0xffff, v16, v19  }
0x64: {  	v14 =	vsel vm4, v22, v15;
	v22 =	vperm.xlane v29, v4;
	v29 =	vperm.xlane v30, v4  }
0x65: {  	v16 =	vperm.xlane v17, v4;
	v17 =	vperm.xlane v18, v4;
	v18, v19, _ =	vpop (xrf1)  }
0x66: {  	v41 =	vperm.xlane v33, v4;
	vm3 =	vge.f32 v8, v11;
	v8 =	vmax.f32 v8, v11;
	v11, v21, _ =	vpop (xrf1)  }
0x67: {  	v27 =	vperm.xlane v31, v4;
	v12 =	vsel vm3, v20, v12;
	vm3 =	vge.f32 v13, v16;
	v15, v20, _ =	vpop (xrf1)  }
0x68: {  	v13 =	vmax.f32 v13, v16;
	v18 =	vperm.xlane v18, v4;
	v19 =	vperm.xlane v19, v4;
	v24, v26, _ =	vpop (xrf1)  }
0x69: {  	v11 =	vperm.xlane v11, v4;
	v21 =	vperm.xlane v21, v4;
	vm4 =	vge.f32 v15, v22;
	v16, v28, _ =	vpop (xrf1)  }
0x6a: {  	v15 =	vmax.f32 v15, v22;
	v20 =	vsel vm4, v20, v29;
	v24 =	vperm.xlane v24, v4;
	v30, v31, _ =	vpop (xrf1)  }
0x6b: {  	v26 =	vperm.xlane v26, v4;
	vm5 =	vge.f32 v16, v27;
	v16 =	vmax.f32 v16, v27;
	v42, v34, _ =	vpop (xrf1)  }
0x6c: {  	(xrf1) =	vsort.dscd.msk.f32 $0xffff, v15, v20;
	v29 =	vperm.xlane v30, v4;
	v30, _, _ =	vpop (xrf2);
	vm4 =	vge.f32 v42, v18  }
0x6d: {  	v22 =	vsel vm5, v28, v41;
	v31 =	vperm.xlane v31, v4;
	v28, v32, _ =	vpop (xrf1);
	v19 =	vsel vm4, v34, v19  }
0x6e: {  	v18 =	vmax.f32 v42, v18;
	(xrf1) =	vsort.dscd.msk.f32 $0xffff, v16, v22;
	v27, v43, _ =	vpop (xrf1);
	vm4 =	vge.f32 v28, v11  }
0x6f: {  	v11 =	vmax.f32 v28, v11;
	vm5 =	vge.f32 v27, v24;
	v15, v16, _ =	vpop (xrf1);
	v20 =	vsel vm4, v32, v21  }
0x70: {  	(xrf1) =	vsort.dscd.msk.f32 $0xffff, v18, v19;
	v21 =	vsel vm5, v43, v26;
	v15 =	vperm.xlane v15, v4;
	v22, v26, _ =	vpop (xrf1)  }
0x71: {  	v24 =	vmax.f32 v27, v24;
	v16 =	vperm.xlane v16, v4;
	(xrf1) =	vsort.dscd.msk.f32 $0xffff, v11, v20;
	v18, v19, _ =	vpop (xrf1)  }
0x72: {  	v30 =	vbroadcast v30, $0xF;
	(xrf1) =	vsort.dscd.msk.f32 $0xffff, v24, v21;
	vm4 =	vge.f32 v18, v15;
	v11 =	vmax.f32 v18, v15  }
0x73: {  	v18 =	vperm.xlane v10, v5;
	v15 =	vsel vm4, v19, v16;
	v16 =	vperm.xlane v23, v5  }
0x74: {  	(erf) = vrcp.f32 v30;
	vm4 =	vge.f32 v22, v29;
	(xrf1) =	vsort.dscd.msk.f32 $0xffff, v11, v15;
	v11 =	vsel vm3, v25, v17  }
0x75: {  	v15 =	vmax.f32 v22, v29;
	v17 =	vsel vm4, v26, v31;
	vm3 =	vlt.s32 v23, v16  }
0x76: {  	(xrf1) =	vsort.dscd.msk.f32 $0xffff, v15, v17;
	v15 =	vsel vm3, v23, v16;
	v16 =	vsel vm3, v16, v23  }
0x77: {  	(xrf1) =	vsort.dscd.msk.f32 $0xffff, v8, v12;
	vm3 =	veq.f32 v10, v18;
	v8 =	vsel vm0, v15, v16  }
0x78: {  	v8 =	vsel vm3, v8, v23  }
0x79: {  	(xrf1) =	vsort.dscd.msk.f32 $0xffff, v9, v14;
	v9 =	vperm.xlane v8, v6  }
0x7a: {  	v12 =	vperm.xlane v10, v6  }
0x7b: {  	s5 =	simm.s32 $0x3;
	vm3 =	vlt.s32 v8, v9  }
0x7c: {  	(xrf1) =	vsort.dscd.msk.f32 $0xffff, v13, v11;
	v11 =	vor.u32 s5, v7;
	v14 =	vsel vm3, v8, v9;
	v9 =	vsel vm3, v9, v8  }
0x7d: {  	v13 =	vpop (erf);
	v9 =	vsel vm1, v9, v14  }
0x7e: {  	v15, v16, _ =	vpop (xrf1)  }
0x7f: {  	v13 =	vmul.f32 v13, v10;
	vm3 =	veq.f32 v10, v12;
	v10, v12, _ =	vpop (xrf1)  }
0x80: {  	s3 =	simm.s32 $0x500;
	v8 =	vsel vm3, v9, v8;
	v9, v17, _ =	vpop (xrf1)  }
0x81: {  	v14 =	vld [tilespmem:s3+$0x90];
	[tilespmem:v11+s26+$0x0] =	vst.idx.msk $0xff, v13;
	v13 =	vperm.xlane v15, v4;
	v18, v19, _ =	vpop (xrf1)  }
0x82: {  	v15 =	vperm.xlane v16, v4;
	v16 =	vld [tilespmem:s3+$0xB0];
	[tilespmem:v11+s28+$0x0] =	vst.idx.msk $0xff, v8;
	v11 =	vperm.xlane v12, v4;
	v12, v21, _ =	vpop (xrf1)  }
0x83: {  	v20 =	vld [tilespmem:s3+$0xFFFFFF30];
	v8 =	vperm.xlane v10, v4;
	v23, v24, _ =	vpop (xrf1)  }
0x84: {  	v22 =	vld [tilespmem:s3+$0xA0];
	vm3 =	vge.f32 v18, v13;
	v10 =	vmax.f32 v18, v13;
	v18 =	vnsel vm2, $0x0, v23  }
0x85: {  	v25 =	vld [tilespmem:s3+$0xFFFFFFB0];
	vm4 =	vge.f32 v12, v8;
	(xrf2) =	vadd.scan.msk.f32 $0xffff, v18  }
0x86: {  	v9 =	vperm.xlane v9, v4;
	(xrf1) =	vsort.dscd.msk.f32 $0xffff, v14, v1;
	v14 =	vsel vm4, v21, v11;
	v21 =	vld [tilespmem:s3+$0x80]  }
0x87: {  	v17 =	vperm.xlane v17, v4;
	(xrf1) =	vsort.dscd.msk.f32 $0xffff, v16, v3;
	v18 =	vld [tilespmem:s3+$0x30]  }
0x88: {  	v27 =	vld [tilespmem:s3+$0xFFFFFF10];
	v13 =	vsel vm3, v19, v15;
	v12 =	vmax.f32 v12, v8;
	v8, v19, _ =	vpop (xrf1);
	(xrf1) =	vsort.dscd.msk.f32 $0xffff, v20, v3  }
0x89: {  	vm3 =	vge.f32 v8, v9;
	v15 =	vmax.f32 v8, v9;
	v11, v26, _ =	vpop (xrf1);
	(xrf1) =	vsort.dscd.msk.f32 $0xffff, v22, v2;
	v22 =	vld [tilespmem:s3+$0xFFFFFF20]  }
0x8a: {  	v16 =	vsel vm3, v19, v17;
	v17 =	vperm.xlane v26, v5;
	v9, v28, _ =	vpop (xrf1);
	(xrf1) =	vsort.dscd.msk.f32 $0xffff, v25, v3;
	v25 =	vld [tilespmem:s3+$0xFFFFFF90]  }
0x8b: {  	v19 =	vperm.xlane v11, v5;
	v20 =	vperm.xlane v28, v5;
	(xrf1) =	vsort.dscd.msk.f32 $0xffff, v21, v0;
	v21 =	vld [tilespmem:s3+$0xFFFFFFA0]  }
0x8c: {  	v8, v29, _ =	vpop (xrf1);
	v31 =	vperm.xlane v9, v5;
	vm3 =	vlt.s32 v26, v17;
	(xrf1) =	vsort.dscd.msk.f32 $0xffff, v18, v3  }
0x8d: {  	v30 =	vperm.xlane v29, v5;
	v44 =	vperm.xlane v8, v5;
	(xrf1) =	vsort.dscd.msk.f32 $0xffff, v27, v1  }
0x8e: {  	vm4 =	vlt.s32 v28, v20;
	v45 =	vsel vm3, v26, v17;
	v18 =	vld [tilespmem:s3+$0x10];
	(xrf1) =	vsort.dscd.msk.f32 $0xffff, v22, v2  }
0x8f: {  	v17 =	vsel vm3, v17, v26;
	vm3 =	veq.f32 v11, v19;
	v27 =	vld [tilespmem:s3+$0x20];
	(xrf1) =	vsort.dscd.msk.f32 $0xffff, v25, v1;
	v25, _, _ =	vpop (xrf2)  }
0x90: {  	v35 =	vld [tilespmem:s3+$0xFFFFFF00];
	vm5 =	vlt.s32 v29, v30;
	v46 =	vsel vm4, v28, v20;
	(xrf1) =	vsort.dscd.msk.f32 $0xffff, v21, v2;
	v21 =	vbroadcast v25, $0xF  }
0x91: {  	v20 =	vsel vm4, v20, v28;
	v17 =	vsel vm0, v45, v17;
	vm4 =	veq.f32 v9, v31;
	v22 =	vld [tilespmem:s3+$0xFFFFFF80]  }
0x92: {  	v47 =	vsel vm5, v29, v30;
	v30 =	vsel vm5, v30, v29;
	v20 =	vsel vm0, v46, v20  }
0x93: {  	v31 =	vperm.xlane v23, v5;
	v30 =	vsel vm0, v47, v30;
	(xrf1) =	vsort.dscd.msk.f32 $0xffff, v18, v1  }
0x94: {  	v19 =	vsel vm3, v17, v26;
	v26 =	vperm.xlane v24, v5;
	(xrf1) =	vsort.dscd.msk.f32 $0xffff, v27, v2  }
0x95: {  	vm3 =	veq.f32 v8, v44;
	v18 =	vsel vm4, v20, v28;
	(xrf1) =	vsort.dscd.msk.f32 $0xffff, v35, v0;
	(erf) = vrcp.f32 v21;
	v20, v21, _ =	vpop (xrf1)  }
0x96: {  	v17 =	vsel vm3, v30, v29;
	vm3 =	vlt.s32 v24, v26;
	(xrf1) =	vsort.dscd.msk.f32 $0xffff, v22, v0;
	v22, v27, _ =	vpop (xrf1)  }
0x97: {  	v50 =	vsel vm3, v24, v26;
	v22 =	vperm.xlane v22, v4;
	v29, v30, _ =	vpop (xrf1)  }
0x98: {  	v26 =	vsel vm3, v26, v24;
	v28 =	vld [tilespmem:s3+$0x0];
	vm4 =	veq.f32 v23, v31;
	v27 =	vperm.xlane v27, v4;
	v49, v48, _ =	vpop (xrf1)  }
0x99: {  	v26 =	vsel vm0, v50, v26;
	v20 =	vperm.xlane v20, v4;
	vm3 =	vge.f32 v49, v22;
	v51, v36, _ =	vpop (xrf1)  }
0x9a: {  	v21 =	vperm.xlane v21, v4;
	v22 =	vmax.f32 v49, v22;
	v27 =	vsel vm3, v48, v27;
	v31, v52, _ =	vpop (xrf1)  }
0x9b: {  	v24 =	vsel vm4, v26, v24;
	vm3 =	vge.f32 v31, v20;
	(xrf1) =	vsort.dscd.msk.f32 $0xffff, v22, v27  }
0x9c: {  	s4 =	simm.s32 $0x7;
	v22 =	vperm.xlane v24, v6;
	v21 =	vsel vm3, v52, v21  }
0x9d: {  	v25 =	vperm.xlane v19, v6;
	v54, v53, _ =	vpop (xrf1);
	v27 =	vor.u32 s4, v7;
	v20 =	vmax.f32 v31, v20;
	(xrf1) =	vsort.dscd.msk.f32 $0xffff, v28, v0  }
0x9e: {  	v26 =	vnsel vm2, $0x0, v11;
	v31, v55, _ =	vpop (xrf1);
	(xrf1) =	vsort.dscd.msk.f32 $0xffff, v20, v21;
	v20 =	vperm.xlane v23, v6;
	vm3 =	vlt.s32 v24, v22  }
0x9f: {  	v36 =	vperm.xlane v36, v4;
	v28 =	vnsel vm2, $0x0, v9;
	v40 =	vsel vm3, v24, v22;
	v21 =	vpop (erf)  }
0xa0: {  	v38, v39, _ =	vpop (xrf1);
	v22 =	vsel vm3, v22, v24;
	vm3 =	veq.f32 v23, v20;
	v21 =	vmul.f32 v21, v23  }
0xa1: {  	(xrf2) =	vadd.scan.msk.f32 $0xffff, v26;
	v26, v41, _ =	vpop (xrf1);
	v20 =	vsel vm1, v22, v40;
	v22 =	vperm.xlane v29, v4;
	v23 =	vperm.xlane v51, v4  }
0xa2: {  	v29, v56, _ =	vpop (xrf1);
	v20 =	vsel vm3, v20, v24;
	v24 =	vnsel vm2, $0x0, v8;
	[tilespmem:v27+s26+$0x0] =	vst.idx.msk $0xff, v21;
	v21 =	vperm.xlane v30, v4  }
0xa3: {  	v58, v57, _ =	vpop (xrf1);
	vm3 =	vge.f32 v38, v22;
	v22 =	vmax.f32 v38, v22;
	v30 =	vperm.xlane v54, v4  }
0xa4: {  	v42, v43, _ =	vpop (xrf1);
	vm4 =	vge.f32 v29, v23;
	v23 =	vmax.f32 v29, v23;
	v21 =	vsel vm3, v39, v21  }
0xa5: {  	(xrf2) =	vadd.scan.msk.f32 $0xffff, v28;
	vm5 =	vge.f32 v42, v30;
	v29 =	vmax.f32 v42, v30;
	v30 =	vperm.xlane v41, v4  }
0xa6: {  	v34 =	vperm.xlane v53, v4;
	v26 =	vperm.xlane v26, v4;
	(xrf2) =	vadd.scan.msk.f32 $0xffff, v24;
	v24, v60, _ =	vpop (xrf1)  }
0xa7: {  	v28 =	vperm.xlane v31, v4;
	v32 =	vperm.xlane v55, v4;
	(xrf1) =	vsort.dscd.msk.f32 $0xffff, v22, v21;
	v21, v22, _ =	vpop (xrf1)  }
0xa8: {  	v31 =	vperm.xlane v58, v4;
	v59 =	vsel vm4, v56, v36;
	vm4 =	vge.f32 v21, v26  }
0xa9: {  	[tilespmem:v27+s28+$0x0] =	vst.idx.msk $0xff, v20;
	(xrf1) =	vsort.dscd.msk.f32 $0xffff, v23, v59;
	v22 =	vsel vm4, v22, v30;
	v30, v61, _ =	vpop (xrf1)  }
0xaa: {  	vm3 =	vge.f32 v24, v28;
	v24 =	vmax.f32 v24, v28;
	v34 =	vsel vm5, v43, v34  }
0xab: {  	(xrf1) =	vsort.dscd.msk.f32 $0xffff, v29, v34;
	v21 =	vmax.f32 v21, v26;
	v26 =	vperm.xlane v30, v4;
	v28, v30, _ =	vpop (xrf1)  }
0xac: {  	v32 =	vsel vm3, v60, v32;
	v29 =	vperm.xlane v57, v4;
	v33 =	vperm.xlane v61, v4;
	v62, v63, _ =	vpop (xrf1)  }
0xad: {  	vm3 =	vge.f32 v28, v31;
	(xrf1) =	vsort.dscd.msk.f32 $0xffff, v24, v32;
	vm4 =	vge.f32 v62, v26  }
0xae: {  	v23, _, _ =	vpop (xrf2);
	(xrf1) =	vsort.dscd.msk.f32 $0xffff, v21, v22;
	v20 =	vmax.f32 v62, v26;
	v21 =	vsel vm4, v63, v33  }
0xaf: {  	v23 =	vbroadcast v23, $0xF;
	v24 =	vmax.f32 v28, v31;
	v28, _, _ =	vpop (xrf2);
	v26 =	vsel vm3, v30, v29;
	(xrf1) =	vsort.dscd.msk.f32 $0xffff, v20, v21  }
0xb0: {  	v22 =	vbroadcast v28, $0xF;
	v20 =	vperm.xlane v17, v6;
	(xrf1) =	vsort.dscd.msk.f32 $0xffff, v24, v26  }
0xb1: {  	v37 =	vperm.xlane v18, v6;
	(erf) = vrcp.f32 v23;
	vm3 =	vlt.s32 v19, v25;
	(xrf1) =	vsort.dscd.msk.f32 $0xffff, v10, v13  }
0xb2: {  	v21 =	vperm.xlane v11, v6;
	(erf) = vrcp.f32 v22;
	vm5 =	vlt.s32 v17, v20;
	(xrf1) =	vsort.dscd.msk.f32 $0xffff, v12, v14  }
0xb3: {  	(xrf1) =	vsort.dscd.msk.f32 $0xffff, v15, v16;
	v15 =	vsel vm3, v19, v25;
	v16 =	vsel vm3, v25, v19  }
0xb4: {  	v23, _, _ =	vpop (xrf2);
	vm4 =	vlt.s32 v18, v37;
	v15 =	vsel vm1, v16, v15;
	v16 =	vsel vm5, v20, v17  }
0xb5: {  	v23 =	vbroadcast v23, $0xF;
	v22 =	vsel vm4, v18, v37;
	v12 =	vperm.xlane v9, v6  }
0xb6: {  	v24 =	vsel vm4, v37, v18;
	v13 =	vor.u32 s2, v7;
	v25 =	vsel vm5, v17, v20;
	v20, v26, _ =	vpop (xrf1)  }
0xb7: {  	v14 =	vperm.xlane v8, v6;
	vm3 =	veq.f32 v11, v21;
	v29 =	vsel vm1, v16, v25;
	v16, v21, _ =	vpop (xrf1)  }
0xb8: {  	v24 =	vsel vm1, v24, v22;
	v30 =	vperm.xlane v20, v4;
	v20 =	vperm.xlane v26, v4  }
0xb9: {  	s3 =	simm.s32 $0x700;
	vm4 =	veq.f32 v9, v12;
	v27 =	vperm.xlane v16, v4;
	v22 =	vperm.xlane v21, v4;
	v12, v16, _ =	vpop (xrf1)  }
0xba: {  	vm5 =	veq.f32 v8, v14;
	v25 =	vld [tilespmem:s3+$0xFFFFFF30];
	v28 =	vperm.xlane v12, v4;
	v12 =	vpop (erf);
	v26 =	vperm.xlane v16, v4  }
0xbb: {  	v15 =	vsel vm3, v15, v19;
	v21 =	vld [tilespmem:s3+$0x90];
	(erf) = vrcp.f32 v23;
	v31 =	vmul.f32 v12, v11;
	v12 =	vpop (erf)  }
0xbc: {  	s31 =	simm.s32 $0x4;
	s30 =	simm.s32 $0x8;
	s5 =	simm.s32 $0x1;
	v23 =	vld [tilespmem:s3+$0xFFFFFFB0];
	v11 =	vsel vm4, v24, v18;
	v18, v14, _ =	vpop (xrf1);
	v16 =	vmul.f32 v12, v9;
	v9 =	vsel vm5, v29, v17  }
0xbd: {  	s29 =	simm.s32 $0xC;
	s1 =	simm.s32 $0x0;
	s4 =	simm.s32 $0x10;
	v10 =	vor.u32 s5, v7;
	v24 =	vld [tilespmem:s3+$0xB0];
	vm3 =	vge.f32 v18, v30;
	v12 =	vmax.f32 v18, v30;
	v19, v29, _ =	vpop (xrf1);
	[tilespmem:v13+s26+$0x0] =	vst.idx.msk $0xff, v31  }
.LBB2_2:
0xbe: {  	v18 =	vsel vm3, v14, v20;
	vm3 =	vge.f32 v19, v27;
	v17 =	vmax.f32 v19, v27;
	v27, v31, _ =	vpop (xrf1)  }
0xbf: {  	v14 =	vnsel vm2, $0x0, v27  }
0xc0: {  	p0 =	slt.u32 s4, $0x7C;
	v30 =	vld [tilespmem:s3+$0xA0]  }
0xc1: {  	v32 =	vld [tilespmem:s3+$0x30];
	(xrf1) =	vsort.dscd.msk.f32 $0xffff, v21, v1;
	v19 =	vsel vm3, v29, v22;
	v20, v21, _ =	vpop (xrf1);
	[tilespmem:v13+s28+$0x0] =	vst.idx.msk $0xff, v15  }
0xc2: {  	v29 =	vld [tilespmem:s3+$0x80];
	vm3 =	vge.f32 v20, v28;
	v15 =	vmax.f32 v20, v28;
	(xrf2) =	vadd.scan.msk.f32 $0xffff, v14;
	[tilespmem:v10+s26+$0x0] =	vst.idx.msk $0xff, v16;
	v14, v33, _ =	vpop (xrf1)  }
0xc3: {  	v21 =	vsel vm3, v21, v26;
	v34 =	vld [tilespmem:s3+$0xFFFFFF10];
	(xrf1) =	vsort.dscd.msk.f32 $0xffff, v24, v3;
	v24 =	vperm.xlane v33, v5;
	v35 =	vnsel vm2, $0x0, v14;
	v16, v26, _ =	vpop (xrf1)  }
0xc4: {  	v36 =	vld [tilespmem:s3+$0xFFFFFF20];
	(xrf1) =	vsort.dscd.msk.f32 $0xffff, v25, v3;
	v25 =	vperm.xlane v14, v5;
	v37 =	vperm.xlane v26, v5;
	v28 =	vnsel vm2, $0x0, v16;
	v20, v38, _ =	vpop (xrf1)  }
0xc5: {  	v39 =	vld [tilespmem:s3+$0xFFFFFF90];
	(xrf1) =	vsort.dscd.msk.f32 $0xffff, v30, v2;
	vm3 =	vlt.s32 v33, v24;
	v30 =	vperm.xlane v38, v5;
	v13 =	vnsel vm2, $0x0, v20  }
0xc6: {  	v40 =	vld [tilespmem:s3+$0xFFFFFFA0];
	(xrf1) =	vsort.dscd.msk.f32 $0xffff, v23, v3;
	v23 =	vperm.xlane v16, v5;
	vm4 =	vlt.s32 v26, v37;
	v22 =	vpop (erf)  }
0xc7: {  	v41 =	vld [tilespmem:s3+$0x10];
	(xrf1) =	vsort.dscd.msk.f32 $0xffff, v29, v0;
	v29 =	vperm.xlane v20, v5;
	vm5 =	vlt.s32 v38, v30  }
0xc8: {  	(xrf1) =	vsort.dscd.msk.f32 $0xffff, v32, v3  }
0xc9: {  	v42 =	vld [tilespmem:s3+$0x20];
	v32 =	vsel vm3, v33, v24;
	v24 =	vsel vm3, v24, v33;
	v46 =	vsel vm5, v38, v30  }
0xca: {  	v43 =	vld [tilespmem:s3+$0xFFFFFF80];
	(xrf1) =	vsort.dscd.msk.f32 $0xffff, v34, v1;
	v34 =	vsel vm4, v26, v37;
	v37 =	vsel vm4, v37, v26  }
0xcb: {  	v30 =	vsel vm5, v30, v38;
	vm3 =	veq.f32 v14, v25;
	v24 =	vsel vm0, v32, v24;
	v44 =	vld [tilespmem:s3+$0x0]  }
0xcc: {  	v30 =	vsel vm0, v46, v30;
	v34 =	vsel vm0, v34, v37;
	v45 =	vld [tilespmem:s3+$0xFFFFFF00];
	(xrf1) =	vsort.dscd.msk.f32 $0xffff, v36, v2  }
0xcd: {  	vm4 =	veq.f32 v16, v23;
	v25 =	vsel vm3, v24, v33;
	(xrf1) =	vsort.dscd.msk.f32 $0xffff, v39, v1;
	v32, _, _ =	vpop (xrf2)  }
0xce: {  	vm3 =	veq.f32 v20, v29;
	v37 =	vperm.xlane v27, v5;
	(xrf1) =	vsort.dscd.msk.f32 $0xffff, v40, v2;
	v32 =	vbroadcast v32, $0xF  }
0xcf: {  	v24 =	vsel vm4, v34, v26;
	v23 =	vsel vm3, v30, v38;
	(xrf1) =	vsort.dscd.msk.f32 $0xffff, v41, v1  }
0xd0: {  	v26 =	vperm.xlane v25, v6;
	(xrf1) =	vsort.dscd.msk.f32 $0xffff, v42, v2;
	v29, v30, _ =	vpop (xrf1);
	(erf) = vrcp.f32 v32;
	[tilespmem:v10+s28+$0x0] =	vst.idx.msk $0xff, v11  }
0xd1: {  	v10 =	vperm.xlane v31, v5;
	v11 =	vperm.xlane v24, v6;
	(xrf1) =	vsort.dscd.msk.f32 $0xffff, v45, v0  }
0xd2: {  	v29 =	vperm.xlane v29, v4;
	v30 =	vperm.xlane v30, v4;
	(xrf1) =	vsort.dscd.msk.f32 $0xffff, v43, v0;
	v32, v33, _ =	vpop (xrf1)  }
0xd3: {  	vm3 =	vlt.s32 v31, v10;
	v32 =	vperm.xlane v32, v4;
	v34, v36, _ =	vpop (xrf1)  }
0xd4: {  	v33 =	vperm.xlane v33, v4;
	v40 =	vsel vm3, v31, v10;
	v10 =	vsel vm3, v10, v31;
	v38, v39, _ =	vpop (xrf1)  }
0xd5: {  	vm4 =	veq.f32 v27, v37;
	v10 =	vsel vm0, v40, v10;
	vm3 =	vge.f32 v38, v32;
	v41, v42, _ =	vpop (xrf1)  }
0xd6: {  	s5 =	sadd.s32 $0x3, s30;
	v32 =	vmax.f32 v38, v32;
	v10 =	vsel vm4, v10, v31;
	v33 =	vsel vm3, v39, v33;
	v37, v38, _ =	vpop (xrf1)  }
0xd7: {  	vm3 =	vge.f32 v37, v29;
	v31, v39, _ =	vpop (xrf1);
	(xrf1) =	vsort.dscd.msk.f32 $0xffff, v32, v33;
	v32 =	vperm.xlane v10, v6;
	v33 =	vor.u32 s5, v7  }
0xd8: {  	v29 =	vmax.f32 v37, v29;
	v47 =	vsel vm3, v38, v30;
	v37, v38, _ =	vpop (xrf1);
	(xrf1) =	vsort.dscd.msk.f32 $0xffff, v44, v0  }
0xd9: {  	(xrf1) =	vsort.dscd.msk.f32 $0xffff, v29, v47;
	v29 =	vperm.xlane v27, v6;
	vm3 =	vlt.s32 v10, v32;
	v30 =	vpop (erf)  }
0xda: {  	v40, v43, _ =	vpop (xrf1);
	v44 =	vsel vm3, v10, v32;
	v46 =	vsel vm3, v32, v10;
	v30 =	vmul.f32 v30, v27;
	(xrf2) =	vadd.scan.msk.f32 $0xffff, v35  }
0xdb: {  	v34 =	vperm.xlane v34, v4;
	v35, v45, _ =	vpop (xrf1);
	vm3 =	veq.f32 v27, v29;
	v27 =	vsel vm1, v46, v44  }
0xdc: {  	v29 =	vperm.xlane v41, v4;
	v32, v41, _ =	vpop (xrf1);
	v10 =	vsel vm3, v27, v10;
	[tilespmem:v33+s26+$0x0] =	vst.idx.msk $0xff, v30  }
0xdd: {  	v27 =	vperm.xlane v36, v4;
	v30 =	vperm.xlane v31, v4;
	v31, v36, _ =	vpop (xrf1);
	[tilespmem:v33+s28+$0x0] =	vst.idx.msk $0xff, v10  }
0xde: {  	vm3 =	vge.f32 v40, v34;
	v10 =	vperm.xlane v42, v4;
	v33 =	vperm.xlane v39, v4;
	v39, v42, _ =	vpop (xrf1);
	(xrf2) =	vadd.scan.msk.f32 $0xffff, v28  }
0xdf: {  	vm4 =	vge.f32 v32, v29;
	v28 =	vperm.xlane v37, v4;
	vm5 =	vge.f32 v39, v30;
	v37, v44, _ =	vpop (xrf1)  }
0xe0: {  	v35 =	vperm.xlane v35, v4;
	v27 =	vsel vm3, v43, v27;
	v31 =	vperm.xlane v31, v4;
	v43, v46, _ =	vpop (xrf1)  }
0xe1: {  	v34 =	vmax.f32 v40, v34;
	v10 =	vsel vm4, v41, v10;
	v33 =	vsel vm5, v42, v33;
	(xrf2) =	vadd.scan.msk.f32 $0xffff, v13  }
0xe2: {  	v29 =	vmax.f32 v32, v29;
	v13 =	vperm.xlane v38, v4;
	v38 =	vmax.f32 v39, v30  }
0xe3: {  	v32 =	vperm.xlane v45, v4;
	v36 =	vperm.xlane v36, v4;
	(xrf1) =	vsort.dscd.msk.f32 $0xffff, v34, v27  }
0xe4: {  	vm3 =	vge.f32 v37, v28;
	vm4 =	vge.f32 v43, v35;
	(xrf1) =	vsort.dscd.msk.f32 $0xffff, v29, v10;
	v10, _, _ =	vpop (xrf2)  }
0xe5: {  	v13 =	vsel vm3, v44, v13;
	v27 =	vsel vm4, v46, v32;
	(xrf1) =	vsort.dscd.msk.f32 $0xffff, v38, v33;
	v29, v30, _ =	vpop (xrf1);
	v10 =	vbroadcast v10, $0xF  }
0xe6: {  	v28 =	vmax.f32 v37, v28;
	v32 =	vmax.f32 v43, v35;
	v29 =	vperm.xlane v29, v4;
	v33, v34, _ =	vpop (xrf1)  }
0xe7: {  	v30 =	vperm.xlane v30, v4;
	vm3 =	vge.f32 v33, v31;
	v31 =	vmax.f32 v33, v31;
	v33, v35, _ =	vpop (xrf1)  }
0xe8: {  	v34 =	vsel vm3, v34, v36;
	vm3 =	vge.f32 v33, v29;
	(xrf1) =	vsort.dscd.msk.f32 $0xffff, v28, v13;
	v13, _, _ =	vpop (xrf2)  }
0xe9: {  	v28 =	vmax.f32 v33, v29;
	v29 =	vsel vm3, v35, v30;
	(xrf1) =	vsort.dscd.msk.f32 $0xffff, v32, v27;
	v27 =	vbroadcast v13, $0xF  }
0xea: {  	vm3 =	vlt.s32 v25, v26;
	v13 =	vor.u32 s31, v7;
	(xrf1) =	vsort.dscd.msk.f32 $0xffff, v28, v29;
	v28 =	vperm.xlane v23, v6  }
0xeb: {  	vm4 =	vlt.s32 v24, v11;
	v29 =	vperm.xlane v14, v6;
	(xrf1) =	vsort.dscd.msk.f32 $0xffff, v31, v34;
	(erf) = vrcp.f32 v10;
	v10, _, _ =	vpop (xrf2)  }
0xec: {  	s5 =	sadd.s32 $0x1, s31;
	(xrf1) =	vsort.dscd.msk.f32 $0xffff, v12, v18;
	vm5 =	vlt.s32 v23, v28;
	v12 =	vbroadcast v10, $0xF;
	(erf) = vrcp.f32 v27  }
0xed: {  	v10 =	vor.u32 s5, v7;
	v18 =	vperm.xlane v20, v6;
	s5 =	sadd.s32 $0x2, s1;
	s1 =	smov.u32 s31;
	s31 =	smov.u32 s30;
	(xrf1) =	vsort.dscd.msk.f32 $0xffff, v17, v19;
	v17 =	vperm.xlane v16, v6  }
0xee: {  	s30 =	smov.u32 s29;
	s29 =	smov.u32 s4;
	v19 =	vsel vm3, v26, v25;
	v30 =	vor.u32 s5, v7;
	(xrf1) =	vsort.dscd.msk.f32 $0xffff, v15, v21;
	v15 =	vsel vm3, v25, v26  }
0xef: {  	v21 =	vsel vm4, v24, v11;
	v11 =	vsel vm4, v11, v24;
	v26 =	vsel vm5, v23, v28  }
0xf0: {  	v31 =	vmul.f32 v22, v8;
	v8 =	vmovc v20;
	v15 =	vsel vm1, v19, v15;
	v19 =	vsel vm5, v28, v23  }
0xf1: {  	vm3 =	veq.f32 v14, v29;
	v11 =	vsel vm1, v11, v21;
	v19 =	vsel vm1, v19, v26;
	v20, v22, _ =	vpop (xrf1)  }
0xf2: {  	vm4 =	veq.f32 v16, v17;
	v29 =	vperm.xlane v20, v4;
	v20 =	vperm.xlane v22, v4;
	v21, v22, _ =	vpop (xrf1)  }
.Ltmp0:
0xf3: {  	s3 =	sadd.s32 $0x200, s3;
	vm5 =	veq.f32 v8, v18;
	v27 =	vperm.xlane v21, v4;
	v22 =	vperm.xlane v22, v4;
	v17, v26, _ =	vpop (xrf1);
	(pc) =	sbr.rel @p0 .LBB2_2-.Ltmp0, $4  }
0xf4: {  	v15 =	vsel vm3, v15, v25;
	v21 =	vld [tilespmem:s3+$0x90];
	v28 =	vperm.xlane v17, v4;
	v26 =	vperm.xlane v26, v4;
	v17 =	vpop (erf)  }
0xf5: {  	v11 =	vsel vm4, v11, v24;
	v25 =	vld [tilespmem:s3+$0xFFFFFF30];
	v17 =	vmul.f32 v17, v14;
	v18 =	vpop (erf);
	(erf) = vrcp.f32 v12;
	[tilespmem:v30+s26+$0x0] =	vst.idx.msk $0xff, v31  }
0xf6: {  	v24 =	vld [tilespmem:s3+$0xB0];
	v12, v14, _ =	vpop (xrf1);
	v16 =	vmul.f32 v18, v16;
	[tilespmem:v30+s28+$0x0] =	vst.idx.msk $0xff, v9;
	v9 =	vsel vm5, v19, v23  }
0xf7: {  	s4 =	sadd.s32 $0x4, s4;
	v23 =	vld [tilespmem:s3+$0xFFFFFFB0];
	vm3 =	vge.f32 v12, v29;
	v12 =	vmax.f32 v12, v29;
	v19, v29, _ =	vpop (xrf1);
	[tilespmem:v13+s26+$0x0] =	vst.idx.msk $0xff, v17  }
0xf8: {  	v17 =	vld [tilespmem:s3+$0xA0]  }
0xf9: {  	(xrf1) =	vsort.dscd.msk.f32 $0xffff, v21, v1;
	_ =	sdelay $0x1  }
0xfa: {  	(xrf1) =	vsort.dscd.msk.f32 $0xffff, v24, v3  }
0xfb: {  	v18 =	vld [tilespmem:s3+$0x80];
	(xrf1) =	vsort.dscd.msk.f32 $0xffff, v25, v3  }
0xfc: {  	(xrf1) =	vsort.dscd.msk.f32 $0xffff, v17, v2;
	v17 =	vld [tilespmem:s3+$0x30]  }
0xfd: {  	v24 =	vld [tilespmem:s3+$0xFFFFFF10]  }
0xfe: {  	v30 =	vld [tilespmem:s3+$0xFFFFFF20]  }
0xff: {  	(xrf1) =	vsort.dscd.msk.f32 $0xffff, v23, v3;
	v23 =	vld [tilespmem:s3+$0xFFFFFF90]  }
0x100: {  	v31 =	vld [tilespmem:s3+$0xFFFFFFA0];
	(xrf1) =	vsort.dscd.msk.f32 $0xffff, v18, v0  }
0x101: {  	v34 =	vld [tilespmem:s3+$0x10];
	v20 =	vsel vm3, v14, v20;
	v21, v25, _ =	vpop (xrf1);
	(xrf1) =	vsort.dscd.msk.f32 $0xffff, v17, v3  }
0x102: {  	vm3 =	vge.f32 v19, v27;
	v19 =	vmax.f32 v19, v27;
	v32, v33, _ =	vpop (xrf1);
	(xrf1) =	vsort.dscd.msk.f32 $0xffff, v24, v1  }
0x103: {  	v17, v35, _ =	vpop (xrf1);
	v24 =	vsel vm3, v29, v22;
	vm3 =	vge.f32 v32, v28;
	(xrf1) =	vsort.dscd.msk.f32 $0xffff, v30, v2  }
0x104: {  	[tilespmem:v13+s28+$0x0] =	vst.idx.msk $0xff, v15;
	v18, v30, _ =	vpop (xrf1);
	(xrf1) =	vsort.dscd.msk.f32 $0xffff, v23, v1;
	v23 =	vsel vm3, v33, v26  }
0x105: {  	v36 =	vld [tilespmem:s3+$0x20];
	v14, v27, _ =	vpop (xrf1);
	v26 =	vperm.xlane v35, v5;
	v39 =	vperm.xlane v30, v5;
	(xrf1) =	vsort.dscd.msk.f32 $0xffff, v31, v2  }
0x106: {  	v22 =	vmax.f32 v32, v28;
	v42 =	vperm.xlane v27, v5;
	v28, v29, _ =	vpop (xrf1);
	(xrf1) =	vsort.dscd.msk.f32 $0xffff, v34, v1  }
0x107: {  	v37 =	vld [tilespmem:s3+$0xFFFFFF00];
	v34 =	vperm.xlane v17, v5;
	vm3 =	vlt.s32 v35, v26;
	vm5 =	vlt.s32 v30, v39  }
0x108: {  	v31 =	vld [tilespmem:s3+$0xFFFFFF80];
	vm12 =	vlt.s32 v27, v42;
	v28 =	vperm.xlane v28, v4;
	v53 =	vsel vm3, v35, v26  }
0x109: {  	v29 =	vperm.xlane v29, v4;
	v26 =	vsel vm3, v26, v35;
	v56 =	vsel vm5, v30, v39;
	v49, v50, _ =	vpop (xrf1)  }
0x10a: {  	v52 =	vnsel vm2, $0x0, v21;
	v39 =	vsel vm5, v39, v30;
	(xrf1) =	vsort.dscd.msk.f32 $0xffff, v36, v2;
	v32 =	vperm.xlane v49, v4;
	v51, v38, _ =	vpop (xrf1)  }
0x10b: {  	(xrf2) =	vadd.scan.msk.f32 $0xffff, v52;
	v26 =	vsel vm0, v53, v26;
	v39 =	vsel vm0, v56, v39;
	v33 =	vperm.xlane v50, v4;
	v40, v41, _ =	vpop (xrf1)  }
0x10c: {  	v43 =	vld [tilespmem:s3+$0x0];
	(xrf1) =	vsort.dscd.msk.f32 $0xffff, v37, v0;
	v37 =	vperm.xlane v18, v5;
	vm4 =	vge.f32 v40, v32  }
0x10d: {  	v50 =	vperm.xlane v25, v5;
	(xrf1) =	vsort.dscd.msk.f32 $0xffff, v31, v0;
	v33 =	vsel vm4, v41, v33  }
0x10e: {  	v36 =	vperm.xlane v51, v4;
	v38 =	vperm.xlane v38, v4;
	v31, v44, _ =	vpop (xrf1);
	v32 =	vmax.f32 v40, v32  }
0x10f: {  	vm15 =	vlt.s32 v25, v50;
	vm11 =	veq.f32 v18, v37;
	v54, v45, _ =	vpop (xrf1);
	v31 =	vperm.xlane v31, v4  }
0x110: {  	v44 =	vperm.xlane v44, v4;
	vm3 =	vge.f32 v54, v28;
	(xrf1) =	vsort.dscd.msk.f32 $0xffff, v32, v33  }
0x111: {  	v28 =	vmax.f32 v54, v28;
	v29 =	vsel vm3, v45, v29;
	v32, v33, _ =	vpop (xrf1);
	(xrf1) =	vsort.dscd.msk.f32 $0xffff, v43, v0  }
0x112: {  	v55 =	vnsel vm2, $0x0, v17;
	v30 =	vsel vm11, v39, v30;
	v57, v46, _ =	vpop (xrf1);
	(xrf1) =	vsort.dscd.msk.f32 $0xffff, v28, v29;
	v28 =	vsel vm12, v27, v42  }
0x113: {  	v29 =	vsel vm12, v42, v27;
	v32 =	vperm.xlane v32, v4;
	v33 =	vperm.xlane v33, v4;
	v58, v59, _ =	vpop (xrf1)  }
0x114: {  	v28 =	vsel vm0, v28, v29;
	v45 =	vperm.xlane v57, v4;
	vm3 =	vge.f32 v58, v36  }
0x115: {  	v63 =	vperm.xlane v46, v4;
	v60, v47, _ =	vpop (xrf1);
	v36 =	vmax.f32 v58, v36;
	v38 =	vsel vm3, v59, v38  }
0x116: {  	v62 =	vnsel vm2, $0x0, v18;
	v46 =	vsel vm15, v50, v25;
	v29, v48, _ =	vpop (xrf1);
	v43 =	vperm.xlane v60, v4;
	(xrf1) =	vsort.dscd.msk.f32 $0xffff, v36, v38  }
0x117: {  	v59 =	vperm.xlane v21, v5;
	vm13 =	vge.f32 v29, v31;
	v29 =	vmax.f32 v29, v31;
	v31, _, _ =	vpop (xrf2);
	(xrf2) =	vadd.scan.msk.f32 $0xffff, v55  }
0x118: {  	v47 =	vperm.xlane v47, v4;
	v61 =	vsel vm13, v48, v44;
	v31 =	vbroadcast v31, $0xF;
	(xrf2) =	vadd.scan.msk.f32 $0xffff, v62  }
0x119: {  	v42, v49, _ =	vpop (xrf1);
	v55 =	vnsel vm2, $0x0, v14;
	v48 =	vperm.xlane v14, v5;
	vm10 =	veq.f32 v21, v59;
	(xrf1) =	vsort.dscd.msk.f32 $0xffff, v29, v61  }
0x11a: {  	(xrf2) =	vadd.scan.msk.f32 $0xffff, v55;
	v55 =	vperm.xlane v18, v6;
	v36, v38, _ =	vpop (xrf1);
	(erf) = vrcp.f32 v31;
	v31 =	vsel vm15, v25, v50  }
0x11b: {  	vm3 =	vge.f32 v36, v32;
	v29, v41, _ =	vpop (xrf1);
	v32 =	vmax.f32 v36, v32;
	v31 =	vsel vm0, v31, v46  }
0x11c: {  	v46 =	vperm.xlane v49, v4;
	vm15 =	veq.f32 v18, v55;
	vm14 =	vge.f32 v29, v45  }
0x11d: {  	v33 =	vsel vm3, v38, v33;
	vm3 =	veq.f32 v17, v34;
	v51 =	vsel vm14, v41, v63;
	v38, v41, _ =	vpop (xrf1)  }
0x11e: {  	v29 =	vmax.f32 v29, v45;
	v31 =	vsel vm10, v31, v25;
	(xrf1) =	vsort.dscd.msk.f32 $0xffff, v32, v33;
	v53, v54, _ =	vpop (xrf1)  }
0x11f: {  	v32 =	vperm.xlane v30, v6;
	vm8 =	vge.f32 v38, v43;
	v56 =	vperm.xlane v53, v4;
	v57, v58, _ =	vpop (xrf1)  }
0x120: {  	v38 =	vmax.f32 v38, v43;
	v52 =	vsel vm8, v41, v47;
	v41 =	vperm.xlane v54, v4;
	v60, v61, _ =	vpop (xrf1)  }
0x121: {  	(xrf1) =	vsort.dscd.msk.f32 $0xffff, v29, v51;
	v43 =	vperm.xlane v42, v4;
	vm9 =	vge.f32 v60, v56  }
0x122: {  	(xrf1) =	vsort.dscd.msk.f32 $0xffff, v38, v52;
	v29 =	vmax.f32 v60, v56;
	v62 =	vsel vm9, v61, v41  }
0x123: {  	v34 =	vpop (erf);
	(xrf1) =	vsort.dscd.msk.f32 $0xffff, v29, v62;
	v29 =	vsel vm3, v26, v35;
	v26 =	vperm.xlane v31, v6  }
0x124: {  	v63 =	vperm.xlane v21, v6;
	v34 =	vmul.f32 v34, v8;
	vm3 =	veq.f32 v14, v48  }
0x125: {  	vm12 =	vge.f32 v57, v43;
	v27 =	vsel vm3, v28, v27;
	vm3 =	vlt.s32 v31, v26  }
0x126: {  	v47, _, _ =	vpop (xrf2);
	v33 =	vmax.f32 v57, v43;
	v45 =	vsel vm3, v31, v26;
	v26 =	vsel vm3, v26, v31  }
0x127: {  	v44 =	vpop (erf);
	v48 =	vsel vm12, v58, v46;
	vm3 =	veq.f32 v21, v63;
	v38 =	vsel vm1, v26, v45  }
0x128: {  	[tilespmem:v10+s26+$0x0] =	vst.idx.msk $0xff, v16;
	v49, _, _ =	vpop (xrf2);
	v26 =	vmul.f32 v44, v21;
	v21 =	vsel vm3, v38, v31;
	v31 =	vbroadcast v47, $0xF  }
0x129: {  	vm13 =	vlt.s32 v30, v32;
	v56 =	vperm.xlane v14, v6;
	v51 =	vbroadcast v49, $0xF;
	(xrf1) =	vsort.dscd.msk.f32 $0xffff, v33, v48  }
0x12a: {  	v60 =	vsel vm13, v30, v32;
	v32 =	vsel vm13, v32, v30;
	(xrf1) =	vsort.dscd.msk.f32 $0xffff, v12, v20;
	(erf) = vrcp.f32 v31  }
0x12b: {  	s4 =	sadd.s32 $0x3, s30;
	[tilespmem:v10+s28+$0x0] =	vst.idx.msk $0xff, v11;
	v54 =	vperm.xlane v17, v6;
	v50, _, _ =	vpop (xrf2);
	v32 =	vsel vm1, v32, v60;
	(erf) = vrcp.f32 v51  }
0x12c: {  	v25 =	vor.u32 s4, v7;
	vm8 =	veq.f32 v14, v56;
	v52 =	vperm.xlane v27, v6;
	v12, v53, _ =	vpop (xrf1);
	(xrf1) =	vsort.dscd.msk.f32 $0xffff, v19, v24  }
0x12d: {  	v28 =	vperm.xlane v29, v6;
	v20 =	vor.u32 s31, v7;
	v19, v24, _ =	vpop (xrf1);
	v37 =	vperm.xlane v53, v4;
	(xrf1) =	vsort.dscd.msk.f32 $0xffff, v22, v23  }
0x12e: {  	vm14 =	vlt.s32 v27, v52;
	v19 =	vperm.xlane v19, v4;
	v24 =	vperm.xlane v24, v4;
	v22, v23, _ =	vpop (xrf1)  }
0x12f: {  	vm3 =	vlt.s32 v29, v28;
	v63 =	vsel vm14, v27, v52;
	v36 =	vsel vm14, v52, v27;
	v58, v57, _ =	vpop (xrf1)  }
0x130: {  	v59 =	vsel vm3, v29, v28;
	v28 =	vsel vm3, v28, v29;
	vm3 =	veq.f32 v17, v54;
	v61, v62, _ =	vpop (xrf1)  }
0x131: {  	v36 =	vsel vm1, v36, v63;
	[tilespmem:v25+s26+$0x0] =	vst.idx.msk $0xff, v26;
	v31 =	vbroadcast v50, $0xF;
	v28 =	vsel vm1, v28, v59;
	v41, v48, _ =	vpop (xrf1)  }
0x132: {  	[tilespmem:v25+s28+$0x0] =	vst.idx.msk $0xff, v21;
	v22 =	vperm.xlane v22, v4;
	v23 =	vperm.xlane v23, v4;
	v8 =	vnsel vm2, $0x0, v41  }
0x133: {  	v28 =	vsel vm3, v28, v29;
	v60 =	vperm.xlane v48, v5;
	(xrf2) =	vadd.scan.msk.f32 $0xffff, v8;
	v8 =	vperm.xlane v12, v4;
	v12 =	vpop (erf)  }
0x134: {  	v29 =	vsel vm15, v32, v30;
	v11 =	vperm.xlane v41, v6;
	v17 =	vmul.f32 v12, v17;
	v12 =	vpop (erf)  }
0x135: {  	v18 =	vmul.f32 v12, v18;
	v12 =	vsel vm8, v36, v27;
	vm3 =	vge.f32 v58, v8  }
0x136: {  	v27 =	vmax.f32 v58, v8;
	v30 =	vsel vm3, v57, v37;
	vm3 =	vge.f32 v61, v19  }
0x137: {  	s4 =	sadd.s32 $0x3, s29;
	(erf) = vrcp.f32 v31;
	v19 =	vmax.f32 v61, v19;
	[tilespmem:v20+s26+$0x0] =	vst.idx.msk $0xff, v17;
	v8, v31, _ =	vpop (xrf1);
	v24 =	vsel vm3, v62, v24  }
0x138: {  	v10 =	vor.u32 s4, v7;
	(xrf1) =	vsort.dscd.msk.f32 $0xffff, v27, v30;
	v30 =	vperm.xlane v41, v5;
	vm3 =	vge.f32 v8, v22;
	v32, v49, _ =	vpop (xrf1)  }
0x139: {  	v22 =	vmax.f32 v8, v22;
	v23 =	vsel vm3, v31, v23;
	v31 =	vperm.xlane v49, v5  }
0x13a: {  	s1 =	sadd.s32 $0x2, s1;
	(xrf1) =	vsort.dscd.msk.f32 $0xffff, v19, v24;
	v35, v50, _ =	vpop (xrf1);
	v51 =	vnsel vm2, $0x0, v32;
	v52 =	vperm.xlane v32, v5;
	v21 =	vperm.xlane v32, v6  }
0x13b: {  	v24 =	vor.u32 s1, v7;
	v53 =	vperm.xlane v50, v5;
	v8, v54, _ =	vpop (xrf1);
	v16 =	vperm.xlane v35, v5;
	(xrf2) =	vadd.scan.msk.f32 $0xffff, v51  }
0x13c: {  	s5 =	sadd.s32 $0x1, s31;
	v13 =	vnsel vm2, $0x0, v35;
	(xrf1) =	vsort.dscd.msk.f32 $0xffff, v22, v23;
	vm3 =	vlt.s32 v49, v31;
	v15 =	vperm.xlane v54, v5  }
0x13d: {  	v56 =	vperm.xlane v8, v5;
	(xrf2) =	vadd.scan.msk.f32 $0xffff, v13;
	v13 =	vor.u32 s5, v7;
	v62 =	vnsel vm2, $0x0, v8  }
0x13e: {  	vm11 =	veq.f32 v32, v52;
	vm14 =	veq.f32 v32, v21;
	vm9 =	vlt.s32 v50, v53  }
0x13f: {  	v57 =	vsel vm3, v49, v31;
	v31 =	vsel vm3, v31, v49;
	vm3 =	vlt.s32 v48, v60  }
0x140: {  	vm10 =	vlt.s32 v54, v15;
	v58 =	vsel vm9, v50, v53;
	v59 =	vsel vm9, v53, v50  }
0x141: {  	v22 =	vpop (erf);
	v31 =	vsel vm0, v57, v31;
	v63 =	vsel vm3, v48, v60;
	v39 =	vsel vm3, v60, v48  }
0x142: {  	v55, _, _ =	vpop (xrf2);
	vm3 =	veq.f32 v41, v30;
	vm12 =	veq.f32 v8, v56;
	v14 =	vmul.f32 v22, v14  }
0x143: {  	[tilespmem:v20+s28+$0x0] =	vst.idx.msk $0xff, v28;
	v42 =	vbroadcast v55, $0xF;
	v61 =	vsel vm10, v54, v15;
	v15 =	vsel vm10, v15, v54  }
0x144: {  	v27 =	vsel vm0, v58, v59;
	v19 =	vsel vm0, v63, v39;
	v23 =	vsel vm11, v31, v49  }
0x145: {  	(xrf2) =	vadd.scan.msk.f32 $0xffff, v62;
	v15 =	vsel vm0, v61, v15;
	v19 =	vsel vm3, v19, v48;
	vm3 =	veq.f32 v35, v16  }
0x146: {  	v30 =	vperm.xlane v23, v6;
	v16 =	vperm.xlane v19, v6;
	v27 =	vsel vm3, v27, v50  }
0x147: {  	s3 =	sadd.s32 $0x2, s31;
	[tilespmem:v24+s26+$0x0] =	vst.idx.msk $0xff, v34;
	(erf) = vrcp.f32 v42;
	v15 =	vsel vm12, v15, v54;
	v31 =	vperm.xlane v27, v6  }
0x148: {  	v52 =	vor.u32 s3, v7;
	[tilespmem:v13+s26+$0x0] =	vst.idx.msk $0xff, v18;
	v18 =	vperm.xlane v8, v6;
	vm3 =	vlt.s32 v19, v16  }
0x149: {  	v47 =	vsel vm3, v19, v16;
	v16 =	vsel vm3, v16, v19;
	vm13 =	vlt.s32 v27, v31  }
0x14a: {  	vm3 =	veq.f32 v41, v11;
	v48, _, _ =	vpop (xrf2);
	v11 =	vsel vm1, v16, v47;
	v53 =	vsel vm13, v27, v31  }
0x14b: {  	[tilespmem:v13+s28+$0x0] =	vst.idx.msk $0xff, v29;
	v13 =	vsel vm13, v31, v27;
	v49 =	vbroadcast v48, $0xF;
	v11 =	vsel vm3, v11, v19  }
0x14c: {  	v50, _, _ =	vpop (xrf2);
	v19 =	vperm.xlane v15, v6;
	vm3 =	vlt.s32 v23, v30;
	v13 =	vsel vm1, v13, v53  }
0x14d: {  	[tilespmem:v24+s28+$0x0] =	vst.idx.msk $0xff, v9;
	v24, v25, _ =	vpop (xrf1);
	v16 =	vbroadcast v50, $0xF;
	v28 =	vsel vm3, v23, v30;
	v30 =	vsel vm3, v30, v23  }
0x14e: {  	v51 =	vnsel vm2, $0x0, v24;
	v55, v54, _ =	vpop (xrf1);
	vm3 =	veq.f32 v8, v18;
	(erf) = vrcp.f32 v49  }
0x14f: {  	v17, _, _ =	vpop (xrf2);
	vm5 =	vlt.s32 v15, v19;
	(xrf2) =	vadd.scan.msk.f32 $0xffff, v51;
	v31 =	vnsel vm2, $0x0, v55;
	v28 =	vsel vm1, v30, v28  }
0x150: {  	v29 =	vsel vm5, v15, v19;
	v19 =	vsel vm5, v19, v15;
	v46 =	vpop (erf);
	(erf) = vrcp.f32 v16  }
0x151: {  	(xrf2) =	vadd.scan.msk.f32 $0xffff, v31;
	v18 =	vsel vm14, v28, v23;
	v16 =	vbroadcast v17, $0xF;
	v17 =	vperm.xlane v35, v6;
	v22, v30, _ =	vpop (xrf1)  }
0x152: {  	[tilespmem:v52+s26+$0x0] =	vst.idx.msk $0xff, v14;
	v19 =	vsel vm1, v19, v29;
	v26 =	vmul.f32 v46, v41;
	v21 =	vnsel vm2, $0x0, v22  }
0x153: {  	s5 =	sadd.s32 $0x1, s30;
	v15 =	vsel vm3, v19, v15;
	vm15 =	veq.f32 v35, v17;
	(erf) = vrcp.f32 v16;
	(xrf2) =	vadd.scan.msk.f32 $0xffff, v21  }
0x154: {  	v20 =	vor.u32 s5, v7;
	v16 =	vperm.xlane v24, v5;
	v23 =	vperm.xlane v30, v5;
	[tilespmem:v10+s26+$0x0] =	vst.idx.msk $0xff, v26  }
0x155: {  	v9 =	vor.u32 s30, v7;
	v21 =	vperm.xlane v25, v5;
	v26 =	vperm.xlane v55, v5;
	[tilespmem:v10+s28+$0x0] =	vst.idx.msk $0xff, v11  }
0x156: {  	v10 =	vsel vm15, v13, v27;
	v13 =	vperm.xlane v54, v5;
	v27 =	vperm.xlane v22, v5  }
0x157: {  	vm10 =	vlt.s32 v30, v23;
	vm11 =	veq.f32 v24, v16;
	vm8 =	vlt.s32 v25, v21  }
0x158: {  	v14 =	vsel vm10, v30, v23;
	v23 =	vsel vm10, v23, v30;
	vm12 =	veq.f32 v55, v26  }
0x159: {  	vm9 =	vlt.s32 v54, v13;
	v28 =	vsel vm8, v25, v21;
	v21 =	vsel vm8, v21, v25;
	v31, _, _ =	vpop (xrf2)  }
0x15a: {  	v14 =	vsel vm0, v14, v23;
	v17 =	vpop (erf);
	v21 =	vsel vm0, v28, v21;
	v31 =	vbroadcast v31, $0xF  }
0x15b: {  	vm13 =	veq.f32 v22, v27;
	v29 =	vsel vm9, v54, v13;
	v17 =	vmul.f32 v17, v32;
	v23, _, _ =	vpop (xrf2)  }
0x15c: {  	[tilespmem:v52+s28+$0x0] =	vst.idx.msk $0xff, v12;
	v13 =	vsel vm9, v13, v54;
	v11 =	vpop (erf);
	v12 =	vbroadcast v23, $0xF;
	(erf) = vrcp.f32 v31  }
0x15d: {  	v13 =	vsel vm0, v29, v13;
	v16 =	vsel vm11, v21, v25;
	v11 =	vmul.f32 v11, v35;
	v21, _, _ =	vpop (xrf2)  }
0x15e: {  	v13 =	vsel vm12, v13, v54;
	[tilespmem:v9+s26+$0x0] =	vst.idx.msk $0xff, v17;
	(erf) = vrcp.f32 v12;
	v17 =	vbroadcast v21, $0xF  }
0x15f: {  	v23 =	vperm.xlane v22, v6;
	[tilespmem:v9+s28+$0x0] =	vst.idx.msk $0xff, v18;
	v18 =	vperm.xlane v24, v6  }
0x160: {  	s4 =	sadd.s32 $0x2, s30;
	v12 =	vsel vm13, v14, v30;
	v14 =	vperm.xlane v16, v6;
	(erf) = vrcp.f32 v17  }
0x161: {  	s5 =	sadd.s32 $0x1, s29;
	v19 =	vpop (erf);
	[tilespmem:v20+s26+$0x0] =	vst.idx.msk $0xff, v11;
	v11 =	vor.u32 s29, v7;
	v9 =	vperm.xlane v12, v6;
	v17 =	vor.u32 s4, v7  }
0x162: {  	v8 =	vmul.f32 v19, v8;
	[tilespmem:v20+s28+$0x0] =	vst.idx.msk $0xff, v10;
	v10 =	vperm.xlane v55, v6;
	v20 =	vor.u32 s5, v7  }
0x163: {  	v21 =	vperm.xlane v13, v6;
	vm3 =	vlt.s32 v16, v14;
	vm15 =	vlt.s32 v12, v9  }
0x164: {  	v25 =	vsel vm3, v16, v14;
	v14 =	vsel vm3, v14, v16;
	vm3 =	veq.f32 v24, v18  }
0x165: {  	vm14 =	vlt.s32 v13, v21;
	v27 =	vsel vm15, v12, v9;
	v14 =	vsel vm1, v14, v25;
	v19 =	vpop (erf)  }
0x166: {  	s3 =	sadd.s32 $0x2, s29;
	v26 =	vsel vm14, v13, v21;
	v19 =	vmul.f32 v19, v24;
	[tilespmem:v17+s26+$0x0] =	vst.idx.msk $0xff, v8  }
0x167: {  	v21 =	vsel vm14, v21, v13;
	v8 =	vsel vm15, v9, v12;
	v9 =	vpop (erf);
	[tilespmem:v17+s28+$0x0] =	vst.idx.msk $0xff, v15;
	v15 =	vor.u32 s3, v7  }
0x168: {  	v14 =	vsel vm3, v14, v16;
	v9 =	vmul.f32 v9, v55;
	[tilespmem:v11+s26+$0x0] =	vst.idx.msk $0xff, v19  }
0x169: {  	vm3 =	veq.f32 v55, v10;
	v16 =	vsel vm1, v21, v26;
	[tilespmem:v11+s28+$0x0] =	vst.idx.msk $0xff, v14;
	v10 =	vpop (erf)  }
0x16a: {  	v11 =	vsel vm3, v16, v13;
	[tilespmem:v20+s26+$0x0] =	vst.idx.msk $0xff, v9;
	v9 =	vmul.f32 v10, v22  }
0x16b: {  	v8 =	vsel vm1, v8, v27;
	vm3 =	veq.f32 v22, v23;
	[tilespmem:v20+s28+$0x0] =	vst.idx.msk $0xff, v11  }
0x16c: {  	v8 =	vsel vm3, v8, v12;
	[tilespmem:v15+s26+$0x0] =	vst.idx.msk $0xff, v9  }
0x16d: {  	[tilespmem:v15+s28+$0x0] =	vst.idx.msk $0xff, v8  }
0x16e: {  	_ =	swait.ge [sflag:s24], $0x4000  }
0x16f: {  	s5 =	simm.s32 $0x8000;
	[sflag:s24] =	ssyncset.done $0x0  }
0x170: {  	s3 =	simm.s32 $0x41B0;
	s4 =	rddreg [dreg:$0x6];
	[sflag:s24] =	ssyncadd.s32 $0xFFFFC000  }
0x171: {  	[tilespmem:s5], [sflag:$0x1] =	stream.linear.gather [hbm4b:s4+s2], $0x4000, $0x38;
	[tilespmem:$0x12000] =	vst v63  }
0x172: {  	v8 =	vld [tilespmem:s3+$0xFFFFFFE0]  }
0x173: {  	v9 =	vld [tilespmem:s3+$0x0]  }
0x174: {  	v10 =	vld [tilespmem:s3+$0xFFFFFFD0]  }
0x175: {  	v11 =	vld [tilespmem:s3+$0xFFFFFFF0];
	_ =	sdelay $0x1  }
0x176: {  	(xrf1) =	vsort.dscd.msk.f32 $0xffff, v8, v1  }
0x177: {  	(xrf1) =	vsort.dscd.msk.f32 $0xffff, v9, v3  }
0x178: {  	(xrf1) =	vsort.dscd.msk.f32 $0xffff, v10, v0  }
0x179: {  	(xrf1) =	vsort.dscd.msk.f32 $0xffff, v11, v2;
	_ =	sdelay $0x2  }
0x17a: {  	v8 =	vld [tilespmem:s3+$0xFFFFFE80]  }
0x17b: {  	v9 =	vld [tilespmem:s3+$0xFFFFFF00]  }
0x17c: {  	v10 =	vld [tilespmem:s3+$0xFFFFFF80]  }
0x17d: {  	v11 =	vld [tilespmem:s3+$0xFFFFFE60]  }
0x17e: {  	v12 =	vld [tilespmem:s3+$0xFFFFFE70]  }
0x17f: {  	v13 =	vld [tilespmem:s3+$0xFFFFFEE0];
	(xrf1) =	vsort.dscd.msk.f32 $0xffff, v8, v3  }
0x180: {  	v8 =	vld [tilespmem:s3+$0xFFFFFEF0];
	(xrf1) =	vsort.dscd.msk.f32 $0xffff, v9, v3  }
0x181: {  	v9 =	vld [tilespmem:s3+$0xFFFFFF60];
	(xrf1) =	vsort.dscd.msk.f32 $0xffff, v10, v3  }
0x182: {  	(xrf1) =	vsort.dscd.msk.f32 $0xffff, v11, v1;
	v10, v11, _ =	vpop (xrf1)  }
0x183: {  	(xrf1) =	vsort.dscd.msk.f32 $0xffff, v12, v2;
	v12, v14, _ =	vpop (xrf1)  }
0x184: {  	(xrf1) =	vsort.dscd.msk.f32 $0xffff, v13, v1;
	v12 =	vperm.xlane v12, v4;
	v13, v15, _ =	vpop (xrf1)  }
0x185: {  	(xrf1) =	vsort.dscd.msk.f32 $0xffff, v8, v2;
	v8 =	vperm.xlane v14, v4;
	v14, v16, _ =	vpop (xrf1)  }
0x186: {  	(xrf1) =	vsort.dscd.msk.f32 $0xffff, v9, v1;
	v9 =	vperm.xlane v10, v4;
	vm3 =	vge.f32 v14, v12  }
0x187: {  	v10 =	vperm.xlane v11, v4;
	v11 =	vmax.f32 v14, v12;
	v8 =	vsel vm3, v16, v8  }
0x188: {  	vm3 =	vge.f32 v13, v9;
	(xrf1) =	vsort.dscd.msk.f32 $0xffff, v11, v8  }
0x189: {  	v8 =	vmax.f32 v13, v9;
	v9 =	vsel vm3, v15, v10  }
0x18a: {  	(xrf1) =	vsort.dscd.msk.f32 $0xffff, v8, v9;
	_ =	sdelay $0x3  }
0x18b: {  	v10 =	vld [tilespmem:s3+$0xFFFFFF70];
	v8, v9, _ =	vpop (xrf1)  }
0x18c: {  	v13 =	vld [tilespmem:s3+$0xFFFFFE50];
	v11, v12, _ =	vpop (xrf1)  }
0x18d: {  	v16 =	vld [tilespmem:s3+$0xFFFFFED0];
	v14, v15, _ =	vpop (xrf1)  }
0x18e: {  	v17, v18, _ =	vpop (xrf1)  }
0x18f: {  	v19 =	vld [tilespmem:s3+$0xFFFFFF50];
	v20, v21, _ =	vpop (xrf1)  }
0x190: {  	(xrf1) =	vsort.dscd.msk.f32 $0xffff, v10, v2;
	v22, v23, _ =	vpop (xrf1)  }
0x191: {  	v8 =	vperm.xlane v8, v4;
	(xrf1) =	vsort.dscd.msk.f32 $0xffff, v13, v0;
	v10, v24, _ =	vpop (xrf1)  }
0x192: {  	v9 =	vperm.xlane v9, v4;
	v11 =	vperm.xlane v11, v4;
	(xrf1) =	vsort.dscd.msk.f32 $0xffff, v16, v0;
	v13, v25, _ =	vpop (xrf1)  }
0x193: {  	v12 =	vperm.xlane v12, v4;
	vm3 =	vge.f32 v20, v8;
	v8 =	vmax.f32 v20, v8;
	v16, v26, _ =	vpop (xrf1)  }
0x194: {  	(xrf1) =	vsort.dscd.msk.f32 $0xffff, v19, v0;
	v9 =	vsel vm3, v21, v9;
	v16 =	vperm.xlane v16, v4  }
0x195: {  	vm8 =	vge.f32 v10, v11;
	v10 =	vmax.f32 v10, v11;
	v11 =	vperm.xlane v26, v4;
	v19, v20, _ =	vpop (xrf1)  }
0x196: {  	(xrf1) =	vsort.dscd.msk.f32 $0xffff, v8, v9;
	v12 =	vsel vm8, v24, v12;
	vm3 =	vge.f32 v19, v16  }
0x197: {  	(xrf1) =	vsort.dscd.msk.f32 $0xffff, v10, v12;
	v8 =	vmax.f32 v19, v16;
	v9 =	vsel vm3, v20, v11  }
0x198: {  	(xrf1) =	vsort.dscd.msk.f32 $0xffff, v8, v9;
	_ =	sdelay $0x3  }
0x199: {  	v10 =	vperm.xlane v17, v4  }
0x19a: {  	v12 =	vperm.xlane v13, v4;
	v8 =	vperm.xlane v14, v4  }
0x19b: {  	v16 =	vperm.xlane v23, v4;
	v9 =	vperm.xlane v15, v4;
	v13, v14, _ =	vpop (xrf1)  }
0x19c: {  	v11 =	vperm.xlane v22, v4;
	v15 =	vperm.xlane v18, v4;
	v17, v18, _ =	vpop (xrf1);
	vm3 =	vge.f32 v13, v8  }
0x19d: {  	v8 =	vmax.f32 v13, v8;
	v9 =	vsel vm3, v14, v9;
	v13, v14, _ =	vpop (xrf1);
	vm3 =	vge.f32 v17, v10  }
0x19e: {  	s4 =	simm.s32 $0x43B0;
	v10 =	vmax.f32 v17, v10;
	vm9 =	vge.f32 v13, v11;
	(xrf1) =	vsort.dscd.msk.f32 $0xffff, v8, v9  }
0x19f: {  	v8 =	vsel vm3, v18, v15;
	v11 =	vmax.f32 v13, v11;
	v9 =	vsel vm9, v14, v16;
	v16 =	vld [tilespmem:s4+$0xFFFFFFE0]  }
0x1a0: {  	v19 =	vperm.xlane v25, v4;
	v20, v21, _ =	vpop (xrf1)  }
0x1a1: {  	v13 =	vld [tilespmem:s4+$0x0];
	v14, v15, _ =	vpop (xrf1);
	vm3 =	vge.f32 v20, v12;
	(xrf1) =	vsort.dscd.msk.f32 $0xffff, v10, v8  }
0x1a2: {  	v18 =	vld [tilespmem:s4+$0xFFFFFFD0];
	v12 =	vmax.f32 v20, v12;
	v17 =	vsel vm3, v21, v19;
	v8, v10, _ =	vpop (xrf1);
	(xrf1) =	vsort.dscd.msk.f32 $0xffff, v11, v9  }
0x1a3: {  	v9, v11, _ =	vpop (xrf1);
	(xrf1) =	vsort.dscd.msk.f32 $0xffff, v12, v17;
	v17 =	vld [tilespmem:s4+$0xFFFFFFF0]  }
0x1a4: {  	v12 =	vnsel vm2, $0x0, v9;
	(xrf1) =	vsort.dscd.msk.f32 $0xffff, v16, v1  }
0x1a5: {  	(xrf2) =	vadd.scan.msk.f32 $0xffff, v12  }
0x1a6: {  	(xrf1) =	vsort.dscd.msk.f32 $0xffff, v13, v3  }
0x1a7: {  	(xrf1) =	vsort.dscd.msk.f32 $0xffff, v18, v0  }
0x1a8: {  	v12 =	vld [tilespmem:s4+$0xFFFFFE80];
	(xrf1) =	vsort.dscd.msk.f32 $0xffff, v17, v2  }
0x1a9: {  	v13 =	vld [tilespmem:s4+$0xFFFFFF00]  }
0x1aa: {  	v16 =	vld [tilespmem:s4+$0xFFFFFF80]  }
0x1ab: {  	v17 =	vld [tilespmem:s4+$0xFFFFFE60]  }
0x1ac: {  	v18 =	vld [tilespmem:s4+$0xFFFFFE70]  }
0x1ad: {  	v19 =	vld [tilespmem:s4+$0xFFFFFEE0];
	(xrf1) =	vsort.dscd.msk.f32 $0xffff, v12, v3  }
0x1ae: {  	v21 =	vld [tilespmem:s4+$0xFFFFFEF0];
	v12, v20, _ =	vpop (xrf1);
	(xrf1) =	vsort.dscd.msk.f32 $0xffff, v13, v3  }
0x1af: {  	v14 =	vperm.xlane v14, v4;
	v15 =	vperm.xlane v15, v4;
	v13, v22, _ =	vpop (xrf1);
	(xrf1) =	vsort.dscd.msk.f32 $0xffff, v16, v3  }
0x1b0: {  	v8 =	vperm.xlane v8, v4;
	v10 =	vperm.xlane v10, v4;
	v16, v23, _ =	vpop (xrf1);
	(xrf1) =	vsort.dscd.msk.f32 $0xffff, v17, v1  }
0x1b1: {  	v12 =	vperm.xlane v12, v4;
	vm3 =	vge.f32 v13, v14;
	(xrf1) =	vsort.dscd.msk.f32 $0xffff, v18, v2;
	v18 =	vld [tilespmem:s4+$0xFFFFFF60];
	v25, _, _ =	vpop (xrf2)  }
0x1b2: {  	v13 =	vmax.f32 v13, v14;
	v14 =	vsel vm3, v22, v15;
	(xrf1) =	vsort.dscd.msk.f32 $0xffff, v19, v1;
	v25 =	vbroadcast v25, $0xF;
	v17, v24, _ =	vpop (xrf1)  }
0x1b3: {  	vm3 =	vge.f32 v16, v8;
	v19 =	vperm.xlane v20, v4;
	(xrf1) =	vsort.dscd.msk.f32 $0xffff, v21, v2;
	v20, v21, _ =	vpop (xrf1)  }
0x1b4: {  	v8 =	vmax.f32 v16, v8;
	v10 =	vsel vm3, v23, v10;
	(erf) = vrcp.f32 v25;
	v15, v22, _ =	vpop (xrf1)  }
0x1b5: {  	vm3 =	vge.f32 v17, v12;
	v25 =	vperm.xlane v9, v5;
	v15 =	vperm.xlane v15, v4;
	v23, v26, _ =	vpop (xrf1)  }
0x1b6: {  	v16 =	vsel vm3, v24, v19;
	(xrf1) =	vsort.dscd.msk.f32 $0xffff, v18, v1;
	v19 =	vperm.xlane v22, v4;
	v22, v24, _ =	vpop (xrf1)  }
0x1b7: {  	v18 =	vperm.xlane v20, v4;
	v21 =	vperm.xlane v21, v4;
	vm3 =	vge.f32 v22, v15  }
0x1b8: {  	s5 =	simm.s32 $0x83;
	v15 =	vmax.f32 v22, v15;
	v19 =	vsel vm3, v24, v19;
	v24 =	vperm.xlane v11, v5  }
0x1b9: {  	v20 =	vld [tilespmem:s4+$0xFFFFFF70];
	v22 =	vmov s5;
	vm3 =	vge.f32 v23, v18;
	v18 =	vmax.f32 v23, v18  }
0x1ba: {  	v23 =	vshll.u32 v22, $0x3;
	(xrf1) =	vsort.dscd.msk.f32 $0xffff, v15, v19;
	v19 =	vsel vm3, v26, v21;
	vm3 =	vlt.s32 v11, v24  }
0x1bb: {  	(xrf1) =	vsort.dscd.msk.f32 $0xffff, v18, v19;
	v19 =	vand.u32 $0x7F, v22;
	v22 =	vsel vm3, v11, v24;
	v24 =	vsel vm3, v24, v11  }
0x1bc: {  	v15 =	vld [tilespmem:s4+$0xFFFFFE50];
	v26, v27, _ =	vpop (xrf1)  }
0x1bd: {  	v21 =	vld [tilespmem:s4+$0xFFFFFED0];
	v28, v29, _ =	vpop (xrf1)  }
0x1be: {  	v18 =	vld [tilespmem:s4+$0xFFFFFF50];
	vm3 =	veq.f32 v9, v25;
	v22 =	vsel vm0, v22, v24;
	v24, v25, _ =	vpop (xrf1);
	(xrf1) =	vsort.dscd.msk.f32 $0xffff, v20, v2  }
0x1bf: {  	v12 =	vmax.f32 v17, v12;
	v23 =	vand.u32 $0x400, v23;
	v27 =	vperm.xlane v27, v4  }
0x1c0: {  	v17 =	vor.u32 v23, v19;
	v23 =	vperm.xlane v26, v4;
	v11 =	vsel vm3, v22, v11;
	v19, v20, _ =	vpop (xrf1)  }
0x1c1: {  	v17 =	vor.u32 v7, v17;
	v22 =	vperm.xlane v11, v6;
	(xrf1) =	vsort.dscd.msk.f32 $0xffff, v15, v0;
	v26, v30, _ =	vpop (xrf1)  }
0x1c2: {  	v15 =	vperm.xlane v28, v4;
	(xrf1) =	vsort.dscd.msk.f32 $0xffff, v21, v0;
	v28, v31, _ =	vpop (xrf1);
	vm3 =	vge.f32 v26, v23  }
0x1c3: {  	v21 =	vperm.xlane v29, v4;
	(xrf1) =	vsort.dscd.msk.f32 $0xffff, v18, v0;
	v29, v56, _ =	vpop (xrf1);
	v18 =	vsel vm3, v30, v27  }
0x1c4: {  	v23 =	vmax.f32 v26, v23;
	vm3 =	vlt.s32 v11, v22;
	vm10 =	vge.f32 v29, v15  }
0x1c5: {  	v15 =	vmax.f32 v29, v15;
	(xrf1) =	vsort.dscd.msk.f32 $0xffff, v23, v18;
	v21 =	vsel vm10, v56, v21  }
0x1c6: {  	(xrf1) =	vsort.dscd.msk.f32 $0xffff, v15, v21;
	v15 =	vperm.xlane v9, v6;
	v18 =	vpop (erf);
	v21 =	vsel vm3, v11, v22  }
0x1c7: {  	(xrf1) =	vsort.dscd.msk.f32 $0xffff, v13, v14;
	v13 =	vsel vm3, v22, v11;
	v14 =	vmul.f32 v18, v9;
	v18, v22, _ =	vpop (xrf1)  }
0x1c8: {  	(xrf1) =	vsort.dscd.msk.f32 $0xffff, v8, v10;
	vm3 =	veq.f32 v9, v15;
	v8 =	vsel vm1, v13, v21;
	v9, v10, _ =	vpop (xrf1)  }
0x1c9: {  	v13 =	vsel vm3, v8, v11;
	v8 =	vperm.xlane v9, v4  }
0x1ca: {  	(xrf1) =	vsort.dscd.msk.f32 $0xffff, v12, v16;
	v10 =	vperm.xlane v10, v4;
	v11, v12, _ =	vpop (xrf1)  }
0x1cb: {  	v15 =	vperm.xlane v19, v4;
	v9 =	vperm.xlane v24, v4;
	vm3 =	vge.f32 v11, v8  }
0x1cc: {  	[tilespmem:v17+s26+$0x0] =	vst.idx.msk $0xff, v14;
	v14 =	vperm.xlane v25, v4;
	v10 =	vsel vm3, v12, v10;
	v19, v21, _ =	vpop (xrf1)  }
0x1cd: {  	v16 =	vperm.xlane v28, v4;
	vm3 =	vge.f32 v19, v9  }
0x1ce: {  	v8 =	vmax.f32 v11, v8;
	v11 =	vperm.xlane v18, v4;
	v14 =	vsel vm3, v21, v14  }
0x1cf: {  	(xrf1) =	vsort.dscd.msk.f32 $0xffff, v8, v10;
	v8 =	vperm.xlane v20, v4;
	v9 =	vmax.f32 v19, v9;
	v10, v12, _ =	vpop (xrf1)  }
0x1d0: {  	v19 =	vperm.xlane v31, v4;
	v20, v21, _ =	vpop (xrf1);
	vm3 =	vge.f32 v10, v15;
	(xrf1) =	vsort.dscd.msk.f32 $0xffff, v9, v14  }
0x1d1: {  	v9 =	vperm.xlane v22, v4;
	v10 =	vmax.f32 v10, v15;
	vm11 =	vge.f32 v20, v16;
	v14, v22, _ =	vpop (xrf1)  }
0x1d2: {  	s3 =	simm.s32 $0x80;
	v8 =	vsel vm3, v12, v8;
	v12 =	vsel vm11, v21, v19;
	vm3 =	vge.f32 v14, v11  }
0x1d3: {  	v18 =	vmov s3;
	v9 =	vsel vm3, v22, v9  }
0x1d4: {  	v15 =	vand.u32 $0x7C, v18  }
0x1d5: {  	v18 =	vshll.u32 v18, $0x3;
	v16 =	vmax.f32 v20, v16;
	(xrf1) =	vsort.dscd.msk.f32 $0xffff, v10, v8;
	v11 =	vmax.f32 v14, v11;
	v8, v10, _ =	vpop (xrf1)  }
0x1d6: {  	(xrf1) =	vsort.dscd.msk.f32 $0xffff, v16, v12;
	v14 =	vand.u32 $0x400, v18;
	v19 =	vperm.xlane v8, v4;
	v18 =	vperm.xlane v10, v4;
	v8, v12, _ =	vpop (xrf1)  }
0x1d7: {  	v10 =	vor.u32 v14, v15;
	(xrf1) =	vsort.dscd.msk.f32 $0xffff, v11, v9;
	v20 =	vperm.xlane v8, v4;
	v8, v9, _ =	vpop (xrf1)  }
0x1d8: {  	v21 =	vperm.xlane v12, v4;
	v14 =	vperm.xlane v9, v5;
	v12, v15, _ =	vpop (xrf1)  }
0x1d9: {  	v11 =	vor.u32 v7, v10;
	v16 =	vperm.xlane v8, v5;
	v22 =	vperm.xlane v15, v5  }
0x1da: {  	[tilespmem:v17+s28+$0x0] =	vst.idx.msk $0xff, v13;
	v13 =	vnsel vm2, $0x0, v8;
	v10, v23, _ =	vpop (xrf1);
	v24 =	vperm.xlane v12, v5;
	vm3 =	vlt.s32 v9, v14  }
0x1db: {  	v17 =	vperm.xlane v23, v5;
	v26 =	vperm.xlane v10, v5;
	vm12 =	vlt.s32 v15, v22  }
0x1dc: {  	v25 =	vsel vm3, v9, v14;
	v14 =	vsel vm3, v14, v9;
	v27 =	vsel vm12, v15, v22  }
0x1dd: {  	s4 =	simm.s32 $0x45B0;
	vm13 =	veq.f32 v12, v24;
	vm3 =	vlt.s32 v23, v17;
	v22 =	vsel vm12, v22, v15  }
0x1de: {  	v14 =	vsel vm0, v25, v14;
	v25 =	vld [tilespmem:s4+$0xFFFFFFE0];
	v28 =	vsel vm3, v23, v17;
	v17 =	vsel vm3, v17, v23  }
0x1df: {  	v22 =	vsel vm0, v27, v22;
	vm3 =	veq.f32 v8, v16;
	v17 =	vsel vm0, v28, v17;
	v28 =	vld [tilespmem:s4+$0x0];
	v27, v29, _ =	vpop (xrf1)  }
0x1e0: {  	v30 =	vld [tilespmem:s4+$0xFFFFFFD0];
	(xrf2) =	vadd.scan.msk.f32 $0xffff, v13;
	vm14 =	veq.f32 v10, v26;
	v13 =	vsel vm3, v14, v9;
	v9 =	vsel vm13, v22, v15;
	v24, v26, _ =	vpop (xrf1)  }
0x1e1: {  	v16 =	vnsel vm2, $0x0, v27;
	v22 =	vperm.xlane v24, v4;
	v24 =	vperm.xlane v26, v4;
	v26 =	vld [tilespmem:s4+$0xFFFFFFF0]  }
0x1e2: {  	v37 =	vperm.xlane v10, v6;
	v15 =	vperm.xlane v8, v6;
	v14 =	vsel vm14, v17, v23;
	(xrf2) =	vadd.scan.msk.f32 $0xffff, v16  }
0x1e3: {  	v31 =	vperm.xlane v9, v6;
	v58 =	vperm.xlane v14, v6;
	(xrf1) =	vsort.dscd.msk.f32 $0xffff, v25, v1  }
0x1e4: {  	v57 =	vld [tilespmem:s4+$0xFFFFFE80];
	v23 =	vperm.xlane v13, v6;
	v46 =	vperm.xlane v27, v5;
	(xrf1) =	vsort.dscd.msk.f32 $0xffff, v28, v3  }
0x1e5: {  	v25 =	vld [tilespmem:s4+$0xFFFFFF00];
	vm4 =	vlt.s32 v9, v31;
	vm5 =	vlt.s32 v14, v58;
	v16, v17, _ =	vpop (xrf1);
	(xrf1) =	vsort.dscd.msk.f32 $0xffff, v30, v0  }
0x1e6: {  	v28 =	vld [tilespmem:s4+$0xFFFFFF80];
	vm3 =	vge.f32 v16, v19;
	v16 =	vmax.f32 v16, v19;
	v19, v59, _ =	vpop (xrf1);
	(xrf1) =	vsort.dscd.msk.f32 $0xffff, v26, v2  }
0x1e7: {  	v43 =	vsel vm4, v9, v31;
	v30 =	vld [tilespmem:s4+$0xFFFFFE60];
	v17 =	vsel vm3, v17, v18;
	vm3 =	vge.f32 v19, v20;
	v61, v60, _ =	vpop (xrf1)  }
0x1e8: {  	v31 =	vsel vm4, v31, v9;
	v18 =	vsel vm3, v59, v21;
	vm3 =	vge.f32 v61, v22;
	v26 =	vld [tilespmem:s4+$0xFFFFFE70]  }
0x1e9: {  	v20 =	vmax.f32 v19, v20;
	v19 =	vsel vm3, v60, v24;
	(xrf1) =	vsort.dscd.msk.f32 $0xffff, v57, v3;
	v24 =	vld [tilespmem:s4+$0xFFFFFEE0]  }
0x1ea: {  	v44 =	vsel vm5, v14, v58;
	v21 =	vmax.f32 v61, v22;
	(xrf1) =	vsort.dscd.msk.f32 $0xffff, v25, v3  }
0x1eb: {  	v62 =	vld [tilespmem:s4+$0xFFFFFEF0];
	v32, _, _ =	vpop (xrf2);
	v22 =	vperm.xlane v12, v6;
	vm3 =	vlt.s32 v13, v23;
	(xrf1) =	vsort.dscd.msk.f32 $0xffff, v28, v3  }
0x1ec: {  	v63 =	vld [tilespmem:s4+$0xFFFFFF60];
	v31 =	vsel vm1, v31, v43;
	v25 =	vnsel vm2, $0x0, v12;
	v42 =	vsel vm3, v13, v23;
	(xrf1) =	vsort.dscd.msk.f32 $0xffff, v30, v1;
	v28, _, _ =	vpop (xrf2)  }
0x1ed: {  	s5 =	simm.s32 $0x87;
	v23 =	vsel vm3, v23, v13;
	vm10 =	veq.f32 v12, v22;
	(xrf1) =	vsort.dscd.msk.f32 $0xffff, v26, v2;
	v28 =	vbroadcast v28, $0xF  }
0x1ee: {  	v23 =	vsel vm1, v23, v42;
	v26 =	vsel vm5, v58, v14;
	(xrf1) =	vsort.dscd.msk.f32 $0xffff, v24, v1;
	v24 =	vmov s5  }
0x1ef: {  	v45 =	vshll.u32 v24, $0x3;
	(erf) = vrcp.f32 v28;
	v28 =	vperm.xlane v29, v5  }
0x1f0: {  	v26 =	vsel vm1, v26, v44;
	(xrf1) =	vsort.dscd.msk.f32 $0xffff, v62, v2;
	v24 =	vand.u32 $0x7F, v24;
	v33 =	vand.u32 $0x400, v45  }
0x1f1: {  	v30 =	vnsel vm2, $0x0, v10;
	(xrf1) =	vsort.dscd.msk.f32 $0xffff, v63, v1;
	v24 =	vor.u32 v33, v24;
	v48, v47, _ =	vpop (xrf1);
	vm3 =	vlt.s32 v29, v28  }
0x1f2: {  	v33 =	vperm.xlane v48, v4;
	v49 =	vsel vm3, v29, v28;
	v28 =	vsel vm3, v28, v29;
	v50, v51, _ =	vpop (xrf1)  }
0x1f3: {  	vm3 =	veq.f32 v27, v46;
	v28 =	vsel vm0, v49, v28;
	v52 =	vperm.xlane v50, v4;
	v53, v54, _ =	vpop (xrf1)  }
0x1f4: {  	v34 =	vperm.xlane v47, v4;
	v28 =	vsel vm3, v28, v29;
	v29 =	vperm.xlane v51, v4;
	v56, v55, _ =	vpop (xrf1)  }
0x1f5: {  	(xrf2) =	vadd.scan.msk.f32 $0xffff, v25;
	v24 =	vor.u32 v7, v24;
	v48 =	vperm.xlane v27, v6;
	vm15 =	vge.f32 v56, v52  }
0x1f6: {  	v58 =	vld [tilespmem:s4+$0xFFFFFF70];
	(xrf2) =	vadd.scan.msk.f32 $0xffff, v30;
	v57 =	vperm.xlane v28, v6;
	v60 =	vmax.f32 v56, v52;
	v29 =	vsel vm15, v55, v29  }
0x1f7: {  	v25 =	vld [tilespmem:s4+$0xFFFFFE50];
	v30 =	vbroadcast v32, $0xF;
	v59 =	vmax.f32 v53, v33;
	vm3 =	vge.f32 v53, v33;
	v62, v61, _ =	vpop (xrf1);
	(xrf1) =	vsort.dscd.msk.f32 $0xffff, v60, v29  }
0x1f8: {  	v63 =	vld [tilespmem:s4+$0xFFFFFED0];
	v34 =	vsel vm3, v54, v34;
	vm3 =	veq.f32 v27, v48;
	vm8 =	vlt.s32 v28, v57;
	v52, v51, _ =	vpop (xrf1)  }
0x1f9: {  	v36 =	vperm.xlane v61, v4;
	v49 =	vpop (erf);
	v50 =	vsel vm8, v28, v57;
	v41 =	vsel vm8, v57, v28  }
0x1fa: {  	v29 =	vld [tilespmem:s4+$0xFFFFFF50];
	v54, v53, _ =	vpop (xrf1);
	v33 =	vperm.xlane v52, v4;
	v60 =	vperm.xlane v51, v4;
	(xrf1) =	vsort.dscd.msk.f32 $0xffff, v59, v34  }
0x1fb: {  	(erf) = vrcp.f32 v30;
	v40 =	vmul.f32 v49, v27;
	v27 =	vsel vm1, v41, v50;
	v30, v55, _ =	vpop (xrf1);
	(xrf1) =	vsort.dscd.msk.f32 $0xffff, v58, v2  }
0x1fc: {  	s4 =	simm.s32 $0x81;
	v27 =	vsel vm3, v27, v28;
	v28 =	vperm.xlane v62, v4;
	v57, v56, _ =	vpop (xrf1);
	(xrf1) =	vsort.dscd.msk.f32 $0xffff, v25, v0  }
0x1fd: {  	s31 =	simm.s32 $0x84;
	v38 =	vperm.xlane v54, v4;
	v46 =	vperm.xlane v53, v4;
	v49 =	vmov s4;
	v25, v59, _ =	vpop (xrf1);
	(xrf1) =	vsort.dscd.msk.f32 $0xffff, v63, v0  }
0x1fe: {  	v58 =	vmov s31;
	v30 =	vperm.xlane v30, v4;
	[tilespmem:v24+s26+$0x0] =	vst.idx.msk $0xff, v40;
	vm3 =	vge.f32 v57, v28  }
0x1ff: {  	v61 =	vand.u32 $0x7C, v58;
	v63, v62, _ =	vpop (xrf1);
	v25 =	vperm.xlane v25, v4;
	v28 =	vmax.f32 v57, v28;
	(xrf1) =	vsort.dscd.msk.f32 $0xffff, v29, v0  }
0x200: {  	v50, _, _ =	vpop (xrf2);
	v52 =	vperm.xlane v59, v4;
	vm9 =	vge.f32 v63, v33;
	v36 =	vsel vm3, v56, v36  }
0x201: {  	v41 =	vshll.u32 v58, $0x3;
	v29, v48, _ =	vpop (xrf1);
	v32 =	vmax.f32 v63, v33;
	v51 =	vsel vm9, v62, v60;
	(xrf1) =	vsort.dscd.msk.f32 $0xffff, v28, v36  }
0x202: {  	vm3 =	veq.f32 v8, v15;
	v15 =	vbroadcast v50, $0xF;
	v29 =	vperm.xlane v29, v4;
	(xrf1) =	vsort.dscd.msk.f32 $0xffff, v32, v51  }
0x203: {  	v53 =	vand.u32 $0x400, v41;
	v28 =	vperm.xlane v55, v4;
	v13 =	vsel vm3, v23, v13;
	(xrf1) =	vsort.dscd.msk.f32 $0xffff, v16, v17  }
0x204: {  	vm3 =	veq.f32 v10, v37;
	v56 =	vpop (erf);
	(xrf1) =	vsort.dscd.msk.f32 $0xffff, v20, v18;
	(erf) = vrcp.f32 v15;
	v15 =	vsel vm10, v31, v9  }
0x205: {  	v18 =	vshll.u32 v49, $0x3;
	v16 =	vmul.f32 v56, v8;
	(xrf1) =	vsort.dscd.msk.f32 $0xffff, v21, v19;
	v8 =	vsel vm3, v26, v14;
	v9, v14, _ =	vpop (xrf1)  }
0x206: {  	v54, _, _ =	vpop (xrf2);
	[tilespmem:v24+s28+$0x0] =	vst.idx.msk $0xff, v27;
	v20 =	vperm.xlane v9, v4;
	v9 =	vand.u32 $0x400, v18;
	v18 =	vor.u32 v53, v61  }
0x207: {  	v55 =	vperm.xlane v48, v4;
	v17 =	vbroadcast v54, $0xF;
	v19 =	vand.u32 $0x7D, v49;
	[tilespmem:v11+s26+$0x0] =	vst.idx.msk $0xff, v16  }
0x208: {  	v14 =	vperm.xlane v14, v4;
	v21, v22, _ =	vpop (xrf1);
	v19 =	vor.u32 v9, v19;
	v9 =	vor.u32 v7, v18  }
0x209: {  	vm3 =	vge.f32 v21, v20;
	v31 =	vor.u32 v7, v19;
	v19 =	vmax.f32 v21, v20;
	v18, v23, _ =	vpop (xrf1)  }
0x20a: {  	[tilespmem:v11+s28+$0x0] =	vst.idx.msk $0xff, v13;
	v14 =	vsel vm3, v22, v14;
	vm11 =	vge.f32 v18, v38;
	v20, v21, _ =	vpop (xrf1)  }
0x20b: {  	(erf) = vrcp.f32 v17;
	v17 =	vmax.f32 v18, v38;
	(xrf1) =	vsort.dscd.msk.f32 $0xffff, v19, v14;
	v18 =	vsel vm11, v23, v46;
	v22, v23, _ =	vpop (xrf1)  }
0x20c: {  	s5 =	simm.s32 $0x82;
	vm3 =	vge.f32 v20, v30;
	v20 =	vmax.f32 v20, v30;
	vm12 =	vge.f32 v22, v25  }
0x20d: {  	v14, v19, _ =	vpop (xrf1);
	(xrf1) =	vsort.dscd.msk.f32 $0xffff, v17, v18;
	v17 =	vmov s5;
	v18 =	vsel vm3, v21, v28;
	v22 =	vmax.f32 v22, v25  }
0x20e: {  	v21 =	vsel vm12, v23, v52;
	vm3 =	vge.f32 v14, v29;
	v23 =	vpop (erf);
	v14 =	vmax.f32 v14, v29  }
0x20f: {  	v16, v25, _ =	vpop (xrf1);
	v57 =	vand.u32 $0x7E, v17;
	(xrf1) =	vsort.dscd.msk.f32 $0xffff, v20, v18;
	v19 =	vsel vm3, v19, v55;
	v23 =	vmul.f32 v23, v12  }
0x210: {  	v13 =	vshll.u32 v17, $0x3;
	v24 =	vperm.xlane v16, v4;
	v26 =	vperm.xlane v25, v4;
	v11, v12, _ =	vpop (xrf1);
	(xrf1) =	vsort.dscd.msk.f32 $0xffff, v22, v21  }
0x211: {  	v17 =	vand.u32 $0x400, v13;
	v25 =	vperm.xlane v11, v4;
	v27 =	vperm.xlane v12, v4;
	v12, v16, _ =	vpop (xrf1);
	(xrf1) =	vsort.dscd.msk.f32 $0xffff, v14, v19  }
0x212: {  	v17 =	vor.u32 v17, v57;
	v22 =	vperm.xlane v12, v5;
	v21 =	vperm.xlane v16, v5;
	v11, v30, _ =	vpop (xrf1)  }
0x213: {  	v29 =	vnsel vm2, $0x0, v12;
	v14 =	vperm.xlane v11, v5;
	v19 =	vperm.xlane v30, v5;
	v13, v58, _ =	vpop (xrf1)  }
0x214: {  	[tilespmem:v31+s26+$0x0] =	vst.idx.msk $0xff, v23;
	v20 =	vnsel vm2, $0x0, v11;
	vm3 =	vlt.s32 v16, v21;
	v23 =	vperm.xlane v58, v5  }
0x215: {  	v28 =	vsel vm3, v16, v21;
	vm13 =	vlt.s32 v30, v19;
	v21 =	vsel vm3, v21, v16  }
0x216: {  	(xrf2) =	vadd.scan.msk.f32 $0xffff, v29;
	v59 =	vperm.xlane v13, v5;
	v60 =	vsel vm13, v30, v19;
	v19 =	vsel vm13, v19, v30  }
0x217: {  	v18 =	vnsel vm2, $0x0, v13;
	vm14 =	veq.f32 v11, v14;
	vm3 =	vlt.s32 v58, v23  }
0x218: {  	s1 =	simm.s32 $0x47B0;
	v62 =	vsel vm0, v28, v21;
	vm15 =	veq.f32 v13, v59;
	v61 =	vsel vm3, v58, v23  }
0x219: {  	v28 =	vld [tilespmem:s1+$0xFFFFFFE0];
	v23 =	vsel vm3, v23, v58;
	v34 =	vsel vm0, v60, v19;
	vm3 =	veq.f32 v12, v22;
	v19, v21, _ =	vpop (xrf1)  }
0x21a: {  	[tilespmem:v31+s28+$0x0] =	vst.idx.msk $0xff, v15;
	v31 =	vld [tilespmem:s1+$0x0];
	v16 =	vsel vm3, v62, v16;
	v14 =	vsel vm14, v34, v30;
	v63 =	vnsel vm2, $0x0, v19  }
0x21b: {  	v23 =	vsel vm0, v61, v23;
	v34 =	vld [tilespmem:s1+$0xFFFFFFD0];
	v33 =	vperm.xlane v16, v6;
	v32 =	vperm.xlane v14, v6;
	v15, v22, _ =	vpop (xrf1);
	(xrf2) =	vadd.scan.msk.f32 $0xffff, v63  }
0x21c: {  	s30 =	simm.s32 $0x88;
	s29 =	simm.s32 $0x8C;
	v35 =	vld [tilespmem:s1+$0xFFFFFFF0];
	s3 =	simm.s32 $0x90;
	v29 =	vperm.xlane v15, v4;
	v30 =	vperm.xlane v22, v4;
	v15 =	vsel vm15, v23, v58;
	v22 =	vpop (erf)  }
.LBB2_4:
0x21d: {  	p0 =	slt.u32 s3, $0xFC;
	v36 =	vld [tilespmem:s1+$0xFFFFFE80];
	v41, v38, _ =	vpop (xrf1);
	v23 =	vperm.xlane v12, v6;
	v39 =	vperm.xlane v15, v6;
	v17 =	vor.u32 v7, v17  }
0x21e: {  	v40 =	vld [tilespmem:s1+$0xFFFFFF00];
	(xrf1) =	vsort.dscd.msk.f32 $0xffff, v28, v1;
	vm3 =	vge.f32 v41, v24;
	v24 =	vmax.f32 v41, v24;
	v28, v37, _ =	vpop (xrf1)  }
0x21f: {  	v41 =	vld [tilespmem:s1+$0xFFFFFF80];
	(xrf1) =	vsort.dscd.msk.f32 $0xffff, v31, v3;
	v26 =	vsel vm3, v38, v26;
	vm3 =	vge.f32 v28, v25;
	v31, v38, _ =	vpop (xrf1)  }
0x220: {  	v42 =	vld [tilespmem:s1+$0xFFFFFE60];
	(xrf1) =	vsort.dscd.msk.f32 $0xffff, v34, v0;
	v27 =	vsel vm3, v37, v27;
	vm3 =	vge.f32 v31, v29;
	v34, _, _ =	vpop (xrf2)  }
0x221: {  	v28 =	vmax.f32 v28, v25;
	v37 =	vld [tilespmem:s1+$0xFFFFFE70];
	(xrf1) =	vsort.dscd.msk.f32 $0xffff, v35, v2;
	v25 =	vsel vm3, v38, v30;
	v34 =	vbroadcast v34, $0xF  }
0x222: {  	v29 =	vmax.f32 v31, v29;
	vm3 =	vlt.s32 v16, v33;
	v35 =	vld [tilespmem:s1+$0xFFFFFEE0];
	(xrf1) =	vsort.dscd.msk.f32 $0xffff, v36, v3  }
0x223: {  	vm4 =	vlt.s32 v14, v32;
	vm5 =	vlt.s32 v15, v39;
	v30 =	vperm.xlane v11, v6;
	v36 =	vld [tilespmem:s1+$0xFFFFFEF0]  }
0x224: {  	v31 =	vperm.xlane v13, v6;
	v38 =	vld [tilespmem:s1+$0xFFFFFF60];
	(xrf1) =	vsort.dscd.msk.f32 $0xffff, v40, v3;
	v40 =	vsel vm3, v16, v33  }
0x225: {  	v44 =	vsel vm4, v14, v32;
	v33 =	vsel vm3, v33, v16;
	v43 =	vld [tilespmem:s1+$0xFFFFFF70];
	(xrf1) =	vsort.dscd.msk.f32 $0xffff, v41, v3;
	v41, _, _ =	vpop (xrf2)  }
0x226: {  	v32 =	vsel vm4, v32, v14;
	v45 =	vld [tilespmem:s1+$0xFFFFFED0];
	(xrf1) =	vsort.dscd.msk.f32 $0xffff, v42, v1;
	v41 =	vbroadcast v41, $0xF;
	v42 =	vsel vm5, v15, v39  }
0x227: {  	s4 =	sadd.s32 $0x3, s30;
	v22 =	vmul.f32 v22, v10;
	v10 =	vmovc v13;
	v46 =	vld [tilespmem:s1+$0xFFFFFF50];
	(xrf1) =	vsort.dscd.msk.f32 $0xffff, v37, v2;
	v37 =	vsel vm5, v39, v15  }
0x228: {  	v33 =	vsel vm1, v33, v40;
	v13 =	vld [tilespmem:s1+$0xFFFFFE50];
	(xrf1) =	vsort.dscd.msk.f32 $0xffff, v35, v1;
	v35 =	vmov s4;
	(erf) = vrcp.f32 v41  }
0x229: {  	v32 =	vsel vm1, v32, v44;
	(xrf1) =	vsort.dscd.msk.f32 $0xffff, v36, v2;
	v36 =	vperm.xlane v21, v5;
	v39 =	vshll.u32 v35, $0x3  }
0x22a: {  	v37 =	vsel vm1, v37, v42;
	v35 =	vand.u32 $0x7F, v35;
	(xrf1) =	vsort.dscd.msk.f32 $0xffff, v38, v1;
	v41 =	vand.u32 $0x400, v39  }
0x22b: {  	v39 =	vperm.xlane v19, v5;
	vm3 =	vlt.s32 v21, v36;
	v35 =	vor.u32 v41, v35  }
0x22c: {  	v38, v40, _ =	vpop (xrf1);
	v41 =	vsel vm3, v21, v36;
	v36 =	vsel vm3, v36, v21;
	v35 =	vor.u32 v7, v35  }
0x22d: {  	v47, v44, _ =	vpop (xrf1)  }
0x22e: {  	vm3 =	veq.f32 v19, v39;
	v39 =	vperm.xlane v40, v4;
	v40 =	vperm.xlane v47, v4  }
0x22f: {  	v38 =	vperm.xlane v38, v4  }
0x230: {  	v36 =	vsel vm0, v41, v36  }
0x231: {  	v21 =	vsel vm3, v36, v21;
	v44 =	vperm.xlane v44, v4;
	v41, v42, _ =	vpop (xrf1)  }
0x232: {  	v49 =	vperm.xlane v21, v6;
	v36 =	vmax.f32 v41, v38;
	v47, v48, _ =	vpop (xrf1);
	(xrf2) =	vadd.scan.msk.f32 $0xffff, v20;
	vm3 =	vge.f32 v41, v38  }
0x233: {  	vm4 =	vge.f32 v47, v40;
	v20 =	vmax.f32 v47, v40;
	v42 =	vsel vm3, v42, v39;
	v38, v40, _ =	vpop (xrf1)  }
0x234: {  	v53 =	vsel vm4, v48, v44;
	v44 =	vperm.xlane v19, v6;
	vm4 =	vlt.s32 v21, v49;
	v47 =	vpop (erf)  }
0x235: {  	v51 =	vsel vm4, v21, v49;
	v49 =	vsel vm4, v49, v21;
	v48, v50, _ =	vpop (xrf1);
	v47 =	vmul.f32 v47, v19;
	(xrf2) =	vadd.scan.msk.f32 $0xffff, v18  }
0x236: {  	vm4 =	veq.f32 v19, v44;
	v19 =	vsel vm1, v49, v51;
	v18, v52, _ =	vpop (xrf1);
	(xrf1) =	vsort.dscd.msk.f32 $0xffff, v20, v53  }
0x237: {  	v40 =	vperm.xlane v40, v4;
	v19 =	vsel vm4, v19, v21;
	v39, v41, _ =	vpop (xrf1);
	[tilespmem:v35+s26+$0x0] =	vst.idx.msk $0xff, v47;
	(erf) = vrcp.f32 v34  }
0x238: {  	v21 =	vperm.xlane v38, v4;
	v34, v38, _ =	vpop (xrf1);
	(xrf1) =	vsort.dscd.msk.f32 $0xffff, v36, v42;
	[tilespmem:v35+s28+$0x0] =	vst.idx.msk $0xff, v19  }
0x239: {  	v18 =	vperm.xlane v18, v4;
	v19 =	vperm.xlane v48, v4;
	v36 =	vmov s30;
	v20, v35, _ =	vpop (xrf1);
	(xrf1) =	vsort.dscd.msk.f32 $0xffff, v43, v2  }
0x23a: {  	v47 =	vperm.xlane v52, v4;
	v42 =	vperm.xlane v50, v4;
	v44 =	vand.u32 $0x7C, v36;
	(xrf1) =	vsort.dscd.msk.f32 $0xffff, v13, v0;
	v13, v43, _ =	vpop (xrf1)  }
0x23b: {  	s4 =	sadd.s32 $0x1, s31;
	v39 =	vperm.xlane v39, v4;
	vm3 =	vge.f32 v34, v21;
	v36 =	vshll.u32 v36, $0x3;
	(xrf1) =	vsort.dscd.msk.f32 $0xffff, v45, v0;
	v45, v48, _ =	vpop (xrf1)  }
0x23c: {  	v21 =	vmax.f32 v34, v21;
	vm4 =	vge.f32 v13, v19;
	(xrf1) =	vsort.dscd.msk.f32 $0xffff, v46, v0;
	v46 =	vmov s4;
	v49, _, _ =	vpop (xrf2)  }
0x23d: {  	v38 =	vsel vm3, v38, v40;
	v20 =	vperm.xlane v20, v4;
	v40 =	vperm.xlane v45, v4  }
0x23e: {  	v34 =	vperm.xlane v41, v4;
	v13 =	vmax.f32 v13, v19;
	v42 =	vsel vm4, v43, v42  }
0x23f: {  	v35 =	vperm.xlane v35, v4;
	vm3 =	veq.f32 v12, v23;
	(xrf1) =	vsort.dscd.msk.f32 $0xffff, v21, v38;
	v21 =	vand.u32 $0x400, v36;
	v36, _, _ =	vpop (xrf2)  }
0x240: {  	v16 =	vsel vm3, v33, v16;
	v38 =	vperm.xlane v48, v4;
	(xrf1) =	vsort.dscd.msk.f32 $0xffff, v13, v42;
	v13 =	vbroadcast v49, $0xF;
	v19 =	vpop (erf)  }
0x241: {  	vm4 =	veq.f32 v11, v30;
	v23 =	vbroadcast v36, $0xF;
	(xrf1) =	vsort.dscd.msk.f32 $0xffff, v24, v26;
	v12 =	vmul.f32 v19, v12  }
0x242: {  	vm3 =	veq.f32 v10, v31;
	v14 =	vsel vm4, v32, v14;
	(xrf1) =	vsort.dscd.msk.f32 $0xffff, v28, v27;
	(erf) = vrcp.f32 v13  }
0x243: {  	v13 =	vsel vm3, v37, v15;
	(xrf1) =	vsort.dscd.msk.f32 $0xffff, v29, v25;
	(erf) = vrcp.f32 v23;
	v23 =	vshll.u32 v46, $0x3  }
0x244: {  	v21 =	vor.u32 v21, v44;
	v15, v19, _ =	vpop (xrf1)  }
0x245: {  	[tilespmem:v9+s26+$0x0] =	vst.idx.msk $0xff, v12;
	v12 =	vand.u32 $0x7D, v46;
	v25 =	vperm.xlane v15, v4  }
0x246: {  	v24 =	vand.u32 $0x400, v23;
	[tilespmem:v9+s28+$0x0] =	vst.idx.msk $0xff, v16;
	v9 =	vor.u32 v7, v21;
	v19 =	vperm.xlane v19, v4  }
0x247: {  	v12 =	vor.u32 v24, v12;
	[tilespmem:v17+s26+$0x0] =	vst.idx.msk $0xff, v22;
	v21, v23, _ =	vpop (xrf1)  }
0x248: {  	v28 =	vor.u32 v7, v12;
	vm3 =	vge.f32 v21, v25;
	v16, v22, _ =	vpop (xrf1);
	[tilespmem:v17+s28+$0x0] =	vst.idx.msk $0xff, v8;
	v8 =	vmov v13  }
0x249: {  	v24 =	vmax.f32 v21, v25;
	vm4 =	vge.f32 v16, v18;
	v23 =	vsel vm3, v23, v19;
	v15, v17, _ =	vpop (xrf1)  }
0x24a: {  	s4 =	sadd.s32 $0x2, s31;
	s31 =	smov.u32 s30;
	s30 =	smov.u32 s29;
	v16 =	vmax.f32 v16, v18;
	v18 =	vsel vm4, v22, v47;
	v19, v21, _ =	vpop (xrf1);
	(xrf1) =	vsort.dscd.msk.f32 $0xffff, v24, v23  }
0x24b: {  	s29 =	smov.u32 s3;
	vm3 =	vge.f32 v15, v39;
	vm4 =	vge.f32 v19, v20;
	v12, v13, _ =	vpop (xrf1);
	(xrf1) =	vsort.dscd.msk.f32 $0xffff, v16, v18;
	v16 =	vmov s4  }
0x24c: {  	v23 =	vsel vm3, v17, v34;
	v18 =	vsel vm4, v21, v35;
	vm3 =	vge.f32 v12, v40;
	v21 =	vpop (erf)  }
0x24d: {  	v27 =	vmax.f32 v15, v39;
	v19 =	vmax.f32 v19, v20;
	v13 =	vsel vm3, v13, v38;
	v22 =	vpop (erf)  }
0x24e: {  	v30 =	vmax.f32 v12, v40;
	v20 =	vmul.f32 v21, v11;
	(xrf1) =	vsort.dscd.msk.f32 $0xffff, v27, v23;
	v25, v17, _ =	vpop (xrf1);
	v23 =	vand.u32 $0x7E, v16  }
0x24f: {  	v16 =	vshll.u32 v16, $0x3;
	v24 =	vperm.xlane v25, v4;
	v26 =	vperm.xlane v17, v4;
	(xrf1) =	vsort.dscd.msk.f32 $0xffff, v19, v18;
	v11, v15, _ =	vpop (xrf1)  }
0x250: {  	v17 =	vand.u32 $0x400, v16;
	v25 =	vperm.xlane v11, v4;
	v27 =	vperm.xlane v15, v4;
	(xrf1) =	vsort.dscd.msk.f32 $0xffff, v30, v13;
	v12, v15, _ =	vpop (xrf1)  }
0x251: {  	v16 =	vperm.xlane v12, v5;
	v19 =	vperm.xlane v15, v5;
	v21 =	vnsel vm2, $0x0, v12;
	v11, v29, _ =	vpop (xrf1);
	[tilespmem:v28+s26+$0x0] =	vst.idx.msk $0xff, v20  }
0x252: {  	v30 =	vperm.xlane v11, v5;
	v31 =	vperm.xlane v29, v5;
	v20 =	vnsel vm2, $0x0, v11;
	v13, v32, _ =	vpop (xrf1);
	[tilespmem:v28+s28+$0x0] =	vst.idx.msk $0xff, v14  }
0x253: {  	vm3 =	vlt.s32 v15, v19;
	v14 =	vperm.xlane v32, v5;
	v18 =	vnsel vm2, $0x0, v13  }
0x254: {  	v33 =	vperm.xlane v13, v5;
	v28 =	vsel vm3, v15, v19;
	vm4 =	vlt.s32 v29, v31  }
0x255: {  	v19 =	vsel vm3, v19, v15;
	v34 =	vsel vm4, v29, v31;
	vm3 =	vlt.s32 v32, v14;
	(xrf2) =	vadd.scan.msk.f32 $0xffff, v21  }
0x256: {  	v38 =	vsel vm4, v31, v29;
	v31 =	vsel vm3, v32, v14;
	v14 =	vsel vm3, v14, v32  }
.Ltmp1:
0x257: {  	s1 =	sadd.s32 $0x200, s1;
	v35 =	vsel vm0, v28, v19;
	v34 =	vsel vm0, v34, v38;
	v36 =	vsel vm0, v31, v14;
	(pc) =	sbr.rel @p0 .LBB2_4-.Ltmp1, $4  }
0x258: {  	vm4 =	veq.f32 v11, v30;
	vm5 =	veq.f32 v13, v33;
	vm3 =	veq.f32 v12, v16;
	v28 =	vld [tilespmem:s1+$0xFFFFFFE0];
	v19, v21, _ =	vpop (xrf1)  }
0x259: {  	v16 =	vsel vm3, v35, v15;
	v14 =	vsel vm4, v34, v29;
	v31 =	vld [tilespmem:s1+$0x0];
	v33 =	vnsel vm2, $0x0, v19;
	v30, v37, _ =	vpop (xrf1)  }
0x25a: {  	v15 =	vsel vm5, v36, v32;
	v34 =	vld [tilespmem:s1+$0xFFFFFFD0];
	v29 =	vperm.xlane v30, v4;
	v30 =	vperm.xlane v37, v4;
	(xrf2) =	vadd.scan.msk.f32 $0xffff, v33  }
0x25b: {  	s3 =	sadd.s32 $0x4, s3;
	v17 =	vor.u32 v17, v23;
	v32 =	vperm.xlane v14, v6;
	v33 =	vperm.xlane v16, v6;
	v35 =	vld [tilespmem:s1+$0xFFFFFFF0]  }
0x25c: {  	_ = 	snop  }
0x25d: {  	(xrf1) =	vsort.dscd.msk.f32 $0xffff, v28, v1  }
0x25e: {  	(xrf1) =	vsort.dscd.msk.f32 $0xffff, v31, v3;
	v31 =	vld [tilespmem:s1+$0xFFFFFE80]  }
0x25f: {  	v36 =	vld [tilespmem:s1+$0xFFFFFF00];
	v28, v59, _ =	vpop (xrf1);
	(xrf1) =	vsort.dscd.msk.f32 $0xffff, v34, v0  }
0x260: {  	v39 =	vld [tilespmem:s1+$0xFFFFFF80];
	vm3 =	vge.f32 v28, v24;
	v37, v38, _ =	vpop (xrf1);
	(xrf1) =	vsort.dscd.msk.f32 $0xffff, v35, v2  }
0x261: {  	v41 =	vld [tilespmem:s1+$0xFFFFFE60];
	v24 =	vmax.f32 v28, v24;
	v28 =	vsel vm3, v59, v26;
	vm3 =	vge.f32 v37, v25;
	v61, v40, _ =	vpop (xrf1)  }
0x262: {  	v62 =	vld [tilespmem:s1+$0xFFFFFE70];
	v26 =	vsel vm3, v38, v27;
	vm3 =	vge.f32 v61, v29  }
0x263: {  	v27 =	vmax.f32 v37, v25;
	v25 =	vsel vm3, v40, v30;
	v30 =	vld [tilespmem:s1+$0xFFFFFEE0];
	(xrf1) =	vsort.dscd.msk.f32 $0xffff, v31, v3  }
0x264: {  	v60 =	vperm.xlane v15, v6;
	(xrf1) =	vsort.dscd.msk.f32 $0xffff, v36, v3  }
0x265: {  	v63 =	vld [tilespmem:s1+$0xFFFFFEF0];
	s3 =	sadd.s32 $0x3, s30;
	v10 =	vmul.f32 v22, v10;
	(xrf1) =	vsort.dscd.msk.f32 $0xffff, v39, v3  }
0x266: {  	v47 =	vld [tilespmem:s1+$0xFFFFFF60];
	v55 =	vperm.xlane v19, v5;
	v22 =	vmov s3;
	vm5 =	vlt.s32 v15, v60;
	(xrf1) =	vsort.dscd.msk.f32 $0xffff, v41, v1  }
0x267: {  	v54 =	vshll.u32 v22, $0x3;
	v46, _, _ =	vpop (xrf2);
	v51 =	vsel vm5, v15, v60;
	v35 =	vsel vm5, v60, v15;
	(xrf1) =	vsort.dscd.msk.f32 $0xffff, v62, v2  }
0x268: {  	v22 =	vand.u32 $0x7F, v22;
	vm3 =	vlt.s32 v16, v33;
	v49, _, _ =	vpop (xrf2);
	(xrf1) =	vsort.dscd.msk.f32 $0xffff, v30, v1;
	v30 =	vperm.xlane v21, v5  }
0x269: {  	v45 =	vsel vm3, v16, v33;
	v48 =	vsel vm3, v33, v16;
	v39 =	vbroadcast v49, $0xF  }
0x26a: {  	v38 =	vbroadcast v46, $0xF;
	v33 =	vsel vm1, v48, v45;
	(xrf1) =	vsort.dscd.msk.f32 $0xffff, v63, v2;
	vm3 =	vlt.s32 v21, v30  }
0x26b: {  	(erf) = vrcp.f32 v39;
	(xrf1) =	vsort.dscd.msk.f32 $0xffff, v47, v1;
	v53, v52, _ =	vpop (xrf1);
	v44 =	vsel vm3, v21, v30;
	v30 =	vsel vm3, v30, v21  }
0x26c: {  	vm3 =	veq.f32 v19, v55;
	v57, v56, _ =	vpop (xrf1);
	v34 =	vperm.xlane v53, v4;
	v30 =	vsel vm0, v44, v30  }
0x26d: {  	v36 =	vperm.xlane v52, v4;
	v40 =	vperm.xlane v57, v4;
	v45, v46, _ =	vpop (xrf1);
	v21 =	vsel vm3, v30, v21  }
0x26e: {  	v35 =	vsel vm1, v35, v51;
	v58 =	vperm.xlane v56, v4;
	v59, v47, _ =	vpop (xrf1);
	v60 =	vperm.xlane v21, v6  }
0x26f: {  	(xrf2) =	vadd.scan.msk.f32 $0xffff, v20;
	vm3 =	vge.f32 v45, v34;
	vm15 =	vge.f32 v59, v40;
	v20 =	vmax.f32 v59, v40  }
0x270: {  	(xrf2) =	vadd.scan.msk.f32 $0xffff, v18;
	v18 =	vsel vm3, v46, v36;
	v30 =	vsel vm15, v47, v58;
	vm3 =	vlt.s32 v21, v60  }
0x271: {  	v62 =	vand.u32 $0x400, v54;
	(xrf1) =	vsort.dscd.msk.f32 $0xffff, v20, v30;
	v20 =	vmax.f32 v45, v34;
	v51 =	vsel vm3, v60, v21  }
0x272: {  	(xrf1) =	vsort.dscd.msk.f32 $0xffff, v20, v18;
	v18 =	vor.u32 v62, v22;
	v22 =	vsel vm3, v21, v60  }
0x273: {  	vm4 =	vlt.s32 v14, v32;
	v30 =	vld [tilespmem:s1+$0xFFFFFF70];
	v48, v63, _ =	vpop (xrf1);
	v22 =	vsel vm1, v51, v22  }
0x274: {  	v43 =	vsel vm4, v14, v32;
	v49 =	vperm.xlane v19, v6;
	v53, v54, _ =	vpop (xrf1)  }
0x275: {  	v50 =	vsel vm4, v32, v14;
	v29 =	vmax.f32 v61, v29;
	v61 =	vld [tilespmem:s1+$0xFFFFFE50];
	(erf) = vrcp.f32 v38;
	v55, v56, _ =	vpop (xrf1)  }
0x276: {  	v23 =	vperm.xlane v12, v6;
	v32 =	vsel vm1, v50, v43;
	v50 =	vld [tilespmem:s1+$0xFFFFFED0];
	vm3 =	veq.f32 v19, v49;
	v20 =	vpop (erf)  }
0x277: {  	v31 =	vperm.xlane v11, v6;
	v52 =	vld [tilespmem:s1+$0xFFFFFF50];
	v20 =	vmul.f32 v20, v19;
	v19 =	vsel vm3, v22, v21;
	v21, v22, _ =	vpop (xrf1)  }
0x278: {  	v42 =	vperm.xlane v13, v6;
	v37 =	vperm.xlane v48, v4;
	(xrf1) =	vsort.dscd.msk.f32 $0xffff, v30, v2;
	v30, v58, _ =	vpop (xrf1)  }
0x279: {  	vm9 =	veq.f32 v11, v31;
	v40 =	vperm.xlane v63, v4;
	v57 =	vperm.xlane v53, v4;
	v60, v59, _ =	vpop (xrf1)  }
0x27a: {  	v45 =	vperm.xlane v54, v4;
	v38 =	vperm.xlane v56, v4;
	(xrf1) =	vsort.dscd.msk.f32 $0xffff, v61, v0;
	v62, v48, _ =	vpop (xrf1)  }
0x27b: {  	(xrf1) =	vsort.dscd.msk.f32 $0xffff, v50, v0;
	v50 =	vperm.xlane v21, v4;
	vm3 =	vge.f32 v30, v37;
	v21, v63, _ =	vpop (xrf1)  }
0x27c: {  	(xrf1) =	vsort.dscd.msk.f32 $0xffff, v52, v0;
	v51 =	vperm.xlane v21, v4;
	v21 =	vmax.f32 v30, v37  }
0x27d: {  	v54, _, _ =	vpop (xrf2);
	v40 =	vsel vm3, v58, v40;
	vm8 =	vge.f32 v62, v57;
	v30 =	vmax.f32 v62, v57  }
0x27e: {  	v56 =	vsel vm8, v48, v45;
	v57 =	vperm.xlane v22, v4;
	v22 =	vpop (erf);
	(xrf1) =	vsort.dscd.msk.f32 $0xffff, v21, v40  }
0x27f: {  	s4 =	sadd.s32 $0x1, s31;
	v36 =	vperm.xlane v55, v4;
	v61 =	vmov s30;
	v34 =	vperm.xlane v60, v4;
	(xrf1) =	vsort.dscd.msk.f32 $0xffff, v30, v56;
	v21, _, _ =	vpop (xrf2)  }
0x280: {  	v58 =	vmov s4;
	v60 =	vbroadcast v54, $0xF;
	v22 =	vmul.f32 v22, v12;
	(xrf1) =	vsort.dscd.msk.f32 $0xffff, v24, v28;
	v24, v28, _ =	vpop (xrf1)  }
0x281: {  	vm3 =	veq.f32 v12, v23;
	v23 =	vbroadcast v21, $0xF;
	(xrf1) =	vsort.dscd.msk.f32 $0xffff, v27, v26;
	v12 =	vperm.xlane v24, v4  }
0x282: {  	v24 =	vperm.xlane v28, v4;
	v21 =	vsel vm3, v33, v16;
	v27 =	vshll.u32 v58, $0x3;
	(xrf1) =	vsort.dscd.msk.f32 $0xffff, v29, v25;
	v25, v26, _ =	vpop (xrf1)  }
0x283: {  	v16 =	vsel vm9, v32, v14;
	v14 =	vand.u32 $0x7D, v58;
	vm10 =	vge.f32 v25, v12  }
0x284: {  	v12 =	vmax.f32 v25, v12;
	v25 =	vand.u32 $0x400, v27;
	v24 =	vsel vm10, v26, v24  }
0x285: {  	v55 =	vshll.u32 v61, $0x3;
	(erf) = vrcp.f32 v60;
	(xrf1) =	vsort.dscd.msk.f32 $0xffff, v12, v24;
	v24 =	vor.u32 v25, v14  }
0x286: {  	v49 =	vand.u32 $0x7C, v61;
	v30 =	vand.u32 $0x400, v55;
	vm3 =	veq.f32 v13, v42  }
0x287: {  	v12 =	vsel vm3, v35, v15;
	v15 =	vor.u32 v30, v49;
	v25, v26, _ =	vpop (xrf1)  }
0x288: {  	v14 =	vor.u32 v7, v15;
	v15 =	vor.u32 v7, v24;
	vm3 =	vge.f32 v25, v36;
	v24, v27, _ =	vpop (xrf1)  }
0x289: {  	v25 =	vmax.f32 v25, v36;
	v26 =	vsel vm3, v26, v38;
	vm3 =	vge.f32 v24, v50  }
0x28a: {  	v17 =	vor.u32 v7, v17;
	v28, v29, _ =	vpop (xrf1);
	(xrf1) =	vsort.dscd.msk.f32 $0xffff, v25, v26;
	v25 =	vsel vm3, v27, v57  }
0x28b: {  	v59 =	vperm.xlane v59, v4;
	(erf) = vrcp.f32 v23;
	v24 =	vmax.f32 v24, v50;
	v23, v30, _ =	vpop (xrf1)  }
0x28c: {  	s5 =	sadd.s32 $0x2, s31;
	v39 =	vperm.xlane v63, v4;
	(xrf1) =	vsort.dscd.msk.f32 $0xffff, v24, v25;
	v24 =	vmax.f32 v23, v51  }
0x28d: {  	vm11 =	vge.f32 v28, v34;
	v27 =	vmov s5;
	vm3 =	vge.f32 v23, v51;
	v25, v31, _ =	vpop (xrf1)  }
0x28e: {  	v28 =	vmax.f32 v28, v34;
	v26 =	vsel vm11, v29, v59;
	v29 =	vpop (erf);
	v30 =	vsel vm3, v30, v39  }
0x28f: {  	v23 =	vmul.f32 v29, v11;
	v29 =	vand.u32 $0x7E, v27;
	(xrf1) =	vsort.dscd.msk.f32 $0xffff, v28, v26;
	v26 =	vperm.xlane v25, v4;
	v11, v25, _ =	vpop (xrf1)  }
0x290: {  	v27 =	vshll.u32 v27, $0x3;
	v28 =	vperm.xlane v31, v4;
	(xrf1) =	vsort.dscd.msk.f32 $0xffff, v24, v30;
	v30 =	vperm.xlane v11, v4;
	v32, v24, _ =	vpop (xrf1)  }
0x291: {  	v27 =	vand.u32 $0x400, v27;
	v31 =	vperm.xlane v25, v4;
	v61 =	vperm.xlane v24, v5;
	v25, v36, _ =	vpop (xrf1)  }
0x292: {  	v33 =	vperm.xlane v32, v5;
	v62 =	vnsel vm2, $0x0, v32;
	v63 =	vperm.xlane v25, v5  }
0x293: {  	v52 =	vperm.xlane v36, v5;
	v39 =	vnsel vm2, $0x0, v25;
	v11, v53, _ =	vpop (xrf1);
	vm3 =	vlt.s32 v24, v61  }
0x294: {  	v54 =	vperm.xlane v53, v5;
	v56 =	vperm.xlane v11, v5;
	v46, v47, _ =	vpop (xrf1);
	v55 =	vsel vm3, v24, v61  }
0x295: {  	vm12 =	vlt.s32 v36, v52;
	v34 =	vsel vm3, v61, v24;
	v60 =	vnsel vm2, $0x0, v46  }
0x296: {  	vm13 =	veq.f32 v25, v63;
	v57 =	vsel vm12, v36, v52;
	vm3 =	vlt.s32 v53, v54  }
0x297: {  	v58 =	vsel vm12, v52, v36;
	v34 =	vsel vm0, v55, v34;
	vm14 =	veq.f32 v11, v56  }
0x298: {  	v59 =	vsel vm3, v53, v54;
	v41 =	vsel vm3, v54, v53;
	vm3 =	veq.f32 v32, v33  }
0x299: {  	(xrf2) =	vadd.scan.msk.f32 $0xffff, v62;
	v35 =	vsel vm0, v57, v58;
	v38 =	vsel vm0, v59, v41;
	v61, v62, _ =	vpop (xrf1);
	v34 =	vsel vm3, v34, v24  }
0x29a: {  	v35 =	vsel vm13, v35, v36;
	v24 =	vor.u32 v27, v29;
	v33 =	vperm.xlane v61, v4  }
0x29b: {  	(xrf2) =	vadd.scan.msk.f32 $0xffff, v60;
	v63 =	vperm.xlane v62, v4;
	v37 =	vsel vm14, v38, v53;
	v52 =	vperm.xlane v34, v6;
	v27, v29, _ =	vpop (xrf1)  }
0x29c: {  	v54 =	vperm.xlane v37, v6;
	vm3 =	vge.f32 v27, v26;
	v26 =	vmax.f32 v27, v26  }
0x29d: {  	v18 =	vor.u32 v7, v18;
	(xrf2) =	vadd.scan.msk.f32 $0xffff, v39;
	v53 =	vperm.xlane v35, v6;
	v62 =	vperm.xlane v47, v5;
	v56, v55, _ =	vpop (xrf1)  }
0x29e: {  	s3 =	sadd.s32 $0x3, s29;
	v28 =	vsel vm3, v29, v28;
	vm5 =	vlt.s32 v37, v54;
	vm15 =	vge.f32 v56, v30;
	v27, v57, _ =	vpop (xrf1)  }
0x29f: {  	v51 =	vmov s3;
	v30 =	vmax.f32 v56, v30;
	(xrf1) =	vsort.dscd.msk.f32 $0xffff, v26, v28;
	v28 =	vsel vm5, v37, v54;
	v26 =	vpop (erf)  }
0x2a0: {  	v29 =	vsel vm15, v55, v31;
	vm3 =	vge.f32 v27, v33;
	v13 =	vmul.f32 v26, v13  }
0x2a1: {  	v26 =	vperm.xlane v46, v5;
	v31 =	vsel vm3, v57, v63;
	vm3 =	vlt.s32 v34, v52  }
0x2a2: {  	v59 =	vsel vm3, v34, v52;
	v38 =	vsel vm3, v52, v34;
	vm3 =	vlt.s32 v47, v62  }
0x2a3: {  	v43 =	vsel vm5, v54, v37;
	v63 =	vsel vm3, v47, v62;
	v49 =	vsel vm3, v62, v47  }
0x2a4: {  	v42 =	vnsel vm2, $0x0, v11;
	v58, _, _ =	vpop (xrf2);
	(xrf1) =	vsort.dscd.msk.f32 $0xffff, v30, v29;
	vm3 =	veq.f32 v46, v26;
	v26 =	vsel vm0, v63, v49  }
0x2a5: {  	v27 =	vmax.f32 v27, v33;
	v30 =	vshll.u32 v51, $0x3;
	v60, _, _ =	vpop (xrf2);
	(xrf2) =	vadd.scan.msk.f32 $0xffff, v42;
	v26 =	vsel vm3, v26, v47  }
0x2a6: {  	v33 =	vbroadcast v58, $0xF;
	v30 =	vand.u32 $0x400, v30;
	v54 =	vperm.xlane v26, v6  }
0x2a7: {  	v45 =	vbroadcast v60, $0xF;
	v52, _, _ =	vpop (xrf2);
	(xrf1) =	vsort.dscd.msk.f32 $0xffff, v27, v31;
	v27 =	vand.u32 $0x7F, v51;
	v31 =	vperm.xlane v46, v6  }
0x2a8: {  	v29 =	vsel vm1, v38, v59;
	v38 =	vbroadcast v52, $0xF;
	vm3 =	vlt.s32 v26, v54  }
0x2a9: {  	v27 =	vor.u32 v30, v27;
	v30 =	vsel vm3, v26, v54;
	v55 =	vsel vm3, v54, v26  }
0x2aa: {  	(erf) = vrcp.f32 v45;
	vm3 =	veq.f32 v46, v31;
	v30 =	vsel vm1, v55, v30  }
0x2ab: {  	(erf) = vrcp.f32 v33;
	v26 =	vsel vm3, v30, v26;
	v30 =	vmov s29  }
0x2ac: {  	s5 =	sadd.s32 $0x2, s30;
	(erf) = vrcp.f32 v38;
	v57 =	vand.u32 $0x7C, v30;
	v30 =	vshll.u32 v30, $0x3  }
0x2ad: {  	[tilespmem:v17+s26+$0x0] =	vst.idx.msk $0xff, v10;
	v10 =	vmov s5;
	v44 =	vperm.xlane v11, v6;
	v41 =	vperm.xlane v32, v6  }
0x2ae: {  	v36 =	vperm.xlane v25, v6;
	v24 =	vor.u32 v7, v24;
	vm8 =	vlt.s32 v35, v53  }
0x2af: {  	[tilespmem:v18+s26+$0x0] =	vst.idx.msk $0xff, v20;
	v61 =	vsel vm8, v35, v53;
	v40 =	vsel vm8, v53, v35;
	v20 =	vand.u32 $0x400, v30;
	v30, _, _ =	vpop (xrf2)  }
0x2b0: {  	s4 =	sadd.s32 $0x1, s30;
	vm9 =	veq.f32 v25, v36;
	v53 =	vsel vm1, v40, v61;
	vm3 =	veq.f32 v32, v41  }
0x2b1: {  	[tilespmem:v18+s28+$0x0] =	vst.idx.msk $0xff, v19;
	v58 =	vmov s4;
	v19 =	vsel vm3, v29, v34;
	v18 =	vbroadcast v30, $0xF;
	v29, v30, _ =	vpop (xrf1)  }
0x2b2: {  	[tilespmem:v9+s26+$0x0] =	vst.idx.msk $0xff, v22;
	v22 =	vshll.u32 v58, $0x3;
	v61 =	vand.u32 $0x7D, v58;
	v60 =	vnsel vm2, $0x0, v29  }
0x2b3: {  	v63 =	vand.u32 $0x7E, v10;
	v10 =	vshll.u32 v10, $0x3;
	v56 =	vpop (erf);
	v20 =	vor.u32 v20, v57;
	(xrf2) =	vadd.scan.msk.f32 $0xffff, v60  }
0x2b4: {  	[tilespmem:v17+s28+$0x0] =	vst.idx.msk $0xff, v8;
	v22 =	vand.u32 $0x400, v22;
	v27 =	vor.u32 v7, v27;
	v8 =	vand.u32 $0x400, v10;
	v59 =	vpop (erf)  }
0x2b5: {  	v28 =	vsel vm1, v43, v28;
	v22 =	vor.u32 v22, v61;
	v8 =	vor.u32 v8, v63;
	v62 =	vpop (erf)  }
0x2b6: {  	[tilespmem:v9+s28+$0x0] =	vst.idx.msk $0xff, v21;
	v31 =	vmul.f32 v56, v46;
	v9 =	vor.u32 v7, v20;
	(erf) = vrcp.f32 v18;
	v20, v21, _ =	vpop (xrf1)  }
0x2b7: {  	[tilespmem:v15+s26+$0x0] =	vst.idx.msk $0xff, v23;
	v18 =	vor.u32 v7, v22;
	v22 =	vmul.f32 v62, v25;
	v25 =	vnsel vm2, $0x0, v20  }
0x2b8: {  	v35 =	vsel vm9, v53, v35;
	v8 =	vor.u32 v7, v8;
	v32 =	vmul.f32 v59, v32;
	v46, v45, _ =	vpop (xrf1);
	(xrf2) =	vadd.scan.msk.f32 $0xffff, v25  }
0x2b9: {  	vm3 =	veq.f32 v11, v44;
	[tilespmem:v27+s26+$0x0] =	vst.idx.msk $0xff, v31;
	v44 =	vperm.xlane v30, v5;
	v17 =	vnsel vm2, $0x0, v46  }
0x2ba: {  	s3 =	sadd.s32 $0x1, s29;
	v28 =	vsel vm3, v28, v37;
	[tilespmem:v14+s26+$0x0] =	vst.idx.msk $0xff, v32;
	v47 =	vperm.xlane v45, v5;
	(xrf2) =	vadd.scan.msk.f32 $0xffff, v17  }
0x2bb: {  	[tilespmem:v14+s28+$0x0] =	vst.idx.msk $0xff, v19;
	v19 =	vmov s3;
	v25 =	vperm.xlane v29, v5;
	vm3 =	vlt.s32 v30, v44  }
0x2bc: {  	v48 =	vsel vm3, v30, v44;
	v34 =	vsel vm3, v44, v30;
	vm3 =	vlt.s32 v45, v47  }
0x2bd: {  	v10 =	vperm.xlane v21, v5;
	v31 =	vperm.xlane v20, v6;
	v51 =	vsel vm3, v45, v47;
	v52, _, _ =	vpop (xrf2)  }
0x2be: {  	[tilespmem:v15+s28+$0x0] =	vst.idx.msk $0xff, v16;
	v38 =	vsel vm3, v47, v45;
	vm3 =	veq.f32 v29, v25;
	v25 =	vbroadcast v52, $0xF  }
0x2bf: {  	v49 =	vperm.xlane v46, v5;
	v17 =	vperm.xlane v20, v5;
	vm10 =	vlt.s32 v21, v10  }
0x2c0: {  	v50 =	vsel vm10, v21, v10;
	v10 =	vsel vm10, v10, v21;
	v34 =	vsel vm0, v48, v34  }
0x2c1: {  	[tilespmem:v24+s26+$0x0] =	vst.idx.msk $0xff, v13;
	vm12 =	veq.f32 v46, v49;
	v10 =	vsel vm0, v50, v10;
	(erf) = vrcp.f32 v25  }
0x2c2: {  	vm11 =	veq.f32 v20, v17;
	v23 =	vsel vm0, v51, v38;
	v17 =	vsel vm3, v34, v30;
	v25, _, _ =	vpop (xrf2)  }
0x2c3: {  	[tilespmem:v24+s28+$0x0] =	vst.idx.msk $0xff, v12;
	v10 =	vsel vm11, v10, v21;
	v15 =	vperm.xlane v17, v6;
	v25 =	vbroadcast v25, $0xF  }
0x2c4: {  	v16 =	vsel vm12, v23, v45;
	v21 =	vperm.xlane v10, v6;
	v23 =	vperm.xlane v29, v6;
	v53, _, _ =	vpop (xrf2)  }
0x2c5: {  	[tilespmem:v27+s28+$0x0] =	vst.idx.msk $0xff, v26;
	v12 =	vand.u32 $0x7D, v19;
	v26 =	vbroadcast v53, $0xF;
	(erf) = vrcp.f32 v25  }
0x2c6: {  	v27 =	vperm.xlane v46, v6;
	v30 =	vperm.xlane v16, v6;
	vm13 =	vlt.s32 v17, v15  }
0x2c7: {  	vm14 =	vlt.s32 v10, v21;
	v54 =	vpop (erf);
	vm15 =	veq.f32 v29, v23;
	(erf) = vrcp.f32 v26  }
0x2c8: {  	v55 =	vsel vm14, v10, v21;
	v25 =	vsel vm13, v17, v15;
	v15 =	vsel vm13, v15, v17  }
0x2c9: {  	s4 =	sadd.s32 $0x2, s29;
	v14 =	vsel vm14, v21, v10;
	v13 =	vsel vm1, v15, v25;
	v15 =	vshll.u32 v19, $0x3  }
0x2ca: {  	[tilespmem:v18+s26+$0x0] =	vst.idx.msk $0xff, v22;
	v11 =	vmul.f32 v54, v11;
	v19 =	vmov s4;
	v15 =	vand.u32 $0x400, v15;
	v21 =	vpop (erf)  }
0x2cb: {  	[tilespmem:v18+s28+$0x0] =	vst.idx.msk $0xff, v35;
	v12 =	vor.u32 v15, v12;
	v15 =	vshll.u32 v19, $0x3;
	v21 =	vmul.f32 v21, v29  }
0x2cc: {  	[tilespmem:v8+s26+$0x0] =	vst.idx.msk $0xff, v11;
	v18 =	vand.u32 $0x7E, v19;
	v12 =	vor.u32 v7, v12;
	v15 =	vand.u32 $0x400, v15  }
0x2cd: {  	v13 =	vsel vm15, v13, v17;
	v15 =	vor.u32 v15, v18;
	[tilespmem:v9+s26+$0x0] =	vst.idx.msk $0xff, v21  }
0x2ce: {  	vm3 =	vlt.s32 v16, v30;
	[tilespmem:v9+s28+$0x0] =	vst.idx.msk $0xff, v13;
	v13 =	vor.u32 v7, v15;
	v9 =	vpop (erf)  }
0x2cf: {  	v11 =	vsel vm1, v14, v55;
	[tilespmem:v8+s28+$0x0] =	vst.idx.msk $0xff, v28;
	v9 =	vmul.f32 v9, v20  }
0x2d0: {  	v17 =	vsel vm3, v16, v30;
	v15 =	vsel vm3, v30, v16;
	vm3 =	veq.f32 v20, v31;
	v8 =	vpop (erf)  }
0x2d1: {  	v10 =	vsel vm3, v11, v10;
	v8 =	vmul.f32 v8, v46;
	[tilespmem:v12+s26+$0x0] =	vst.idx.msk $0xff, v9  }
0x2d2: {  	vm3 =	veq.f32 v46, v27;
	v9 =	vsel vm1, v15, v17;
	[tilespmem:v12+s28+$0x0] =	vst.idx.msk $0xff, v10  }
0x2d3: {  	v9 =	vsel vm3, v9, v16;
	[tilespmem:v13+s26+$0x0] =	vst.idx.msk $0xff, v8  }
0x2d4: {  	[tilespmem:v13+s28+$0x0] =	vst.idx.msk $0xff, v9  }
0x2d5: {  	_ =	swait.ge [sflag:s24], $0x4000  }
0x2d6: {  	[sflag:s24] =	ssyncset.done $0x0  }
0x2d7: {  	s5 =	simm.s32 $0xC000;
	s3 =	simm.s32 $0x81B0;
	[sflag:s24] =	ssyncadd.s32 $0xFFFFC000  }
0x2d8: {  	[tilespmem:s5], [sflag:$0x1] =	stream.linear.gather [hbm4b:s6+s2], $0x4000, $0x38;
	[tilespmem:$0x12000] =	vst v63  }
0x2d9: {  	v8 =	vld [tilespmem:s3+$0xFFFFFFE0]  }
0x2da: {  	v9 =	vld [tilespmem:s3+$0x0]  }
0x2db: {  	v10 =	vld [tilespmem:s3+$0xFFFFFFD0]  }
0x2dc: {  	v11 =	vld [tilespmem:s3+$0xFFFFFFF0];
	_ =	sdelay $0x1  }
0x2dd: {  	(xrf1) =	vsort.dscd.msk.f32 $0xffff, v8, v1  }
0x2de: {  	(xrf1) =	vsort.dscd.msk.f32 $0xffff, v9, v3  }
0x2df: {  	(xrf1) =	vsort.dscd.msk.f32 $0xffff, v10, v0  }
0x2e0: {  	(xrf1) =	vsort.dscd.msk.f32 $0xffff, v11, v2;
	_ =	sdelay $0x2  }
0x2e1: {  	v8 =	vld [tilespmem:s3+$0xFFFFFE80]  }
0x2e2: {  	v9 =	vld [tilespmem:s3+$0xFFFFFF00]  }
0x2e3: {  	v10 =	vld [tilespmem:s3+$0xFFFFFF80]  }
0x2e4: {  	v11 =	vld [tilespmem:s3+$0xFFFFFE60]  }
0x2e5: {  	v12 =	vld [tilespmem:s3+$0xFFFFFE70]  }
0x2e6: {  	v13 =	vld [tilespmem:s3+$0xFFFFFEE0];
	(xrf1) =	vsort.dscd.msk.f32 $0xffff, v8, v3  }
0x2e7: {  	v8 =	vld [tilespmem:s3+$0xFFFFFEF0];
	(xrf1) =	vsort.dscd.msk.f32 $0xffff, v9, v3  }
0x2e8: {  	v9 =	vld [tilespmem:s3+$0xFFFFFF60];
	(xrf1) =	vsort.dscd.msk.f32 $0xffff, v10, v3  }
0x2e9: {  	(xrf1) =	vsort.dscd.msk.f32 $0xffff, v11, v1;
	v10, v11, _ =	vpop (xrf1)  }
0x2ea: {  	(xrf1) =	vsort.dscd.msk.f32 $0xffff, v12, v2;
	v12, v14, _ =	vpop (xrf1)  }
0x2eb: {  	(xrf1) =	vsort.dscd.msk.f32 $0xffff, v13, v1;
	v12 =	vperm.xlane v12, v4;
	v13, v15, _ =	vpop (xrf1)  }
0x2ec: {  	(xrf1) =	vsort.dscd.msk.f32 $0xffff, v8, v2;
	v8 =	vperm.xlane v14, v4;
	v14, v16, _ =	vpop (xrf1)  }
0x2ed: {  	(xrf1) =	vsort.dscd.msk.f32 $0xffff, v9, v1;
	v9 =	vperm.xlane v10, v4;
	vm3 =	vge.f32 v14, v12  }
0x2ee: {  	v10 =	vperm.xlane v11, v4;
	v11 =	vmax.f32 v14, v12;
	v8 =	vsel vm3, v16, v8  }
0x2ef: {  	vm3 =	vge.f32 v13, v9;
	(xrf1) =	vsort.dscd.msk.f32 $0xffff, v11, v8  }
0x2f0: {  	v8 =	vmax.f32 v13, v9;
	v9 =	vsel vm3, v15, v10  }
0x2f1: {  	(xrf1) =	vsort.dscd.msk.f32 $0xffff, v8, v9;
	_ =	sdelay $0x3  }
0x2f2: {  	v10 =	vld [tilespmem:s3+$0xFFFFFF70];
	v8, v9, _ =	vpop (xrf1)  }
0x2f3: {  	v13 =	vld [tilespmem:s3+$0xFFFFFE50];
	v11, v12, _ =	vpop (xrf1)  }
0x2f4: {  	v16 =	vld [tilespmem:s3+$0xFFFFFED0];
	v14, v15, _ =	vpop (xrf1)  }
0x2f5: {  	v17, v18, _ =	vpop (xrf1)  }
0x2f6: {  	v19 =	vld [tilespmem:s3+$0xFFFFFF50];
	v20, v21, _ =	vpop (xrf1)  }
0x2f7: {  	(xrf1) =	vsort.dscd.msk.f32 $0xffff, v10, v2;
	v22, v23, _ =	vpop (xrf1)  }
0x2f8: {  	v8 =	vperm.xlane v8, v4;
	(xrf1) =	vsort.dscd.msk.f32 $0xffff, v13, v0;
	v10, v24, _ =	vpop (xrf1)  }
0x2f9: {  	v9 =	vperm.xlane v9, v4;
	v11 =	vperm.xlane v11, v4;
	(xrf1) =	vsort.dscd.msk.f32 $0xffff, v16, v0;
	v13, v25, _ =	vpop (xrf1)  }
0x2fa: {  	v12 =	vperm.xlane v12, v4;
	vm3 =	vge.f32 v20, v8;
	v8 =	vmax.f32 v20, v8;
	v16, v26, _ =	vpop (xrf1)  }
0x2fb: {  	(xrf1) =	vsort.dscd.msk.f32 $0xffff, v19, v0;
	v9 =	vsel vm3, v21, v9;
	v16 =	vperm.xlane v16, v4  }
0x2fc: {  	vm8 =	vge.f32 v10, v11;
	v10 =	vmax.f32 v10, v11;
	v11 =	vperm.xlane v26, v4;
	v19, v20, _ =	vpop (xrf1)  }
0x2fd: {  	(xrf1) =	vsort.dscd.msk.f32 $0xffff, v8, v9;
	v12 =	vsel vm8, v24, v12;
	vm3 =	vge.f32 v19, v16  }
0x2fe: {  	(xrf1) =	vsort.dscd.msk.f32 $0xffff, v10, v12;
	v8 =	vmax.f32 v19, v16;
	v9 =	vsel vm3, v20, v11  }
0x2ff: {  	(xrf1) =	vsort.dscd.msk.f32 $0xffff, v8, v9;
	_ =	sdelay $0x3  }
0x300: {  	v10 =	vperm.xlane v17, v4  }
0x301: {  	v12 =	vperm.xlane v13, v4;
	v8 =	vperm.xlane v14, v4  }
0x302: {  	v16 =	vperm.xlane v23, v4;
	v9 =	vperm.xlane v15, v4;
	v13, v14, _ =	vpop (xrf1)  }
0x303: {  	v11 =	vperm.xlane v22, v4;
	v15 =	vperm.xlane v18, v4;
	v17, v18, _ =	vpop (xrf1);
	vm3 =	vge.f32 v13, v8  }
0x304: {  	v8 =	vmax.f32 v13, v8;
	v9 =	vsel vm3, v14, v9;
	v13, v14, _ =	vpop (xrf1);
	vm3 =	vge.f32 v17, v10  }
0x305: {  	s4 =	simm.s32 $0x83B0;
	v10 =	vmax.f32 v17, v10;
	vm9 =	vge.f32 v13, v11;
	(xrf1) =	vsort.dscd.msk.f32 $0xffff, v8, v9  }
0x306: {  	v8 =	vsel vm3, v18, v15;
	v11 =	vmax.f32 v13, v11;
	v9 =	vsel vm9, v14, v16;
	v16 =	vld [tilespmem:s4+$0xFFFFFFE0]  }
0x307: {  	v19 =	vperm.xlane v25, v4;
	v20, v21, _ =	vpop (xrf1)  }
0x308: {  	v13 =	vld [tilespmem:s4+$0x0];
	v14, v15, _ =	vpop (xrf1);
	vm3 =	vge.f32 v20, v12;
	(xrf1) =	vsort.dscd.msk.f32 $0xffff, v10, v8  }
0x309: {  	v18 =	vld [tilespmem:s4+$0xFFFFFFD0];
	v12 =	vmax.f32 v20, v12;
	v17 =	vsel vm3, v21, v19;
	v8, v10, _ =	vpop (xrf1);
	(xrf1) =	vsort.dscd.msk.f32 $0xffff, v11, v9  }
0x30a: {  	v9, v11, _ =	vpop (xrf1);
	(xrf1) =	vsort.dscd.msk.f32 $0xffff, v12, v17;
	v17 =	vld [tilespmem:s4+$0xFFFFFFF0]  }
0x30b: {  	v12 =	vnsel vm2, $0x0, v9;
	(xrf1) =	vsort.dscd.msk.f32 $0xffff, v16, v1  }
0x30c: {  	(xrf2) =	vadd.scan.msk.f32 $0xffff, v12  }
0x30d: {  	(xrf1) =	vsort.dscd.msk.f32 $0xffff, v13, v3  }
0x30e: {  	(xrf1) =	vsort.dscd.msk.f32 $0xffff, v18, v0  }
0x30f: {  	v12 =	vld [tilespmem:s4+$0xFFFFFE80];
	(xrf1) =	vsort.dscd.msk.f32 $0xffff, v17, v2  }
0x310: {  	v13 =	vld [tilespmem:s4+$0xFFFFFF00]  }
0x311: {  	v16 =	vld [tilespmem:s4+$0xFFFFFF80]  }
0x312: {  	v17 =	vld [tilespmem:s4+$0xFFFFFE60]  }
0x313: {  	v18 =	vld [tilespmem:s4+$0xFFFFFE70]  }
0x314: {  	v19 =	vld [tilespmem:s4+$0xFFFFFEE0];
	(xrf1) =	vsort.dscd.msk.f32 $0xffff, v12, v3  }
0x315: {  	v21 =	vld [tilespmem:s4+$0xFFFFFEF0];
	v12, v20, _ =	vpop (xrf1);
	(xrf1) =	vsort.dscd.msk.f32 $0xffff, v13, v3  }
0x316: {  	v14 =	vperm.xlane v14, v4;
	v15 =	vperm.xlane v15, v4;
	v13, v22, _ =	vpop (xrf1);
	(xrf1) =	vsort.dscd.msk.f32 $0xffff, v16, v3  }
0x317: {  	v8 =	vperm.xlane v8, v4;
	v10 =	vperm.xlane v10, v4;
	v16, v23, _ =	vpop (xrf1);
	(xrf1) =	vsort.dscd.msk.f32 $0xffff, v17, v1  }
0x318: {  	v12 =	vperm.xlane v12, v4;
	vm3 =	vge.f32 v13, v14;
	(xrf1) =	vsort.dscd.msk.f32 $0xffff, v18, v2;
	v18 =	vld [tilespmem:s4+$0xFFFFFF60];
	v25, _, _ =	vpop (xrf2)  }
0x319: {  	v13 =	vmax.f32 v13, v14;
	v14 =	vsel vm3, v22, v15;
	(xrf1) =	vsort.dscd.msk.f32 $0xffff, v19, v1;
	v25 =	vbroadcast v25, $0xF;
	v17, v24, _ =	vpop (xrf1)  }
0x31a: {  	vm3 =	vge.f32 v16, v8;
	v19 =	vperm.xlane v20, v4;
	(xrf1) =	vsort.dscd.msk.f32 $0xffff, v21, v2;
	v20, v21, _ =	vpop (xrf1)  }
0x31b: {  	v8 =	vmax.f32 v16, v8;
	v10 =	vsel vm3, v23, v10;
	(erf) = vrcp.f32 v25;
	v15, v22, _ =	vpop (xrf1)  }
0x31c: {  	vm3 =	vge.f32 v17, v12;
	v25 =	vperm.xlane v9, v5;
	v15 =	vperm.xlane v15, v4;
	v23, v26, _ =	vpop (xrf1)  }
0x31d: {  	v16 =	vsel vm3, v24, v19;
	(xrf1) =	vsort.dscd.msk.f32 $0xffff, v18, v1;
	v19 =	vperm.xlane v22, v4;
	v22, v24, _ =	vpop (xrf1)  }
0x31e: {  	v18 =	vperm.xlane v20, v4;
	v21 =	vperm.xlane v21, v4;
	vm3 =	vge.f32 v22, v15  }
0x31f: {  	s5 =	simm.s32 $0x103;
	v15 =	vmax.f32 v22, v15;
	v19 =	vsel vm3, v24, v19;
	v24 =	vperm.xlane v11, v5  }
0x320: {  	v20 =	vld [tilespmem:s4+$0xFFFFFF70];
	v22 =	vmov s5;
	vm3 =	vge.f32 v23, v18;
	v18 =	vmax.f32 v23, v18  }
0x321: {  	v23 =	vshll.u32 v22, $0x3;
	(xrf1) =	vsort.dscd.msk.f32 $0xffff, v15, v19;
	v19 =	vsel vm3, v26, v21;
	vm3 =	vlt.s32 v11, v24  }
0x322: {  	(xrf1) =	vsort.dscd.msk.f32 $0xffff, v18, v19;
	v19 =	vand.u32 $0x7F, v22;
	v22 =	vsel vm3, v11, v24;
	v24 =	vsel vm3, v24, v11  }
0x323: {  	v15 =	vld [tilespmem:s4+$0xFFFFFE50];
	v26, v27, _ =	vpop (xrf1)  }
0x324: {  	v21 =	vld [tilespmem:s4+$0xFFFFFED0];
	v28, v29, _ =	vpop (xrf1)  }
0x325: {  	v18 =	vld [tilespmem:s4+$0xFFFFFF50];
	vm3 =	veq.f32 v9, v25;
	v22 =	vsel vm0, v22, v24;
	v24, v25, _ =	vpop (xrf1);
	(xrf1) =	vsort.dscd.msk.f32 $0xffff, v20, v2  }
0x326: {  	v12 =	vmax.f32 v17, v12;
	v23 =	vand.u32 $0xC00, v23;
	v27 =	vperm.xlane v27, v4  }
0x327: {  	v17 =	vor.u32 v23, v19;
	v23 =	vperm.xlane v26, v4;
	v11 =	vsel vm3, v22, v11;
	v19, v20, _ =	vpop (xrf1)  }
0x328: {  	v17 =	vor.u32 v7, v17;
	v22 =	vperm.xlane v11, v6;
	(xrf1) =	vsort.dscd.msk.f32 $0xffff, v15, v0;
	v26, v30, _ =	vpop (xrf1)  }
0x329: {  	v15 =	vperm.xlane v28, v4;
	(xrf1) =	vsort.dscd.msk.f32 $0xffff, v21, v0;
	v28, v31, _ =	vpop (xrf1);
	vm3 =	vge.f32 v26, v23  }
0x32a: {  	v21 =	vperm.xlane v29, v4;
	(xrf1) =	vsort.dscd.msk.f32 $0xffff, v18, v0;
	v29, v56, _ =	vpop (xrf1);
	v18 =	vsel vm3, v30, v27  }
0x32b: {  	v23 =	vmax.f32 v26, v23;
	vm3 =	vlt.s32 v11, v22;
	vm10 =	vge.f32 v29, v15  }
0x32c: {  	v15 =	vmax.f32 v29, v15;
	(xrf1) =	vsort.dscd.msk.f32 $0xffff, v23, v18;
	v21 =	vsel vm10, v56, v21  }
0x32d: {  	(xrf1) =	vsort.dscd.msk.f32 $0xffff, v15, v21;
	v15 =	vperm.xlane v9, v6;
	v18 =	vpop (erf);
	v21 =	vsel vm3, v11, v22  }
0x32e: {  	(xrf1) =	vsort.dscd.msk.f32 $0xffff, v13, v14;
	v13 =	vsel vm3, v22, v11;
	v14 =	vmul.f32 v18, v9;
	v18, v22, _ =	vpop (xrf1)  }
0x32f: {  	(xrf1) =	vsort.dscd.msk.f32 $0xffff, v8, v10;
	vm3 =	veq.f32 v9, v15;
	v8 =	vsel vm1, v13, v21;
	v9, v10, _ =	vpop (xrf1)  }
0x330: {  	v13 =	vsel vm3, v8, v11;
	v8 =	vperm.xlane v9, v4  }
0x331: {  	(xrf1) =	vsort.dscd.msk.f32 $0xffff, v12, v16;
	v10 =	vperm.xlane v10, v4;
	v11, v12, _ =	vpop (xrf1)  }
0x332: {  	v15 =	vperm.xlane v19, v4;
	v9 =	vperm.xlane v24, v4;
	vm3 =	vge.f32 v11, v8  }
0x333: {  	[tilespmem:v17+s26+$0x0] =	vst.idx.msk $0xff, v14;
	v14 =	vperm.xlane v25, v4;
	v10 =	vsel vm3, v12, v10;
	v19, v21, _ =	vpop (xrf1)  }
0x334: {  	v16 =	vperm.xlane v28, v4;
	vm3 =	vge.f32 v19, v9  }
0x335: {  	v8 =	vmax.f32 v11, v8;
	v11 =	vperm.xlane v18, v4;
	v14 =	vsel vm3, v21, v14  }
0x336: {  	(xrf1) =	vsort.dscd.msk.f32 $0xffff, v8, v10;
	v8 =	vperm.xlane v20, v4;
	v9 =	vmax.f32 v19, v9;
	v10, v12, _ =	vpop (xrf1)  }
0x337: {  	v19 =	vperm.xlane v31, v4;
	v20, v21, _ =	vpop (xrf1);
	vm3 =	vge.f32 v10, v15;
	(xrf1) =	vsort.dscd.msk.f32 $0xffff, v9, v14  }
0x338: {  	v9 =	vperm.xlane v22, v4;
	v10 =	vmax.f32 v10, v15;
	vm11 =	vge.f32 v20, v16;
	v14, v22, _ =	vpop (xrf1)  }
0x339: {  	s3 =	simm.s32 $0x100;
	v8 =	vsel vm3, v12, v8;
	v12 =	vsel vm11, v21, v19;
	vm3 =	vge.f32 v14, v11  }
0x33a: {  	v18 =	vmov s3;
	v9 =	vsel vm3, v22, v9  }
0x33b: {  	v15 =	vand.u32 $0x7C, v18  }
0x33c: {  	v18 =	vshll.u32 v18, $0x3;
	v16 =	vmax.f32 v20, v16;
	(xrf1) =	vsort.dscd.msk.f32 $0xffff, v10, v8;
	v11 =	vmax.f32 v14, v11;
	v8, v10, _ =	vpop (xrf1)  }
0x33d: {  	(xrf1) =	vsort.dscd.msk.f32 $0xffff, v16, v12;
	v14 =	vand.u32 $0xC00, v18;
	v19 =	vperm.xlane v8, v4;
	v18 =	vperm.xlane v10, v4;
	v8, v12, _ =	vpop (xrf1)  }
0x33e: {  	v10 =	vor.u32 v14, v15;
	(xrf1) =	vsort.dscd.msk.f32 $0xffff, v11, v9;
	v20 =	vperm.xlane v8, v4;
	v8, v9, _ =	vpop (xrf1)  }
0x33f: {  	v21 =	vperm.xlane v12, v4;
	v14 =	vperm.xlane v9, v5;
	v12, v15, _ =	vpop (xrf1)  }
0x340: {  	v11 =	vor.u32 v7, v10;
	v16 =	vperm.xlane v8, v5;
	v22 =	vperm.xlane v15, v5  }
0x341: {  	[tilespmem:v17+s28+$0x0] =	vst.idx.msk $0xff, v13;
	v13 =	vnsel vm2, $0x0, v8;
	v10, v23, _ =	vpop (xrf1);
	v24 =	vperm.xlane v12, v5;
	vm3 =	vlt.s32 v9, v14  }
0x342: {  	v17 =	vperm.xlane v23, v5;
	v26 =	vperm.xlane v10, v5;
	vm12 =	vlt.s32 v15, v22  }
0x343: {  	v25 =	vsel vm3, v9, v14;
	v14 =	vsel vm3, v14, v9;
	v27 =	vsel vm12, v15, v22  }
0x344: {  	s4 =	simm.s32 $0x85B0;
	vm13 =	veq.f32 v12, v24;
	vm3 =	vlt.s32 v23, v17;
	v22 =	vsel vm12, v22, v15  }
0x345: {  	v14 =	vsel vm0, v25, v14;
	v25 =	vld [tilespmem:s4+$0xFFFFFFE0];
	v28 =	vsel vm3, v23, v17;
	v17 =	vsel vm3, v17, v23  }
0x346: {  	v22 =	vsel vm0, v27, v22;
	vm3 =	veq.f32 v8, v16;
	v17 =	vsel vm0, v28, v17;
	v28 =	vld [tilespmem:s4+$0x0];
	v27, v29, _ =	vpop (xrf1)  }
0x347: {  	v30 =	vld [tilespmem:s4+$0xFFFFFFD0];
	(xrf2) =	vadd.scan.msk.f32 $0xffff, v13;
	vm14 =	veq.f32 v10, v26;
	v13 =	vsel vm3, v14, v9;
	v9 =	vsel vm13, v22, v15;
	v24, v26, _ =	vpop (xrf1)  }
0x348: {  	v16 =	vnsel vm2, $0x0, v27;
	v22 =	vperm.xlane v24, v4;
	v24 =	vperm.xlane v26, v4;
	v26 =	vld [tilespmem:s4+$0xFFFFFFF0]  }
0x349: {  	v37 =	vperm.xlane v10, v6;
	v15 =	vperm.xlane v8, v6;
	v14 =	vsel vm14, v17, v23;
	(xrf2) =	vadd.scan.msk.f32 $0xffff, v16  }
0x34a: {  	v31 =	vperm.xlane v9, v6;
	v58 =	vperm.xlane v14, v6;
	(xrf1) =	vsort.dscd.msk.f32 $0xffff, v25, v1  }
0x34b: {  	v57 =	vld [tilespmem:s4+$0xFFFFFE80];
	v23 =	vperm.xlane v13, v6;
	v46 =	vperm.xlane v27, v5;
	(xrf1) =	vsort.dscd.msk.f32 $0xffff, v28, v3  }
0x34c: {  	v25 =	vld [tilespmem:s4+$0xFFFFFF00];
	vm4 =	vlt.s32 v9, v31;
	vm5 =	vlt.s32 v14, v58;
	v16, v17, _ =	vpop (xrf1);
	(xrf1) =	vsort.dscd.msk.f32 $0xffff, v30, v0  }
0x34d: {  	v28 =	vld [tilespmem:s4+$0xFFFFFF80];
	vm3 =	vge.f32 v16, v19;
	v16 =	vmax.f32 v16, v19;
	v19, v59, _ =	vpop (xrf1);
	(xrf1) =	vsort.dscd.msk.f32 $0xffff, v26, v2  }
0x34e: {  	v43 =	vsel vm4, v9, v31;
	v30 =	vld [tilespmem:s4+$0xFFFFFE60];
	v17 =	vsel vm3, v17, v18;
	vm3 =	vge.f32 v19, v20;
	v60, v61, _ =	vpop (xrf1)  }
0x34f: {  	v31 =	vsel vm4, v31, v9;
	v18 =	vsel vm3, v59, v21;
	vm3 =	vge.f32 v60, v22;
	v26 =	vld [tilespmem:s4+$0xFFFFFE70]  }
0x350: {  	v20 =	vmax.f32 v19, v20;
	v19 =	vsel vm3, v61, v24;
	(xrf1) =	vsort.dscd.msk.f32 $0xffff, v57, v3;
	v24 =	vld [tilespmem:s4+$0xFFFFFEE0]  }
0x351: {  	v44 =	vsel vm5, v14, v58;
	v21 =	vmax.f32 v60, v22;
	(xrf1) =	vsort.dscd.msk.f32 $0xffff, v25, v3  }
0x352: {  	v62 =	vld [tilespmem:s4+$0xFFFFFEF0];
	v32, _, _ =	vpop (xrf2);
	v22 =	vperm.xlane v12, v6;
	vm3 =	vlt.s32 v13, v23;
	(xrf1) =	vsort.dscd.msk.f32 $0xffff, v28, v3  }
0x353: {  	v63 =	vld [tilespmem:s4+$0xFFFFFF60];
	v31 =	vsel vm1, v31, v43;
	v25 =	vnsel vm2, $0x0, v12;
	v42 =	vsel vm3, v13, v23;
	(xrf1) =	vsort.dscd.msk.f32 $0xffff, v30, v1;
	v28, _, _ =	vpop (xrf2)  }
0x354: {  	s5 =	simm.s32 $0x107;
	v23 =	vsel vm3, v23, v13;
	vm10 =	veq.f32 v12, v22;
	(xrf1) =	vsort.dscd.msk.f32 $0xffff, v26, v2;
	v28 =	vbroadcast v28, $0xF  }
0x355: {  	v23 =	vsel vm1, v23, v42;
	v26 =	vsel vm5, v58, v14;
	(xrf1) =	vsort.dscd.msk.f32 $0xffff, v24, v1;
	v24 =	vmov s5  }
0x356: {  	v45 =	vshll.u32 v24, $0x3;
	(erf) = vrcp.f32 v28;
	v28 =	vperm.xlane v29, v5  }
0x357: {  	v26 =	vsel vm1, v26, v44;
	(xrf1) =	vsort.dscd.msk.f32 $0xffff, v62, v2;
	v24 =	vand.u32 $0x7F, v24;
	v33 =	vand.u32 $0xC00, v45  }
0x358: {  	v30 =	vnsel vm2, $0x0, v10;
	(xrf1) =	vsort.dscd.msk.f32 $0xffff, v63, v1;
	v24 =	vor.u32 v33, v24;
	v48, v47, _ =	vpop (xrf1);
	vm3 =	vlt.s32 v29, v28  }
0x359: {  	v33 =	vperm.xlane v48, v4;
	v49 =	vsel vm3, v29, v28;
	v28 =	vsel vm3, v28, v29;
	v50, v51, _ =	vpop (xrf1)  }
0x35a: {  	vm3 =	veq.f32 v27, v46;
	v28 =	vsel vm0, v49, v28;
	v52 =	vperm.xlane v50, v4;
	v53, v54, _ =	vpop (xrf1)  }
0x35b: {  	v34 =	vperm.xlane v47, v4;
	v28 =	vsel vm3, v28, v29;
	v29 =	vperm.xlane v51, v4;
	v56, v55, _ =	vpop (xrf1)  }
0x35c: {  	(xrf2) =	vadd.scan.msk.f32 $0xffff, v25;
	v24 =	vor.u32 v7, v24;
	v48 =	vperm.xlane v27, v6;
	vm15 =	vge.f32 v56, v52  }
0x35d: {  	v58 =	vld [tilespmem:s4+$0xFFFFFF70];
	(xrf2) =	vadd.scan.msk.f32 $0xffff, v30;
	v57 =	vperm.xlane v28, v6;
	v60 =	vmax.f32 v56, v52;
	v29 =	vsel vm15, v55, v29  }
0x35e: {  	v25 =	vld [tilespmem:s4+$0xFFFFFE50];
	v30 =	vbroadcast v32, $0xF;
	v59 =	vmax.f32 v53, v33;
	vm3 =	vge.f32 v53, v33;
	v62, v61, _ =	vpop (xrf1);
	(xrf1) =	vsort.dscd.msk.f32 $0xffff, v60, v29  }
0x35f: {  	v63 =	vld [tilespmem:s4+$0xFFFFFED0];
	v34 =	vsel vm3, v54, v34;
	vm3 =	veq.f32 v27, v48;
	vm8 =	vlt.s32 v28, v57;
	v52, v51, _ =	vpop (xrf1)  }
0x360: {  	v36 =	vperm.xlane v61, v4;
	v49 =	vpop (erf);
	v50 =	vsel vm8, v28, v57;
	v41 =	vsel vm8, v57, v28  }
0x361: {  	v29 =	vld [tilespmem:s4+$0xFFFFFF50];
	v54, v53, _ =	vpop (xrf1);
	v33 =	vperm.xlane v52, v4;
	v60 =	vperm.xlane v51, v4;
	(xrf1) =	vsort.dscd.msk.f32 $0xffff, v59, v34  }
0x362: {  	(erf) = vrcp.f32 v30;
	v40 =	vmul.f32 v49, v27;
	v27 =	vsel vm1, v41, v50;
	v30, v55, _ =	vpop (xrf1);
	(xrf1) =	vsort.dscd.msk.f32 $0xffff, v58, v2  }
0x363: {  	s4 =	simm.s32 $0x101;
	v27 =	vsel vm3, v27, v28;
	v28 =	vperm.xlane v62, v4;
	v57, v56, _ =	vpop (xrf1);
	(xrf1) =	vsort.dscd.msk.f32 $0xffff, v25, v0  }
0x364: {  	s31 =	simm.s32 $0x104;
	v38 =	vperm.xlane v54, v4;
	v46 =	vperm.xlane v53, v4;
	v49 =	vmov s4;
	v25, v59, _ =	vpop (xrf1);
	(xrf1) =	vsort.dscd.msk.f32 $0xffff, v63, v0  }
0x365: {  	v58 =	vmov s31;
	v30 =	vperm.xlane v30, v4;
	[tilespmem:v24+s26+$0x0] =	vst.idx.msk $0xff, v40;
	vm3 =	vge.f32 v57, v28  }
0x366: {  	v61 =	vand.u32 $0x7C, v58;
	v63, v62, _ =	vpop (xrf1);
	v25 =	vperm.xlane v25, v4;
	v28 =	vmax.f32 v57, v28;
	(xrf1) =	vsort.dscd.msk.f32 $0xffff, v29, v0  }
0x367: {  	v50, _, _ =	vpop (xrf2);
	v52 =	vperm.xlane v59, v4;
	vm9 =	vge.f32 v63, v33;
	v36 =	vsel vm3, v56, v36  }
0x368: {  	v41 =	vshll.u32 v58, $0x3;
	v29, v48, _ =	vpop (xrf1);
	v32 =	vmax.f32 v63, v33;
	v51 =	vsel vm9, v62, v60;
	(xrf1) =	vsort.dscd.msk.f32 $0xffff, v28, v36  }
0x369: {  	vm3 =	veq.f32 v8, v15;
	v15 =	vbroadcast v50, $0xF;
	v29 =	vperm.xlane v29, v4;
	(xrf1) =	vsort.dscd.msk.f32 $0xffff, v32, v51  }
0x36a: {  	v53 =	vand.u32 $0xC00, v41;
	v28 =	vperm.xlane v55, v4;
	v13 =	vsel vm3, v23, v13;
	(xrf1) =	vsort.dscd.msk.f32 $0xffff, v16, v17  }
0x36b: {  	vm3 =	veq.f32 v10, v37;
	v56 =	vpop (erf);
	(xrf1) =	vsort.dscd.msk.f32 $0xffff, v20, v18;
	(erf) = vrcp.f32 v15;
	v15 =	vsel vm10, v31, v9  }
0x36c: {  	v18 =	vshll.u32 v49, $0x3;
	v16 =	vmul.f32 v56, v8;
	(xrf1) =	vsort.dscd.msk.f32 $0xffff, v21, v19;
	v8 =	vsel vm3, v26, v14;
	v9, v14, _ =	vpop (xrf1)  }
0x36d: {  	v54, _, _ =	vpop (xrf2);
	[tilespmem:v24+s28+$0x0] =	vst.idx.msk $0xff, v27;
	v20 =	vperm.xlane v9, v4;
	v9 =	vand.u32 $0xC00, v18;
	v18 =	vor.u32 v53, v61  }
0x36e: {  	v55 =	vperm.xlane v48, v4;
	v17 =	vbroadcast v54, $0xF;
	v19 =	vand.u32 $0x7D, v49;
	[tilespmem:v11+s26+$0x0] =	vst.idx.msk $0xff, v16  }
0x36f: {  	v14 =	vperm.xlane v14, v4;
	v21, v22, _ =	vpop (xrf1);
	v19 =	vor.u32 v9, v19;
	v9 =	vor.u32 v7, v18  }
0x370: {  	vm3 =	vge.f32 v21, v20;
	v31 =	vor.u32 v7, v19;
	v19 =	vmax.f32 v21, v20;
	v18, v23, _ =	vpop (xrf1)  }
0x371: {  	[tilespmem:v11+s28+$0x0] =	vst.idx.msk $0xff, v13;
	v14 =	vsel vm3, v22, v14;
	vm11 =	vge.f32 v18, v38;
	v20, v21, _ =	vpop (xrf1)  }
0x372: {  	(erf) = vrcp.f32 v17;
	v17 =	vmax.f32 v18, v38;
	(xrf1) =	vsort.dscd.msk.f32 $0xffff, v19, v14;
	v18 =	vsel vm11, v23, v46;
	v22, v23, _ =	vpop (xrf1)  }
0x373: {  	s5 =	simm.s32 $0x102;
	vm3 =	vge.f32 v20, v30;
	v20 =	vmax.f32 v20, v30;
	vm12 =	vge.f32 v22, v25  }
0x374: {  	v14, v19, _ =	vpop (xrf1);
	(xrf1) =	vsort.dscd.msk.f32 $0xffff, v17, v18;
	v17 =	vmov s5;
	v18 =	vsel vm3, v21, v28;
	v22 =	vmax.f32 v22, v25  }
0x375: {  	v21 =	vsel vm12, v23, v52;
	vm3 =	vge.f32 v14, v29;
	v23 =	vpop (erf);
	v14 =	vmax.f32 v14, v29  }
0x376: {  	v16, v25, _ =	vpop (xrf1);
	v57 =	vand.u32 $0x7E, v17;
	(xrf1) =	vsort.dscd.msk.f32 $0xffff, v20, v18;
	v19 =	vsel vm3, v19, v55;
	v23 =	vmul.f32 v23, v12  }
0x377: {  	v13 =	vshll.u32 v17, $0x3;
	v24 =	vperm.xlane v16, v4;
	v26 =	vperm.xlane v25, v4;
	v11, v12, _ =	vpop (xrf1);
	(xrf1) =	vsort.dscd.msk.f32 $0xffff, v22, v21  }
0x378: {  	v17 =	vand.u32 $0xC00, v13;
	v25 =	vperm.xlane v11, v4;
	v27 =	vperm.xlane v12, v4;
	v12, v16, _ =	vpop (xrf1);
	(xrf1) =	vsort.dscd.msk.f32 $0xffff, v14, v19  }
0x379: {  	v17 =	vor.u32 v17, v57;
	v22 =	vperm.xlane v12, v5;
	v21 =	vperm.xlane v16, v5;
	v11, v30, _ =	vpop (xrf1)  }
0x37a: {  	v29 =	vnsel vm2, $0x0, v12;
	v14 =	vperm.xlane v11, v5;
	v19 =	vperm.xlane v30, v5;
	v13, v58, _ =	vpop (xrf1)  }
0x37b: {  	[tilespmem:v31+s26+$0x0] =	vst.idx.msk $0xff, v23;
	v20 =	vnsel vm2, $0x0, v11;
	vm3 =	vlt.s32 v16, v21;
	v23 =	vperm.xlane v58, v5  }
0x37c: {  	v28 =	vsel vm3, v16, v21;
	vm13 =	vlt.s32 v30, v19;
	v21 =	vsel vm3, v21, v16  }
0x37d: {  	(xrf2) =	vadd.scan.msk.f32 $0xffff, v29;
	v59 =	vperm.xlane v13, v5;
	v60 =	vsel vm13, v30, v19;
	v19 =	vsel vm13, v19, v30  }
0x37e: {  	v18 =	vnsel vm2, $0x0, v13;
	vm14 =	veq.f32 v11, v14;
	vm3 =	vlt.s32 v58, v23  }
0x37f: {  	s1 =	simm.s32 $0x87B0;
	v62 =	vsel vm0, v28, v21;
	vm15 =	veq.f32 v13, v59;
	v61 =	vsel vm3, v58, v23  }
0x380: {  	v28 =	vld [tilespmem:s1+$0xFFFFFFE0];
	v23 =	vsel vm3, v23, v58;
	v34 =	vsel vm0, v60, v19;
	vm3 =	veq.f32 v12, v22;
	v19, v21, _ =	vpop (xrf1)  }
0x381: {  	[tilespmem:v31+s28+$0x0] =	vst.idx.msk $0xff, v15;
	v31 =	vld [tilespmem:s1+$0x0];
	v16 =	vsel vm3, v62, v16;
	v14 =	vsel vm14, v34, v30;
	v63 =	vnsel vm2, $0x0, v19  }
0x382: {  	v23 =	vsel vm0, v61, v23;
	v34 =	vld [tilespmem:s1+$0xFFFFFFD0];
	v33 =	vperm.xlane v16, v6;
	v32 =	vperm.xlane v14, v6;
	v15, v22, _ =	vpop (xrf1);
	(xrf2) =	vadd.scan.msk.f32 $0xffff, v63  }
0x383: {  	s30 =	simm.s32 $0x108;
	s29 =	simm.s32 $0x10C;
	v35 =	vld [tilespmem:s1+$0xFFFFFFF0];
	s3 =	simm.s32 $0x110;
	v29 =	vperm.xlane v15, v4;
	v30 =	vperm.xlane v22, v4;
	v15 =	vsel vm15, v23, v58;
	v22 =	vpop (erf)  }
.LBB2_6:
0x384: {  	p0 =	slt.u32 s3, $0x17C;
	v36 =	vld [tilespmem:s1+$0xFFFFFE80];
	v41, v38, _ =	vpop (xrf1);
	v23 =	vperm.xlane v12, v6;
	v39 =	vperm.xlane v15, v6;
	v17 =	vor.u32 v7, v17  }
0x385: {  	v40 =	vld [tilespmem:s1+$0xFFFFFF00];
	(xrf1) =	vsort.dscd.msk.f32 $0xffff, v28, v1;
	vm3 =	vge.f32 v41, v24;
	v24 =	vmax.f32 v41, v24;
	v28, v37, _ =	vpop (xrf1)  }
0x386: {  	v41 =	vld [tilespmem:s1+$0xFFFFFF80];
	(xrf1) =	vsort.dscd.msk.f32 $0xffff, v31, v3;
	v26 =	vsel vm3, v38, v26;
	vm3 =	vge.f32 v28, v25;
	v31, v38, _ =	vpop (xrf1)  }
0x387: {  	v42 =	vld [tilespmem:s1+$0xFFFFFE60];
	(xrf1) =	vsort.dscd.msk.f32 $0xffff, v34, v0;
	v27 =	vsel vm3, v37, v27;
	vm3 =	vge.f32 v31, v29;
	v34, _, _ =	vpop (xrf2)  }
0x388: {  	v28 =	vmax.f32 v28, v25;
	v37 =	vld [tilespmem:s1+$0xFFFFFE70];
	(xrf1) =	vsort.dscd.msk.f32 $0xffff, v35, v2;
	v25 =	vsel vm3, v38, v30;
	v34 =	vbroadcast v34, $0xF  }
0x389: {  	v29 =	vmax.f32 v31, v29;
	vm3 =	vlt.s32 v16, v33;
	v35 =	vld [tilespmem:s1+$0xFFFFFEE0];
	(xrf1) =	vsort.dscd.msk.f32 $0xffff, v36, v3  }
0x38a: {  	vm4 =	vlt.s32 v14, v32;
	vm5 =	vlt.s32 v15, v39;
	v30 =	vperm.xlane v11, v6;
	v36 =	vld [tilespmem:s1+$0xFFFFFEF0]  }
0x38b: {  	v31 =	vperm.xlane v13, v6;
	v38 =	vld [tilespmem:s1+$0xFFFFFF60];
	(xrf1) =	vsort.dscd.msk.f32 $0xffff, v40, v3;
	v40 =	vsel vm3, v16, v33  }
0x38c: {  	v44 =	vsel vm4, v14, v32;
	v33 =	vsel vm3, v33, v16;
	v43 =	vld [tilespmem:s1+$0xFFFFFF70];
	(xrf1) =	vsort.dscd.msk.f32 $0xffff, v41, v3;
	v41, _, _ =	vpop (xrf2)  }
0x38d: {  	v32 =	vsel vm4, v32, v14;
	v45 =	vld [tilespmem:s1+$0xFFFFFED0];
	(xrf1) =	vsort.dscd.msk.f32 $0xffff, v42, v1;
	v41 =	vbroadcast v41, $0xF;
	v42 =	vsel vm5, v15, v39  }
0x38e: {  	s4 =	sadd.s32 $0x3, s30;
	v22 =	vmul.f32 v22, v10;
	v10 =	vmovc v13;
	v46 =	vld [tilespmem:s1+$0xFFFFFF50];
	(xrf1) =	vsort.dscd.msk.f32 $0xffff, v37, v2;
	v37 =	vsel vm5, v39, v15  }
0x38f: {  	v33 =	vsel vm1, v33, v40;
	v13 =	vld [tilespmem:s1+$0xFFFFFE50];
	(xrf1) =	vsort.dscd.msk.f32 $0xffff, v35, v1;
	v35 =	vmov s4;
	(erf) = vrcp.f32 v41  }
0x390: {  	v32 =	vsel vm1, v32, v44;
	(xrf1) =	vsort.dscd.msk.f32 $0xffff, v36, v2;
	v36 =	vperm.xlane v21, v5;
	v39 =	vshll.u32 v35, $0x3  }
0x391: {  	v37 =	vsel vm1, v37, v42;
	v35 =	vand.u32 $0x7F, v35;
	(xrf1) =	vsort.dscd.msk.f32 $0xffff, v38, v1;
	v41 =	vand.u32 $0xC00, v39  }
0x392: {  	v39 =	vperm.xlane v19, v5;
	vm3 =	vlt.s32 v21, v36;
	v35 =	vor.u32 v41, v35  }
0x393: {  	v38, v40, _ =	vpop (xrf1);
	v41 =	vsel vm3, v21, v36;
	v36 =	vsel vm3, v36, v21;
	v35 =	vor.u32 v7, v35  }
0x394: {  	v47, v44, _ =	vpop (xrf1)  }
0x395: {  	vm3 =	veq.f32 v19, v39;
	v39 =	vperm.xlane v40, v4;
	v40 =	vperm.xlane v47, v4  }
0x396: {  	v38 =	vperm.xlane v38, v4  }
0x397: {  	v36 =	vsel vm0, v41, v36  }
0x398: {  	v21 =	vsel vm3, v36, v21;
	v44 =	vperm.xlane v44, v4;
	v41, v42, _ =	vpop (xrf1)  }
0x399: {  	v49 =	vperm.xlane v21, v6;
	v36 =	vmax.f32 v41, v38;
	v47, v48, _ =	vpop (xrf1);
	(xrf2) =	vadd.scan.msk.f32 $0xffff, v20;
	vm3 =	vge.f32 v41, v38  }
0x39a: {  	vm4 =	vge.f32 v47, v40;
	v20 =	vmax.f32 v47, v40;
	v42 =	vsel vm3, v42, v39;
	v38, v40, _ =	vpop (xrf1)  }
0x39b: {  	v53 =	vsel vm4, v48, v44;
	v44 =	vperm.xlane v19, v6;
	vm4 =	vlt.s32 v21, v49;
	v47 =	vpop (erf)  }
0x39c: {  	v51 =	vsel vm4, v21, v49;
	v49 =	vsel vm4, v49, v21;
	v48, v50, _ =	vpop (xrf1);
	v47 =	vmul.f32 v47, v19;
	(xrf2) =	vadd.scan.msk.f32 $0xffff, v18  }
0x39d: {  	vm4 =	veq.f32 v19, v44;
	v19 =	vsel vm1, v49, v51;
	v18, v52, _ =	vpop (xrf1);
	(xrf1) =	vsort.dscd.msk.f32 $0xffff, v20, v53  }
0x39e: {  	v40 =	vperm.xlane v40, v4;
	v19 =	vsel vm4, v19, v21;
	v39, v41, _ =	vpop (xrf1);
	[tilespmem:v35+s26+$0x0] =	vst.idx.msk $0xff, v47;
	(erf) = vrcp.f32 v34  }
0x39f: {  	v21 =	vperm.xlane v38, v4;
	v34, v38, _ =	vpop (xrf1);
	(xrf1) =	vsort.dscd.msk.f32 $0xffff, v36, v42;
	[tilespmem:v35+s28+$0x0] =	vst.idx.msk $0xff, v19  }
0x3a0: {  	v18 =	vperm.xlane v18, v4;
	v19 =	vperm.xlane v48, v4;
	v36 =	vmov s30;
	v20, v35, _ =	vpop (xrf1);
	(xrf1) =	vsort.dscd.msk.f32 $0xffff, v43, v2  }
0x3a1: {  	v47 =	vperm.xlane v52, v4;
	v42 =	vperm.xlane v50, v4;
	v44 =	vand.u32 $0x7C, v36;
	(xrf1) =	vsort.dscd.msk.f32 $0xffff, v13, v0;
	v13, v43, _ =	vpop (xrf1)  }
0x3a2: {  	s4 =	sadd.s32 $0x1, s31;
	v39 =	vperm.xlane v39, v4;
	vm3 =	vge.f32 v34, v21;
	v36 =	vshll.u32 v36, $0x3;
	(xrf1) =	vsort.dscd.msk.f32 $0xffff, v45, v0;
	v45, v48, _ =	vpop (xrf1)  }
0x3a3: {  	v21 =	vmax.f32 v34, v21;
	vm4 =	vge.f32 v13, v19;
	(xrf1) =	vsort.dscd.msk.f32 $0xffff, v46, v0;
	v46 =	vmov s4;
	v49, _, _ =	vpop (xrf2)  }
0x3a4: {  	v38 =	vsel vm3, v38, v40;
	v20 =	vperm.xlane v20, v4;
	v40 =	vperm.xlane v45, v4  }
0x3a5: {  	v34 =	vperm.xlane v41, v4;
	v13 =	vmax.f32 v13, v19;
	v42 =	vsel vm4, v43, v42  }
0x3a6: {  	v35 =	vperm.xlane v35, v4;
	vm3 =	veq.f32 v12, v23;
	(xrf1) =	vsort.dscd.msk.f32 $0xffff, v21, v38;
	v21 =	vand.u32 $0xC00, v36;
	v36, _, _ =	vpop (xrf2)  }
0x3a7: {  	v16 =	vsel vm3, v33, v16;
	v38 =	vperm.xlane v48, v4;
	(xrf1) =	vsort.dscd.msk.f32 $0xffff, v13, v42;
	v13 =	vbroadcast v49, $0xF;
	v19 =	vpop (erf)  }
0x3a8: {  	vm4 =	veq.f32 v11, v30;
	v23 =	vbroadcast v36, $0xF;
	(xrf1) =	vsort.dscd.msk.f32 $0xffff, v24, v26;
	v12 =	vmul.f32 v19, v12  }
0x3a9: {  	vm3 =	veq.f32 v10, v31;
	v14 =	vsel vm4, v32, v14;
	(xrf1) =	vsort.dscd.msk.f32 $0xffff, v28, v27;
	(erf) = vrcp.f32 v13  }
0x3aa: {  	v13 =	vsel vm3, v37, v15;
	(xrf1) =	vsort.dscd.msk.f32 $0xffff, v29, v25;
	(erf) = vrcp.f32 v23;
	v23 =	vshll.u32 v46, $0x3  }
0x3ab: {  	v21 =	vor.u32 v21, v44;
	v15, v19, _ =	vpop (xrf1)  }
0x3ac: {  	[tilespmem:v9+s26+$0x0] =	vst.idx.msk $0xff, v12;
	v12 =	vand.u32 $0x7D, v46;
	v25 =	vperm.xlane v15, v4  }
0x3ad: {  	v24 =	vand.u32 $0xC00, v23;
	[tilespmem:v9+s28+$0x0] =	vst.idx.msk $0xff, v16;
	v9 =	vor.u32 v7, v21;
	v19 =	vperm.xlane v19, v4  }
0x3ae: {  	v12 =	vor.u32 v24, v12;
	[tilespmem:v17+s26+$0x0] =	vst.idx.msk $0xff, v22;
	v21, v23, _ =	vpop (xrf1)  }
0x3af: {  	v28 =	vor.u32 v7, v12;
	vm3 =	vge.f32 v21, v25;
	v16, v22, _ =	vpop (xrf1);
	[tilespmem:v17+s28+$0x0] =	vst.idx.msk $0xff, v8;
	v8 =	vmov v13  }
0x3b0: {  	v24 =	vmax.f32 v21, v25;
	vm4 =	vge.f32 v16, v18;
	v23 =	vsel vm3, v23, v19;
	v15, v17, _ =	vpop (xrf1)  }
0x3b1: {  	s4 =	sadd.s32 $0x2, s31;
	s31 =	smov.u32 s30;
	s30 =	smov.u32 s29;
	v16 =	vmax.f32 v16, v18;
	v18 =	vsel vm4, v22, v47;
	v19, v21, _ =	vpop (xrf1);
	(xrf1) =	vsort.dscd.msk.f32 $0xffff, v24, v23  }
0x3b2: {  	s29 =	smov.u32 s3;
	vm3 =	vge.f32 v15, v39;
	vm4 =	vge.f32 v19, v20;
	v12, v13, _ =	vpop (xrf1);
	(xrf1) =	vsort.dscd.msk.f32 $0xffff, v16, v18;
	v16 =	vmov s4  }
0x3b3: {  	v23 =	vsel vm3, v17, v34;
	v18 =	vsel vm4, v21, v35;
	vm3 =	vge.f32 v12, v40;
	v21 =	vpop (erf)  }
0x3b4: {  	v27 =	vmax.f32 v15, v39;
	v19 =	vmax.f32 v19, v20;
	v13 =	vsel vm3, v13, v38;
	v22 =	vpop (erf)  }
0x3b5: {  	v30 =	vmax.f32 v12, v40;
	v20 =	vmul.f32 v21, v11;
	(xrf1) =	vsort.dscd.msk.f32 $0xffff, v27, v23;
	v25, v17, _ =	vpop (xrf1);
	v23 =	vand.u32 $0x7E, v16  }
0x3b6: {  	v16 =	vshll.u32 v16, $0x3;
	v24 =	vperm.xlane v25, v4;
	v26 =	vperm.xlane v17, v4;
	(xrf1) =	vsort.dscd.msk.f32 $0xffff, v19, v18;
	v11, v15, _ =	vpop (xrf1)  }
0x3b7: {  	v17 =	vand.u32 $0xC00, v16;
	v25 =	vperm.xlane v11, v4;
	v27 =	vperm.xlane v15, v4;
	(xrf1) =	vsort.dscd.msk.f32 $0xffff, v30, v13;
	v12, v15, _ =	vpop (xrf1)  }
0x3b8: {  	v16 =	vperm.xlane v12, v5;
	v19 =	vperm.xlane v15, v5;
	v21 =	vnsel vm2, $0x0, v12;
	v11, v29, _ =	vpop (xrf1);
	[tilespmem:v28+s26+$0x0] =	vst.idx.msk $0xff, v20  }
0x3b9: {  	v30 =	vperm.xlane v11, v5;
	v31 =	vperm.xlane v29, v5;
	v20 =	vnsel vm2, $0x0, v11;
	v13, v32, _ =	vpop (xrf1);
	[tilespmem:v28+s28+$0x0] =	vst.idx.msk $0xff, v14  }
0x3ba: {  	vm3 =	vlt.s32 v15, v19;
	v14 =	vperm.xlane v32, v5;
	v18 =	vnsel vm2, $0x0, v13  }
0x3bb: {  	v33 =	vperm.xlane v13, v5;
	v28 =	vsel vm3, v15, v19;
	vm4 =	vlt.s32 v29, v31  }
0x3bc: {  	v19 =	vsel vm3, v19, v15;
	v34 =	vsel vm4, v29, v31;
	vm3 =	vlt.s32 v32, v14;
	(xrf2) =	vadd.scan.msk.f32 $0xffff, v21  }
0x3bd: {  	v38 =	vsel vm4, v31, v29;
	v31 =	vsel vm3, v32, v14;
	v14 =	vsel vm3, v14, v32  }
.Ltmp2:
0x3be: {  	s1 =	sadd.s32 $0x200, s1;
	v35 =	vsel vm0, v28, v19;
	v34 =	vsel vm0, v34, v38;
	v36 =	vsel vm0, v31, v14;
	(pc) =	sbr.rel @p0 .LBB2_6-.Ltmp2, $4  }
0x3bf: {  	vm4 =	veq.f32 v11, v30;
	vm5 =	veq.f32 v13, v33;
	vm3 =	veq.f32 v12, v16;
	v28 =	vld [tilespmem:s1+$0xFFFFFFE0];
	v19, v21, _ =	vpop (xrf1)  }
0x3c0: {  	v16 =	vsel vm3, v35, v15;
	v14 =	vsel vm4, v34, v29;
	v31 =	vld [tilespmem:s1+$0x0];
	v33 =	vnsel vm2, $0x0, v19;
	v30, v37, _ =	vpop (xrf1)  }
0x3c1: {  	v15 =	vsel vm5, v36, v32;
	v34 =	vld [tilespmem:s1+$0xFFFFFFD0];
	v29 =	vperm.xlane v30, v4;
	v30 =	vperm.xlane v37, v4;
	(xrf2) =	vadd.scan.msk.f32 $0xffff, v33  }
0x3c2: {  	s3 =	sadd.s32 $0x4, s3;
	v17 =	vor.u32 v17, v23;
	v32 =	vperm.xlane v14, v6;
	v33 =	vperm.xlane v16, v6;
	v35 =	vld [tilespmem:s1+$0xFFFFFFF0]  }
0x3c3: {  	_ = 	snop  }
0x3c4: {  	(xrf1) =	vsort.dscd.msk.f32 $0xffff, v28, v1  }
0x3c5: {  	(xrf1) =	vsort.dscd.msk.f32 $0xffff, v31, v3;
	v31 =	vld [tilespmem:s1+$0xFFFFFE80]  }
0x3c6: {  	v36 =	vld [tilespmem:s1+$0xFFFFFF00];
	v28, v59, _ =	vpop (xrf1);
	(xrf1) =	vsort.dscd.msk.f32 $0xffff, v34, v0  }
0x3c7: {  	v39 =	vld [tilespmem:s1+$0xFFFFFF80];
	vm3 =	vge.f32 v28, v24;
	v37, v38, _ =	vpop (xrf1);
	(xrf1) =	vsort.dscd.msk.f32 $0xffff, v35, v2  }
0x3c8: {  	v41 =	vld [tilespmem:s1+$0xFFFFFE60];
	v24 =	vmax.f32 v28, v24;
	v28 =	vsel vm3, v59, v26;
	vm3 =	vge.f32 v37, v25;
	v61, v40, _ =	vpop (xrf1)  }
0x3c9: {  	v62 =	vld [tilespmem:s1+$0xFFFFFE70];
	v26 =	vsel vm3, v38, v27;
	vm3 =	vge.f32 v61, v29  }
0x3ca: {  	v27 =	vmax.f32 v37, v25;
	v25 =	vsel vm3, v40, v30;
	v30 =	vld [tilespmem:s1+$0xFFFFFEE0];
	(xrf1) =	vsort.dscd.msk.f32 $0xffff, v31, v3  }
0x3cb: {  	v60 =	vperm.xlane v15, v6;
	(xrf1) =	vsort.dscd.msk.f32 $0xffff, v36, v3  }
0x3cc: {  	v63 =	vld [tilespmem:s1+$0xFFFFFEF0];
	s3 =	sadd.s32 $0x3, s30;
	v10 =	vmul.f32 v22, v10;
	(xrf1) =	vsort.dscd.msk.f32 $0xffff, v39, v3  }
0x3cd: {  	v47 =	vld [tilespmem:s1+$0xFFFFFF60];
	v55 =	vperm.xlane v19, v5;
	v22 =	vmov s3;
	vm5 =	vlt.s32 v15, v60;
	(xrf1) =	vsort.dscd.msk.f32 $0xffff, v41, v1  }
0x3ce: {  	v54 =	vshll.u32 v22, $0x3;
	v46, _, _ =	vpop (xrf2);
	v51 =	vsel vm5, v15, v60;
	v35 =	vsel vm5, v60, v15;
	(xrf1) =	vsort.dscd.msk.f32 $0xffff, v62, v2  }
0x3cf: {  	v22 =	vand.u32 $0x7F, v22;
	vm3 =	vlt.s32 v16, v33;
	v49, _, _ =	vpop (xrf2);
	(xrf1) =	vsort.dscd.msk.f32 $0xffff, v30, v1;
	v30 =	vperm.xlane v21, v5  }
0x3d0: {  	v45 =	vsel vm3, v16, v33;
	v48 =	vsel vm3, v33, v16;
	v39 =	vbroadcast v49, $0xF  }
0x3d1: {  	v38 =	vbroadcast v46, $0xF;
	v33 =	vsel vm1, v48, v45;
	(xrf1) =	vsort.dscd.msk.f32 $0xffff, v63, v2;
	vm3 =	vlt.s32 v21, v30  }
0x3d2: {  	(erf) = vrcp.f32 v39;
	(xrf1) =	vsort.dscd.msk.f32 $0xffff, v47, v1;
	v53, v52, _ =	vpop (xrf1);
	v44 =	vsel vm3, v21, v30;
	v30 =	vsel vm3, v30, v21  }
0x3d3: {  	vm3 =	veq.f32 v19, v55;
	v57, v56, _ =	vpop (xrf1);
	v34 =	vperm.xlane v53, v4;
	v30 =	vsel vm0, v44, v30  }
0x3d4: {  	v36 =	vperm.xlane v52, v4;
	v40 =	vperm.xlane v57, v4;
	v45, v46, _ =	vpop (xrf1);
	v21 =	vsel vm3, v30, v21  }
0x3d5: {  	v35 =	vsel vm1, v35, v51;
	v58 =	vperm.xlane v56, v4;
	v59, v47, _ =	vpop (xrf1);
	v60 =	vperm.xlane v21, v6  }
0x3d6: {  	(xrf2) =	vadd.scan.msk.f32 $0xffff, v20;
	vm3 =	vge.f32 v45, v34;
	vm15 =	vge.f32 v59, v40;
	v20 =	vmax.f32 v59, v40  }
0x3d7: {  	(xrf2) =	vadd.scan.msk.f32 $0xffff, v18;
	v18 =	vsel vm3, v46, v36;
	v30 =	vsel vm15, v47, v58;
	vm3 =	vlt.s32 v21, v60  }
0x3d8: {  	v62 =	vand.u32 $0xC00, v54;
	(xrf1) =	vsort.dscd.msk.f32 $0xffff, v20, v30;
	v20 =	vmax.f32 v45, v34;
	v51 =	vsel vm3, v60, v21  }
0x3d9: {  	(xrf1) =	vsort.dscd.msk.f32 $0xffff, v20, v18;
	v18 =	vor.u32 v62, v22;
	v22 =	vsel vm3, v21, v60  }
0x3da: {  	vm4 =	vlt.s32 v14, v32;
	v30 =	vld [tilespmem:s1+$0xFFFFFF70];
	v48, v63, _ =	vpop (xrf1);
	v22 =	vsel vm1, v51, v22  }
0x3db: {  	v43 =	vsel vm4, v14, v32;
	v49 =	vperm.xlane v19, v6;
	v53, v54, _ =	vpop (xrf1)  }
0x3dc: {  	v50 =	vsel vm4, v32, v14;
	v29 =	vmax.f32 v61, v29;
	v61 =	vld [tilespmem:s1+$0xFFFFFE50];
	(erf) = vrcp.f32 v38;
	v55, v56, _ =	vpop (xrf1)  }
0x3dd: {  	v23 =	vperm.xlane v12, v6;
	v32 =	vsel vm1, v50, v43;
	v50 =	vld [tilespmem:s1+$0xFFFFFED0];
	vm3 =	veq.f32 v19, v49;
	v20 =	vpop (erf)  }
0x3de: {  	v31 =	vperm.xlane v11, v6;
	v52 =	vld [tilespmem:s1+$0xFFFFFF50];
	v20 =	vmul.f32 v20, v19;
	v19 =	vsel vm3, v22, v21;
	v21, v22, _ =	vpop (xrf1)  }
0x3df: {  	v42 =	vperm.xlane v13, v6;
	v37 =	vperm.xlane v48, v4;
	(xrf1) =	vsort.dscd.msk.f32 $0xffff, v30, v2;
	v30, v58, _ =	vpop (xrf1)  }
0x3e0: {  	vm9 =	veq.f32 v11, v31;
	v40 =	vperm.xlane v63, v4;
	v57 =	vperm.xlane v53, v4;
	v60, v59, _ =	vpop (xrf1)  }
0x3e1: {  	v45 =	vperm.xlane v54, v4;
	v38 =	vperm.xlane v56, v4;
	(xrf1) =	vsort.dscd.msk.f32 $0xffff, v61, v0;
	v62, v48, _ =	vpop (xrf1)  }
0x3e2: {  	(xrf1) =	vsort.dscd.msk.f32 $0xffff, v50, v0;
	v50 =	vperm.xlane v21, v4;
	vm3 =	vge.f32 v30, v37;
	v21, v63, _ =	vpop (xrf1)  }
0x3e3: {  	(xrf1) =	vsort.dscd.msk.f32 $0xffff, v52, v0;
	v51 =	vperm.xlane v21, v4;
	v21 =	vmax.f32 v30, v37  }
0x3e4: {  	v54, _, _ =	vpop (xrf2);
	v40 =	vsel vm3, v58, v40;
	vm8 =	vge.f32 v62, v57;
	v30 =	vmax.f32 v62, v57  }
0x3e5: {  	v56 =	vsel vm8, v48, v45;
	v57 =	vperm.xlane v22, v4;
	v22 =	vpop (erf);
	(xrf1) =	vsort.dscd.msk.f32 $0xffff, v21, v40  }
0x3e6: {  	s5 =	sadd.s32 $0x1, s31;
	v36 =	vperm.xlane v55, v4;
	v61 =	vmov s30;
	v34 =	vperm.xlane v60, v4;
	(xrf1) =	vsort.dscd.msk.f32 $0xffff, v30, v56;
	v21, _, _ =	vpop (xrf2)  }
0x3e7: {  	v58 =	vmov s5;
	v60 =	vbroadcast v54, $0xF;
	v22 =	vmul.f32 v22, v12;
	(xrf1) =	vsort.dscd.msk.f32 $0xffff, v24, v28;
	v24, v28, _ =	vpop (xrf1)  }
0x3e8: {  	vm3 =	veq.f32 v12, v23;
	v23 =	vbroadcast v21, $0xF;
	(xrf1) =	vsort.dscd.msk.f32 $0xffff, v27, v26;
	v12 =	vperm.xlane v24, v4  }
0x3e9: {  	v24 =	vperm.xlane v28, v4;
	v21 =	vsel vm3, v33, v16;
	v27 =	vshll.u32 v58, $0x3;
	(xrf1) =	vsort.dscd.msk.f32 $0xffff, v29, v25;
	v25, v26, _ =	vpop (xrf1)  }
0x3ea: {  	v16 =	vsel vm9, v32, v14;
	v14 =	vand.u32 $0x7D, v58;
	vm10 =	vge.f32 v25, v12  }
0x3eb: {  	v12 =	vmax.f32 v25, v12;
	v25 =	vand.u32 $0xC00, v27;
	v24 =	vsel vm10, v26, v24  }
0x3ec: {  	v55 =	vshll.u32 v61, $0x3;
	(erf) = vrcp.f32 v60;
	(xrf1) =	vsort.dscd.msk.f32 $0xffff, v12, v24;
	v24 =	vor.u32 v25, v14  }
0x3ed: {  	v49 =	vand.u32 $0x7C, v61;
	v30 =	vand.u32 $0xC00, v55;
	vm3 =	veq.f32 v13, v42  }
0x3ee: {  	v12 =	vsel vm3, v35, v15;
	v15 =	vor.u32 v30, v49;
	v25, v26, _ =	vpop (xrf1)  }
0x3ef: {  	v14 =	vor.u32 v7, v15;
	v15 =	vor.u32 v7, v24;
	vm3 =	vge.f32 v25, v36;
	v24, v27, _ =	vpop (xrf1)  }
0x3f0: {  	v25 =	vmax.f32 v25, v36;
	v26 =	vsel vm3, v26, v38;
	vm3 =	vge.f32 v24, v50  }
0x3f1: {  	v17 =	vor.u32 v7, v17;
	v28, v29, _ =	vpop (xrf1);
	(xrf1) =	vsort.dscd.msk.f32 $0xffff, v25, v26;
	v25 =	vsel vm3, v27, v57  }
0x3f2: {  	v59 =	vperm.xlane v59, v4;
	(erf) = vrcp.f32 v23;
	v24 =	vmax.f32 v24, v50;
	v23, v30, _ =	vpop (xrf1)  }
0x3f3: {  	s3 =	sadd.s32 $0x2, s31;
	v39 =	vperm.xlane v63, v4;
	(xrf1) =	vsort.dscd.msk.f32 $0xffff, v24, v25;
	v24 =	vmax.f32 v23, v51  }
0x3f4: {  	vm11 =	vge.f32 v28, v34;
	v27 =	vmov s3;
	vm3 =	vge.f32 v23, v51;
	v25, v31, _ =	vpop (xrf1)  }
0x3f5: {  	v28 =	vmax.f32 v28, v34;
	v26 =	vsel vm11, v29, v59;
	v29 =	vpop (erf);
	v30 =	vsel vm3, v30, v39  }
0x3f6: {  	v23 =	vmul.f32 v29, v11;
	v29 =	vand.u32 $0x7E, v27;
	(xrf1) =	vsort.dscd.msk.f32 $0xffff, v28, v26;
	v26 =	vperm.xlane v25, v4;
	v11, v25, _ =	vpop (xrf1)  }
0x3f7: {  	v27 =	vshll.u32 v27, $0x3;
	v28 =	vperm.xlane v31, v4;
	(xrf1) =	vsort.dscd.msk.f32 $0xffff, v24, v30;
	v30 =	vperm.xlane v11, v4;
	v32, v24, _ =	vpop (xrf1)  }
0x3f8: {  	v27 =	vand.u32 $0xC00, v27;
	v31 =	vperm.xlane v25, v4;
	v61 =	vperm.xlane v24, v5;
	v25, v36, _ =	vpop (xrf1)  }
0x3f9: {  	v33 =	vperm.xlane v32, v5;
	v62 =	vnsel vm2, $0x0, v32;
	v63 =	vperm.xlane v25, v5  }
0x3fa: {  	v52 =	vperm.xlane v36, v5;
	v39 =	vnsel vm2, $0x0, v25;
	v11, v53, _ =	vpop (xrf1);
	vm3 =	vlt.s32 v24, v61  }
0x3fb: {  	v54 =	vperm.xlane v53, v5;
	v56 =	vperm.xlane v11, v5;
	v46, v47, _ =	vpop (xrf1);
	v55 =	vsel vm3, v24, v61  }
0x3fc: {  	vm12 =	vlt.s32 v36, v52;
	v34 =	vsel vm3, v61, v24;
	v60 =	vnsel vm2, $0x0, v46  }
0x3fd: {  	vm13 =	veq.f32 v25, v63;
	v57 =	vsel vm12, v36, v52;
	vm3 =	vlt.s32 v53, v54  }
0x3fe: {  	v58 =	vsel vm12, v52, v36;
	v34 =	vsel vm0, v55, v34;
	vm14 =	veq.f32 v11, v56  }
0x3ff: {  	v59 =	vsel vm3, v53, v54;
	v41 =	vsel vm3, v54, v53;
	vm3 =	veq.f32 v32, v33  }
0x400: {  	(xrf2) =	vadd.scan.msk.f32 $0xffff, v62;
	v35 =	vsel vm0, v57, v58;
	v38 =	vsel vm0, v59, v41;
	v61, v62, _ =	vpop (xrf1);
	v34 =	vsel vm3, v34, v24  }
0x401: {  	v35 =	vsel vm13, v35, v36;
	v24 =	vor.u32 v27, v29;
	v33 =	vperm.xlane v61, v4  }
0x402: {  	(xrf2) =	vadd.scan.msk.f32 $0xffff, v60;
	v63 =	vperm.xlane v62, v4;
	v37 =	vsel vm14, v38, v53;
	v52 =	vperm.xlane v34, v6;
	v27, v29, _ =	vpop (xrf1)  }
0x403: {  	v54 =	vperm.xlane v37, v6;
	vm3 =	vge.f32 v27, v26;
	v26 =	vmax.f32 v27, v26  }
0x404: {  	v18 =	vor.u32 v7, v18;
	(xrf2) =	vadd.scan.msk.f32 $0xffff, v39;
	v53 =	vperm.xlane v35, v6;
	v62 =	vperm.xlane v47, v5;
	v56, v55, _ =	vpop (xrf1)  }
0x405: {  	s4 =	sadd.s32 $0x3, s29;
	v28 =	vsel vm3, v29, v28;
	vm5 =	vlt.s32 v37, v54;
	vm15 =	vge.f32 v56, v30;
	v27, v57, _ =	vpop (xrf1)  }
0x406: {  	v51 =	vmov s4;
	v30 =	vmax.f32 v56, v30;
	(xrf1) =	vsort.dscd.msk.f32 $0xffff, v26, v28;
	v28 =	vsel vm5, v37, v54;
	v26 =	vpop (erf)  }
0x407: {  	v29 =	vsel vm15, v55, v31;
	vm3 =	vge.f32 v27, v33;
	v13 =	vmul.f32 v26, v13  }
0x408: {  	v26 =	vperm.xlane v46, v5;
	v31 =	vsel vm3, v57, v63;
	vm3 =	vlt.s32 v34, v52  }
0x409: {  	v59 =	vsel vm3, v34, v52;
	v38 =	vsel vm3, v52, v34;
	vm3 =	vlt.s32 v47, v62  }
0x40a: {  	v43 =	vsel vm5, v54, v37;
	v63 =	vsel vm3, v47, v62;
	v49 =	vsel vm3, v62, v47  }
0x40b: {  	v42 =	vnsel vm2, $0x0, v11;
	v58, _, _ =	vpop (xrf2);
	(xrf1) =	vsort.dscd.msk.f32 $0xffff, v30, v29;
	vm3 =	veq.f32 v46, v26;
	v26 =	vsel vm0, v63, v49  }
0x40c: {  	v27 =	vmax.f32 v27, v33;
	v30 =	vshll.u32 v51, $0x3;
	v60, _, _ =	vpop (xrf2);
	(xrf2) =	vadd.scan.msk.f32 $0xffff, v42;
	v26 =	vsel vm3, v26, v47  }
0x40d: {  	v33 =	vbroadcast v58, $0xF;
	v30 =	vand.u32 $0xC00, v30;
	v54 =	vperm.xlane v26, v6  }
0x40e: {  	v45 =	vbroadcast v60, $0xF;
	v52, _, _ =	vpop (xrf2);
	(xrf1) =	vsort.dscd.msk.f32 $0xffff, v27, v31;
	v27 =	vand.u32 $0x7F, v51;
	v31 =	vperm.xlane v46, v6  }
0x40f: {  	v29 =	vsel vm1, v38, v59;
	v38 =	vbroadcast v52, $0xF;
	vm3 =	vlt.s32 v26, v54  }
0x410: {  	v27 =	vor.u32 v30, v27;
	v30 =	vsel vm3, v26, v54;
	v55 =	vsel vm3, v54, v26  }
0x411: {  	(erf) = vrcp.f32 v45;
	vm3 =	veq.f32 v46, v31;
	v30 =	vsel vm1, v55, v30  }
0x412: {  	(erf) = vrcp.f32 v33;
	v26 =	vsel vm3, v30, v26;
	v30 =	vmov s29  }
0x413: {  	s3 =	sadd.s32 $0x2, s30;
	(erf) = vrcp.f32 v38;
	v57 =	vand.u32 $0x7C, v30;
	v30 =	vshll.u32 v30, $0x3  }
0x414: {  	[tilespmem:v17+s26+$0x0] =	vst.idx.msk $0xff, v10;
	v10 =	vmov s3;
	v44 =	vperm.xlane v11, v6;
	v41 =	vperm.xlane v32, v6  }
0x415: {  	v36 =	vperm.xlane v25, v6;
	v24 =	vor.u32 v7, v24;
	vm8 =	vlt.s32 v35, v53  }
0x416: {  	[tilespmem:v18+s26+$0x0] =	vst.idx.msk $0xff, v20;
	v61 =	vsel vm8, v35, v53;
	v40 =	vsel vm8, v53, v35;
	v20 =	vand.u32 $0xC00, v30;
	v30, _, _ =	vpop (xrf2)  }
0x417: {  	s5 =	sadd.s32 $0x1, s30;
	vm9 =	veq.f32 v25, v36;
	v53 =	vsel vm1, v40, v61;
	vm3 =	veq.f32 v32, v41  }
0x418: {  	[tilespmem:v18+s28+$0x0] =	vst.idx.msk $0xff, v19;
	v58 =	vmov s5;
	v19 =	vsel vm3, v29, v34;
	v18 =	vbroadcast v30, $0xF;
	v29, v30, _ =	vpop (xrf1)  }
0x419: {  	[tilespmem:v9+s26+$0x0] =	vst.idx.msk $0xff, v22;
	v22 =	vshll.u32 v58, $0x3;
	v61 =	vand.u32 $0x7D, v58;
	v60 =	vnsel vm2, $0x0, v29  }
0x41a: {  	v63 =	vand.u32 $0x7E, v10;
	v10 =	vshll.u32 v10, $0x3;
	v56 =	vpop (erf);
	v20 =	vor.u32 v20, v57;
	(xrf2) =	vadd.scan.msk.f32 $0xffff, v60  }
0x41b: {  	[tilespmem:v17+s28+$0x0] =	vst.idx.msk $0xff, v8;
	v22 =	vand.u32 $0xC00, v22;
	v27 =	vor.u32 v7, v27;
	v8 =	vand.u32 $0xC00, v10;
	v59 =	vpop (erf)  }
0x41c: {  	v28 =	vsel vm1, v43, v28;
	v22 =	vor.u32 v22, v61;
	v8 =	vor.u32 v8, v63;
	v62 =	vpop (erf)  }
0x41d: {  	[tilespmem:v9+s28+$0x0] =	vst.idx.msk $0xff, v21;
	v31 =	vmul.f32 v56, v46;
	v9 =	vor.u32 v7, v20;
	(erf) = vrcp.f32 v18;
	v20, v21, _ =	vpop (xrf1)  }
0x41e: {  	[tilespmem:v15+s26+$0x0] =	vst.idx.msk $0xff, v23;
	v18 =	vor.u32 v7, v22;
	v22 =	vmul.f32 v62, v25;
	v25 =	vnsel vm2, $0x0, v20  }
0x41f: {  	v35 =	vsel vm9, v53, v35;
	v8 =	vor.u32 v7, v8;
	v32 =	vmul.f32 v59, v32;
	v46, v45, _ =	vpop (xrf1);
	(xrf2) =	vadd.scan.msk.f32 $0xffff, v25  }
0x420: {  	vm3 =	veq.f32 v11, v44;
	[tilespmem:v27+s26+$0x0] =	vst.idx.msk $0xff, v31;
	v44 =	vperm.xlane v30, v5;
	v17 =	vnsel vm2, $0x0, v46  }
0x421: {  	s4 =	sadd.s32 $0x1, s29;
	v28 =	vsel vm3, v28, v37;
	[tilespmem:v14+s26+$0x0] =	vst.idx.msk $0xff, v32;
	v47 =	vperm.xlane v45, v5;
	(xrf2) =	vadd.scan.msk.f32 $0xffff, v17  }
0x422: {  	[tilespmem:v14+s28+$0x0] =	vst.idx.msk $0xff, v19;
	v19 =	vmov s4;
	v25 =	vperm.xlane v29, v5;
	vm3 =	vlt.s32 v30, v44  }
0x423: {  	v48 =	vsel vm3, v30, v44;
	v34 =	vsel vm3, v44, v30;
	vm3 =	vlt.s32 v45, v47  }
0x424: {  	v10 =	vperm.xlane v21, v5;
	v31 =	vperm.xlane v20, v6;
	v51 =	vsel vm3, v45, v47;
	v52, _, _ =	vpop (xrf2)  }
0x425: {  	[tilespmem:v15+s28+$0x0] =	vst.idx.msk $0xff, v16;
	v38 =	vsel vm3, v47, v45;
	vm3 =	veq.f32 v29, v25;
	v25 =	vbroadcast v52, $0xF  }
0x426: {  	v49 =	vperm.xlane v46, v5;
	v17 =	vperm.xlane v20, v5;
	vm10 =	vlt.s32 v21, v10  }
0x427: {  	v50 =	vsel vm10, v21, v10;
	v10 =	vsel vm10, v10, v21;
	v34 =	vsel vm0, v48, v34  }
0x428: {  	[tilespmem:v24+s26+$0x0] =	vst.idx.msk $0xff, v13;
	vm12 =	veq.f32 v46, v49;
	v10 =	vsel vm0, v50, v10;
	(erf) = vrcp.f32 v25  }
0x429: {  	vm11 =	veq.f32 v20, v17;
	v23 =	vsel vm0, v51, v38;
	v17 =	vsel vm3, v34, v30;
	v25, _, _ =	vpop (xrf2)  }
0x42a: {  	[tilespmem:v24+s28+$0x0] =	vst.idx.msk $0xff, v12;
	v10 =	vsel vm11, v10, v21;
	v15 =	vperm.xlane v17, v6;
	v25 =	vbroadcast v25, $0xF  }
0x42b: {  	v16 =	vsel vm12, v23, v45;
	v21 =	vperm.xlane v10, v6;
	v23 =	vperm.xlane v29, v6;
	v53, _, _ =	vpop (xrf2)  }
0x42c: {  	[tilespmem:v27+s28+$0x0] =	vst.idx.msk $0xff, v26;
	v12 =	vand.u32 $0x7D, v19;
	v26 =	vbroadcast v53, $0xF;
	(erf) = vrcp.f32 v25  }
0x42d: {  	v27 =	vperm.xlane v46, v6;
	v30 =	vperm.xlane v16, v6;
	vm13 =	vlt.s32 v17, v15  }
0x42e: {  	vm14 =	vlt.s32 v10, v21;
	v54 =	vpop (erf);
	vm15 =	veq.f32 v29, v23;
	(erf) = vrcp.f32 v26  }
0x42f: {  	v55 =	vsel vm14, v10, v21;
	v25 =	vsel vm13, v17, v15;
	v15 =	vsel vm13, v15, v17  }
0x430: {  	s5 =	sadd.s32 $0x2, s29;
	v14 =	vsel vm14, v21, v10;
	v13 =	vsel vm1, v15, v25;
	v15 =	vshll.u32 v19, $0x3  }
0x431: {  	[tilespmem:v18+s26+$0x0] =	vst.idx.msk $0xff, v22;
	v11 =	vmul.f32 v54, v11;
	v19 =	vmov s5;
	v15 =	vand.u32 $0xC00, v15;
	v21 =	vpop (erf)  }
0x432: {  	[tilespmem:v18+s28+$0x0] =	vst.idx.msk $0xff, v35;
	v12 =	vor.u32 v15, v12;
	v15 =	vshll.u32 v19, $0x3;
	v21 =	vmul.f32 v21, v29  }
0x433: {  	[tilespmem:v8+s26+$0x0] =	vst.idx.msk $0xff, v11;
	v18 =	vand.u32 $0x7E, v19;
	v12 =	vor.u32 v7, v12;
	v15 =	vand.u32 $0xC00, v15  }
0x434: {  	v13 =	vsel vm15, v13, v17;
	v15 =	vor.u32 v15, v18;
	[tilespmem:v9+s26+$0x0] =	vst.idx.msk $0xff, v21  }
0x435: {  	vm3 =	vlt.s32 v16, v30;
	[tilespmem:v9+s28+$0x0] =	vst.idx.msk $0xff, v13;
	v13 =	vor.u32 v7, v15;
	v9 =	vpop (erf)  }
0x436: {  	v11 =	vsel vm1, v14, v55;
	[tilespmem:v8+s28+$0x0] =	vst.idx.msk $0xff, v28;
	v9 =	vmul.f32 v9, v20  }
0x437: {  	v17 =	vsel vm3, v16, v30;
	v15 =	vsel vm3, v30, v16;
	vm3 =	veq.f32 v20, v31;
	v8 =	vpop (erf)  }
0x438: {  	v10 =	vsel vm3, v11, v10;
	v8 =	vmul.f32 v8, v46;
	[tilespmem:v12+s26+$0x0] =	vst.idx.msk $0xff, v9  }
0x439: {  	vm3 =	veq.f32 v46, v27;
	v9 =	vsel vm1, v15, v17;
	[tilespmem:v12+s28+$0x0] =	vst.idx.msk $0xff, v10  }
0x43a: {  	v9 =	vsel vm3, v9, v16;
	[tilespmem:v13+s26+$0x0] =	vst.idx.msk $0xff, v8  }
0x43b: {  	[tilespmem:v13+s28+$0x0] =	vst.idx.msk $0xff, v9  }
0x43c: {  	_ =	swait.ge [sflag:s24], $0x4000  }
0x43d: {  	[sflag:s24] =	ssyncset.done $0x0  }
0x43e: {  	s3 =	simm.s32 $0xC1B0;
	[sflag:s24] =	ssyncadd.s32 $0xFFFFC000  }
0x43f: {  	v8 =	vld [tilespmem:s3+$0xFFFFFFE0]  }
0x440: {  	v9 =	vld [tilespmem:s3+$0x0]  }
0x441: {  	v10 =	vld [tilespmem:s3+$0xFFFFFFD0]  }
0x442: {  	v11 =	vld [tilespmem:s3+$0xFFFFFFF0];
	_ =	sdelay $0x1  }
0x443: {  	(xrf1) =	vsort.dscd.msk.f32 $0xffff, v8, v1  }
0x444: {  	(xrf1) =	vsort.dscd.msk.f32 $0xffff, v9, v3  }
0x445: {  	(xrf1) =	vsort.dscd.msk.f32 $0xffff, v10, v0  }
0x446: {  	(xrf1) =	vsort.dscd.msk.f32 $0xffff, v11, v2;
	_ =	sdelay $0x2  }
0x447: {  	v8 =	vld [tilespmem:s3+$0xFFFFFE80]  }
0x448: {  	v9 =	vld [tilespmem:s3+$0xFFFFFF00]  }
0x449: {  	v10 =	vld [tilespmem:s3+$0xFFFFFF80]  }
0x44a: {  	v11 =	vld [tilespmem:s3+$0xFFFFFE60]  }
0x44b: {  	v12 =	vld [tilespmem:s3+$0xFFFFFE70]  }
0x44c: {  	v13 =	vld [tilespmem:s3+$0xFFFFFEE0];
	(xrf1) =	vsort.dscd.msk.f32 $0xffff, v8, v3  }
0x44d: {  	v8 =	vld [tilespmem:s3+$0xFFFFFEF0];
	(xrf1) =	vsort.dscd.msk.f32 $0xffff, v9, v3  }
0x44e: {  	v9 =	vld [tilespmem:s3+$0xFFFFFF60];
	(xrf1) =	vsort.dscd.msk.f32 $0xffff, v10, v3  }
0x44f: {  	(xrf1) =	vsort.dscd.msk.f32 $0xffff, v11, v1;
	v10, v11, _ =	vpop (xrf1)  }
0x450: {  	(xrf1) =	vsort.dscd.msk.f32 $0xffff, v12, v2;
	v12, v14, _ =	vpop (xrf1)  }
0x451: {  	(xrf1) =	vsort.dscd.msk.f32 $0xffff, v13, v1;
	v12 =	vperm.xlane v12, v4;
	v13, v15, _ =	vpop (xrf1)  }
0x452: {  	(xrf1) =	vsort.dscd.msk.f32 $0xffff, v8, v2;
	v8 =	vperm.xlane v14, v4;
	v14, v16, _ =	vpop (xrf1)  }
0x453: {  	(xrf1) =	vsort.dscd.msk.f32 $0xffff, v9, v1;
	v9 =	vperm.xlane v10, v4;
	vm3 =	vge.f32 v14, v12  }
0x454: {  	v10 =	vperm.xlane v11, v4;
	v11 =	vmax.f32 v14, v12;
	v8 =	vsel vm3, v16, v8  }
0x455: {  	vm3 =	vge.f32 v13, v9;
	(xrf1) =	vsort.dscd.msk.f32 $0xffff, v11, v8  }
0x456: {  	v8 =	vmax.f32 v13, v9;
	v9 =	vsel vm3, v15, v10  }
0x457: {  	(xrf1) =	vsort.dscd.msk.f32 $0xffff, v8, v9;
	_ =	sdelay $0x3  }
0x458: {  	v10 =	vld [tilespmem:s3+$0xFFFFFF70];
	v8, v9, _ =	vpop (xrf1)  }
0x459: {  	v13 =	vld [tilespmem:s3+$0xFFFFFE50];
	v11, v12, _ =	vpop (xrf1)  }
0x45a: {  	v16 =	vld [tilespmem:s3+$0xFFFFFED0];
	v14, v15, _ =	vpop (xrf1)  }
0x45b: {  	v17, v18, _ =	vpop (xrf1)  }
0x45c: {  	v19 =	vld [tilespmem:s3+$0xFFFFFF50];
	v20, v21, _ =	vpop (xrf1)  }
0x45d: {  	(xrf1) =	vsort.dscd.msk.f32 $0xffff, v10, v2;
	v22, v23, _ =	vpop (xrf1)  }
0x45e: {  	v8 =	vperm.xlane v8, v4;
	(xrf1) =	vsort.dscd.msk.f32 $0xffff, v13, v0;
	v10, v24, _ =	vpop (xrf1)  }
0x45f: {  	v9 =	vperm.xlane v9, v4;
	v11 =	vperm.xlane v11, v4;
	(xrf1) =	vsort.dscd.msk.f32 $0xffff, v16, v0;
	v13, v25, _ =	vpop (xrf1)  }
0x460: {  	v12 =	vperm.xlane v12, v4;
	vm3 =	vge.f32 v20, v8;
	v8 =	vmax.f32 v20, v8;
	v16, v26, _ =	vpop (xrf1)  }
0x461: {  	(xrf1) =	vsort.dscd.msk.f32 $0xffff, v19, v0;
	v9 =	vsel vm3, v21, v9;
	v16 =	vperm.xlane v16, v4  }
0x462: {  	vm8 =	vge.f32 v10, v11;
	v10 =	vmax.f32 v10, v11;
	v11 =	vperm.xlane v26, v4;
	v19, v20, _ =	vpop (xrf1)  }
0x463: {  	(xrf1) =	vsort.dscd.msk.f32 $0xffff, v8, v9;
	v12 =	vsel vm8, v24, v12;
	vm3 =	vge.f32 v19, v16  }
0x464: {  	(xrf1) =	vsort.dscd.msk.f32 $0xffff, v10, v12;
	v8 =	vmax.f32 v19, v16;
	v9 =	vsel vm3, v20, v11  }
0x465: {  	(xrf1) =	vsort.dscd.msk.f32 $0xffff, v8, v9;
	_ =	sdelay $0x3  }
0x466: {  	v10 =	vperm.xlane v17, v4  }
0x467: {  	v12 =	vperm.xlane v13, v4;
	v8 =	vperm.xlane v14, v4  }
0x468: {  	v16 =	vperm.xlane v23, v4;
	v9 =	vperm.xlane v15, v4;
	v13, v14, _ =	vpop (xrf1)  }
0x469: {  	v11 =	vperm.xlane v22, v4;
	v15 =	vperm.xlane v18, v4;
	v17, v18, _ =	vpop (xrf1);
	vm3 =	vge.f32 v13, v8  }
0x46a: {  	v8 =	vmax.f32 v13, v8;
	v9 =	vsel vm3, v14, v9;
	v13, v14, _ =	vpop (xrf1);
	vm3 =	vge.f32 v17, v10  }
0x46b: {  	s4 =	simm.s32 $0xC3B0;
	v10 =	vmax.f32 v17, v10;
	vm9 =	vge.f32 v13, v11;
	(xrf1) =	vsort.dscd.msk.f32 $0xffff, v8, v9  }
0x46c: {  	v8 =	vsel vm3, v18, v15;
	v11 =	vmax.f32 v13, v11;
	v9 =	vsel vm9, v14, v16;
	v16 =	vld [tilespmem:s4+$0xFFFFFFE0]  }
0x46d: {  	v19 =	vperm.xlane v25, v4;
	v20, v21, _ =	vpop (xrf1)  }
0x46e: {  	v13 =	vld [tilespmem:s4+$0x0];
	v14, v15, _ =	vpop (xrf1);
	vm3 =	vge.f32 v20, v12;
	(xrf1) =	vsort.dscd.msk.f32 $0xffff, v10, v8  }
0x46f: {  	v18 =	vld [tilespmem:s4+$0xFFFFFFD0];
	v12 =	vmax.f32 v20, v12;
	v17 =	vsel vm3, v21, v19;
	v8, v10, _ =	vpop (xrf1);
	(xrf1) =	vsort.dscd.msk.f32 $0xffff, v11, v9  }
0x470: {  	v9, v11, _ =	vpop (xrf1);
	(xrf1) =	vsort.dscd.msk.f32 $0xffff, v12, v17;
	v17 =	vld [tilespmem:s4+$0xFFFFFFF0]  }
0x471: {  	v12 =	vnsel vm2, $0x0, v9;
	(xrf1) =	vsort.dscd.msk.f32 $0xffff, v16, v1  }
0x472: {  	(xrf2) =	vadd.scan.msk.f32 $0xffff, v12  }
0x473: {  	(xrf1) =	vsort.dscd.msk.f32 $0xffff, v13, v3  }
0x474: {  	(xrf1) =	vsort.dscd.msk.f32 $0xffff, v18, v0  }
0x475: {  	v12 =	vld [tilespmem:s4+$0xFFFFFE80];
	(xrf1) =	vsort.dscd.msk.f32 $0xffff, v17, v2  }
0x476: {  	v13 =	vld [tilespmem:s4+$0xFFFFFF00]  }
0x477: {  	v16 =	vld [tilespmem:s4+$0xFFFFFF80]  }
0x478: {  	v17 =	vld [tilespmem:s4+$0xFFFFFE60]  }
0x479: {  	v18 =	vld [tilespmem:s4+$0xFFFFFE70]  }
0x47a: {  	v19 =	vld [tilespmem:s4+$0xFFFFFEE0];
	(xrf1) =	vsort.dscd.msk.f32 $0xffff, v12, v3  }
0x47b: {  	v21 =	vld [tilespmem:s4+$0xFFFFFEF0];
	v12, v20, _ =	vpop (xrf1);
	(xrf1) =	vsort.dscd.msk.f32 $0xffff, v13, v3  }
0x47c: {  	v14 =	vperm.xlane v14, v4;
	v15 =	vperm.xlane v15, v4;
	v13, v22, _ =	vpop (xrf1);
	(xrf1) =	vsort.dscd.msk.f32 $0xffff, v16, v3  }
0x47d: {  	v8 =	vperm.xlane v8, v4;
	v10 =	vperm.xlane v10, v4;
	v16, v23, _ =	vpop (xrf1);
	(xrf1) =	vsort.dscd.msk.f32 $0xffff, v17, v1  }
0x47e: {  	v12 =	vperm.xlane v12, v4;
	vm3 =	vge.f32 v13, v14;
	(xrf1) =	vsort.dscd.msk.f32 $0xffff, v18, v2;
	v18 =	vld [tilespmem:s4+$0xFFFFFF60];
	v25, _, _ =	vpop (xrf2)  }
0x47f: {  	v13 =	vmax.f32 v13, v14;
	v14 =	vsel vm3, v22, v15;
	(xrf1) =	vsort.dscd.msk.f32 $0xffff, v19, v1;
	v25 =	vbroadcast v25, $0xF;
	v17, v24, _ =	vpop (xrf1)  }
0x480: {  	vm3 =	vge.f32 v16, v8;
	v19 =	vperm.xlane v20, v4;
	(xrf1) =	vsort.dscd.msk.f32 $0xffff, v21, v2;
	v20, v21, _ =	vpop (xrf1)  }
0x481: {  	v8 =	vmax.f32 v16, v8;
	v10 =	vsel vm3, v23, v10;
	(erf) = vrcp.f32 v25;
	v15, v22, _ =	vpop (xrf1)  }
0x482: {  	vm3 =	vge.f32 v17, v12;
	v25 =	vperm.xlane v9, v5;
	v15 =	vperm.xlane v15, v4;
	v23, v26, _ =	vpop (xrf1)  }
0x483: {  	v16 =	vsel vm3, v24, v19;
	(xrf1) =	vsort.dscd.msk.f32 $0xffff, v18, v1;
	v19 =	vperm.xlane v22, v4;
	v22, v24, _ =	vpop (xrf1)  }
0x484: {  	v18 =	vperm.xlane v20, v4;
	v21 =	vperm.xlane v21, v4;
	vm3 =	vge.f32 v22, v15  }
0x485: {  	s5 =	simm.s32 $0x183;
	v15 =	vmax.f32 v22, v15;
	v19 =	vsel vm3, v24, v19;
	v24 =	vperm.xlane v11, v5  }
0x486: {  	v20 =	vld [tilespmem:s4+$0xFFFFFF70];
	v22 =	vmov s5;
	vm3 =	vge.f32 v23, v18;
	v18 =	vmax.f32 v23, v18  }
0x487: {  	v23 =	vshll.u32 v22, $0x3;
	(xrf1) =	vsort.dscd.msk.f32 $0xffff, v15, v19;
	v19 =	vsel vm3, v26, v21;
	vm3 =	vlt.s32 v11, v24  }
0x488: {  	(xrf1) =	vsort.dscd.msk.f32 $0xffff, v18, v19;
	v19 =	vand.u32 $0x7F, v22;
	v22 =	vsel vm3, v11, v24;
	v24 =	vsel vm3, v24, v11  }
0x489: {  	v15 =	vld [tilespmem:s4+$0xFFFFFE50];
	v26, v27, _ =	vpop (xrf1)  }
0x48a: {  	v21 =	vld [tilespmem:s4+$0xFFFFFED0];
	v28, v29, _ =	vpop (xrf1)  }
0x48b: {  	v18 =	vld [tilespmem:s4+$0xFFFFFF50];
	vm3 =	veq.f32 v9, v25;
	v22 =	vsel vm0, v22, v24;
	v24, v25, _ =	vpop (xrf1);
	(xrf1) =	vsort.dscd.msk.f32 $0xffff, v20, v2  }
0x48c: {  	v12 =	vmax.f32 v17, v12;
	v23 =	vand.u32 $0xC00, v23;
	v27 =	vperm.xlane v27, v4  }
0x48d: {  	v17 =	vor.u32 v23, v19;
	v23 =	vperm.xlane v26, v4;
	v11 =	vsel vm3, v22, v11;
	v19, v20, _ =	vpop (xrf1)  }
0x48e: {  	v17 =	vor.u32 v7, v17;
	v22 =	vperm.xlane v11, v6;
	(xrf1) =	vsort.dscd.msk.f32 $0xffff, v15, v0;
	v26, v30, _ =	vpop (xrf1)  }
0x48f: {  	v15 =	vperm.xlane v28, v4;
	(xrf1) =	vsort.dscd.msk.f32 $0xffff, v21, v0;
	v28, v31, _ =	vpop (xrf1);
	vm3 =	vge.f32 v26, v23  }
0x490: {  	v21 =	vperm.xlane v29, v4;
	(xrf1) =	vsort.dscd.msk.f32 $0xffff, v18, v0;
	v29, v56, _ =	vpop (xrf1);
	v18 =	vsel vm3, v30, v27  }
0x491: {  	v23 =	vmax.f32 v26, v23;
	vm3 =	vlt.s32 v11, v22;
	vm10 =	vge.f32 v29, v15  }
0x492: {  	v15 =	vmax.f32 v29, v15;
	(xrf1) =	vsort.dscd.msk.f32 $0xffff, v23, v18;
	v21 =	vsel vm10, v56, v21  }
0x493: {  	(xrf1) =	vsort.dscd.msk.f32 $0xffff, v15, v21;
	v15 =	vperm.xlane v9, v6;
	v18 =	vpop (erf);
	v21 =	vsel vm3, v11, v22  }
0x494: {  	(xrf1) =	vsort.dscd.msk.f32 $0xffff, v13, v14;
	v13 =	vsel vm3, v22, v11;
	v14 =	vmul.f32 v18, v9;
	v18, v22, _ =	vpop (xrf1)  }
0x495: {  	(xrf1) =	vsort.dscd.msk.f32 $0xffff, v8, v10;
	vm3 =	veq.f32 v9, v15;
	v8 =	vsel vm1, v13, v21;
	v9, v10, _ =	vpop (xrf1)  }
0x496: {  	v13 =	vsel vm3, v8, v11;
	v8 =	vperm.xlane v9, v4  }
0x497: {  	(xrf1) =	vsort.dscd.msk.f32 $0xffff, v12, v16;
	v10 =	vperm.xlane v10, v4;
	v11, v12, _ =	vpop (xrf1)  }
0x498: {  	v15 =	vperm.xlane v19, v4;
	v9 =	vperm.xlane v24, v4;
	vm3 =	vge.f32 v11, v8  }
0x499: {  	[tilespmem:v17+s26+$0x0] =	vst.idx.msk $0xff, v14;
	v14 =	vperm.xlane v25, v4;
	v10 =	vsel vm3, v12, v10;
	v19, v21, _ =	vpop (xrf1)  }
0x49a: {  	v16 =	vperm.xlane v28, v4;
	vm3 =	vge.f32 v19, v9  }
0x49b: {  	v8 =	vmax.f32 v11, v8;
	v11 =	vperm.xlane v18, v4;
	v14 =	vsel vm3, v21, v14  }
0x49c: {  	(xrf1) =	vsort.dscd.msk.f32 $0xffff, v8, v10;
	v8 =	vperm.xlane v20, v4;
	v9 =	vmax.f32 v19, v9;
	v10, v12, _ =	vpop (xrf1)  }
0x49d: {  	v19 =	vperm.xlane v31, v4;
	v20, v21, _ =	vpop (xrf1);
	vm3 =	vge.f32 v10, v15;
	(xrf1) =	vsort.dscd.msk.f32 $0xffff, v9, v14  }
0x49e: {  	v9 =	vperm.xlane v22, v4;
	v10 =	vmax.f32 v10, v15;
	vm11 =	vge.f32 v20, v16;
	v14, v22, _ =	vpop (xrf1)  }
0x49f: {  	s3 =	simm.s32 $0x180;
	v8 =	vsel vm3, v12, v8;
	v12 =	vsel vm11, v21, v19;
	vm3 =	vge.f32 v14, v11  }
0x4a0: {  	v18 =	vmov s3;
	v9 =	vsel vm3, v22, v9  }
0x4a1: {  	v15 =	vand.u32 $0x7C, v18  }
0x4a2: {  	v18 =	vshll.u32 v18, $0x3;
	v16 =	vmax.f32 v20, v16;
	(xrf1) =	vsort.dscd.msk.f32 $0xffff, v10, v8;
	v11 =	vmax.f32 v14, v11;
	v8, v10, _ =	vpop (xrf1)  }
0x4a3: {  	(xrf1) =	vsort.dscd.msk.f32 $0xffff, v16, v12;
	v14 =	vand.u32 $0xC00, v18;
	v19 =	vperm.xlane v8, v4;
	v18 =	vperm.xlane v10, v4;
	v8, v12, _ =	vpop (xrf1)  }
0x4a4: {  	v10 =	vor.u32 v14, v15;
	(xrf1) =	vsort.dscd.msk.f32 $0xffff, v11, v9;
	v20 =	vperm.xlane v8, v4;
	v8, v9, _ =	vpop (xrf1)  }
0x4a5: {  	v21 =	vperm.xlane v12, v4;
	v14 =	vperm.xlane v9, v5;
	v12, v15, _ =	vpop (xrf1)  }
0x4a6: {  	v11 =	vor.u32 v7, v10;
	v16 =	vperm.xlane v8, v5;
	v22 =	vperm.xlane v15, v5  }
0x4a7: {  	[tilespmem:v17+s28+$0x0] =	vst.idx.msk $0xff, v13;
	v13 =	vnsel vm2, $0x0, v8;
	v10, v23, _ =	vpop (xrf1);
	v24 =	vperm.xlane v12, v5;
	vm3 =	vlt.s32 v9, v14  }
0x4a8: {  	v17 =	vperm.xlane v23, v5;
	v26 =	vperm.xlane v10, v5;
	vm12 =	vlt.s32 v15, v22  }
0x4a9: {  	v25 =	vsel vm3, v9, v14;
	v14 =	vsel vm3, v14, v9;
	v27 =	vsel vm12, v15, v22  }
0x4aa: {  	s4 =	simm.s32 $0xC5B0;
	vm13 =	veq.f32 v12, v24;
	vm3 =	vlt.s32 v23, v17;
	v22 =	vsel vm12, v22, v15  }
0x4ab: {  	v14 =	vsel vm0, v25, v14;
	v25 =	vld [tilespmem:s4+$0xFFFFFFE0];
	v28 =	vsel vm3, v23, v17;
	v17 =	vsel vm3, v17, v23  }
0x4ac: {  	v22 =	vsel vm0, v27, v22;
	vm3 =	veq.f32 v8, v16;
	v17 =	vsel vm0, v28, v17;
	v28 =	vld [tilespmem:s4+$0x0];
	v27, v29, _ =	vpop (xrf1)  }
0x4ad: {  	v30 =	vld [tilespmem:s4+$0xFFFFFFD0];
	(xrf2) =	vadd.scan.msk.f32 $0xffff, v13;
	vm14 =	veq.f32 v10, v26;
	v13 =	vsel vm3, v14, v9;
	v9 =	vsel vm13, v22, v15;
	v24, v26, _ =	vpop (xrf1)  }
0x4ae: {  	v16 =	vnsel vm2, $0x0, v27;
	v22 =	vperm.xlane v24, v4;
	v24 =	vperm.xlane v26, v4;
	v26 =	vld [tilespmem:s4+$0xFFFFFFF0]  }
0x4af: {  	v37 =	vperm.xlane v10, v6;
	v15 =	vperm.xlane v8, v6;
	v14 =	vsel vm14, v17, v23;
	(xrf2) =	vadd.scan.msk.f32 $0xffff, v16  }
0x4b0: {  	v31 =	vperm.xlane v9, v6;
	v58 =	vperm.xlane v14, v6;
	(xrf1) =	vsort.dscd.msk.f32 $0xffff, v25, v1  }
0x4b1: {  	v57 =	vld [tilespmem:s4+$0xFFFFFE80];
	v23 =	vperm.xlane v13, v6;
	v46 =	vperm.xlane v27, v5;
	(xrf1) =	vsort.dscd.msk.f32 $0xffff, v28, v3  }
0x4b2: {  	v25 =	vld [tilespmem:s4+$0xFFFFFF00];
	vm4 =	vlt.s32 v9, v31;
	vm5 =	vlt.s32 v14, v58;
	v16, v17, _ =	vpop (xrf1);
	(xrf1) =	vsort.dscd.msk.f32 $0xffff, v30, v0  }
0x4b3: {  	v28 =	vld [tilespmem:s4+$0xFFFFFF80];
	vm3 =	vge.f32 v16, v19;
	v16 =	vmax.f32 v16, v19;
	v19, v59, _ =	vpop (xrf1);
	(xrf1) =	vsort.dscd.msk.f32 $0xffff, v26, v2  }
0x4b4: {  	v43 =	vsel vm4, v9, v31;
	v30 =	vld [tilespmem:s4+$0xFFFFFE60];
	v17 =	vsel vm3, v17, v18;
	vm3 =	vge.f32 v19, v20;
	v60, v61, _ =	vpop (xrf1)  }
0x4b5: {  	v31 =	vsel vm4, v31, v9;
	v18 =	vsel vm3, v59, v21;
	vm3 =	vge.f32 v60, v22;
	v26 =	vld [tilespmem:s4+$0xFFFFFE70]  }
0x4b6: {  	v20 =	vmax.f32 v19, v20;
	v19 =	vsel vm3, v61, v24;
	(xrf1) =	vsort.dscd.msk.f32 $0xffff, v57, v3;
	v24 =	vld [tilespmem:s4+$0xFFFFFEE0]  }
0x4b7: {  	v44 =	vsel vm5, v14, v58;
	v21 =	vmax.f32 v60, v22;
	(xrf1) =	vsort.dscd.msk.f32 $0xffff, v25, v3  }
0x4b8: {  	v62 =	vld [tilespmem:s4+$0xFFFFFEF0];
	v32, _, _ =	vpop (xrf2);
	v22 =	vperm.xlane v12, v6;
	vm3 =	vlt.s32 v13, v23;
	(xrf1) =	vsort.dscd.msk.f32 $0xffff, v28, v3  }
0x4b9: {  	v63 =	vld [tilespmem:s4+$0xFFFFFF60];
	v31 =	vsel vm1, v31, v43;
	v25 =	vnsel vm2, $0x0, v12;
	v42 =	vsel vm3, v13, v23;
	(xrf1) =	vsort.dscd.msk.f32 $0xffff, v30, v1;
	v28, _, _ =	vpop (xrf2)  }
0x4ba: {  	s5 =	simm.s32 $0x187;
	v23 =	vsel vm3, v23, v13;
	vm10 =	veq.f32 v12, v22;
	(xrf1) =	vsort.dscd.msk.f32 $0xffff, v26, v2;
	v28 =	vbroadcast v28, $0xF  }
0x4bb: {  	v23 =	vsel vm1, v23, v42;
	v26 =	vsel vm5, v58, v14;
	(xrf1) =	vsort.dscd.msk.f32 $0xffff, v24, v1;
	v24 =	vmov s5  }
0x4bc: {  	v45 =	vshll.u32 v24, $0x3;
	(erf) = vrcp.f32 v28;
	v28 =	vperm.xlane v29, v5  }
0x4bd: {  	v26 =	vsel vm1, v26, v44;
	(xrf1) =	vsort.dscd.msk.f32 $0xffff, v62, v2;
	v24 =	vand.u32 $0x7F, v24;
	v33 =	vand.u32 $0xC00, v45  }
0x4be: {  	v30 =	vnsel vm2, $0x0, v10;
	(xrf1) =	vsort.dscd.msk.f32 $0xffff, v63, v1;
	v24 =	vor.u32 v33, v24;
	v48, v47, _ =	vpop (xrf1);
	vm3 =	vlt.s32 v29, v28  }
0x4bf: {  	v33 =	vperm.xlane v48, v4;
	v49 =	vsel vm3, v29, v28;
	v28 =	vsel vm3, v28, v29;
	v50, v51, _ =	vpop (xrf1)  }
0x4c0: {  	vm3 =	veq.f32 v27, v46;
	v28 =	vsel vm0, v49, v28;
	v52 =	vperm.xlane v50, v4;
	v53, v54, _ =	vpop (xrf1)  }
0x4c1: {  	v34 =	vperm.xlane v47, v4;
	v28 =	vsel vm3, v28, v29;
	v29 =	vperm.xlane v51, v4;
	v56, v55, _ =	vpop (xrf1)  }
0x4c2: {  	(xrf2) =	vadd.scan.msk.f32 $0xffff, v25;
	v24 =	vor.u32 v7, v24;
	v48 =	vperm.xlane v27, v6;
	vm15 =	vge.f32 v56, v52  }
0x4c3: {  	v58 =	vld [tilespmem:s4+$0xFFFFFF70];
	(xrf2) =	vadd.scan.msk.f32 $0xffff, v30;
	v57 =	vperm.xlane v28, v6;
	v60 =	vmax.f32 v56, v52;
	v29 =	vsel vm15, v55, v29  }
0x4c4: {  	v25 =	vld [tilespmem:s4+$0xFFFFFE50];
	v30 =	vbroadcast v32, $0xF;
	v59 =	vmax.f32 v53, v33;
	vm3 =	vge.f32 v53, v33;
	v62, v61, _ =	vpop (xrf1);
	(xrf1) =	vsort.dscd.msk.f32 $0xffff, v60, v29  }
0x4c5: {  	v63 =	vld [tilespmem:s4+$0xFFFFFED0];
	v34 =	vsel vm3, v54, v34;
	vm3 =	veq.f32 v27, v48;
	vm8 =	vlt.s32 v28, v57;
	v52, v51, _ =	vpop (xrf1)  }
0x4c6: {  	v36 =	vperm.xlane v61, v4;
	v49 =	vpop (erf);
	v50 =	vsel vm8, v28, v57;
	v29 =	vld [tilespmem:s4+$0xFFFFFF50];
	(xrf1) =	vsort.dscd.msk.f32 $0xffff, v59, v34  }
0x4c7: {  	v41 =	vsel vm8, v57, v28;
	v54, v53, _ =	vpop (xrf1);
	v33 =	vperm.xlane v52, v4;
	v60 =	vperm.xlane v51, v4  }
0x4c8: {  	(erf) = vrcp.f32 v30;
	v40 =	vmul.f32 v49, v27;
	v27 =	vsel vm1, v41, v50;
	v30, v55, _ =	vpop (xrf1);
	(xrf1) =	vsort.dscd.msk.f32 $0xffff, v58, v2  }
0x4c9: {  	s4 =	simm.s32 $0x181;
	v27 =	vsel vm3, v27, v28;
	v28 =	vperm.xlane v62, v4;
	v57, v56, _ =	vpop (xrf1);
	(xrf1) =	vsort.dscd.msk.f32 $0xffff, v25, v0  }
0x4ca: {  	s30 =	simm.s32 $0x184;
	v38 =	vperm.xlane v54, v4;
	v46 =	vperm.xlane v53, v4;
	v49 =	vmov s4;
	v25, v59, _ =	vpop (xrf1);
	(xrf1) =	vsort.dscd.msk.f32 $0xffff, v63, v0  }
0x4cb: {  	v58 =	vmov s30;
	v30 =	vperm.xlane v30, v4;
	v63, v62, _ =	vpop (xrf1);
	vm3 =	vge.f32 v57, v28;
	(xrf1) =	vsort.dscd.msk.f32 $0xffff, v29, v0  }
0x4cc: {  	v28 =	vmax.f32 v57, v28;
	vm9 =	vge.f32 v63, v33;
	v36 =	vsel vm3, v56, v36  }
0x4cd: {  	v61 =	vand.u32 $0x7C, v58;
	v29, v48, _ =	vpop (xrf1);
	v32 =	vmax.f32 v63, v33;
	v51 =	vsel vm9, v62, v60;
	(xrf1) =	vsort.dscd.msk.f32 $0xffff, v28, v36  }
0x4ce: {  	v41 =	vshll.u32 v58, $0x3;
	v50, _, _ =	vpop (xrf2);
	v25 =	vperm.xlane v25, v4;
	v52 =	vperm.xlane v59, v4;
	(xrf1) =	vsort.dscd.msk.f32 $0xffff, v32, v51  }
0x4cf: {  	vm3 =	veq.f32 v8, v15;
	v15 =	vbroadcast v50, $0xF;
	v29 =	vperm.xlane v29, v4;
	(xrf1) =	vsort.dscd.msk.f32 $0xffff, v16, v17  }
0x4d0: {  	v53 =	vand.u32 $0xC00, v41;
	v13 =	vsel vm3, v23, v13;
	vm3 =	veq.f32 v10, v37;
	(xrf1) =	vsort.dscd.msk.f32 $0xffff, v20, v18  }
0x4d1: {  	[tilespmem:v24+s26+$0x0] =	vst.idx.msk $0xff, v40;
	v56 =	vpop (erf);
	(erf) = vrcp.f32 v15;
	v15 =	vsel vm10, v31, v9;
	v18 =	vshll.u32 v49, $0x3  }
0x4d2: {  	v16 =	vmul.f32 v56, v8;
	(xrf1) =	vsort.dscd.msk.f32 $0xffff, v21, v19;
	v8 =	vsel vm3, v26, v14;
	v19 =	vand.u32 $0x7D, v49;
	v9, v14, _ =	vpop (xrf1)  }
0x4d3: {  	[tilespmem:v24+s28+$0x0] =	vst.idx.msk $0xff, v27;
	v20 =	vperm.xlane v9, v4;
	v9 =	vand.u32 $0xC00, v18;
	v18 =	vor.u32 v53, v61  }
0x4d4: {  	v28 =	vperm.xlane v55, v4;
	v14 =	vperm.xlane v14, v4;
	v21, v22, _ =	vpop (xrf1);
	v19 =	vor.u32 v9, v19  }
0x4d5: {  	v54, _, _ =	vpop (xrf2);
	vm3 =	vge.f32 v21, v20;
	v31 =	vor.u32 v7, v19;
	v19 =	vmax.f32 v21, v20  }
0x4d6: {  	v17 =	vbroadcast v54, $0xF;
	[tilespmem:v11+s26+$0x0] =	vst.idx.msk $0xff, v16;
	v9 =	vor.u32 v7, v18;
	v18, v23, _ =	vpop (xrf1);
	v14 =	vsel vm3, v22, v14  }
0x4d7: {  	v55 =	vperm.xlane v48, v4;
	[tilespmem:v11+s28+$0x0] =	vst.idx.msk $0xff, v13;
	vm11 =	vge.f32 v18, v38;
	v20, v21, _ =	vpop (xrf1)  }
0x4d8: {  	(erf) = vrcp.f32 v17;
	v17 =	vmax.f32 v18, v38;
	(xrf1) =	vsort.dscd.msk.f32 $0xffff, v19, v14;
	v18 =	vsel vm11, v23, v46;
	v22, v23, _ =	vpop (xrf1)  }
0x4d9: {  	s5 =	simm.s32 $0x182;
	vm3 =	vge.f32 v20, v30;
	v20 =	vmax.f32 v20, v30;
	vm12 =	vge.f32 v22, v25;
	v14, v19, _ =	vpop (xrf1)  }
0x4da: {  	(xrf1) =	vsort.dscd.msk.f32 $0xffff, v17, v18;
	v17 =	vmov s5;
	v18 =	vsel vm3, v21, v28;
	v21 =	vsel vm12, v23, v52;
	v23 =	vpop (erf)  }
0x4db: {  	v22 =	vmax.f32 v22, v25;
	vm3 =	vge.f32 v14, v29;
	v14 =	vmax.f32 v14, v29;
	v16, v25, _ =	vpop (xrf1)  }
0x4dc: {  	v57 =	vand.u32 $0x7E, v17;
	(xrf1) =	vsort.dscd.msk.f32 $0xffff, v20, v18;
	v19 =	vsel vm3, v19, v55;
	v23 =	vmul.f32 v23, v12;
	v11, v12, _ =	vpop (xrf1)  }
0x4dd: {  	v13 =	vshll.u32 v17, $0x3;
	v24 =	vperm.xlane v16, v4;
	(xrf1) =	vsort.dscd.msk.f32 $0xffff, v22, v21;
	v27 =	vperm.xlane v12, v4;
	v12, v16, _ =	vpop (xrf1)  }
0x4de: {  	v26 =	vperm.xlane v25, v4;
	v17 =	vand.u32 $0xC00, v13;
	v25 =	vperm.xlane v11, v4;
	(xrf1) =	vsort.dscd.msk.f32 $0xffff, v14, v19;
	v11, v58, _ =	vpop (xrf1)  }
0x4df: {  	v17 =	vor.u32 v17, v57;
	v20 =	vperm.xlane v16, v5;
	v21 =	vperm.xlane v58, v5  }
0x4e0: {  	v22 =	vperm.xlane v12, v5;
	v29 =	vnsel vm2, $0x0, v12;
	v14 =	vperm.xlane v11, v5  }
0x4e1: {  	[tilespmem:v31+s26+$0x0] =	vst.idx.msk $0xff, v23;
	v19 =	vnsel vm2, $0x0, v11;
	v13, v59, _ =	vpop (xrf1);
	vm3 =	vlt.s32 v16, v20;
	vm13 =	vlt.s32 v58, v21  }
0x4e2: {  	v23 =	vperm.xlane v59, v5;
	v60 =	vsel vm13, v58, v21;
	v21 =	vsel vm13, v21, v58  }
0x4e3: {  	(xrf2) =	vadd.scan.msk.f32 $0xffff, v29;
	v30 =	vperm.xlane v13, v5;
	v28 =	vsel vm3, v16, v20;
	v20 =	vsel vm3, v20, v16  }
0x4e4: {  	v18 =	vnsel vm2, $0x0, v13;
	vm14 =	veq.f32 v11, v14;
	vm3 =	vlt.s32 v59, v23  }
0x4e5: {  	s31 =	simm.s32 $0xC7B0;
	v62 =	vsel vm0, v28, v20;
	vm15 =	veq.f32 v13, v30;
	v61 =	vsel vm3, v59, v23  }
0x4e6: {  	v28 =	vld [tilespmem:s31+$0xFFFFFFE0];
	v23 =	vsel vm3, v23, v59;
	v34 =	vsel vm0, v60, v21;
	vm3 =	veq.f32 v12, v22;
	v20, v21, _ =	vpop (xrf1)  }
0x4e7: {  	[tilespmem:v31+s28+$0x0] =	vst.idx.msk $0xff, v15;
	v30 =	vld [tilespmem:s31+$0x0];
	v16 =	vsel vm3, v62, v16;
	v14 =	vsel vm14, v34, v58;
	v63 =	vnsel vm2, $0x0, v20  }
0x4e8: {  	v23 =	vsel vm0, v61, v23;
	v34 =	vld [tilespmem:s31+$0xFFFFFFD0];
	v33 =	vperm.xlane v16, v6;
	v32 =	vperm.xlane v14, v6;
	v15, v22, _ =	vpop (xrf1);
	(xrf2) =	vadd.scan.msk.f32 $0xffff, v63  }
0x4e9: {  	s1 =	simm.s32 $0x188;
	s29 =	simm.s32 $0x18C;
	v35 =	vld [tilespmem:s31+$0xFFFFFFF0];
	s3 =	simm.s32 $0x190;
	v29 =	vperm.xlane v15, v4;
	v31 =	vperm.xlane v22, v4;
	v15 =	vsel vm15, v23, v59;
	v22 =	vpop (erf)  }
.LBB2_8:
0x4ea: {  	p0 =	slt.u32 s3, $0x1FC;
	v36 =	vld [tilespmem:s31+$0xFFFFFE80];
	v41, v38, _ =	vpop (xrf1);
	v23 =	vperm.xlane v12, v6;
	v39 =	vperm.xlane v15, v6;
	v17 =	vor.u32 v7, v17  }
0x4eb: {  	v40 =	vld [tilespmem:s31+$0xFFFFFF00];
	(xrf1) =	vsort.dscd.msk.f32 $0xffff, v28, v1;
	vm3 =	vge.f32 v41, v24;
	v24 =	vmax.f32 v41, v24;
	v28, v37, _ =	vpop (xrf1)  }
0x4ec: {  	v41 =	vld [tilespmem:s31+$0xFFFFFF80];
	(xrf1) =	vsort.dscd.msk.f32 $0xffff, v30, v3;
	v26 =	vsel vm3, v38, v26;
	vm3 =	vge.f32 v28, v25;
	v30, v38, _ =	vpop (xrf1)  }
0x4ed: {  	v42 =	vld [tilespmem:s31+$0xFFFFFE60];
	(xrf1) =	vsort.dscd.msk.f32 $0xffff, v34, v0;
	v27 =	vsel vm3, v37, v27;
	vm3 =	vge.f32 v30, v29;
	v34, _, _ =	vpop (xrf2)  }
0x4ee: {  	v28 =	vmax.f32 v28, v25;
	v37 =	vld [tilespmem:s31+$0xFFFFFE70];
	(xrf1) =	vsort.dscd.msk.f32 $0xffff, v35, v2;
	v25 =	vsel vm3, v38, v31;
	v34 =	vbroadcast v34, $0xF  }
0x4ef: {  	v29 =	vmax.f32 v30, v29;
	vm3 =	vlt.s32 v16, v33;
	v35 =	vld [tilespmem:s31+$0xFFFFFEE0];
	(xrf1) =	vsort.dscd.msk.f32 $0xffff, v36, v3  }
0x4f0: {  	vm4 =	vlt.s32 v14, v32;
	vm5 =	vlt.s32 v15, v39;
	v30 =	vperm.xlane v11, v6;
	v36 =	vld [tilespmem:s31+$0xFFFFFEF0]  }
0x4f1: {  	v31 =	vperm.xlane v13, v6;
	v38 =	vld [tilespmem:s31+$0xFFFFFF60];
	(xrf1) =	vsort.dscd.msk.f32 $0xffff, v40, v3;
	v40 =	vsel vm3, v16, v33  }
0x4f2: {  	v44 =	vsel vm4, v14, v32;
	v33 =	vsel vm3, v33, v16;
	v43 =	vld [tilespmem:s31+$0xFFFFFF70];
	(xrf1) =	vsort.dscd.msk.f32 $0xffff, v41, v3;
	v41, _, _ =	vpop (xrf2)  }
0x4f3: {  	v32 =	vsel vm4, v32, v14;
	v45 =	vld [tilespmem:s31+$0xFFFFFED0];
	(xrf1) =	vsort.dscd.msk.f32 $0xffff, v42, v1;
	v41 =	vbroadcast v41, $0xF;
	v42 =	vsel vm5, v15, v39  }
0x4f4: {  	s4 =	sadd.s32 $0x3, s1;
	v22 =	vmul.f32 v22, v10;
	v10 =	vmovc v13;
	v46 =	vld [tilespmem:s31+$0xFFFFFF50];
	(xrf1) =	vsort.dscd.msk.f32 $0xffff, v37, v2;
	v37 =	vsel vm5, v39, v15  }
0x4f5: {  	v33 =	vsel vm1, v33, v40;
	v13 =	vld [tilespmem:s31+$0xFFFFFE50];
	(xrf1) =	vsort.dscd.msk.f32 $0xffff, v35, v1;
	v35 =	vmov s4;
	(erf) = vrcp.f32 v41  }
0x4f6: {  	v32 =	vsel vm1, v32, v44;
	(xrf1) =	vsort.dscd.msk.f32 $0xffff, v36, v2;
	v36 =	vperm.xlane v21, v5;
	v39 =	vshll.u32 v35, $0x3  }
0x4f7: {  	v37 =	vsel vm1, v37, v42;
	v35 =	vand.u32 $0x7F, v35;
	(xrf1) =	vsort.dscd.msk.f32 $0xffff, v38, v1;
	v41 =	vand.u32 $0xC00, v39  }
0x4f8: {  	v39 =	vperm.xlane v20, v5;
	vm3 =	vlt.s32 v21, v36;
	v35 =	vor.u32 v41, v35  }
0x4f9: {  	v38, v40, _ =	vpop (xrf1);
	v41 =	vsel vm3, v21, v36;
	v36 =	vsel vm3, v36, v21;
	v35 =	vor.u32 v7, v35  }
0x4fa: {  	v47, v44, _ =	vpop (xrf1)  }
0x4fb: {  	vm3 =	veq.f32 v20, v39;
	v39 =	vperm.xlane v40, v4;
	v40 =	vperm.xlane v47, v4  }
0x4fc: {  	v38 =	vperm.xlane v38, v4  }
0x4fd: {  	v36 =	vsel vm0, v41, v36  }
0x4fe: {  	v21 =	vsel vm3, v36, v21;
	v44 =	vperm.xlane v44, v4;
	v41, v42, _ =	vpop (xrf1)  }
0x4ff: {  	v49 =	vperm.xlane v21, v6;
	v36 =	vmax.f32 v41, v38;
	v47, v48, _ =	vpop (xrf1);
	(xrf2) =	vadd.scan.msk.f32 $0xffff, v19;
	vm3 =	vge.f32 v41, v38  }
0x500: {  	vm4 =	vge.f32 v47, v40;
	v19 =	vmax.f32 v47, v40;
	v42 =	vsel vm3, v42, v39;
	v38, v40, _ =	vpop (xrf1)  }
0x501: {  	v53 =	vsel vm4, v48, v44;
	v44 =	vperm.xlane v20, v6;
	vm4 =	vlt.s32 v21, v49;
	v47 =	vpop (erf)  }
0x502: {  	v51 =	vsel vm4, v21, v49;
	v49 =	vsel vm4, v49, v21;
	v48, v50, _ =	vpop (xrf1);
	v47 =	vmul.f32 v47, v20;
	(xrf2) =	vadd.scan.msk.f32 $0xffff, v18  }
0x503: {  	vm4 =	veq.f32 v20, v44;
	v18, v52, _ =	vpop (xrf1);
	(xrf1) =	vsort.dscd.msk.f32 $0xffff, v19, v53;
	v19 =	vsel vm1, v49, v51  }
0x504: {  	v40 =	vperm.xlane v40, v4;
	v39, v41, _ =	vpop (xrf1);
	v19 =	vsel vm4, v19, v21;
	[tilespmem:v35+s26+$0x0] =	vst.idx.msk $0xff, v47;
	(erf) = vrcp.f32 v34  }
0x505: {  	v21 =	vperm.xlane v38, v4;
	v34, v38, _ =	vpop (xrf1);
	(xrf1) =	vsort.dscd.msk.f32 $0xffff, v36, v42;
	[tilespmem:v35+s28+$0x0] =	vst.idx.msk $0xff, v19  }
0x506: {  	v18 =	vperm.xlane v18, v4;
	v19 =	vperm.xlane v48, v4;
	v36 =	vmov s1;
	v20, v35, _ =	vpop (xrf1);
	(xrf1) =	vsort.dscd.msk.f32 $0xffff, v43, v2  }
0x507: {  	v47 =	vperm.xlane v52, v4;
	v42 =	vperm.xlane v50, v4;
	v44 =	vand.u32 $0x7C, v36;
	(xrf1) =	vsort.dscd.msk.f32 $0xffff, v13, v0;
	v13, v43, _ =	vpop (xrf1)  }
0x508: {  	s4 =	sadd.s32 $0x1, s30;
	v39 =	vperm.xlane v39, v4;
	vm3 =	vge.f32 v34, v21;
	v36 =	vshll.u32 v36, $0x3;
	(xrf1) =	vsort.dscd.msk.f32 $0xffff, v45, v0;
	v45, v48, _ =	vpop (xrf1)  }
0x509: {  	v21 =	vmax.f32 v34, v21;
	vm4 =	vge.f32 v13, v19;
	(xrf1) =	vsort.dscd.msk.f32 $0xffff, v46, v0;
	v46 =	vmov s4;
	v49, _, _ =	vpop (xrf2)  }
0x50a: {  	v38 =	vsel vm3, v38, v40;
	v20 =	vperm.xlane v20, v4;
	v40 =	vperm.xlane v45, v4  }
0x50b: {  	v34 =	vperm.xlane v41, v4;
	v13 =	vmax.f32 v13, v19;
	v42 =	vsel vm4, v43, v42  }
0x50c: {  	v35 =	vperm.xlane v35, v4;
	vm3 =	veq.f32 v12, v23;
	(xrf1) =	vsort.dscd.msk.f32 $0xffff, v21, v38;
	v21 =	vand.u32 $0xC00, v36;
	v36, _, _ =	vpop (xrf2)  }
0x50d: {  	v16 =	vsel vm3, v33, v16;
	v38 =	vperm.xlane v48, v4;
	(xrf1) =	vsort.dscd.msk.f32 $0xffff, v13, v42;
	v13 =	vbroadcast v49, $0xF;
	v19 =	vpop (erf)  }
0x50e: {  	vm4 =	veq.f32 v11, v30;
	v23 =	vbroadcast v36, $0xF;
	(xrf1) =	vsort.dscd.msk.f32 $0xffff, v24, v26;
	v12 =	vmul.f32 v19, v12  }
0x50f: {  	vm3 =	veq.f32 v10, v31;
	v14 =	vsel vm4, v32, v14;
	(xrf1) =	vsort.dscd.msk.f32 $0xffff, v28, v27;
	(erf) = vrcp.f32 v13  }
0x510: {  	v13 =	vsel vm3, v37, v15;
	(xrf1) =	vsort.dscd.msk.f32 $0xffff, v29, v25;
	(erf) = vrcp.f32 v23;
	v23 =	vshll.u32 v46, $0x3  }
0x511: {  	v21 =	vor.u32 v21, v44;
	v15, v19, _ =	vpop (xrf1)  }
0x512: {  	[tilespmem:v9+s26+$0x0] =	vst.idx.msk $0xff, v12;
	v12 =	vand.u32 $0x7D, v46;
	v25 =	vperm.xlane v15, v4  }
0x513: {  	v24 =	vand.u32 $0xC00, v23;
	[tilespmem:v9+s28+$0x0] =	vst.idx.msk $0xff, v16;
	v9 =	vor.u32 v7, v21;
	v19 =	vperm.xlane v19, v4  }
0x514: {  	v12 =	vor.u32 v24, v12;
	[tilespmem:v17+s26+$0x0] =	vst.idx.msk $0xff, v22;
	v21, v23, _ =	vpop (xrf1)  }
0x515: {  	v28 =	vor.u32 v7, v12;
	vm3 =	vge.f32 v21, v25;
	v16, v22, _ =	vpop (xrf1);
	[tilespmem:v17+s28+$0x0] =	vst.idx.msk $0xff, v8;
	v8 =	vmov v13  }
0x516: {  	v24 =	vmax.f32 v21, v25;
	vm4 =	vge.f32 v16, v18;
	v23 =	vsel vm3, v23, v19;
	v15, v17, _ =	vpop (xrf1)  }
0x517: {  	s4 =	sadd.s32 $0x2, s30;
	s30 =	smov.u32 s1;
	s1 =	smov.u32 s29;
	v16 =	vmax.f32 v16, v18;
	v18 =	vsel vm4, v22, v47;
	v19, v21, _ =	vpop (xrf1);
	(xrf1) =	vsort.dscd.msk.f32 $0xffff, v24, v23  }
0x518: {  	s29 =	smov.u32 s3;
	vm3 =	vge.f32 v15, v39;
	vm4 =	vge.f32 v19, v20;
	v12, v13, _ =	vpop (xrf1);
	(xrf1) =	vsort.dscd.msk.f32 $0xffff, v16, v18;
	v16 =	vmov s4  }
0x519: {  	v23 =	vsel vm3, v17, v34;
	v18 =	vsel vm4, v21, v35;
	vm3 =	vge.f32 v12, v40;
	v21 =	vpop (erf)  }
0x51a: {  	v27 =	vmax.f32 v15, v39;
	v19 =	vmax.f32 v19, v20;
	v13 =	vsel vm3, v13, v38;
	v22 =	vpop (erf)  }
0x51b: {  	v29 =	vmax.f32 v12, v40;
	v20 =	vmul.f32 v21, v11;
	(xrf1) =	vsort.dscd.msk.f32 $0xffff, v27, v23;
	v25, v17, _ =	vpop (xrf1);
	v23 =	vand.u32 $0x7E, v16  }
0x51c: {  	v16 =	vshll.u32 v16, $0x3;
	v24 =	vperm.xlane v25, v4;
	v26 =	vperm.xlane v17, v4;
	(xrf1) =	vsort.dscd.msk.f32 $0xffff, v19, v18;
	v11, v15, _ =	vpop (xrf1)  }
0x51d: {  	v17 =	vand.u32 $0xC00, v16;
	v25 =	vperm.xlane v11, v4;
	v27 =	vperm.xlane v15, v4;
	(xrf1) =	vsort.dscd.msk.f32 $0xffff, v29, v13;
	v12, v15, _ =	vpop (xrf1)  }
0x51e: {  	v21 =	vperm.xlane v15, v5;
	v11, v31, _ =	vpop (xrf1)  }
0x51f: {  	v16 =	vperm.xlane v12, v5;
	v29 =	vnsel vm2, $0x0, v12;
	[tilespmem:v28+s26+$0x0] =	vst.idx.msk $0xff, v20;
	v30 =	vperm.xlane v11, v5  }
0x520: {  	v20 =	vperm.xlane v31, v5;
	v19 =	vnsel vm2, $0x0, v11;
	v13, v32, _ =	vpop (xrf1);
	[tilespmem:v28+s28+$0x0] =	vst.idx.msk $0xff, v14;
	vm3 =	vlt.s32 v15, v21  }
0x521: {  	v14 =	vperm.xlane v32, v5;
	v18 =	vnsel vm2, $0x0, v13;
	v33 =	vperm.xlane v13, v5  }
0x522: {  	v28 =	vsel vm3, v15, v21;
	vm4 =	vlt.s32 v31, v20;
	v38 =	vsel vm3, v21, v15  }
0x523: {  	v34 =	vsel vm4, v31, v20;
	vm3 =	vlt.s32 v32, v14;
	(xrf2) =	vadd.scan.msk.f32 $0xffff, v29;
	v37 =	vsel vm4, v20, v31  }
0x524: {  	v29 =	vsel vm3, v32, v14;
	v14 =	vsel vm3, v14, v32  }
.Ltmp3:
0x525: {  	s31 =	sadd.s32 $0x200, s31;
	v35 =	vsel vm0, v28, v38;
	v34 =	vsel vm0, v34, v37;
	v36 =	vsel vm0, v29, v14;
	(pc) =	sbr.rel @p0 .LBB2_8-.Ltmp3, $4  }
0x526: {  	vm4 =	veq.f32 v11, v30;
	vm5 =	veq.f32 v13, v33;
	vm3 =	veq.f32 v12, v16;
	v28 =	vld [tilespmem:s31+$0xFFFFFFE0];
	v20, v21, _ =	vpop (xrf1)  }
0x527: {  	v16 =	vsel vm3, v35, v15;
	v14 =	vsel vm4, v34, v31;
	v30 =	vld [tilespmem:s31+$0x0];
	v33 =	vnsel vm2, $0x0, v20;
	v29, v37, _ =	vpop (xrf1)  }
0x528: {  	v15 =	vsel vm5, v36, v32;
	v34 =	vld [tilespmem:s31+$0xFFFFFFD0];
	v29 =	vperm.xlane v29, v4;
	v31 =	vperm.xlane v37, v4;
	(xrf2) =	vadd.scan.msk.f32 $0xffff, v33  }
0x529: {  	s3 =	sadd.s32 $0x4, s3;
	v17 =	vor.u32 v17, v23;
	v32 =	vperm.xlane v14, v6;
	v33 =	vperm.xlane v16, v6;
	v35 =	vld [tilespmem:s31+$0xFFFFFFF0]  }
0x52a: {  	v59 =	vperm.xlane v15, v6;
	v17 =	vor.u32 v7, v17  }
0x52b: {  	v57, v58, _ =	vpop (xrf1);
	v56 =	vperm.xlane v21, v5;
	v10 =	vmul.f32 v22, v10;
	(xrf1) =	vsort.dscd.msk.f32 $0xffff, v28, v1  }
0x52c: {  	v23 =	vld [tilespmem:s31+$0xFFFFFE80];
	v28 =	vperm.xlane v12, v6;
	vm3 =	vge.f32 v57, v24;
	(xrf1) =	vsort.dscd.msk.f32 $0xffff, v30, v3  }
0x52d: {  	v37, v38, _ =	vpop (xrf1);
	v24 =	vmax.f32 v57, v24;
	vm15 =	vlt.s32 v14, v32;
	(xrf1) =	vsort.dscd.msk.f32 $0xffff, v34, v0  }
0x52e: {  	v36 =	vld [tilespmem:s31+$0xFFFFFF00];
	v26 =	vsel vm3, v58, v26;
	vm3 =	vge.f32 v37, v25;
	(xrf1) =	vsort.dscd.msk.f32 $0xffff, v35, v2  }
0x52f: {  	v39 =	vld [tilespmem:s31+$0xFFFFFF80];
	v40, v41, _ =	vpop (xrf1);
	v30 =	vmax.f32 v37, v25;
	vm5 =	vlt.s32 v15, v59;
	v44 =	vsel vm15, v14, v32  }
0x530: {  	v60 =	vld [tilespmem:s31+$0xFFFFFE60];
	v52 =	vsel vm15, v32, v14;
	vm4 =	vge.f32 v40, v29;
	v27 =	vsel vm3, v38, v27  }
0x531: {  	v61 =	vld [tilespmem:s31+$0xFFFFFE70];
	v29 =	vmax.f32 v40, v29;
	vm3 =	vlt.s32 v16, v33;
	(xrf1) =	vsort.dscd.msk.f32 $0xffff, v23, v3  }
0x532: {  	v54 =	vsel vm5, v15, v59;
	v32 =	vsel vm1, v52, v44;
	v25 =	vsel vm4, v41, v31  }
0x533: {  	v62 =	vld [tilespmem:s31+$0xFFFFFEE0];
	v50, _, _ =	vpop (xrf2);
	v31 =	vperm.xlane v11, v6;
	v49 =	vsel vm3, v16, v33;
	(xrf1) =	vsort.dscd.msk.f32 $0xffff, v36, v3  }
0x534: {  	v63 =	vld [tilespmem:s31+$0xFFFFFEF0];
	v41 =	vperm.xlane v13, v6;
	v51 =	vsel vm3, v33, v16;
	(xrf1) =	vsort.dscd.msk.f32 $0xffff, v39, v3;
	v43, _, _ =	vpop (xrf2)  }
0x535: {  	v35 =	vsel vm5, v59, v15;
	vm3 =	vlt.s32 v21, v56;
	(xrf1) =	vsort.dscd.msk.f32 $0xffff, v60, v1;
	v53 =	vbroadcast v43, $0xF  }
0x536: {  	v33 =	vsel vm1, v51, v49;
	v45 =	vsel vm3, v21, v56;
	(xrf1) =	vsort.dscd.msk.f32 $0xffff, v61, v2  }
0x537: {  	v48 =	vld [tilespmem:s31+$0xFFFFFF60];
	s3 =	sadd.s32 $0x3, s1;
	v37 =	vsel vm3, v56, v21;
	v51 =	vperm.xlane v20, v6;
	(erf) = vrcp.f32 v53  }
0x538: {  	v34 =	vmov s3;
	v35 =	vsel vm1, v35, v54;
	v61 =	vperm.xlane v20, v5;
	(xrf1) =	vsort.dscd.msk.f32 $0xffff, v62, v1  }
0x539: {  	v37 =	vsel vm0, v45, v37;
	vm9 =	veq.f32 v11, v31;
	v39 =	vbroadcast v50, $0xF;
	(xrf1) =	vsort.dscd.msk.f32 $0xffff, v63, v2;
	v57, v58, _ =	vpop (xrf1)  }
0x53a: {  	v62 =	vshll.u32 v34, $0x3;
	v34 =	vand.u32 $0x7F, v34;
	vm3 =	veq.f32 v20, v61;
	v60, v59, _ =	vpop (xrf1)  }
0x53b: {  	(xrf2) =	vadd.scan.msk.f32 $0xffff, v19;
	v37 =	vsel vm3, v37, v21;
	v22 =	vperm.xlane v57, v4;
	v36 =	vperm.xlane v60, v4;
	v46, v47, _ =	vpop (xrf1)  }
0x53c: {  	v40 =	vand.u32 $0xC00, v62;
	(xrf1) =	vsort.dscd.msk.f32 $0xffff, v48, v1;
	v56 =	vperm.xlane v37, v6;
	v38 =	vperm.xlane v59, v4;
	v48, v49, _ =	vpop (xrf1)  }
0x53d: {  	v63 =	vld [tilespmem:s31+$0xFFFFFF70];
	v23 =	vperm.xlane v58, v4;
	v55 =	vmax.f32 v46, v22;
	vm8 =	vge.f32 v48, v36  }
0x53e: {  	vm3 =	vge.f32 v46, v22;
	v36 =	vmax.f32 v48, v36;
	v38 =	vsel vm8, v49, v38  }
0x53f: {  	v57 =	vor.u32 v40, v34;
	v23 =	vsel vm3, v47, v23;
	v58, v59, _ =	vpop (xrf1);
	(xrf1) =	vsort.dscd.msk.f32 $0xffff, v36, v38  }
0x540: {  	(erf) = vrcp.f32 v39;
	v19 =	vor.u32 v7, v57;
	vm3 =	vlt.s32 v37, v56;
	v52 =	vpop (erf);
	v38 =	vld [tilespmem:s31+$0xFFFFFE50];
	(xrf1) =	vsort.dscd.msk.f32 $0xffff, v55, v23  }
0x541: {  	s5 =	sadd.s32 $0x1, s30;
	v44 =	vld [tilespmem:s31+$0xFFFFFED0];
	v53 =	vsel vm3, v37, v56;
	v22 =	vsel vm3, v56, v37;
	vm3 =	veq.f32 v20, v51;
	v54, v55, _ =	vpop (xrf1)  }
0x542: {  	v42 =	vmov s5;
	v45 =	vld [tilespmem:s31+$0xFFFFFF50];
	v56 =	vperm.xlane v58, v4;
	v34 =	vperm.xlane v59, v4;
	v61, v60, _ =	vpop (xrf1);
	(xrf1) =	vsort.dscd.msk.f32 $0xffff, v63, v2  }
0x543: {  	s4 =	sadd.s32 $0x2, s30;
	v51 =	vmov s1;
	v21 =	vmul.f32 v52, v20;
	v62 =	vsel vm1, v22, v53;
	v63, v43, _ =	vpop (xrf1)  }
0x544: {  	s30 =	sadd.s32 $0x1, s1;
	(xrf2) =	vadd.scan.msk.f32 $0xffff, v18;
	v36 =	vmov s4;
	v22 =	vsel vm3, v62, v37;
	v46 =	vperm.xlane v54, v4;
	v58, v57, _ =	vpop (xrf1)  }
0x545: {  	v20 =	vmov s30;
	v47 =	vperm.xlane v55, v4;
	v54, _, _ =	vpop (xrf2);
	(xrf1) =	vsort.dscd.msk.f32 $0xffff, v38, v0;
	vm3 =	vge.f32 v58, v56  }
0x546: {  	s5 =	sadd.s32 $0x3, s29;
	v40 =	vperm.xlane v61, v4;
	v59, v50, _ =	vpop (xrf1);
	(xrf1) =	vsort.dscd.msk.f32 $0xffff, v44, v0;
	v34 =	vsel vm3, v57, v34;
	v57 =	vbroadcast v54, $0xF  }
0x547: {  	v23 =	vmov s5;
	v48 =	vperm.xlane v60, v4;
	v39 =	vperm.xlane v63, v4;
	v52, v53, _ =	vpop (xrf1);
	(xrf1) =	vsort.dscd.msk.f32 $0xffff, v45, v0  }
0x548: {  	v62 =	vmax.f32 v58, v56;
	vm3 =	vge.f32 v52, v46;
	(erf) = vrcp.f32 v57  }
0x549: {  	v55 =	vshll.u32 v51, $0x3;
	v63 =	vmax.f32 v52, v46;
	v47 =	vsel vm3, v53, v47;
	(xrf1) =	vsort.dscd.msk.f32 $0xffff, v62, v34  }
0x54a: {  	v18 =	vand.u32 $0xC00, v55;
	v43 =	vperm.xlane v43, v4;
	v44 =	vperm.xlane v59, v4;
	v60, v61, _ =	vpop (xrf1);
	(xrf1) =	vsort.dscd.msk.f32 $0xffff, v63, v47  }
0x54b: {  	v56 =	vperm.xlane v50, v4;
	v52 =	vand.u32 $0x7C, v51;
	v45 =	vperm.xlane v60, v4;
	(xrf1) =	vsort.dscd.msk.f32 $0xffff, v24, v26  }
0x54c: {  	v58 =	vpop (erf);
	v49 =	vperm.xlane v61, v4;
	vm3 =	veq.f32 v12, v28;
	v61 =	vshll.u32 v42, $0x3  }
0x54d: {  	v18 =	vor.u32 v18, v52;
	v62 =	vand.u32 $0x7D, v42;
	v57 =	vshll.u32 v36, $0x3;
	v37, v47, _ =	vpop (xrf1);
	(xrf1) =	vsort.dscd.msk.f32 $0xffff, v30, v27  }
0x54e: {  	v63 =	vand.u32 $0xC00, v61;
	v59 =	vperm.xlane v37, v4;
	v60 =	vperm.xlane v47, v4;
	v27, v30, _ =	vpop (xrf1);
	(xrf1) =	vsort.dscd.msk.f32 $0xffff, v29, v25  }
0x54f: {  	v25 =	vsel vm3, v33, v16;
	vm3 =	veq.f32 v13, v41;
	v16 =	vsel vm9, v32, v14;
	v41, _, _ =	vpop (xrf2)  }
0x550: {  	v32, v33, _ =	vpop (xrf1);
	v31 =	vbroadcast v41, $0xF;
	vm10 =	vge.f32 v27, v59;
	v26 =	vmax.f32 v27, v59  }
0x551: {  	v24 =	vmul.f32 v58, v12;
	v14 =	vor.u32 v7, v18;
	v50 =	vpop (erf);
	v12 =	vsel vm10, v30, v60  }
0x552: {  	v37 =	vmax.f32 v32, v40;
	(erf) = vrcp.f32 v31;
	v28 =	vmul.f32 v50, v11;
	(xrf1) =	vsort.dscd.msk.f32 $0xffff, v26, v12  }
0x553: {  	v12 =	vsel vm3, v35, v15;
	v35 =	vor.u32 v63, v62;
	vm3 =	vge.f32 v32, v40;
	v26, v27, _ =	vpop (xrf1)  }
0x554: {  	s3 =	sadd.s32 $0x1, s29;
	v18 =	vor.u32 v7, v35;
	v29 =	vsel vm3, v33, v48;
	v40, v38, _ =	vpop (xrf1);
	vm3 =	vge.f32 v26, v39  }
0x555: {  	v15 =	vmov s3;
	v48 =	vmax.f32 v26, v39;
	vm11 =	vge.f32 v40, v44;
	v46, v42, _ =	vpop (xrf1);
	(xrf1) =	vsort.dscd.msk.f32 $0xffff, v37, v29  }
0x556: {  	v27 =	vsel vm3, v27, v43;
	v51 =	vmax.f32 v40, v44;
	v47 =	vsel vm11, v38, v56  }
0x557: {  	s31 =	sadd.s32 $0x2, s1;
	v32 =	vand.u32 $0x7E, v36;
	vm3 =	vge.f32 v46, v45;
	(xrf1) =	vsort.dscd.msk.f32 $0xffff, v48, v27;
	v52 =	vmax.f32 v46, v45;
	v53, v54, _ =	vpop (xrf1)  }
0x558: {  	v26 =	vmov s31;
	v33 =	vsel vm3, v42, v49;
	(xrf1) =	vsort.dscd.msk.f32 $0xffff, v51, v47;
	v30 =	vperm.xlane v53, v4;
	v55, v56, _ =	vpop (xrf1)  }
0x559: {  	v27 =	vand.u32 $0xC00, v57;
	v31 =	vperm.xlane v54, v4;
	(xrf1) =	vsort.dscd.msk.f32 $0xffff, v52, v33;
	v33 =	vperm.xlane v55, v4;
	v35, v36, _ =	vpop (xrf1)  }
0x55a: {  	v27 =	vor.u32 v27, v32;
	v34 =	vperm.xlane v56, v4;
	v58 =	vperm.xlane v36, v5  }
0x55b: {  	v27 =	vor.u32 v7, v27;
	v37 =	vperm.xlane v35, v5;
	v59 =	vnsel vm2, $0x0, v35;
	v29, v39, _ =	vpop (xrf1)  }
0x55c: {  	v32 =	vperm.xlane v35, v6;
	vm3 =	vlt.s32 v36, v58;
	v60 =	vperm.xlane v29, v5  }
0x55d: {  	v61 =	vperm.xlane v39, v5;
	v11, v62, _ =	vpop (xrf1);
	v44 =	vnsel vm2, $0x0, v29;
	v54 =	vsel vm3, v36, v58  }
0x55e: {  	v38 =	vsel vm3, v58, v36;
	v43 =	vperm.xlane v29, v6;
	v63 =	vperm.xlane v62, v5  }
0x55f: {  	v46 =	vnsel vm2, $0x0, v11;
	v55 =	vperm.xlane v11, v5;
	vm12 =	vlt.s32 v39, v61  }
0x560: {  	(xrf2) =	vadd.scan.msk.f32 $0xffff, v59;
	v38 =	vsel vm0, v54, v38;
	vm13 =	veq.f32 v29, v60;
	v57 =	vsel vm12, v39, v61  }
0x561: {  	vm3 =	vlt.s32 v62, v63;
	v42 =	vsel vm12, v61, v39;
	vm14 =	veq.f32 v11, v55  }
0x562: {  	v48, v49, _ =	vpop (xrf1);
	v58 =	vsel vm3, v62, v63;
	v45 =	vsel vm3, v63, v62;
	v42 =	vsel vm0, v57, v42  }
0x563: {  	vm3 =	veq.f32 v35, v37;
	v56 =	vnsel vm2, $0x0, v48;
	v40 =	vsel vm0, v58, v45  }
0x564: {  	v36 =	vsel vm3, v38, v36;
	v38 =	vsel vm13, v42, v39;
	v51 =	vperm.xlane v48, v6  }
0x565: {  	v40 =	vsel vm14, v40, v62;
	v62 =	vperm.xlane v36, v6;
	v42 =	vperm.xlane v38, v6;
	v59, v60, _ =	vpop (xrf1)  }
0x566: {  	vm9 =	veq.f32 v29, v43;
	(xrf2) =	vadd.scan.msk.f32 $0xffff, v56;
	v47 =	vperm.xlane v40, v6;
	v37 =	vperm.xlane v59, v4;
	v55, v63, _ =	vpop (xrf1)  }
0x567: {  	v61 =	vperm.xlane v60, v4;
	vm8 =	vlt.s32 v38, v42;
	vm3 =	vge.f32 v55, v30  }
0x568: {  	(xrf2) =	vadd.scan.msk.f32 $0xffff, v44;
	v57, v56, _ =	vpop (xrf1);
	v30 =	vmax.f32 v55, v30;
	vm5 =	vlt.s32 v40, v47;
	v31 =	vsel vm3, v63, v31  }
0x569: {  	v59, v58, _ =	vpop (xrf1);
	vm3 =	vge.f32 v57, v33;
	v33 =	vmax.f32 v57, v33;
	v63 =	vperm.xlane v49, v5  }
0x56a: {  	v60, _, _ =	vpop (xrf2);
	v57 =	vsel vm5, v47, v40;
	vm15 =	vge.f32 v59, v37;
	v34 =	vsel vm3, v56, v34  }
0x56b: {  	v45 =	vbroadcast v60, $0xF;
	v37 =	vmax.f32 v59, v37;
	vm3 =	vlt.s32 v36, v62;
	(xrf1) =	vsort.dscd.msk.f32 $0xffff, v30, v31  }
0x56c: {  	v30 =	vperm.xlane v11, v6;
	v56 =	vsel vm5, v40, v47;
	v39 =	vsel vm15, v58, v61  }
0x56d: {  	v55 =	vmov s29;
	v59 =	vpop (erf);
	v50 =	vsel vm3, v36, v62;
	v62 =	vsel vm3, v62, v36;
	(xrf1) =	vsort.dscd.msk.f32 $0xffff, v33, v34  }
0x56e: {  	v58 =	vperm.xlane v48, v5;
	vm3 =	vlt.s32 v49, v63;
	v13 =	vmul.f32 v59, v13  }
0x56f: {  	v59 =	vand.u32 $0x7C, v55;
	v60 =	vsel vm3, v49, v63;
	v41 =	vsel vm3, v63, v49  }
0x570: {  	v31 =	vsel vm1, v62, v50;
	v62 =	vshll.u32 v23, $0x3;
	v23 =	vand.u32 $0x7F, v23;
	v61, _, _ =	vpop (xrf2);
	(xrf2) =	vadd.scan.msk.f32 $0xffff, v46  }
0x571: {  	(xrf1) =	vsort.dscd.msk.f32 $0xffff, v37, v39;
	v50 =	vsel vm1, v57, v56;
	v57 =	vshll.u32 v55, $0x3;
	v44 =	vbroadcast v61, $0xF  }
0x572: {  	vm3 =	veq.f32 v48, v58;
	v34 =	vand.u32 $0xC00, v62;
	v61 =	vsel vm0, v60, v41;
	v47, _, _ =	vpop (xrf2)  }
0x573: {  	v33 =	vsel vm3, v61, v49;
	v49 =	vbroadcast v47, $0xF;
	(erf) = vrcp.f32 v44  }
0x574: {  	[tilespmem:v17+s26+$0x0] =	vst.idx.msk $0xff, v10;
	v23 =	vor.u32 v34, v23;
	v63 =	vperm.xlane v33, v6;
	(erf) = vrcp.f32 v45  }
0x575: {  	[tilespmem:v17+s28+$0x0] =	vst.idx.msk $0xff, v8;
	v23 =	vor.u32 v7, v23;
	v60 =	vand.u32 $0xC00, v57;
	(erf) = vrcp.f32 v49  }
0x576: {  	[tilespmem:v19+s26+$0x0] =	vst.idx.msk $0xff, v21;
	v47 =	vshll.u32 v26, $0x3;
	v44 =	vsel vm8, v38, v42;
	vm3 =	vlt.s32 v33, v63  }
0x577: {  	v42 =	vsel vm8, v42, v38;
	v53 =	vsel vm3, v33, v63;
	v54 =	vsel vm3, v63, v33  }
0x578: {  	[tilespmem:v9+s26+$0x0] =	vst.idx.msk $0xff, v24;
	v24 =	vand.u32 $0xC00, v47;
	vm3 =	veq.f32 v48, v51;
	v56 =	vsel vm1, v54, v53  }
0x579: {  	[tilespmem:v19+s28+$0x0] =	vst.idx.msk $0xff, v22;
	v41 =	vsel vm1, v42, v44;
	v42 =	vshll.u32 v20, $0x3;
	v19 =	vsel vm3, v56, v33;
	v33, v34, _ =	vpop (xrf1)  }
0x57a: {  	[tilespmem:v9+s28+$0x0] =	vst.idx.msk $0xff, v25;
	v20 =	vand.u32 $0x7D, v20;
	v44 =	vor.u32 v60, v59;
	v58, _, _ =	vpop (xrf2);
	v63 =	vnsel vm2, $0x0, v33  }
0x57b: {  	v43 =	vand.u32 $0xC00, v42;
	v8 =	vor.u32 v7, v44;
	vm3 =	veq.f32 v35, v32;
	v21, v22, _ =	vpop (xrf1);
	(xrf2) =	vadd.scan.msk.f32 $0xffff, v63  }
0x57c: {  	v20 =	vor.u32 v43, v20;
	v31 =	vsel vm3, v31, v36;
	vm3 =	veq.f32 v11, v30;
	v52 =	vpop (erf)  }
0x57d: {  	v10 =	vor.u32 v7, v20;
	v30 =	vsel vm9, v41, v38;
	v9 =	vsel vm3, v50, v40;
	v61 =	vpop (erf)  }
0x57e: {  	v40 =	vperm.xlane v33, v6;
	v62 =	vbroadcast v58, $0xF;
	v46 =	vnsel vm2, $0x0, v21;
	v45 =	vpop (erf)  }
0x57f: {  	v50 =	vand.u32 $0x7E, v26;
	v53 =	vperm.xlane v22, v5;
	(xrf2) =	vadd.scan.msk.f32 $0xffff, v46;
	v17 =	vmul.f32 v45, v29;
	v29, v49, _ =	vpop (xrf1)  }
0x580: {  	v54 =	vperm.xlane v21, v5;
	v43 =	vperm.xlane v21, v6;
	v51 =	vnsel vm2, $0x0, v29  }
0x581: {  	v39 =	vor.u32 v24, v50;
	v37 =	vmul.f32 v52, v48;
	(erf) = vrcp.f32 v62;
	(xrf2) =	vadd.scan.msk.f32 $0xffff, v51  }
0x582: {  	vm15 =	veq.f32 v33, v40;
	v48 =	vperm.xlane v34, v5;
	v52 =	vperm.xlane v33, v5  }
0x583: {  	s4 =	sadd.s32 $0x2, s29;
	vm10 =	vlt.s32 v22, v53;
	vm11 =	veq.f32 v21, v54;
	v55 =	vperm.xlane v49, v5  }
0x584: {  	[tilespmem:v18+s26+$0x0] =	vst.idx.msk $0xff, v28;
	v54 =	vmov s4;
	v58 =	vsel vm10, v22, v53;
	vm3 =	vlt.s32 v34, v48  }
0x585: {  	v56 =	vsel vm3, v34, v48;
	v25 =	vsel vm3, v48, v34;
	vm3 =	vlt.s32 v49, v55;
	v59, _, _ =	vpop (xrf2)  }
0x586: {  	[tilespmem:v18+s28+$0x0] =	vst.idx.msk $0xff, v16;
	v36 =	vsel vm10, v53, v22;
	v38 =	vsel vm3, v55, v49;
	v63 =	vbroadcast v59, $0xF  }
0x587: {  	[tilespmem:v27+s26+$0x0] =	vst.idx.msk $0xff, v13;
	v32 =	vmul.f32 v61, v35;
	v53 =	vand.u32 $0x7D, v15;
	v61 =	vsel vm0, v58, v36  }
0x588: {  	[tilespmem:v23+s26+$0x0] =	vst.idx.msk $0xff, v37;
	v58 =	vand.u32 $0x7E, v54;
	v60 =	vsel vm3, v49, v55;
	(erf) = vrcp.f32 v63  }
0x589: {  	v57 =	vperm.xlane v29, v5;
	v16 =	vsel vm11, v61, v22;
	v62 =	vsel vm0, v60, v38;
	v38, _, _ =	vpop (xrf2)  }
0x58a: {  	[tilespmem:v23+s28+$0x0] =	vst.idx.msk $0xff, v19;
	v19 =	vor.u32 v7, v39;
	v48 =	vperm.xlane v29, v6;
	v41 =	vbroadcast v38, $0xF  }
0x58b: {  	[tilespmem:v27+s28+$0x0] =	vst.idx.msk $0xff, v12;
	v25 =	vsel vm0, v56, v25;
	v37 =	vperm.xlane v16, v6;
	v51 =	vshll.u32 v15, $0x3;
	v44, _, _ =	vpop (xrf2)  }
0x58c: {  	[tilespmem:v14+s26+$0x0] =	vst.idx.msk $0xff, v32;
	v56 =	vshll.u32 v54, $0x3;
	(erf) = vrcp.f32 v41;
	v45 =	vbroadcast v44, $0xF  }
0x58d: {  	[tilespmem:v14+s28+$0x0] =	vst.idx.msk $0xff, v31;
	vm12 =	veq.f32 v29, v57;
	v14 =	vand.u32 $0xC00, v51;
	vm3 =	veq.f32 v33, v52  }
0x58e: {  	[tilespmem:v10+s26+$0x0] =	vst.idx.msk $0xff, v17;
	vm14 =	vlt.s32 v16, v37;
	v25 =	vsel vm3, v25, v34;
	v47 =	vpop (erf);
	(erf) = vrcp.f32 v45  }
0x58f: {  	[tilespmem:v10+s28+$0x0] =	vst.idx.msk $0xff, v30;
	v12 =	vor.u32 v14, v53;
	v14 =	vand.u32 $0xC00, v56;
	v36 =	vperm.xlane v25, v6  }
0x590: {  	v26 =	vsel vm14, v37, v16;
	v57 =	vor.u32 v7, v12;
	v12 =	vor.u32 v14, v58  }
0x591: {  	v18 =	vsel vm12, v62, v49;
	v49 =	vsel vm14, v16, v37;
	vm13 =	vlt.s32 v25, v36;
	v52 =	vpop (erf)  }
0x592: {  	v46 =	vsel vm13, v25, v36;
	v22 =	vsel vm13, v36, v25;
	v55 =	vmul.f32 v52, v33  }
0x593: {  	v12 =	vor.u32 v7, v12;
	v42 =	vperm.xlane v18, v6;
	v50 =	vsel vm1, v22, v46  }
0x594: {  	v11 =	vmul.f32 v47, v11;
	v13 =	vsel vm15, v50, v25;
	[tilespmem:v8+s26+$0x0] =	vst.idx.msk $0xff, v55  }
0x595: {  	v61 =	vsel vm1, v26, v49;
	vm3 =	vlt.s32 v18, v42;
	[tilespmem:v8+s28+$0x0] =	vst.idx.msk $0xff, v13;
	v8 =	vpop (erf)  }
0x596: {  	v59 =	vsel vm3, v18, v42;
	[tilespmem:v19+s26+$0x0] =	vst.idx.msk $0xff, v11;
	v8 =	vmul.f32 v8, v21  }
0x597: {  	v60 =	vsel vm3, v42, v18;
	vm3 =	veq.f32 v21, v43;
	[tilespmem:v19+s28+$0x0] =	vst.idx.msk $0xff, v9;
	v62 =	vpop (erf)  }
0x598: {  	v11 =	vsel vm3, v61, v16;
	[tilespmem:v57+s26+$0x0] =	vst.idx.msk $0xff, v8;
	v8 =	vmul.f32 v62, v29  }
0x599: {  	v63 =	vsel vm1, v60, v59;
	vm3 =	veq.f32 v29, v48;
	[tilespmem:v57+s28+$0x0] =	vst.idx.msk $0xff, v11  }
0x59a: {  	v9 =	vsel vm3, v63, v18;
	[tilespmem:v12+s26+$0x0] =	vst.idx.msk $0xff, v8  }
0x59b: {  	[tilespmem:v12+s28+$0x0] =	vst.idx.msk $0xff, v9  }
0x59c: {  	[hbm4b:s7+s2] =	stream.linear.scatter [tilespmem:s26], [sflag:$0x2], $0x80, $0x38;
	[tilespmem:$0x12000] =	vst v63  }
0x59d: {  	s5 =	sadd.s32 $0x80, s7;
	s29 =	simm.s32 $0x10400  }
0x59e: {  	[hbm4b:s5+s2] =	stream.linear.scatter [tilespmem:s29], [sflag:$0x2], $0x80, $0x38;
	[tilespmem:$0x12000] =	vst v63  }
0x59f: {  	s30 =	sadd.s32 $0x100, s7;
	s31 =	simm.s32 $0x10800  }
0x5a0: {  	[hbm4b:s30+s2] =	stream.linear.scatter [tilespmem:s31], [sflag:$0x2], $0x80, $0x38;
	[tilespmem:$0x12000] =	vst v63  }
0x5a1: {  	s3 =	sadd.s32 $0x180, s7;
	s4 =	simm.s32 $0x10C00  }
0x5a2: {  	[hbm4b:s3+s2] =	stream.linear.scatter [tilespmem:s4], [sflag:$0x2], $0x80, $0x38;
	[tilespmem:$0x12000] =	vst v63  }
0x5a3: {  	_ =	swait.ge [sflag:s25], $0x200  }
0x5a4: {  	[sflag:s25] =	ssyncset.done $0x0  }
0x5a5: {  	[sflag:s25] =	ssyncadd.s32 $0xFFFFFE00  }
0x5a6: {  	[hbm4b:s8+s2] =	stream.linear.scatter [tilespmem:s28], [sflag:$0x2], $0x80, $0x38;
	[tilespmem:$0x12000] =	vst v63  }
0x5a7: {  	s5 =	sadd.s32 $0x80, s8;
	s29 =	simm.s32 $0x11400  }
0x5a8: {  	[hbm4b:s5+s2] =	stream.linear.scatter [tilespmem:s29], [sflag:$0x2], $0x80, $0x38;
	[tilespmem:$0x12000] =	vst v63  }
0x5a9: {  	s30 =	sadd.s32 $0x100, s8;
	s31 =	simm.s32 $0x11800  }
0x5aa: {  	[hbm4b:s30+s2] =	stream.linear.scatter [tilespmem:s31], [sflag:$0x2], $0x80, $0x38;
	[tilespmem:$0x12000] =	vst v63  }
0x5ab: {  	s4 =	sadd.s32 $0x180, s8;
	s5 =	simm.s32 $0x11C00  }
0x5ac: {  	[hbm4b:s4+s2] =	stream.linear.scatter [tilespmem:s5], [sflag:$0x2], $0x80, $0x38;
	[tilespmem:$0x12000] =	vst v63  }
0x5ad: {  	_ =	swait.ge [sflag:s25], $0x200  }
0x5ae: {  	[sflag:s25] =	ssyncset.done $0x0  }
0x5af: {  	s29 =	simm.s32 $0x10080;
	[sflag:s25] =	ssyncadd.s32 $0xFFFFFE00  }
0x5b0: {  	[hbm4b:s9+s2] =	stream.linear.scatter [tilespmem:s29], [sflag:$0x2], $0x80, $0x38;
	[tilespmem:$0x12000] =	vst v63  }
0x5b1: {  	s30 =	sadd.s32 $0x80, s9;
	s31 =	simm.s32 $0x10480  }
0x5b2: {  	[hbm4b:s30+s2] =	stream.linear.scatter [tilespmem:s31], [sflag:$0x2], $0x80, $0x38;
	[tilespmem:$0x12000] =	vst v63  }
0x5b3: {  	s4 =	sadd.s32 $0x100, s9;
	s5 =	simm.s32 $0x10880  }
0x5b4: {  	[hbm4b:s4+s2] =	stream.linear.scatter [tilespmem:s5], [sflag:$0x2], $0x80, $0x38;
	[tilespmem:$0x12000] =	vst v63  }
0x5b5: {  	s29 =	sadd.s32 $0x180, s9;
	s30 =	simm.s32 $0x10C80  }
0x5b6: {  	[hbm4b:s29+s2] =	stream.linear.scatter [tilespmem:s30], [sflag:$0x2], $0x80, $0x38;
	[tilespmem:$0x12000] =	vst v63  }
0x5b7: {  	_ =	swait.ge [sflag:s25], $0x200  }
0x5b8: {  	[sflag:s25] =	ssyncset.done $0x0  }
0x5b9: {  	s31 =	simm.s32 $0x11080;
	[sflag:s25] =	ssyncadd.s32 $0xFFFFFE00  }
0x5ba: {  	[hbm4b:s10+s2] =	stream.linear.scatter [tilespmem:s31], [sflag:$0x2], $0x80, $0x38;
	[tilespmem:$0x12000] =	vst v63  }
0x5bb: {  	s3 =	sadd.s32 $0x80, s10;
	s4 =	simm.s32 $0x11480  }
0x5bc: {  	[hbm4b:s3+s2] =	stream.linear.scatter [tilespmem:s4], [sflag:$0x2], $0x80, $0x38;
	[tilespmem:$0x12000] =	vst v63  }
0x5bd: {  	s5 =	sadd.s32 $0x100, s10;
	s29 =	simm.s32 $0x11880  }
0x5be: {  	[hbm4b:s5+s2] =	stream.linear.scatter [tilespmem:s29], [sflag:$0x2], $0x80, $0x38;
	[tilespmem:$0x12000] =	vst v63  }
0x5bf: {  	s30 =	sadd.s32 $0x180, s10;
	s31 =	simm.s32 $0x11C80  }
0x5c0: {  	[hbm4b:s30+s2] =	stream.linear.scatter [tilespmem:s31], [sflag:$0x2], $0x80, $0x38;
	[tilespmem:$0x12000] =	vst v63  }
0x5c1: {  	_ =	swait.ge [sflag:s25], $0x200  }
0x5c2: {  	[sflag:s25] =	ssyncset.done $0x0  }
0x5c3: {  	s4 =	simm.s32 $0x10100;
	[sflag:s25] =	ssyncadd.s32 $0xFFFFFE00  }
0x5c4: {  	[hbm4b:s11+s2] =	stream.linear.scatter [tilespmem:s4], [sflag:$0x2], $0x80, $0x38;
	[tilespmem:$0x12000] =	vst v63  }
0x5c5: {  	s5 =	sadd.s32 $0x80, s11;
	s29 =	simm.s32 $0x10500  }
0x5c6: {  	[hbm4b:s5+s2] =	stream.linear.scatter [tilespmem:s29], [sflag:$0x2], $0x80, $0x38;
	[tilespmem:$0x12000] =	vst v63  }
0x5c7: {  	s30 =	sadd.s32 $0x100, s11;
	s31 =	simm.s32 $0x10900  }
0x5c8: {  	[hbm4b:s30+s2] =	stream.linear.scatter [tilespmem:s31], [sflag:$0x2], $0x80, $0x38;
	[tilespmem:$0x12000] =	vst v63  }
0x5c9: {  	s4 =	sadd.s32 $0x180, s11;
	s5 =	simm.s32 $0x10D00  }
0x5ca: {  	[hbm4b:s4+s2] =	stream.linear.scatter [tilespmem:s5], [sflag:$0x2], $0x80, $0x38;
	[tilespmem:$0x12000] =	vst v63  }
0x5cb: {  	_ =	swait.ge [sflag:s25], $0x200  }
0x5cc: {  	[sflag:s25] =	ssyncset.done $0x0  }
0x5cd: {  	s29 =	simm.s32 $0x11100;
	[sflag:s25] =	ssyncadd.s32 $0xFFFFFE00  }
0x5ce: {  	[hbm4b:s12+s2] =	stream.linear.scatter [tilespmem:s29], [sflag:$0x2], $0x80, $0x38;
	[tilespmem:$0x12000] =	vst v63  }
0x5cf: {  	s30 =	sadd.s32 $0x80, s12;
	s31 =	simm.s32 $0x11500  }
0x5d0: {  	[hbm4b:s30+s2] =	stream.linear.scatter [tilespmem:s31], [sflag:$0x2], $0x80, $0x38;
	[tilespmem:$0x12000] =	vst v63  }
0x5d1: {  	s4 =	sadd.s32 $0x100, s12;
	s5 =	simm.s32 $0x11900  }
0x5d2: {  	[hbm4b:s4+s2] =	stream.linear.scatter [tilespmem:s5], [sflag:$0x2], $0x80, $0x38;
	[tilespmem:$0x12000] =	vst v63  }
0x5d3: {  	s29 =	sadd.s32 $0x180, s12;
	s30 =	simm.s32 $0x11D00  }
0x5d4: {  	[hbm4b:s29+s2] =	stream.linear.scatter [tilespmem:s30], [sflag:$0x2], $0x80, $0x38;
	[tilespmem:$0x12000] =	vst v63  }
0x5d5: {  	_ =	swait.ge [sflag:s25], $0x200  }
0x5d6: {  	[sflag:s25] =	ssyncset.done $0x0  }
0x5d7: {  	s31 =	simm.s32 $0x10180;
	[sflag:s25] =	ssyncadd.s32 $0xFFFFFE00  }
0x5d8: {  	[hbm4b:s13+s2] =	stream.linear.scatter [tilespmem:s31], [sflag:$0x2], $0x80, $0x38;
	[tilespmem:$0x12000] =	vst v63  }
0x5d9: {  	s3 =	sadd.s32 $0x80, s13;
	s4 =	simm.s32 $0x10580  }
0x5da: {  	[hbm4b:s3+s2] =	stream.linear.scatter [tilespmem:s4], [sflag:$0x2], $0x80, $0x38;
	[tilespmem:$0x12000] =	vst v63  }
0x5db: {  	s5 =	sadd.s32 $0x100, s13;
	s29 =	simm.s32 $0x10980  }
0x5dc: {  	[hbm4b:s5+s2] =	stream.linear.scatter [tilespmem:s29], [sflag:$0x2], $0x80, $0x38;
	[tilespmem:$0x12000] =	vst v63  }
0x5dd: {  	s30 =	sadd.s32 $0x180, s13;
	s31 =	simm.s32 $0x10D80  }
0x5de: {  	[hbm4b:s30+s2] =	stream.linear.scatter [tilespmem:s31], [sflag:$0x2], $0x80, $0x38;
	[tilespmem:$0x12000] =	vst v63  }
0x5df: {  	_ =	swait.ge [sflag:s25], $0x200  }
0x5e0: {  	[sflag:s25] =	ssyncset.done $0x0  }
0x5e1: {  	s4 =	simm.s32 $0x11180;
	[sflag:s25] =	ssyncadd.s32 $0xFFFFFE00  }
0x5e2: {  	[hbm4b:s14+s2] =	stream.linear.scatter [tilespmem:s4], [sflag:$0x2], $0x80, $0x38;
	[tilespmem:$0x12000] =	vst v63  }
0x5e3: {  	s5 =	sadd.s32 $0x80, s14;
	s29 =	simm.s32 $0x11580  }
0x5e4: {  	[hbm4b:s5+s2] =	stream.linear.scatter [tilespmem:s29], [sflag:$0x2], $0x80, $0x38;
	[tilespmem:$0x12000] =	vst v63  }
0x5e5: {  	s30 =	sadd.s32 $0x100, s14;
	s31 =	simm.s32 $0x11980  }
0x5e6: {  	[hbm4b:s30+s2] =	stream.linear.scatter [tilespmem:s31], [sflag:$0x2], $0x80, $0x38;
	[tilespmem:$0x12000] =	vst v63  }
0x5e7: {  	s4 =	sadd.s32 $0x180, s14;
	s5 =	simm.s32 $0x11D80  }
0x5e8: {  	[hbm4b:s4+s2] =	stream.linear.scatter [tilespmem:s5], [sflag:$0x2], $0x80, $0x38;
	[tilespmem:$0x12000] =	vst v63  }
0x5e9: {  	_ =	swait.ge [sflag:s25], $0x200  }
0x5ea: {  	[sflag:s25] =	ssyncset.done $0x0  }
0x5eb: {  	s29 =	simm.s32 $0x10200;
	[sflag:s25] =	ssyncadd.s32 $0xFFFFFE00  }
0x5ec: {  	[hbm4b:s15+s2] =	stream.linear.scatter [tilespmem:s29], [sflag:$0x2], $0x80, $0x38;
	[tilespmem:$0x12000] =	vst v63  }
0x5ed: {  	s30 =	sadd.s32 $0x80, s15;
	s31 =	simm.s32 $0x10600  }
0x5ee: {  	[hbm4b:s30+s2] =	stream.linear.scatter [tilespmem:s31], [sflag:$0x2], $0x80, $0x38;
	[tilespmem:$0x12000] =	vst v63  }
0x5ef: {  	s4 =	sadd.s32 $0x100, s15;
	s5 =	simm.s32 $0x10A00  }
0x5f0: {  	[hbm4b:s4+s2] =	stream.linear.scatter [tilespmem:s5], [sflag:$0x2], $0x80, $0x38;
	[tilespmem:$0x12000] =	vst v63  }
0x5f1: {  	s29 =	sadd.s32 $0x180, s15;
	s30 =	simm.s32 $0x10E00  }
0x5f2: {  	[hbm4b:s29+s2] =	stream.linear.scatter [tilespmem:s30], [sflag:$0x2], $0x80, $0x38;
	[tilespmem:$0x12000] =	vst v63  }
0x5f3: {  	_ =	swait.ge [sflag:s25], $0x200  }
0x5f4: {  	[sflag:s25] =	ssyncset.done $0x0  }
0x5f5: {  	s31 =	simm.s32 $0x11200;
	[sflag:s25] =	ssyncadd.s32 $0xFFFFFE00  }
0x5f6: {  	[hbm4b:s16+s2] =	stream.linear.scatter [tilespmem:s31], [sflag:$0x2], $0x80, $0x38;
	[tilespmem:$0x12000] =	vst v63  }
0x5f7: {  	s3 =	sadd.s32 $0x80, s16;
	s4 =	simm.s32 $0x11600  }
0x5f8: {  	[hbm4b:s3+s2] =	stream.linear.scatter [tilespmem:s4], [sflag:$0x2], $0x80, $0x38;
	[tilespmem:$0x12000] =	vst v63  }
0x5f9: {  	s5 =	sadd.s32 $0x100, s16;
	s29 =	simm.s32 $0x11A00  }
0x5fa: {  	[hbm4b:s5+s2] =	stream.linear.scatter [tilespmem:s29], [sflag:$0x2], $0x80, $0x38;
	[tilespmem:$0x12000] =	vst v63  }
0x5fb: {  	s30 =	sadd.s32 $0x180, s16;
	s31 =	simm.s32 $0x11E00  }
0x5fc: {  	[hbm4b:s30+s2] =	stream.linear.scatter [tilespmem:s31], [sflag:$0x2], $0x80, $0x38;
	[tilespmem:$0x12000] =	vst v63  }
0x5fd: {  	_ =	swait.ge [sflag:s25], $0x200  }
0x5fe: {  	[sflag:s25] =	ssyncset.done $0x0  }
0x5ff: {  	s4 =	simm.s32 $0x10280;
	[sflag:s25] =	ssyncadd.s32 $0xFFFFFE00  }
0x600: {  	[hbm4b:s17+s2] =	stream.linear.scatter [tilespmem:s4], [sflag:$0x2], $0x80, $0x38;
	[tilespmem:$0x12000] =	vst v63  }
0x601: {  	s5 =	sadd.s32 $0x80, s17;
	s29 =	simm.s32 $0x10680  }
0x602: {  	[hbm4b:s5+s2] =	stream.linear.scatter [tilespmem:s29], [sflag:$0x2], $0x80, $0x38;
	[tilespmem:$0x12000] =	vst v63  }
0x603: {  	s30 =	sadd.s32 $0x100, s17;
	s31 =	simm.s32 $0x10A80  }
0x604: {  	[hbm4b:s30+s2] =	stream.linear.scatter [tilespmem:s31], [sflag:$0x2], $0x80, $0x38;
	[tilespmem:$0x12000] =	vst v63  }
0x605: {  	s4 =	sadd.s32 $0x180, s17;
	s5 =	simm.s32 $0x10E80  }
0x606: {  	[hbm4b:s4+s2] =	stream.linear.scatter [tilespmem:s5], [sflag:$0x2], $0x80, $0x38;
	[tilespmem:$0x12000] =	vst v63  }
0x607: {  	_ =	swait.ge [sflag:s25], $0x200  }
0x608: {  	[sflag:s25] =	ssyncset.done $0x0  }
0x609: {  	s29 =	simm.s32 $0x11280;
	[sflag:s25] =	ssyncadd.s32 $0xFFFFFE00  }
0x60a: {  	[hbm4b:s18+s2] =	stream.linear.scatter [tilespmem:s29], [sflag:$0x2], $0x80, $0x38;
	[tilespmem:$0x12000] =	vst v63  }
0x60b: {  	s30 =	sadd.s32 $0x80, s18;
	s31 =	simm.s32 $0x11680  }
0x60c: {  	[hbm4b:s30+s2] =	stream.linear.scatter [tilespmem:s31], [sflag:$0x2], $0x80, $0x38;
	[tilespmem:$0x12000] =	vst v63  }
0x60d: {  	s4 =	sadd.s32 $0x100, s18;
	s5 =	simm.s32 $0x11A80  }
0x60e: {  	[hbm4b:s4+s2] =	stream.linear.scatter [tilespmem:s5], [sflag:$0x2], $0x80, $0x38;
	[tilespmem:$0x12000] =	vst v63  }
0x60f: {  	s29 =	sadd.s32 $0x180, s18;
	s30 =	simm.s32 $0x11E80  }
0x610: {  	[hbm4b:s29+s2] =	stream.linear.scatter [tilespmem:s30], [sflag:$0x2], $0x80, $0x38;
	[tilespmem:$0x12000] =	vst v63  }
0x611: {  	_ =	swait.ge [sflag:s25], $0x200  }
0x612: {  	[sflag:s25] =	ssyncset.done $0x0  }
0x613: {  	s31 =	simm.s32 $0x10300;
	[sflag:s25] =	ssyncadd.s32 $0xFFFFFE00  }
0x614: {  	[hbm4b:s19+s2] =	stream.linear.scatter [tilespmem:s31], [sflag:$0x2], $0x80, $0x38;
	[tilespmem:$0x12000] =	vst v63  }
0x615: {  	s3 =	sadd.s32 $0x80, s19;
	s4 =	simm.s32 $0x10700  }
0x616: {  	[hbm4b:s3+s2] =	stream.linear.scatter [tilespmem:s4], [sflag:$0x2], $0x80, $0x38;
	[tilespmem:$0x12000] =	vst v63  }
0x617: {  	s5 =	sadd.s32 $0x100, s19;
	s29 =	simm.s32 $0x10B00  }
0x618: {  	[hbm4b:s5+s2] =	stream.linear.scatter [tilespmem:s29], [sflag:$0x2], $0x80, $0x38;
	[tilespmem:$0x12000] =	vst v63  }
0x619: {  	s30 =	sadd.s32 $0x180, s19;
	s31 =	simm.s32 $0x10F00  }
0x61a: {  	[hbm4b:s30+s2] =	stream.linear.scatter [tilespmem:s31], [sflag:$0x2], $0x80, $0x38;
	[tilespmem:$0x12000] =	vst v63  }
0x61b: {  	_ =	swait.ge [sflag:s25], $0x200  }
0x61c: {  	[sflag:s25] =	ssyncset.done $0x0  }
0x61d: {  	s4 =	simm.s32 $0x11300;
	[sflag:s25] =	ssyncadd.s32 $0xFFFFFE00  }
0x61e: {  	[hbm4b:s20+s2] =	stream.linear.scatter [tilespmem:s4], [sflag:$0x2], $0x80, $0x38;
	[tilespmem:$0x12000] =	vst v63  }
0x61f: {  	s5 =	sadd.s32 $0x80, s20;
	s29 =	simm.s32 $0x11700  }
0x620: {  	[hbm4b:s5+s2] =	stream.linear.scatter [tilespmem:s29], [sflag:$0x2], $0x80, $0x38;
	[tilespmem:$0x12000] =	vst v63  }
0x621: {  	s30 =	sadd.s32 $0x100, s20;
	s31 =	simm.s32 $0x11B00  }
0x622: {  	[hbm4b:s30+s2] =	stream.linear.scatter [tilespmem:s31], [sflag:$0x2], $0x80, $0x38;
	[tilespmem:$0x12000] =	vst v63  }
0x623: {  	s4 =	sadd.s32 $0x180, s20;
	s5 =	simm.s32 $0x11F00  }
0x624: {  	[hbm4b:s4+s2] =	stream.linear.scatter [tilespmem:s5], [sflag:$0x2], $0x80, $0x38;
	[tilespmem:$0x12000] =	vst v63  }
0x625: {  	_ =	swait.ge [sflag:s25], $0x200  }
0x626: {  	[sflag:s25] =	ssyncset.done $0x0  }
0x627: {  	s29 =	simm.s32 $0x10380;
	[sflag:s25] =	ssyncadd.s32 $0xFFFFFE00  }
0x628: {  	[hbm4b:s21+s2] =	stream.linear.scatter [tilespmem:s29], [sflag:$0x2], $0x80, $0x38;
	[tilespmem:$0x12000] =	vst v63  }
0x629: {  	s30 =	sadd.s32 $0x80, s21;
	s31 =	simm.s32 $0x10780  }
0x62a: {  	[hbm4b:s30+s2] =	stream.linear.scatter [tilespmem:s31], [sflag:$0x2], $0x80, $0x38;
	[tilespmem:$0x12000] =	vst v63  }
0x62b: {  	s4 =	sadd.s32 $0x100, s21;
	s5 =	simm.s32 $0x10B80  }
0x62c: {  	[hbm4b:s4+s2] =	stream.linear.scatter [tilespmem:s5], [sflag:$0x2], $0x80, $0x38;
	[tilespmem:$0x12000] =	vst v63  }
0x62d: {  	s29 =	sadd.s32 $0x180, s21;
	s30 =	simm.s32 $0x10F80  }
0x62e: {  	[hbm4b:s29+s2] =	stream.linear.scatter [tilespmem:s30], [sflag:$0x2], $0x80, $0x38;
	[tilespmem:$0x12000] =	vst v63  }
0x62f: {  	_ =	swait.ge [sflag:s25], $0x200  }
0x630: {  	[sflag:s25] =	ssyncset.done $0x0  }
0x631: {  	s31 =	simm.s32 $0x11380;
	[sflag:s25] =	ssyncadd.s32 $0xFFFFFE00  }
0x632: {  	[hbm4b:s22+s2] =	stream.linear.scatter [tilespmem:s31], [sflag:$0x2], $0x80, $0x38;
	[tilespmem:$0x12000] =	vst v63  }
0x633: {  	s0 =	sadd.s32 $0x1, s0;
	s3 =	sadd.s32 $0x80, s22;
	s4 =	simm.s32 $0x11780  }
0x634: {  	[hbm4b:s3+s2] =	stream.linear.scatter [tilespmem:s4], [sflag:$0x2], $0x80, $0x38;
	[tilespmem:$0x12000] =	vst v63  }
0x635: {  	p0 =	sne.s32 s0, s23;
	s5 =	sadd.s32 $0x100, s22;
	s29 =	simm.s32 $0x11B80  }
0x636: {  	[hbm4b:s5+s2] =	stream.linear.scatter [tilespmem:s29], [sflag:$0x2], $0x80, $0x38;
	[tilespmem:$0x12000] =	vst v63  }
.Ltmp4:
0x637: {  	s30 =	sadd.s32 $0x180, s22;
	s31 =	simm.s32 $0x11F80;
	(pc) =	sbr.rel @p0 .LBB2_1-.Ltmp4, $4  }
0x638: {  	[hbm4b:s30+s2] =	stream.linear.scatter [tilespmem:s31], [sflag:$0x2], $0x80, $0x38;
	[tilespmem:$0x12000] =	vst v63  }
0x639: {  	_ =	swait.ge [sflag:s25], $0x200  }
0x63a: {  	[sflag:s25] =	ssyncset.done $0x0  }
0x63b: {  	[sflag:s25] =	ssyncadd.s32 $0xFFFFFE00  }
0x63c: {  	_ =	sfence.sel $0x180000  }
0x63d: {  	[bflag:$0x0] =	sbarrier.arrive $0xFFFF  }
0x63e: {  	_ =	strace $0x90000047  }
0x63f: {  	s0 =	stileid.u32;
	[bflag:$0x2] =	sbarrier.arrive $0xFFFF  }
0x640: {  	p0 =	sne.s32 s0, $0x0;
	s0 =	rddreg [dreg:$0x3]  }
0x641: {  	s0 =	sadd.s32 @!p0 $0x100000, s0  }
0x642: {  	[sflag:s0] =	ssyncadd.tile.s32 @!p0 $0x1;
	_ =	shalt  }
.Lfunc_end2:
_tile_overlayer_lowered:
.L_overlay_start_2:
0x643: {  	(tag) =	ssettag $0x2  }
0x644: {  	s0 =	rddreg [dreg:$0x0];
	s2 =	stileid.u32  }
0x645: {  	s1 =	rddreg [dreg:$0x1];
	p0 =	sne.s32 s2, $0x0  }
0x646: {  	s3 =	rddreg [dreg:$0x2];
	[bflag:$0x3] =	sbarrier.arrive $0xFFFF;
	s2 =	simm.s32 @!p0 $0x1C02  }
0x647: {  	[timem:s3], [sflag:s2] =	dma.local @!p0 [hbm:s0], s1  }
0x648: {  	s0 =	simm.s32 @!p0 $0x2  }
0x649: {  	_ =	swait.ge @!p0 [sflag:s0], s1  }
0x64a: {  	s1 =	ssub.s32 @!p0 $0x0, s1;
	[sflag:s0] =	ssyncset.done @!p0 $0x0  }
0x64b: {  	[sflag:s0] =	ssyncadd.s32 @!p0 s1  }
0x64c: {  	[bflag:$0x3] =	sbarrier.arrive $0xFFFF  }
0x64d: {  	_ =	shalt  }

</sc_bundles>
